<compile_context>
chip_gen: v7x
topology: tpu7x:2x2x1
jax: 0.10.2.dev20260603
libtpu: 0.0.44.dev20260713+nightly
codegen_flags: <defaults>
</compile_context>

<pallas_src>
import jax
import jax.numpy as jnp
import numpy as np
from jax import lax
from jax.experimental import pallas as pl
from jax.experimental.pallas import tpu as pltpu
from jax.experimental.pallas import tpu_sc as plsc

N_NODES = 10000
HID = 128
H = 4
DH = 32
E = 320000
B = 4096
L = 2

_NSUB = 16
_CH = 80
_EPT = E // _NSUB
_NCHUNK = _EPT // _CH
_NG = _CH // 16
_RPT = N_NODES // _NSUB
_AW = 144


def _cvec(v):
    return jnp.full((16,), v, jnp.int32)


def _iota16():
    return lax.broadcasted_iota(jnp.int32, (16,), 0)


def _sc_sparse_body(k_cd, v_cd, q_cd, src_cd, dst_cd, k_dc, v_dc, q_dc,
                    src_dc, dst_dc, out_cd, out_dc, acc, sidx, didx, kvbuf,
                    qbuf, msgbuf):
    cid = lax.axis_index("c")
    sid = lax.axis_index("s")
    zero16 = jnp.zeros((16,), jnp.float32)
    iota = _iota16()

    def zrow(i, c):
        for j in range(_AW // 16):
            msgbuf[i, pl.ds(16 * j, 16)] = zero16
        return c
    lax.fori_loop(0, _CH, zrow, 0)

    def zblk(b, c):
        base = _RPT * sid + _CH * b - 15 * (b // 7)
        pltpu.sync_copy(msgbuf, acc.at[pl.ds(base, _CH)])
        return c
    lax.fori_loop(0, 8, zblk, 0)
    plsc.subcore_barrier()

    def run_rel(src_hbm, dst_hbm, k_hbm, v_hbm, q_hbm):
        def chunk(c, carry):
            base = _EPT * sid + _CH * c
            pltpu.sync_copy(src_hbm.at[pl.ds(base, _CH)], sidx)
            pltpu.sync_copy(dst_hbm.at[pl.ds(base, _CH)], didx)
            pltpu.sync_copy(k_hbm.at[sidx], kvbuf)
            pltpu.sync_copy(q_hbm.at[didx], qbuf)
            def agroup(g, rv):
                def ahead(h, hc):
                    colv, tailv = hc

                    def astep(d, carry):
                        att, cv = carry
                        att = att + (plsc.load_gather(qbuf, [rv, cv])
                                     * plsc.load_gather(kvbuf, [rv, cv]))
                        return (att, cv + 1)
                    att, colv = lax.fori_loop(0, DH, astep, (zero16, colv),
                                              unroll=4)
                    plsc.store_scatter(msgbuf, [rv, tailv], jnp.exp(att))
                    return (colv, tailv + 1)
                lax.fori_loop(0, H, ahead, (_cvec(0), _cvec(HID)))
                return rv + 16
            lax.fori_loop(0, _NG, agroup, iota)
            pltpu.sync_copy(v_hbm.at[sidx], kvbuf)

            def mgroup(g, rv):
                def mhead(h, hc):
                    colv, tailv = hc
                    e = plsc.load_gather(msgbuf, [rv, tailv])

                    def mstep(d, cv):
                        val = plsc.load_gather(kvbuf, [rv, cv]) * e
                        plsc.store_scatter(msgbuf, [rv, cv], val)
                        return cv + 1
                    colv = lax.fori_loop(0, DH, mstep, colv, unroll=4)
                    return (colv, tailv + 1)
                lax.fori_loop(0, H, mhead, (_cvec(0), _cvec(HID)))
                return rv + 16
            lax.fori_loop(0, _NG, mgroup, iota)
            pltpu.sync_copy(msgbuf, acc.at[didx], add=True)
            return carry
        lax.fori_loop(0, _NCHUNK, chunk, 0)

    @pl.when(cid == 0)
    def _():
        run_rel(src_cd, dst_cd, k_cd, v_cd, q_cd)

    @pl.when(cid == 1)
    def _():
        run_rel(src_dc, dst_dc, k_dc, v_dc, q_dc)

    plsc.subcore_barrier()

    def drain(out_hbm):
        def blk(b, carry):
            base = _RPT * sid + 16 * b - 15 * (b // 39)
            pltpu.sync_copy(acc.at[pl.ds(base, 16)], msgbuf.at[pl.ds(0, 16)])
            def dhead(h, hc):
                colv, tailv = hc
                sv = plsc.load_gather(msgbuf, [iota, tailv])
                inv = 1.0 / (sv + 1e-16)

                def dstep(d, cv):
                    val = plsc.load_gather(msgbuf, [iota, cv]) * inv
                    plsc.store_scatter(qbuf, [iota, cv], val)
                    return cv + 1
                colv = lax.fori_loop(0, DH, dstep, colv, unroll=4)
                return (colv, tailv + 1)
            lax.fori_loop(0, H, dhead, (_cvec(0), _cvec(HID)))
            pltpu.sync_copy(qbuf.at[pl.ds(0, 16)], out_hbm.at[pl.ds(base, 16)])
            return carry
        lax.fori_loop(0, 40, blk, 0)

    @pl.when(cid == 0)
    def _():
        drain(out_cd)

    @pl.when(cid == 1)
    def _():
        drain(out_dc)


def _sc_sparse(k_cd, v_cd, q_cd, src_cd, dst_cd, k_dc, v_dc, q_dc,
               src_dc, dst_dc):
    f32 = jnp.float32
    mesh = plsc.VectorSubcoreMesh(core_axis_name="c", subcore_axis_name="s",
                                  num_cores=2, num_subcores=_NSUB)
    kern = pl.kernel(
        _sc_sparse_body,
        out_type=[jax.ShapeDtypeStruct((N_NODES, HID), f32),
                  jax.ShapeDtypeStruct((N_NODES, HID), f32)],
        mesh=mesh,
        compiler_params=pltpu.CompilerParams(use_tc_tiling_on_sc=False, needs_layout_passes=False),
        scratch_types=[
            pltpu.VMEM_SHARED((N_NODES, _AW), f32),
            pltpu.VMEM((_CH,), jnp.int32),
            pltpu.VMEM((_CH,), jnp.int32),
            pltpu.VMEM((_CH, HID), f32),
            pltpu.VMEM((_CH, HID), f32),
            pltpu.VMEM((_CH, _AW), f32),
        ],
    )
    return kern(k_cd, v_cd, q_cd, src_cd, dst_cd, k_dc, v_dc, q_dc,
                src_dc, dst_dc)


def _sc_decode_body(zc, zd, ia_hbm, ib_hbm, out, ia, ib, za, zb, ob):
    cid = lax.axis_index("c")
    sid = lax.axis_index("s")
    iota = _iota16()
    base = (cid * _NSUB + sid) * 128
    pltpu.sync_copy(ia_hbm.at[pl.ds(base, 128)], ia)
    pltpu.sync_copy(ib_hbm.at[pl.ds(base, 128)], ib)
    pltpu.sync_copy(zc.at[ia], za)
    pltpu.sync_copy(zd.at[ib], zb)
    zero16 = jnp.zeros((16,), jnp.float32)
    for g in range(8):
        rv = iota + (16 * g)

        def dstep(d, carry):
            dm, colv = carry
            dm = dm + (plsc.load_gather(za, [rv, colv])
                       * plsc.load_gather(zb, [rv, colv]))
            return (dm, colv + 1)
        dm, _ = lax.fori_loop(0, 64, dstep, (zero16, _cvec(0)), unroll=4)
        ob[pl.ds(16 * g, 16)] = jnp.minimum(jnp.maximum(dm, -10.0), 10.0)
    pltpu.sync_copy(ob, out.at[pl.ds(base, 128)])


def _sc_decode(zc, zd, ia, ib):
    mesh = plsc.VectorSubcoreMesh(core_axis_name="c", subcore_axis_name="s",
                                  num_cores=2, num_subcores=_NSUB)
    kern = pl.kernel(
        _sc_decode_body,
        out_type=jax.ShapeDtypeStruct((B,), jnp.float32),
        mesh=mesh,
        compiler_params=pltpu.CompilerParams(use_tc_tiling_on_sc=False, needs_layout_passes=False),
        scratch_types=[
            pltpu.VMEM((128,), jnp.int32),
            pltpu.VMEM((128,), jnp.int32),
            pltpu.VMEM((128, HID), jnp.float32),
            pltpu.VMEM((128, HID), jnp.float32),
            pltpu.VMEM((128,), jnp.float32),
        ],
    )
    return kern(zc, zd, ia, ib)


def _tc_in(x, win, bin_, wk, bk, wv, bv, wq, bq):
    n, fin = x.shape
    br = 1000
    f32 = jnp.float32

    def body(x_ref, win_ref, bin_ref, wk_ref, bk_ref, wv_ref, bv_ref,
             wq_ref, bq_ref, x1_ref, k_ref, v_ref, q_ref):
        x1 = jnp.maximum(
            jnp.dot(x_ref[...], win_ref[...], preferred_element_type=f32)
            + bin_ref[...], 0.0)
        x1_ref[...] = x1
        k_ref[...] = (jnp.dot(x1, wk_ref[...], preferred_element_type=f32)
                      + bk_ref[...])
        v_ref[...] = (jnp.dot(x1, wv_ref[...], preferred_element_type=f32)
                      + bv_ref[...])
        q_ref[...] = (jnp.dot(x1, wq_ref[...], preferred_element_type=f32)
                      + bq_ref[...])

    wspec = pl.BlockSpec((HID, HID), lambda i: (0, 0))
    bspec = pl.BlockSpec((1, HID), lambda i: (0, 0))
    ospec = pl.BlockSpec((br, HID), lambda i: (i, 0))
    oshape = jax.ShapeDtypeStruct((n, HID), f32)
    return pl.pallas_call(
        body,
        grid=(n // br,),
        in_specs=[
            pl.BlockSpec((br, fin), lambda i: (i, 0)),
            pl.BlockSpec((fin, HID), lambda i: (0, 0)),
            bspec, wspec, bspec, wspec, bspec, wspec, bspec,
        ],
        out_specs=[ospec, ospec, ospec, ospec],
        out_shape=[oshape, oshape, oshape, oshape],
    )(x, win, bin_.reshape(1, -1), wk, bk.reshape(1, -1), wv,
      bv.reshape(1, -1), wq, bq.reshape(1, -1))


def _tc_mid(agg, xp, omg_row, wa_g, ba_g, wk, bk, wv, bv, wq, bq):
    n = agg.shape[0]
    br = 2000
    f32 = jnp.float32

    def body(agg_ref, xp_ref, omg_ref, wa_ref, ba_ref, wk_ref, bk_ref,
             wv_ref, bv_ref, wq_ref, bq_ref, x1_ref, k_ref, v_ref, q_ref):
        o = (jnp.dot(jax.nn.gelu(agg_ref[...]), wa_ref[...],
                     preferred_element_type=f32) + ba_ref[...])
        x1 = jnp.maximum(o + omg_ref[...] * xp_ref[...], 0.0)
        x1_ref[...] = x1
        k_ref[...] = (jnp.dot(x1, wk_ref[...], preferred_element_type=f32)
                      + bk_ref[...])
        v_ref[...] = (jnp.dot(x1, wv_ref[...], preferred_element_type=f32)
                      + bv_ref[...])
        q_ref[...] = (jnp.dot(x1, wq_ref[...], preferred_element_type=f32)
                      + bq_ref[...])

    wspec = pl.BlockSpec((HID, HID), lambda i: (0, 0))
    bspec = pl.BlockSpec((1, HID), lambda i: (0, 0))
    ospec = pl.BlockSpec((br, HID), lambda i: (i, 0))
    oshape = jax.ShapeDtypeStruct((n, HID), f32)
    return pl.pallas_call(
        body,
        grid=(n // br,),
        in_specs=[
            ospec, ospec, bspec, wspec, bspec,
            wspec, bspec, wspec, bspec, wspec, bspec,
        ],
        out_specs=[ospec, ospec, ospec, ospec],
        out_shape=[oshape, oshape, oshape, oshape],
    )(agg, xp, omg_row, wa_g, ba_g.reshape(1, -1), wk, bk.reshape(1, -1),
      wv, bv.reshape(1, -1), wq, bq.reshape(1, -1))


def _tc_fin(agg, xp, omg_row, wa_g, ba_g, wout_pad, bout_pad):
    n = agg.shape[0]
    br = 2000
    f32 = jnp.float32

    def body(agg_ref, xp_ref, omg_ref, wa_ref, ba_ref, wo_ref, bo_ref, z_ref):
        o = (jnp.dot(jax.nn.gelu(agg_ref[...]), wa_ref[...],
                     preferred_element_type=f32) + ba_ref[...])
        x1 = jnp.maximum(o + omg_ref[...] * xp_ref[...], 0.0)
        z_ref[...] = (jnp.dot(x1, wo_ref[...], preferred_element_type=f32)
                      + bo_ref[...])

    return pl.pallas_call(
        body,
        grid=(n // br,),
        in_specs=[
            pl.BlockSpec((br, HID), lambda i: (i, 0)),
            pl.BlockSpec((br, HID), lambda i: (i, 0)),
            pl.BlockSpec((1, HID), lambda i: (0, 0)),
            pl.BlockSpec((HID, HID), lambda i: (0, 0)),
            pl.BlockSpec((1, HID), lambda i: (0, 0)),
            pl.BlockSpec((HID, HID), lambda i: (0, 0)),
            pl.BlockSpec((1, HID), lambda i: (0, 0)),
        ],
        out_specs=[pl.BlockSpec((br, HID), lambda i: (i, 0))],
        out_shape=[jax.ShapeDtypeStruct((n, HID), f32)],
    )(agg, xp, omg_row, wa_g, ba_g.reshape(1, -1), wout_pad,
      bout_pad.reshape(1, -1))[0]


def _blockdiag(a):
    return jax.scipy.linalg.block_diag(*[a[h] for h in range(H)])


def kernel(compound_x, disease_x, edge_index_cd, edge_index_dc,
           edge_label_index, params):
    P = params
    f32 = jnp.float32

    F = {}
    for l in range(L):
        for r, (s, t) in (("cd", ("C", "D")), ("dc", ("D", "C"))):
            A = _blockdiag(P[f"l{l}_arel_{r}"])
            M = _blockdiag(P[f"l{l}_mrel_{r}"])
            wk = P[f"l{l}_Wk_{s}"] @ A
            bk = P[f"l{l}_bk_{s}"] @ A
            wv = P[f"l{l}_Wv_{s}"] @ M
            bv = P[f"l{l}_bv_{s}"] @ M
            F[f"Wk{l}{r}"], F[f"bk{l}{r}"] = wk, bk
            F[f"Wv{l}{r}"], F[f"bv{l}{r}"] = wv, bv
            sc = jnp.repeat(P[f"l{l}_prel_{r}"] / np.sqrt(DH), DH)
            F[f"Wq{l}{r}"] = P[f"l{l}_Wq_{t}"] * sc[None, :]
            F[f"bq{l}{r}"] = P[f"l{l}_bq_{t}"] * sc
        for t in ("C", "D"):
            g = jax.nn.sigmoid(P[f"l{l}_skip_{t}"])
            F[f"Wa{l}{t}"] = g * P[f"l{l}_Wa_{t}"]
            F[f"ba{l}{t}"] = g * P[f"l{l}_ba_{t}"]
            F[f"omg{l}{t}"] = jnp.full((1, HID), 1.0, f32) * (1.0 - g)
    wout_c = jnp.pad(P["Wout_C"], ((0, 0), (0, HID - 64)))
    bout_c = jnp.pad(P["bout_C"], (0, HID - 64))
    wout_d = jnp.pad(P["Wout_D"], ((0, 0), (0, HID - 64)))
    bout_d = jnp.pad(P["bout_D"], (0, HID - 64))

    src_cd, dst_cd = edge_index_cd[0], edge_index_cd[1]
    src_dc, dst_dc = edge_index_dc[0], edge_index_dc[1]
    ia, ib = edge_label_index[0], edge_label_index[1]

    xC, k_cd, v_cd, q_dc = _tc_in(
        compound_x, P["Win_C"], P["bin_C"], F["Wk0cd"], F["bk0cd"],
        F["Wv0cd"], F["bv0cd"], F["Wq0dc"], F["bq0dc"])
    xD, k_dc, v_dc, q_cd = _tc_in(
        disease_x, P["Win_D"], P["bin_D"], F["Wk0dc"], F["bk0dc"],
        F["Wv0dc"], F["bv0dc"], F["Wq0cd"], F["bq0cd"])
    aggD, aggC = _sc_sparse(k_cd, v_cd, q_cd, src_cd, dst_cd,
                            k_dc, v_dc, q_dc, src_dc, dst_dc)
    xC, k_cd, v_cd, q_dc = _tc_mid(
        aggC, xC, F["omg0C"], F["Wa0C"], F["ba0C"], F["Wk1cd"], F["bk1cd"],
        F["Wv1cd"], F["bv1cd"], F["Wq1dc"], F["bq1dc"])
    xD, k_dc, v_dc, q_cd = _tc_mid(
        aggD, xD, F["omg0D"], F["Wa0D"], F["ba0D"], F["Wk1dc"], F["bk1dc"],
        F["Wv1dc"], F["bv1dc"], F["Wq1cd"], F["bq1cd"])
    aggD, aggC = _sc_sparse(k_cd, v_cd, q_cd, src_cd, dst_cd,
                            k_dc, v_dc, q_dc, src_dc, dst_dc)
    zC = _tc_fin(aggC, xC, F["omg1C"], F["Wa1C"], F["ba1C"], wout_c, bout_c)
    zD = _tc_fin(aggD, xD, F["omg1D"], F["Wa1D"], F["ba1D"], wout_d, bout_d)
    return _sc_decode(zC, zD, ia, ib)

# --- scband reference (transcript-rebuilt; emitter-appended) ---
"""Pipeline reference for scband-hetero-pullmodel-8160437862948 (READ-ONLY COPY).

The authoritative reference and input builder live on the scoring server;
editing this copy changes nothing except your own understanding.
"""

import jax, jax.numpy as jnp
import numpy as np

NC = 10000; ND = 10000
FC = 512; FD = 128
HID = 128; OUT = 64
H = 4; DH = HID // H
E = 320000; B = 4096; L = 2


def _W(k, i, o):
    return jax.random.normal(k, (i, o), jnp.float32) / np.sqrt(i)


def setup_inputs(seed: int = 0):
    key = jax.random.key(seed)
    ks = list(jax.random.split(key, 64)); it = iter(ks)
    d = {}
    d['compound_x'] = jax.random.normal(next(it), (NC, FC), jnp.float32)
    d['disease_x'] = jax.random.normal(next(it), (ND, FD), jnp.float32)
    d['edge_index_cd'] = jax.random.randint(next(it), (2, E), 0, NC, jnp.int32)
    d['edge_index_dc'] = jax.random.randint(next(it), (2, E), 0, ND, jnp.int32)
    d['edge_label_index'] = jax.random.randint(next(it), (2, B), 0, NC, jnp.int32)
    P = {}
    P['Win_C'] = _W(next(it), FC, HID); P['bin_C'] = jnp.zeros((HID,), jnp.float32)
    P['Win_D'] = _W(next(it), FD, HID); P['bin_D'] = jnp.zeros((HID,), jnp.float32)
    P['Wout_C'] = _W(next(it), HID, OUT); P['bout_C'] = jnp.zeros((OUT,), jnp.float32)
    P['Wout_D'] = _W(next(it), HID, OUT); P['bout_D'] = jnp.zeros((OUT,), jnp.float32)
    for l in range(L):
        for t in ('C', 'D'):
            for nm in ('k', 'q', 'v', 'a'):
                P[f'l{l}_W{nm}_{t}'] = _W(next(it), HID, HID)
                P[f'l{l}_b{nm}_{t}'] = jnp.zeros((HID,), jnp.float32)
            P[f'l{l}_skip_{t}'] = jnp.array(1.0, jnp.float32)
        for r in ('cd', 'dc'):
            P[f'l{l}_arel_{r}'] = jax.random.normal(next(it), (H, DH, DH), jnp.float32) / np.sqrt(DH)
            P[f'l{l}_mrel_{r}'] = jax.random.normal(next(it), (H, DH, DH), jnp.float32) / np.sqrt(DH)
            P[f'l{l}_prel_{r}'] = jnp.ones((H,), jnp.float32)
    d['params'] = P
    return d


def _seg_softmax(att, seg, n):
    m = jax.ops.segment_max(att, seg, num_segments=n)
    m = jnp.where(jnp.isfinite(m), m, 0.0)
    e = jnp.exp(att - m[seg])
    s = jax.ops.segment_sum(e, seg, num_segments=n)
    return e / (s[seg] + 1e-16)


def _hgt_layer(xC, xD, eCD, eDC, P, l):
    def proj(x, t, nm):
        return (x @ P[f'l{l}_W{nm}_{t}'] + P[f'l{l}_b{nm}_{t}']).reshape(-1, H, DH)
    kC, qC, vC = proj(xC, 'C', 'k'), proj(xC, 'C', 'q'), proj(xC, 'C', 'v')
    kD, qD, vD = proj(xD, 'D', 'k'), proj(xD, 'D', 'q'), proj(xD, 'D', 'v')

    def attend(ks, vs, qd, e, r, nd):
        src, dst = e[0], e[1]
        kr = jnp.einsum('nhd,hdf->nhf', ks, P[f'l{l}_arel_{r}'])
        vr = jnp.einsum('nhd,hdf->nhf', vs, P[f'l{l}_mrel_{r}'])
        att = (qd[dst] * kr[src]).sum(-1) * P[f'l{l}_prel_{r}'] / np.sqrt(DH)
        a = _seg_softmax(att, dst, nd)
        msg = vr[src] * a[..., None]
        return jax.ops.segment_sum(msg, dst, num_segments=nd).reshape(nd, H * DH)

    aggD = attend(kC, vC, qD, eCD, 'cd', xD.shape[0])
    aggC = attend(kD, vD, qC, eDC, 'dc', xC.shape[0])

    def out(agg, x, t):
        o = jax.nn.gelu(agg) @ P[f'l{l}_Wa_{t}'] + P[f'l{l}_ba_{t}']
        g = jax.nn.sigmoid(P[f'l{l}_skip_{t}'])
        return g * o + (1.0 - g) * x

    return out(aggC, xC, 'C'), out(aggD, xD, 'D')


def _forward(cx, dx, eCD, eDC, eli, P):
    xC = jax.nn.relu(cx @ P['Win_C'] + P['bin_C'])
    xD = jax.nn.relu(dx @ P['Win_D'] + P['bin_D'])
    for l in range(L):
        xC, xD = _hgt_layer(xC, xD, eCD, eDC, P, l)
        xC = jax.nn.relu(xC)
        xD = jax.nn.relu(xD)
    zC = xC @ P['Wout_C'] + P['bout_C']
    zD = xD @ P['Wout_D'] + P['bout_D']
    logits = (zC[eli[0]] * zD[eli[1]]).sum(-1)
    return jnp.clip(logits, -10.0, 10.0)


def reference(compound_x, disease_x, edge_index_cd, edge_index_dc, edge_label_index, params):
    return _forward(compound_x, disease_x, edge_index_cd, edge_index_dc, edge_label_index, params)

if __name__ == "__main__":
    import jax
    _d = setup_inputs()
    print(jax.jit(kernel)(*tuple(_d.values())))

</pallas_src>

<mosaic_0001>
#map = affine_map<(d0, d1) -> (0, 0)>
#map1 = affine_map<(d0, d1) -> (0)>
module attributes {stable_mosaic.version = 14 : i64} {
  func.func @_sc_sparse_body(%arg0: i32, %arg1: i32, %arg2: memref<10000x128xf32, #tpu.memory_space<hbm>>, %arg3: memref<10000x128xf32, #tpu.memory_space<hbm>>, %arg4: memref<10000x128xf32, #tpu.memory_space<hbm>>, %arg5: memref<320000xi32, #tpu.memory_space<hbm>>, %arg6: memref<320000xi32, #tpu.memory_space<hbm>>, %arg7: memref<10000x128xf32, #tpu.memory_space<hbm>>, %arg8: memref<10000x128xf32, #tpu.memory_space<hbm>>, %arg9: memref<10000x128xf32, #tpu.memory_space<hbm>>, %arg10: memref<320000xi32, #tpu.memory_space<hbm>>, %arg11: memref<320000xi32, #tpu.memory_space<hbm>>, %arg12: memref<10000x128xf32, #tpu.memory_space<hbm>>, %arg13: memref<10000x128xf32, #tpu.memory_space<hbm>>, %arg14: memref<10000x144xf32, #tpu.memory_space<vmem_shared>>, %arg15: memref<80xi32, #tpu.memory_space<vmem>>, %arg16: memref<80xi32, #tpu.memory_space<vmem>>, %arg17: memref<80x128xf32, #tpu.memory_space<vmem>>, %arg18: memref<80x128xf32, #tpu.memory_space<vmem>>, %arg19: memref<80x144xf32, #tpu.memory_space<vmem>>) attributes {dimension_semantics = [#tpu.dimension_semantics<core_parallel>, #tpu.dimension_semantics<subcore_parallel>], iteration_bounds = array<i64: 2, 16>, scalar_prefetch = 0 : i64, scratch_operands = 6 : i64, tpu.core_type = #tpu.core_type<sc_vector_subcore>, window_params = [{transform_indices = #map}, {transform_indices = #map}, {transform_indices = #map}, {transform_indices = #map1}, {transform_indices = #map1}, {transform_indices = #map}, {transform_indices = #map}, {transform_indices = #map}, {transform_indices = #map1}, {transform_indices = #map1}, {transform_indices = #map}, {transform_indices = #map}]} {
    %broadcast_in_dim3A = arith.constant 0.000000e+00 : f32
    %broadcast_in_dim3A_0 = vector.broadcast %broadcast_in_dim3A : f32 to vector<16xf32>
    %iota3A = tpu.iota {dimensions = array<i32: 0>} : vector<16xi32>
    %scan3A = arith.constant 0 : i32
    %scan3A_1 = arith.constant 0 : i32
    %scan3A_2 = arith.constant 80 : i32
    %scan3A_3 = arith.addi %scan3A_1, %scan3A_2 : i32
    %scan3A_4 = arith.constant 1 : i32
    scf.for %scan3A_30 = %scan3A_1 to %scan3A_3 step %scan3A_4  : i32 {
      %swap3A = arith.index_cast %scan3A_30 : i32 to index
      %swap3A_31 = arith.constant 0 : index
      %swap3A_32 = tpu.vector_load %arg19[%swap3A, %swap3A_31] {strides = array<i32>} : memref<80x144xf32, #tpu.memory_space<vmem>>, vector<16xf32>,
      tpu.vector_store %arg19[%swap3A, %swap3A_31], %broadcast_in_dim3A_0 {strides = array<i32>} : memref<80x144xf32, #tpu.memory_space<vmem>>, vector<16xf32>,
      %swap3A_33 = arith.index_cast %scan3A_30 : i32 to index
      %swap3A_34 = arith.constant 16 : index
      %swap3A_35 = tpu.vector_load %arg19[%swap3A_33, %swap3A_34] {strides = array<i32>} : memref<80x144xf32, #tpu.memory_space<vmem>>, vector<16xf32>,
      tpu.vector_store %arg19[%swap3A_33, %swap3A_34], %broadcast_in_dim3A_0 {strides = array<i32>} : memref<80x144xf32, #tpu.memory_space<vmem>>, vector<16xf32>,
      %swap3A_36 = arith.index_cast %scan3A_30 : i32 to index
      %swap3A_37 = arith.constant 32 : index
      %swap3A_38 = tpu.vector_load %arg19[%swap3A_36, %swap3A_37] {strides = array<i32>} : memref<80x144xf32, #tpu.memory_space<vmem>>, vector<16xf32>,
      tpu.vector_store %arg19[%swap3A_36, %swap3A_37], %broadcast_in_dim3A_0 {strides = array<i32>} : memref<80x144xf32, #tpu.memory_space<vmem>>, vector<16xf32>,
      %swap3A_39 = arith.index_cast %scan3A_30 : i32 to index
      %swap3A_40 = arith.constant 48 : index
      %swap3A_41 = tpu.vector_load %arg19[%swap3A_39, %swap3A_40] {strides = array<i32>} : memref<80x144xf32, #tpu.memory_space<vmem>>, vector<16xf32>,
      tpu.vector_store %arg19[%swap3A_39, %swap3A_40], %broadcast_in_dim3A_0 {strides = array<i32>} : memref<80x144xf32, #tpu.memory_space<vmem>>, vector<16xf32>,
      %swap3A_42 = arith.index_cast %scan3A_30 : i32 to index
      %swap3A_43 = arith.constant 64 : index
      %swap3A_44 = tpu.vector_load %arg19[%swap3A_42, %swap3A_43] {strides = array<i32>} : memref<80x144xf32, #tpu.memory_space<vmem>>, vector<16xf32>,
      tpu.vector_store %arg19[%swap3A_42, %swap3A_43], %broadcast_in_dim3A_0 {strides = array<i32>} : memref<80x144xf32, #tpu.memory_space<vmem>>, vector<16xf32>,
      %swap3A_45 = arith.index_cast %scan3A_30 : i32 to index
      %swap3A_46 = arith.constant 80 : index
      %swap3A_47 = tpu.vector_load %arg19[%swap3A_45, %swap3A_46] {strides = array<i32>} : memref<80x144xf32, #tpu.memory_space<vmem>>, vector<16xf32>,
      tpu.vector_store %arg19[%swap3A_45, %swap3A_46], %broadcast_in_dim3A_0 {strides = array<i32>} : memref<80x144xf32, #tpu.memory_space<vmem>>, vector<16xf32>,
      %swap3A_48 = arith.index_cast %scan3A_30 : i32 to index
      %swap3A_49 = arith.constant 96 : index
      %swap3A_50 = tpu.vector_load %arg19[%swap3A_48, %swap3A_49] {strides = array<i32>} : memref<80x144xf32, #tpu.memory_space<vmem>>, vector<16xf32>,
      tpu.vector_store %arg19[%swap3A_48, %swap3A_49], %broadcast_in_dim3A_0 {strides = array<i32>} : memref<80x144xf32, #tpu.memory_space<vmem>>, vector<16xf32>,
      %swap3A_51 = arith.index_cast %scan3A_30 : i32 to index
      %swap3A_52 = arith.constant 112 : index
      %swap3A_53 = tpu.vector_load %arg19[%swap3A_51, %swap3A_52] {strides = array<i32>} : memref<80x144xf32, #tpu.memory_space<vmem>>, vector<16xf32>,
      tpu.vector_store %arg19[%swap3A_51, %swap3A_52], %broadcast_in_dim3A_0 {strides = array<i32>} : memref<80x144xf32, #tpu.memory_space<vmem>>, vector<16xf32>,
      %swap3A_54 = arith.index_cast %scan3A_30 : i32 to index
      %swap3A_55 = arith.constant 128 : index
      %swap3A_56 = tpu.vector_load %arg19[%swap3A_54, %swap3A_55] {strides = array<i32>} : memref<80x144xf32, #tpu.memory_space<vmem>>, vector<16xf32>,
      tpu.vector_store %arg19[%swap3A_54, %swap3A_55], %broadcast_in_dim3A_0 {strides = array<i32>} : memref<80x144xf32, #tpu.memory_space<vmem>>, vector<16xf32>,
    }
    %scan3A_5 = arith.constant 80 : i32
    %scan3A_6 = arith.constant 0 : i32
    %scan3A_7 = arith.constant 0 : i32
    %scan3A_8 = arith.constant 8 : i32
    %scan3A_9 = arith.addi %scan3A_7, %scan3A_8 : i32
    %scan3A_10 = arith.constant 1 : i32
    scf.for %scan3A_30 = %scan3A_7 to %scan3A_9 step %scan3A_10  : i32 {
      %mul3A = arith.constant 625 : i32
      %mul3A_31 = arith.muli %mul3A, %arg1 : i32
      %mul3A_32 = arith.constant 80 : i32
      %mul3A_33 = arith.muli %mul3A_32, %scan3A_30 : i32
      %add3A = arith.addi %mul3A_31, %mul3A_33 : i32
      %jit3A = arith.constant 7 : i32
      %div3A = arith.divsi %scan3A_30, %jit3A : i32
      %sign3A = arith.constant 0 : i32
      %sign3A_34 = arith.cmpi sgt, %scan3A_30, %sign3A : i32
      %sign3A_35 = arith.extui %sign3A_34 : i1 to i32
      %sign3A_36 = arith.constant 0 : i32
      %sign3A_37 = arith.cmpi slt, %scan3A_30, %sign3A_36 : i32
      %sign3A_38 = arith.extui %sign3A_37 : i1 to i32
      %sign3A_39 = arith.subi %sign3A_35, %sign3A_38 : i32
      %sign3A_40 = arith.constant 0 : i32
      %sign3A_41 = arith.cmpi sgt, %jit3A, %sign3A_40 : i32
      %sign3A_42 = arith.extui %sign3A_41 : i1 to i32
      %sign3A_43 = arith.constant 0 : i32
      %sign3A_44 = arith.cmpi slt, %jit3A, %sign3A_43 : i32
      %sign3A_45 = arith.extui %sign3A_44 : i1 to i32
      %sign3A_46 = arith.subi %sign3A_42, %sign3A_45 : i32
      %ne3A = arith.cmpi ne, %sign3A_39, %sign3A_46 : i32
      %rem3A = arith.remsi %scan3A_30, %jit3A : i32
      %ne3A_47 = arith.constant 0 : i32
      %ne3A_48 = arith.cmpi ne, %rem3A, %ne3A_47 : i32
      %and3A = arith.andi %ne3A, %ne3A_48 : i1
      %sub3A = arith.constant 1 : i32
      %sub3A_49 = arith.subi %div3A, %sub3A : i32
      %select_n3A = arith.select %and3A, %sub3A_49, %div3A : i32
      %mul3A_50 = arith.constant 15 : i32
      %mul3A_51 = arith.muli %mul3A_50, %select_n3A : i32
      %sub3A_52 = arith.subi %add3A, %mul3A_51 : i32
      "tpu.region"() ({
        %run_scoped3A = tpu.sem_alloc : memref<!tpu.dma_semaphore, #tpu.memory_space<semaphore_mem>>
        %dma_start3A = arith.constant 0 : i32
        %dma_start3A_53 = tpu.memref_slice %arg14[%sub3A_52, %dma_start3A] : memref<10000x144xf32, #tpu.memory_space<vmem_shared>> -> memref<80x144xf32, #tpu.memory_space<vmem_shared>>
        %dma_start3A_54 = arith.constant 0 : i32
        %dma_start3A_55 = tpu.memref_slice %arg14[%sub3A_52, %dma_start3A_54] : memref<10000x144xf32, #tpu.memory_space<vmem_shared>> -> memref<80x144xf32, #tpu.memory_space<vmem_shared>>
        tpu.enqueue_dma source(%arg19 : memref<80x144xf32, #tpu.memory_space<vmem>>) target(%dma_start3A_55 : memref<80x144xf32, #tpu.memory_space<vmem_shared>>) target_semaphore(%run_scoped3A : memref<!tpu.dma_semaphore, #tpu.memory_space<semaphore_mem>>)
        %dma_wait3A = arith.constant 0 : i32
        %dma_wait3A_56 = tpu.memref_slice %arg14[%sub3A_52, %dma_wait3A] : memref<10000x144xf32, #tpu.memory_space<vmem_shared>> -> memref<80x144xf32, #tpu.memory_space<vmem_shared>>
        %dma_wait3A_57 = arith.constant 0 : i32
        %dma_wait3A_58 = tpu.memref_slice %arg14[%sub3A_52, %dma_wait3A_57] : memref<10000x144xf32, #tpu.memory_space<vmem_shared>> -> memref<80x144xf32, #tpu.memory_space<vmem_shared>>
        tpu.wait_dma2 semaphore(%run_scoped3A : memref<!tpu.dma_semaphore, #tpu.memory_space<semaphore_mem>>) src(%arg19 : memref<80x144xf32, #tpu.memory_space<vmem>>) dst(%dma_wait3A_58 : memref<80x144xf32, #tpu.memory_space<vmem_shared>>)
        tpu.yield
      }) : () -> ()
    }
    %scan3A_11 = arith.constant 8 : i32
    %barrier3A = arith.constant 0 : index
    tpu.barrier barrier_id(%barrier3A)
    %eq3A = arith.constant 0 : i32
    %eq3A_12 = arith.cmpi eq, %arg0, %eq3A : i32
    %convert_element_type3A = arith.extui %eq3A_12 : i1 to i32
    %cond3A = arith.constant 0 : i32
    %cond3A_13 = arith.cmpi ne, %convert_element_type3A, %cond3A : i32
    scf.if %cond3A_13 {
      %scan3A_30 = arith.constant 0 : i32
      %scan3A_31 = arith.constant 0 : i32
      %scan3A_32 = arith.constant 250 : i32
      %scan3A_33 = arith.addi %scan3A_31, %scan3A_32 : i32
      %scan3A_34 = arith.constant 1 : i32
      scf.for %scan3A_36 = %scan3A_31 to %scan3A_33 step %scan3A_34  : i32 {
        %mul3A = arith.constant 20000 : i32
        %mul3A_37 = arith.muli %mul3A, %arg1 : i32
        %mul3A_38 = arith.constant 80 : i32
        %mul3A_39 = arith.muli %mul3A_38, %scan3A_36 : i32
        %add3A = arith.addi %mul3A_37, %mul3A_39 : i32
        "tpu.region"() ({
          %run_scoped3A = tpu.sem_alloc : memref<!tpu.dma_semaphore, #tpu.memory_space<semaphore_mem>>
          %dma_start3A = tpu.memref_slice %arg5[%add3A] : memref<320000xi32, #tpu.memory_space<hbm>> -> memref<80xi32, #tpu.memory_space<hbm>>
          %dma_start3A_52 = tpu.memref_slice %arg5[%add3A] : memref<320000xi32, #tpu.memory_space<hbm>> -> memref<80xi32, #tpu.memory_space<hbm>>
          tpu.enqueue_dma source(%dma_start3A_52 : memref<80xi32, #tpu.memory_space<hbm>>) target(%arg15 : memref<80xi32, #tpu.memory_space<vmem>>) target_semaphore(%run_scoped3A : memref<!tpu.dma_semaphore, #tpu.memory_space<semaphore_mem>>)
          %dma_wait3A = tpu.memref_slice %arg5[%add3A] : memref<320000xi32, #tpu.memory_space<hbm>> -> memref<80xi32, #tpu.memory_space<hbm>>
          %dma_wait3A_53 = tpu.memref_slice %arg5[%add3A] : memref<320000xi32, #tpu.memory_space<hbm>> -> memref<80xi32, #tpu.memory_space<hbm>>
          tpu.wait_dma2 semaphore(%run_scoped3A : memref<!tpu.dma_semaphore, #tpu.memory_space<semaphore_mem>>) src(%dma_wait3A_53 : memref<80xi32, #tpu.memory_space<hbm>>) dst(%arg15 : memref<80xi32, #tpu.memory_space<vmem>>)
          tpu.yield
        }) : () -> ()
        "tpu.region"() ({
          %run_scoped3A = tpu.sem_alloc : memref<!tpu.dma_semaphore, #tpu.memory_space<semaphore_mem>>
          %dma_start3A = tpu.memref_slice %arg6[%add3A] : memref<320000xi32, #tpu.memory_space<hbm>> -> memref<80xi32, #tpu.memory_space<hbm>>
          %dma_start3A_52 = tpu.memref_slice %arg6[%add3A] : memref<320000xi32, #tpu.memory_space<hbm>> -> memref<80xi32, #tpu.memory_space<hbm>>
          tpu.enqueue_dma source(%dma_start3A_52 : memref<80xi32, #tpu.memory_space<hbm>>) target(%arg16 : memref<80xi32, #tpu.memory_space<vmem>>) target_semaphore(%run_scoped3A : memref<!tpu.dma_semaphore, #tpu.memory_space<semaphore_mem>>)
          %dma_wait3A = tpu.memref_slice %arg6[%add3A] : memref<320000xi32, #tpu.memory_space<hbm>> -> memref<80xi32, #tpu.memory_space<hbm>>
          %dma_wait3A_53 = tpu.memref_slice %arg6[%add3A] : memref<320000xi32, #tpu.memory_space<hbm>> -> memref<80xi32, #tpu.memory_space<hbm>>
          tpu.wait_dma2 semaphore(%run_scoped3A : memref<!tpu.dma_semaphore, #tpu.memory_space<semaphore_mem>>) src(%dma_wait3A_53 : memref<80xi32, #tpu.memory_space<hbm>>) dst(%arg16 : memref<80xi32, #tpu.memory_space<vmem>>)
          tpu.yield
        }) : () -> ()
        "tpu.region"() ({
          %run_scoped3A = tpu.sem_alloc : memref<!tpu.dma_semaphore, #tpu.memory_space<semaphore_mem>>
          %dma_start3A = arith.constant 0 : i32
          %dma_start3A_52 = arith.constant 0 : i32
          %dma_start3A_53 = tpu.memref_slice %arg2[%dma_start3A, %dma_start3A_52] : memref<10000x128xf32, #tpu.memory_space<hbm>> -> memref<10000x128xf32, #tpu.memory_space<hbm>>
          tpu.enqueue_indirect_dma source(%dma_start3A_53 : memref<10000x128xf32, #tpu.memory_space<hbm>>) target(%arg17 : memref<80x128xf32, #tpu.memory_space<vmem>>) offsets(%arg15 : memref<80xi32, #tpu.memory_space<vmem>>) semaphore(%run_scoped3A : memref<!tpu.dma_semaphore, #tpu.memory_space<semaphore_mem>>)
          %dma_wait3A = arith.constant 0 : i32
          %dma_wait3A_54 = arith.constant 0 : i32
          %dma_wait3A_55 = tpu.memref_slice %arg2[%dma_wait3A, %dma_wait3A_54] : memref<10000x128xf32, #tpu.memory_space<hbm>> -> memref<10000x128xf32, #tpu.memory_space<hbm>>
          tpu.wait_indirect_dma semaphore(%run_scoped3A : memref<!tpu.dma_semaphore, #tpu.memory_space<semaphore_mem>>) src(%dma_wait3A_55 : memref<10000x128xf32, #tpu.memory_space<hbm>>) dst(%arg17 : memref<80x128xf32, #tpu.memory_space<vmem>>)
          tpu.yield
        }) : () -> ()
        "tpu.region"() ({
          %run_scoped3A = tpu.sem_alloc : memref<!tpu.dma_semaphore, #tpu.memory_space<semaphore_mem>>
          %dma_start3A = arith.constant 0 : i32
          %dma_start3A_52 = arith.constant 0 : i32
          %dma_start3A_53 = tpu.memref_slice %arg4[%dma_start3A, %dma_start3A_52] : memref<10000x128xf32, #tpu.memory_space<hbm>> -> memref<10000x128xf32, #tpu.memory_space<hbm>>
          tpu.enqueue_indirect_dma source(%dma_start3A_53 : memref<10000x128xf32, #tpu.memory_space<hbm>>) target(%arg18 : memref<80x128xf32, #tpu.memory_space<vmem>>) offsets(%arg16 : memref<80xi32, #tpu.memory_space<vmem>>) semaphore(%run_scoped3A : memref<!tpu.dma_semaphore, #tpu.memory_space<semaphore_mem>>)
          %dma_wait3A = arith.constant 0 : i32
          %dma_wait3A_54 = arith.constant 0 : i32
          %dma_wait3A_55 = tpu.memref_slice %arg4[%dma_wait3A, %dma_wait3A_54] : memref<10000x128xf32, #tpu.memory_space<hbm>> -> memref<10000x128xf32, #tpu.memory_space<hbm>>
          tpu.wait_indirect_dma semaphore(%run_scoped3A : memref<!tpu.dma_semaphore, #tpu.memory_space<semaphore_mem>>) src(%dma_wait3A_55 : memref<10000x128xf32, #tpu.memory_space<hbm>>) dst(%arg18 : memref<80x128xf32, #tpu.memory_space<vmem>>)
          tpu.yield
        }) : () -> ()
        %scan3A_40 = arith.constant 0 : i32
        %scan3A_41 = arith.constant 5 : i32
        %scan3A_42 = arith.addi %scan3A_40, %scan3A_41 : i32
        %scan3A_43 = arith.constant 1 : i32
        %scan3A_44 = scf.for %scan3A_52 = %scan3A_40 to %scan3A_42 step %scan3A_43 iter_args(%scan3A_53 = %iota3A) -> (vector<16xi32>)  : i32 {
          %broadcast_in_dim3A_54 = arith.constant 0 : i32
          %broadcast_in_dim3A_55 = vector.broadcast %broadcast_in_dim3A_54 : i32 to vector<16xi32>
          %broadcast_in_dim3A_56 = arith.constant 128 : i32
          %broadcast_in_dim3A_57 = vector.broadcast %broadcast_in_dim3A_56 : i32 to vector<16xi32>
          %scan3A_58 = arith.constant 0 : i32
          %scan3A_59 = arith.constant 4 : i32
          %scan3A_60 = arith.addi %scan3A_58, %scan3A_59 : i32
          %scan3A_61 = arith.constant 1 : i32
          %scan3A_62:2 = scf.for %scan3A_67 = %scan3A_58 to %scan3A_60 step %scan3A_61 iter_args(%scan3A_68 = %broadcast_in_dim3A_55, %scan3A_69 = %broadcast_in_dim3A_57) -> (vector<16xi32>, vector<16xi32>)  : i32 {
            %scan3A_70 = arith.constant 0 : i32
            %scan3A_71 = arith.constant 32 : i32
            %scan3A_72 = arith.addi %scan3A_70, %scan3A_71 : i32
            %scan3A_73 = arith.constant 4 : i32
            %scan3A_74:2 = scf.for %scan3A_79 = %scan3A_70 to %scan3A_72 step %scan3A_73 iter_args(%scan3A_80 = %broadcast_in_dim3A_0, %scan3A_81 = %scan3A_68) -> (vector<16xf32>, vector<16xi32>)  : i32 {
              %gather3A = tpu.vector_load_idx %arg18[%scan3A_53, %scan3A_81] : memref<80x128xf32, #tpu.memory_space<vmem>>[vector<16xi32>, vector<16xi32>], vector<16xf32>,
              %gather3A_82 = tpu.vector_load_idx %arg17[%scan3A_53, %scan3A_81] : memref<80x128xf32, #tpu.memory_space<vmem>>[vector<16xi32>, vector<16xi32>], vector<16xf32>,
              %mul3A_83 = arith.mulf %gather3A, %gather3A_82 : vector<16xf32>
              %add3A_84 = arith.addf %scan3A_80, %mul3A_83 : vector<16xf32>
              %add3A_85 = arith.constant 1 : i32
              %add3A_86 = vector.broadcast %add3A_85 : i32 to vector<16xi32>
              %add3A_87 = arith.addi %scan3A_81, %add3A_86 : vector<16xi32>
              %scan3A_88 = arith.constant 1 : i32
              %scan3A_89 = arith.addi %scan3A_79, %scan3A_88 : i32
              %gather3A_90 = tpu.vector_load_idx %arg18[%scan3A_53, %add3A_87] : memref<80x128xf32, #tpu.memory_space<vmem>>[vector<16xi32>, vector<16xi32>], vector<16xf32>,
              %gather3A_91 = tpu.vector_load_idx %arg17[%scan3A_53, %add3A_87] : memref<80x128xf32, #tpu.memory_space<vmem>>[vector<16xi32>, vector<16xi32>], vector<16xf32>,
              %mul3A_92 = arith.mulf %gather3A_90, %gather3A_91 : vector<16xf32>
              %add3A_93 = arith.addf %add3A_84, %mul3A_92 : vector<16xf32>
              %add3A_94 = arith.constant 1 : i32
              %add3A_95 = vector.broadcast %add3A_94 : i32 to vector<16xi32>
              %add3A_96 = arith.addi %add3A_87, %add3A_95 : vector<16xi32>
              %scan3A_97 = arith.constant 2 : i32
              %scan3A_98 = arith.addi %scan3A_79, %scan3A_97 : i32
              %gather3A_99 = tpu.vector_load_idx %arg18[%scan3A_53, %add3A_96] : memref<80x128xf32, #tpu.memory_space<vmem>>[vector<16xi32>, vector<16xi32>], vector<16xf32>,
              %gather3A_100 = tpu.vector_load_idx %arg17[%scan3A_53, %add3A_96] : memref<80x128xf32, #tpu.memory_space<vmem>>[vector<16xi32>, vector<16xi32>], vector<16xf32>,
              %mul3A_101 = arith.mulf %gather3A_99, %gather3A_100 : vector<16xf32>
              %add3A_102 = arith.addf %add3A_93, %mul3A_101 : vector<16xf32>
              %add3A_103 = arith.constant 1 : i32
              %add3A_104 = vector.broadcast %add3A_103 : i32 to vector<16xi32>
              %add3A_105 = arith.addi %add3A_96, %add3A_104 : vector<16xi32>
              %scan3A_106 = arith.constant 3 : i32
              %scan3A_107 = arith.addi %scan3A_79, %scan3A_106 : i32
              %gather3A_108 = tpu.vector_load_idx %arg18[%scan3A_53, %add3A_105] : memref<80x128xf32, #tpu.memory_space<vmem>>[vector<16xi32>, vector<16xi32>], vector<16xf32>,
              %gather3A_109 = tpu.vector_load_idx %arg17[%scan3A_53, %add3A_105] : memref<80x128xf32, #tpu.memory_space<vmem>>[vector<16xi32>, vector<16xi32>], vector<16xf32>,
              %mul3A_110 = arith.mulf %gather3A_108, %gather3A_109 : vector<16xf32>
              %add3A_111 = arith.addf %add3A_102, %mul3A_110 : vector<16xf32>
              %add3A_112 = arith.constant 1 : i32
              %add3A_113 = vector.broadcast %add3A_112 : i32 to vector<16xi32>
              %add3A_114 = arith.addi %add3A_105, %add3A_113 : vector<16xi32>
              scf.yield %add3A_111, %add3A_114 : vector<16xf32>, vector<16xi32>
            }
            %scan3A_75 = arith.constant 32 : i32
            %exp3A = math.exp %scan3A_74#0 : vector<16xf32>
            tpu.vector_store_idx %arg19[%scan3A_53, %scan3A_69], %exp3A : memref<80x144xf32, #tpu.memory_space<vmem>>[vector<16xi32>, vector<16xi32>], vector<16xf32>,
            %add3A_76 = arith.constant 1 : i32
            %add3A_77 = vector.broadcast %add3A_76 : i32 to vector<16xi32>
            %add3A_78 = arith.addi %scan3A_69, %add3A_77 : vector<16xi32>
            scf.yield %scan3A_74#1, %add3A_78 : vector<16xi32>, vector<16xi32>
          }
          %scan3A_63 = arith.constant 4 : i32
          %add3A_64 = arith.constant 16 : i32
          %add3A_65 = vector.broadcast %add3A_64 : i32 to vector<16xi32>
          %add3A_66 = arith.addi %scan3A_53, %add3A_65 : vector<16xi32>
          scf.yield %add3A_66 : vector<16xi32>
        }
        %scan3A_45 = arith.constant 5 : i32
        "tpu.region"() ({
          %run_scoped3A = tpu.sem_alloc : memref<!tpu.dma_semaphore, #tpu.memory_space<semaphore_mem>>
          %dma_start3A = arith.constant 0 : i32
          %dma_start3A_52 = arith.constant 0 : i32
          %dma_start3A_53 = tpu.memref_slice %arg3[%dma_start3A, %dma_start3A_52] : memref<10000x128xf32, #tpu.memory_space<hbm>> -> memref<10000x128xf32, #tpu.memory_space<hbm>>
          tpu.enqueue_indirect_dma source(%dma_start3A_53 : memref<10000x128xf32, #tpu.memory_space<hbm>>) target(%arg17 : memref<80x128xf32, #tpu.memory_space<vmem>>) offsets(%arg15 : memref<80xi32, #tpu.memory_space<vmem>>) semaphore(%run_scoped3A : memref<!tpu.dma_semaphore, #tpu.memory_space<semaphore_mem>>)
          %dma_wait3A = arith.constant 0 : i32
          %dma_wait3A_54 = arith.constant 0 : i32
          %dma_wait3A_55 = tpu.memref_slice %arg3[%dma_wait3A, %dma_wait3A_54] : memref<10000x128xf32, #tpu.memory_space<hbm>> -> memref<10000x128xf32, #tpu.memory_space<hbm>>
          tpu.wait_indirect_dma semaphore(%run_scoped3A : memref<!tpu.dma_semaphore, #tpu.memory_space<semaphore_mem>>) src(%dma_wait3A_55 : memref<10000x128xf32, #tpu.memory_space<hbm>>) dst(%arg17 : memref<80x128xf32, #tpu.memory_space<vmem>>)
          tpu.yield
        }) : () -> ()
        %scan3A_46 = arith.constant 0 : i32
        %scan3A_47 = arith.constant 5 : i32
        %scan3A_48 = arith.addi %scan3A_46, %scan3A_47 : i32
        %scan3A_49 = arith.constant 1 : i32
        %scan3A_50 = scf.for %scan3A_52 = %scan3A_46 to %scan3A_48 step %scan3A_49 iter_args(%scan3A_53 = %iota3A) -> (vector<16xi32>)  : i32 {
          %broadcast_in_dim3A_54 = arith.constant 0 : i32
          %broadcast_in_dim3A_55 = vector.broadcast %broadcast_in_dim3A_54 : i32 to vector<16xi32>
          %broadcast_in_dim3A_56 = arith.constant 128 : i32
          %broadcast_in_dim3A_57 = vector.broadcast %broadcast_in_dim3A_56 : i32 to vector<16xi32>
          %scan3A_58 = arith.constant 0 : i32
          %scan3A_59 = arith.constant 4 : i32
          %scan3A_60 = arith.addi %scan3A_58, %scan3A_59 : i32
          %scan3A_61 = arith.constant 1 : i32
          %scan3A_62:2 = scf.for %scan3A_67 = %scan3A_58 to %scan3A_60 step %scan3A_61 iter_args(%scan3A_68 = %broadcast_in_dim3A_55, %scan3A_69 = %broadcast_in_dim3A_57) -> (vector<16xi32>, vector<16xi32>)  : i32 {
            %gather3A = tpu.vector_load_idx %arg19[%scan3A_53, %scan3A_69] : memref<80x144xf32, #tpu.memory_space<vmem>>[vector<16xi32>, vector<16xi32>], vector<16xf32>,
            %scan3A_70 = arith.constant 0 : i32
            %scan3A_71 = arith.constant 32 : i32
            %scan3A_72 = arith.addi %scan3A_70, %scan3A_71 : i32
            %scan3A_73 = arith.constant 4 : i32
            %scan3A_74 = scf.for %scan3A_79 = %scan3A_70 to %scan3A_72 step %scan3A_73 iter_args(%scan3A_80 = %scan3A_68) -> (vector<16xi32>)  : i32 {
              %gather3A_81 = tpu.vector_load_idx %arg17[%scan3A_53, %scan3A_80] : memref<80x128xf32, #tpu.memory_space<vmem>>[vector<16xi32>, vector<16xi32>], vector<16xf32>,
              %mul3A_82 = arith.mulf %gather3A_81, %gather3A : vector<16xf32>
              tpu.vector_store_idx %arg19[%scan3A_53, %scan3A_80], %mul3A_82 : memref<80x144xf32, #tpu.memory_space<vmem>>[vector<16xi32>, vector<16xi32>], vector<16xf32>,
              %add3A_83 = arith.constant 1 : i32
              %add3A_84 = vector.broadcast %add3A_83 : i32 to vector<16xi32>
              %add3A_85 = arith.addi %scan3A_80, %add3A_84 : vector<16xi32>
              %scan3A_86 = arith.constant 1 : i32
              %scan3A_87 = arith.addi %scan3A_79, %scan3A_86 : i32
              %gather3A_88 = tpu.vector_load_idx %arg17[%scan3A_53, %add3A_85] : memref<80x128xf32, #tpu.memory_space<vmem>>[vector<16xi32>, vector<16xi32>], vector<16xf32>,
              %mul3A_89 = arith.mulf %gather3A_88, %gather3A : vector<16xf32>
              tpu.vector_store_idx %arg19[%scan3A_53, %add3A_85], %mul3A_89 : memref<80x144xf32, #tpu.memory_space<vmem>>[vector<16xi32>, vector<16xi32>], vector<16xf32>,
              %add3A_90 = arith.constant 1 : i32
              %add3A_91 = vector.broadcast %add3A_90 : i32 to vector<16xi32>
              %add3A_92 = arith.addi %add3A_85, %add3A_91 : vector<16xi32>
              %scan3A_93 = arith.constant 2 : i32
              %scan3A_94 = arith.addi %scan3A_79, %scan3A_93 : i32
              %gather3A_95 = tpu.vector_load_idx %arg17[%scan3A_53, %add3A_92] : memref<80x128xf32, #tpu.memory_space<vmem>>[vector<16xi32>, vector<16xi32>], vector<16xf32>,
              %mul3A_96 = arith.mulf %gather3A_95, %gather3A : vector<16xf32>
              tpu.vector_store_idx %arg19[%scan3A_53, %add3A_92], %mul3A_96 : memref<80x144xf32, #tpu.memory_space<vmem>>[vector<16xi32>, vector<16xi32>], vector<16xf32>,
              %add3A_97 = arith.constant 1 : i32
              %add3A_98 = vector.broadcast %add3A_97 : i32 to vector<16xi32>
              %add3A_99 = arith.addi %add3A_92, %add3A_98 : vector<16xi32>
              %scan3A_100 = arith.constant 3 : i32
              %scan3A_101 = arith.addi %scan3A_79, %scan3A_100 : i32
              %gather3A_102 = tpu.vector_load_idx %arg17[%scan3A_53, %add3A_99] : memref<80x128xf32, #tpu.memory_space<vmem>>[vector<16xi32>, vector<16xi32>], vector<16xf32>,
              %mul3A_103 = arith.mulf %gather3A_102, %gather3A : vector<16xf32>
              tpu.vector_store_idx %arg19[%scan3A_53, %add3A_99], %mul3A_103 : memref<80x144xf32, #tpu.memory_space<vmem>>[vector<16xi32>, vector<16xi32>], vector<16xf32>,
              %add3A_104 = arith.constant 1 : i32
              %add3A_105 = vector.broadcast %add3A_104 : i32 to vector<16xi32>
              %add3A_106 = arith.addi %add3A_99, %add3A_105 : vector<16xi32>
              scf.yield %add3A_106 : vector<16xi32>
            }
            %scan3A_75 = arith.constant 32 : i32
            %add3A_76 = arith.constant 1 : i32
            %add3A_77 = vector.broadcast %add3A_76 : i32 to vector<16xi32>
            %add3A_78 = arith.addi %scan3A_69, %add3A_77 : vector<16xi32>
            scf.yield %scan3A_74, %add3A_78 : vector<16xi32>, vector<16xi32>
          }
          %scan3A_63 = arith.constant 4 : i32
          %add3A_64 = arith.constant 16 : i32
          %add3A_65 = vector.broadcast %add3A_64 : i32 to vector<16xi32>
          %add3A_66 = arith.addi %scan3A_53, %add3A_65 : vector<16xi32>
          scf.yield %add3A_66 : vector<16xi32>
        }
        %scan3A_51 = arith.constant 5 : i32
        "tpu.region"() ({
          %run_scoped3A = tpu.sem_alloc : memref<!tpu.dma_semaphore, #tpu.memory_space<semaphore_mem>>
          %dma_start3A = arith.constant 0 : i32
          %dma_start3A_52 = arith.constant 0 : i32
          %dma_start3A_53 = tpu.memref_slice %arg14[%dma_start3A, %dma_start3A_52] : memref<10000x144xf32, #tpu.memory_space<vmem_shared>> -> memref<10000x144xf32, #tpu.memory_space<vmem_shared>>
          tpu.enqueue_indirect_dma source(%arg19 : memref<80x144xf32, #tpu.memory_space<vmem>>) target(%dma_start3A_53 : memref<10000x144xf32, #tpu.memory_space<vmem_shared>>) offsets(%arg16 : memref<80xi32, #tpu.memory_space<vmem>>) semaphore(%run_scoped3A : memref<!tpu.dma_semaphore, #tpu.memory_space<semaphore_mem>>) {add = true}
          %dma_wait3A = arith.constant 0 : i32
          %dma_wait3A_54 = arith.constant 0 : i32
          %dma_wait3A_55 = tpu.memref_slice %arg14[%dma_wait3A, %dma_wait3A_54] : memref<10000x144xf32, #tpu.memory_space<vmem_shared>> -> memref<10000x144xf32, #tpu.memory_space<vmem_shared>>
          tpu.wait_indirect_dma semaphore(%run_scoped3A : memref<!tpu.dma_semaphore, #tpu.memory_space<semaphore_mem>>) src(%arg19 : memref<80x144xf32, #tpu.memory_space<vmem>>) dst(%dma_wait3A_55 : memref<10000x144xf32, #tpu.memory_space<vmem_shared>>)
          tpu.yield
        }) : () -> ()
      }
      %scan3A_35 = arith.constant 250 : i32
    } else {
    }
    %eq3A_14 = arith.constant 1 : i32
    %eq3A_15 = arith.cmpi eq, %arg0, %eq3A_14 : i32
    %convert_element_type3A_16 = arith.extui %eq3A_15 : i1 to i32
    %cond3A_17 = arith.constant 0 : i32
    %cond3A_18 = arith.cmpi ne, %convert_element_type3A_16, %cond3A_17 : i32
    scf.if %cond3A_18 {
      %scan3A_30 = arith.constant 0 : i32
      %scan3A_31 = arith.constant 0 : i32
      %scan3A_32 = arith.constant 250 : i32
      %scan3A_33 = arith.addi %scan3A_31, %scan3A_32 : i32
      %scan3A_34 = arith.constant 1 : i32
      scf.for %scan3A_36 = %scan3A_31 to %scan3A_33 step %scan3A_34  : i32 {
        %mul3A = arith.constant 20000 : i32
        %mul3A_37 = arith.muli %mul3A, %arg1 : i32
        %mul3A_38 = arith.constant 80 : i32
        %mul3A_39 = arith.muli %mul3A_38, %scan3A_36 : i32
        %add3A = arith.addi %mul3A_37, %mul3A_39 : i32
        "tpu.region"() ({
          %run_scoped3A = tpu.sem_alloc : memref<!tpu.dma_semaphore, #tpu.memory_space<semaphore_mem>>
          %dma_start3A = tpu.memref_slice %arg10[%add3A] : memref<320000xi32, #tpu.memory_space<hbm>> -> memref<80xi32, #tpu.memory_space<hbm>>
          %dma_start3A_52 = tpu.memref_slice %arg10[%add3A] : memref<320000xi32, #tpu.memory_space<hbm>> -> memref<80xi32, #tpu.memory_space<hbm>>
          tpu.enqueue_dma source(%dma_start3A_52 : memref<80xi32, #tpu.memory_space<hbm>>) target(%arg15 : memref<80xi32, #tpu.memory_space<vmem>>) target_semaphore(%run_scoped3A : memref<!tpu.dma_semaphore, #tpu.memory_space<semaphore_mem>>)
          %dma_wait3A = tpu.memref_slice %arg10[%add3A] : memref<320000xi32, #tpu.memory_space<hbm>> -> memref<80xi32, #tpu.memory_space<hbm>>
          %dma_wait3A_53 = tpu.memref_slice %arg10[%add3A] : memref<320000xi32, #tpu.memory_space<hbm>> -> memref<80xi32, #tpu.memory_space<hbm>>
          tpu.wait_dma2 semaphore(%run_scoped3A : memref<!tpu.dma_semaphore, #tpu.memory_space<semaphore_mem>>) src(%dma_wait3A_53 : memref<80xi32, #tpu.memory_space<hbm>>) dst(%arg15 : memref<80xi32, #tpu.memory_space<vmem>>)
          tpu.yield
        }) : () -> ()
        "tpu.region"() ({
          %run_scoped3A = tpu.sem_alloc : memref<!tpu.dma_semaphore, #tpu.memory_space<semaphore_mem>>
          %dma_start3A = tpu.memref_slice %arg11[%add3A] : memref<320000xi32, #tpu.memory_space<hbm>> -> memref<80xi32, #tpu.memory_space<hbm>>
          %dma_start3A_52 = tpu.memref_slice %arg11[%add3A] : memref<320000xi32, #tpu.memory_space<hbm>> -> memref<80xi32, #tpu.memory_space<hbm>>
          tpu.enqueue_dma source(%dma_start3A_52 : memref<80xi32, #tpu.memory_space<hbm>>) target(%arg16 : memref<80xi32, #tpu.memory_space<vmem>>) target_semaphore(%run_scoped3A : memref<!tpu.dma_semaphore, #tpu.memory_space<semaphore_mem>>)
          %dma_wait3A = tpu.memref_slice %arg11[%add3A] : memref<320000xi32, #tpu.memory_space<hbm>> -> memref<80xi32, #tpu.memory_space<hbm>>
          %dma_wait3A_53 = tpu.memref_slice %arg11[%add3A] : memref<320000xi32, #tpu.memory_space<hbm>> -> memref<80xi32, #tpu.memory_space<hbm>>
          tpu.wait_dma2 semaphore(%run_scoped3A : memref<!tpu.dma_semaphore, #tpu.memory_space<semaphore_mem>>) src(%dma_wait3A_53 : memref<80xi32, #tpu.memory_space<hbm>>) dst(%arg16 : memref<80xi32, #tpu.memory_space<vmem>>)
          tpu.yield
        }) : () -> ()
        "tpu.region"() ({
          %run_scoped3A = tpu.sem_alloc : memref<!tpu.dma_semaphore, #tpu.memory_space<semaphore_mem>>
          %dma_start3A = arith.constant 0 : i32
          %dma_start3A_52 = arith.constant 0 : i32
          %dma_start3A_53 = tpu.memref_slice %arg7[%dma_start3A, %dma_start3A_52] : memref<10000x128xf32, #tpu.memory_space<hbm>> -> memref<10000x128xf32, #tpu.memory_space<hbm>>
          tpu.enqueue_indirect_dma source(%dma_start3A_53 : memref<10000x128xf32, #tpu.memory_space<hbm>>) target(%arg17 : memref<80x128xf32, #tpu.memory_space<vmem>>) offsets(%arg15 : memref<80xi32, #tpu.memory_space<vmem>>) semaphore(%run_scoped3A : memref<!tpu.dma_semaphore, #tpu.memory_space<semaphore_mem>>)
          %dma_wait3A = arith.constant 0 : i32
          %dma_wait3A_54 = arith.constant 0 : i32
          %dma_wait3A_55 = tpu.memref_slice %arg7[%dma_wait3A, %dma_wait3A_54] : memref<10000x128xf32, #tpu.memory_space<hbm>> -> memref<10000x128xf32, #tpu.memory_space<hbm>>
          tpu.wait_indirect_dma semaphore(%run_scoped3A : memref<!tpu.dma_semaphore, #tpu.memory_space<semaphore_mem>>) src(%dma_wait3A_55 : memref<10000x128xf32, #tpu.memory_space<hbm>>) dst(%arg17 : memref<80x128xf32, #tpu.memory_space<vmem>>)
          tpu.yield
        }) : () -> ()
        "tpu.region"() ({
          %run_scoped3A = tpu.sem_alloc : memref<!tpu.dma_semaphore, #tpu.memory_space<semaphore_mem>>
          %dma_start3A = arith.constant 0 : i32
          %dma_start3A_52 = arith.constant 0 : i32
          %dma_start3A_53 = tpu.memref_slice %arg9[%dma_start3A, %dma_start3A_52] : memref<10000x128xf32, #tpu.memory_space<hbm>> -> memref<10000x128xf32, #tpu.memory_space<hbm>>
          tpu.enqueue_indirect_dma source(%dma_start3A_53 : memref<10000x128xf32, #tpu.memory_space<hbm>>) target(%arg18 : memref<80x128xf32, #tpu.memory_space<vmem>>) offsets(%arg16 : memref<80xi32, #tpu.memory_space<vmem>>) semaphore(%run_scoped3A : memref<!tpu.dma_semaphore, #tpu.memory_space<semaphore_mem>>)
          %dma_wait3A = arith.constant 0 : i32
          %dma_wait3A_54 = arith.constant 0 : i32
          %dma_wait3A_55 = tpu.memref_slice %arg9[%dma_wait3A, %dma_wait3A_54] : memref<10000x128xf32, #tpu.memory_space<hbm>> -> memref<10000x128xf32, #tpu.memory_space<hbm>>
          tpu.wait_indirect_dma semaphore(%run_scoped3A : memref<!tpu.dma_semaphore, #tpu.memory_space<semaphore_mem>>) src(%dma_wait3A_55 : memref<10000x128xf32, #tpu.memory_space<hbm>>) dst(%arg18 : memref<80x128xf32, #tpu.memory_space<vmem>>)
          tpu.yield
        }) : () -> ()
        %scan3A_40 = arith.constant 0 : i32
        %scan3A_41 = arith.constant 5 : i32
        %scan3A_42 = arith.addi %scan3A_40, %scan3A_41 : i32
        %scan3A_43 = arith.constant 1 : i32
        %scan3A_44 = scf.for %scan3A_52 = %scan3A_40 to %scan3A_42 step %scan3A_43 iter_args(%scan3A_53 = %iota3A) -> (vector<16xi32>)  : i32 {
          %broadcast_in_dim3A_54 = arith.constant 0 : i32
          %broadcast_in_dim3A_55 = vector.broadcast %broadcast_in_dim3A_54 : i32 to vector<16xi32>
          %broadcast_in_dim3A_56 = arith.constant 128 : i32
          %broadcast_in_dim3A_57 = vector.broadcast %broadcast_in_dim3A_56 : i32 to vector<16xi32>
          %scan3A_58 = arith.constant 0 : i32
          %scan3A_59 = arith.constant 4 : i32
          %scan3A_60 = arith.addi %scan3A_58, %scan3A_59 : i32
          %scan3A_61 = arith.constant 1 : i32
          %scan3A_62:2 = scf.for %scan3A_67 = %scan3A_58 to %scan3A_60 step %scan3A_61 iter_args(%scan3A_68 = %broadcast_in_dim3A_55, %scan3A_69 = %broadcast_in_dim3A_57) -> (vector<16xi32>, vector<16xi32>)  : i32 {
            %scan3A_70 = arith.constant 0 : i32
            %scan3A_71 = arith.constant 32 : i32
            %scan3A_72 = arith.addi %scan3A_70, %scan3A_71 : i32
            %scan3A_73 = arith.constant 4 : i32
            %scan3A_74:2 = scf.for %scan3A_79 = %scan3A_70 to %scan3A_72 step %scan3A_73 iter_args(%scan3A_80 = %broadcast_in_dim3A_0, %scan3A_81 = %scan3A_68) -> (vector<16xf32>, vector<16xi32>)  : i32 {
              %gather3A = tpu.vector_load_idx %arg18[%scan3A_53, %scan3A_81] : memref<80x128xf32, #tpu.memory_space<vmem>>[vector<16xi32>, vector<16xi32>], vector<16xf32>,
              %gather3A_82 = tpu.vector_load_idx %arg17[%scan3A_53, %scan3A_81] : memref<80x128xf32, #tpu.memory_space<vmem>>[vector<16xi32>, vector<16xi32>], vector<16xf32>,
              %mul3A_83 = arith.mulf %gather3A, %gather3A_82 : vector<16xf32>
              %add3A_84 = arith.addf %scan3A_80, %mul3A_83 : vector<16xf32>
              %add3A_85 = arith.constant 1 : i32
              %add3A_86 = vector.broadcast %add3A_85 : i32 to vector<16xi32>
              %add3A_87 = arith.addi %scan3A_81, %add3A_86 : vector<16xi32>
              %scan3A_88 = arith.constant 1 : i32
              %scan3A_89 = arith.addi %scan3A_79, %scan3A_88 : i32
              %gather3A_90 = tpu.vector_load_idx %arg18[%scan3A_53, %add3A_87] : memref<80x128xf32, #tpu.memory_space<vmem>>[vector<16xi32>, vector<16xi32>], vector<16xf32>,
              %gather3A_91 = tpu.vector_load_idx %arg17[%scan3A_53, %add3A_87] : memref<80x128xf32, #tpu.memory_space<vmem>>[vector<16xi32>, vector<16xi32>], vector<16xf32>,
              %mul3A_92 = arith.mulf %gather3A_90, %gather3A_91 : vector<16xf32>
              %add3A_93 = arith.addf %add3A_84, %mul3A_92 : vector<16xf32>
              %add3A_94 = arith.constant 1 : i32
              %add3A_95 = vector.broadcast %add3A_94 : i32 to vector<16xi32>
              %add3A_96 = arith.addi %add3A_87, %add3A_95 : vector<16xi32>
              %scan3A_97 = arith.constant 2 : i32
              %scan3A_98 = arith.addi %scan3A_79, %scan3A_97 : i32
              %gather3A_99 = tpu.vector_load_idx %arg18[%scan3A_53, %add3A_96] : memref<80x128xf32, #tpu.memory_space<vmem>>[vector<16xi32>, vector<16xi32>], vector<16xf32>,
              %gather3A_100 = tpu.vector_load_idx %arg17[%scan3A_53, %add3A_96] : memref<80x128xf32, #tpu.memory_space<vmem>>[vector<16xi32>, vector<16xi32>], vector<16xf32>,
              %mul3A_101 = arith.mulf %gather3A_99, %gather3A_100 : vector<16xf32>
              %add3A_102 = arith.addf %add3A_93, %mul3A_101 : vector<16xf32>
              %add3A_103 = arith.constant 1 : i32
              %add3A_104 = vector.broadcast %add3A_103 : i32 to vector<16xi32>
              %add3A_105 = arith.addi %add3A_96, %add3A_104 : vector<16xi32>
              %scan3A_106 = arith.constant 3 : i32
              %scan3A_107 = arith.addi %scan3A_79, %scan3A_106 : i32
              %gather3A_108 = tpu.vector_load_idx %arg18[%scan3A_53, %add3A_105] : memref<80x128xf32, #tpu.memory_space<vmem>>[vector<16xi32>, vector<16xi32>], vector<16xf32>,
              %gather3A_109 = tpu.vector_load_idx %arg17[%scan3A_53, %add3A_105] : memref<80x128xf32, #tpu.memory_space<vmem>>[vector<16xi32>, vector<16xi32>], vector<16xf32>,
              %mul3A_110 = arith.mulf %gather3A_108, %gather3A_109 : vector<16xf32>
              %add3A_111 = arith.addf %add3A_102, %mul3A_110 : vector<16xf32>
              %add3A_112 = arith.constant 1 : i32
              %add3A_113 = vector.broadcast %add3A_112 : i32 to vector<16xi32>
              %add3A_114 = arith.addi %add3A_105, %add3A_113 : vector<16xi32>
              scf.yield %add3A_111, %add3A_114 : vector<16xf32>, vector<16xi32>
            }
            %scan3A_75 = arith.constant 32 : i32
            %exp3A = math.exp %scan3A_74#0 : vector<16xf32>
            tpu.vector_store_idx %arg19[%scan3A_53, %scan3A_69], %exp3A : memref<80x144xf32, #tpu.memory_space<vmem>>[vector<16xi32>, vector<16xi32>], vector<16xf32>,
            %add3A_76 = arith.constant 1 : i32
            %add3A_77 = vector.broadcast %add3A_76 : i32 to vector<16xi32>
            %add3A_78 = arith.addi %scan3A_69, %add3A_77 : vector<16xi32>
            scf.yield %scan3A_74#1, %add3A_78 : vector<16xi32>, vector<16xi32>
          }
          %scan3A_63 = arith.constant 4 : i32
          %add3A_64 = arith.constant 16 : i32
          %add3A_65 = vector.broadcast %add3A_64 : i32 to vector<16xi32>
          %add3A_66 = arith.addi %scan3A_53, %add3A_65 : vector<16xi32>
          scf.yield %add3A_66 : vector<16xi32>
        }
        %scan3A_45 = arith.constant 5 : i32
        "tpu.region"() ({
          %run_scoped3A = tpu.sem_alloc : memref<!tpu.dma_semaphore, #tpu.memory_space<semaphore_mem>>
          %dma_start3A = arith.constant 0 : i32
          %dma_start3A_52 = arith.constant 0 : i32
          %dma_start3A_53 = tpu.memref_slice %arg8[%dma_start3A, %dma_start3A_52] : memref<10000x128xf32, #tpu.memory_space<hbm>> -> memref<10000x128xf32, #tpu.memory_space<hbm>>
          tpu.enqueue_indirect_dma source(%dma_start3A_53 : memref<10000x128xf32, #tpu.memory_space<hbm>>) target(%arg17 : memref<80x128xf32, #tpu.memory_space<vmem>>) offsets(%arg15 : memref<80xi32, #tpu.memory_space<vmem>>) semaphore(%run_scoped3A : memref<!tpu.dma_semaphore, #tpu.memory_space<semaphore_mem>>)
          %dma_wait3A = arith.constant 0 : i32
          %dma_wait3A_54 = arith.constant 0 : i32
          %dma_wait3A_55 = tpu.memref_slice %arg8[%dma_wait3A, %dma_wait3A_54] : memref<10000x128xf32, #tpu.memory_space<hbm>> -> memref<10000x128xf32, #tpu.memory_space<hbm>>
          tpu.wait_indirect_dma semaphore(%run_scoped3A : memref<!tpu.dma_semaphore, #tpu.memory_space<semaphore_mem>>) src(%dma_wait3A_55 : memref<10000x128xf32, #tpu.memory_space<hbm>>) dst(%arg17 : memref<80x128xf32, #tpu.memory_space<vmem>>)
          tpu.yield
        }) : () -> ()
        %scan3A_46 = arith.constant 0 : i32
        %scan3A_47 = arith.constant 5 : i32
        %scan3A_48 = arith.addi %scan3A_46, %scan3A_47 : i32
        %scan3A_49 = arith.constant 1 : i32
        %scan3A_50 = scf.for %scan3A_52 = %scan3A_46 to %scan3A_48 step %scan3A_49 iter_args(%scan3A_53 = %iota3A) -> (vector<16xi32>)  : i32 {
          %broadcast_in_dim3A_54 = arith.constant 0 : i32
          %broadcast_in_dim3A_55 = vector.broadcast %broadcast_in_dim3A_54 : i32 to vector<16xi32>
          %broadcast_in_dim3A_56 = arith.constant 128 : i32
          %broadcast_in_dim3A_57 = vector.broadcast %broadcast_in_dim3A_56 : i32 to vector<16xi32>
          %scan3A_58 = arith.constant 0 : i32
          %scan3A_59 = arith.constant 4 : i32
          %scan3A_60 = arith.addi %scan3A_58, %scan3A_59 : i32
          %scan3A_61 = arith.constant 1 : i32
          %scan3A_62:2 = scf.for %scan3A_67 = %scan3A_58 to %scan3A_60 step %scan3A_61 iter_args(%scan3A_68 = %broadcast_in_dim3A_55, %scan3A_69 = %broadcast_in_dim3A_57) -> (vector<16xi32>, vector<16xi32>)  : i32 {
            %gather3A = tpu.vector_load_idx %arg19[%scan3A_53, %scan3A_69] : memref<80x144xf32, #tpu.memory_space<vmem>>[vector<16xi32>, vector<16xi32>], vector<16xf32>,
            %scan3A_70 = arith.constant 0 : i32
            %scan3A_71 = arith.constant 32 : i32
            %scan3A_72 = arith.addi %scan3A_70, %scan3A_71 : i32
            %scan3A_73 = arith.constant 4 : i32
            %scan3A_74 = scf.for %scan3A_79 = %scan3A_70 to %scan3A_72 step %scan3A_73 iter_args(%scan3A_80 = %scan3A_68) -> (vector<16xi32>)  : i32 {
              %gather3A_81 = tpu.vector_load_idx %arg17[%scan3A_53, %scan3A_80] : memref<80x128xf32, #tpu.memory_space<vmem>>[vector<16xi32>, vector<16xi32>], vector<16xf32>,
              %mul3A_82 = arith.mulf %gather3A_81, %gather3A : vector<16xf32>
              tpu.vector_store_idx %arg19[%scan3A_53, %scan3A_80], %mul3A_82 : memref<80x144xf32, #tpu.memory_space<vmem>>[vector<16xi32>, vector<16xi32>], vector<16xf32>,
              %add3A_83 = arith.constant 1 : i32
              %add3A_84 = vector.broadcast %add3A_83 : i32 to vector<16xi32>
              %add3A_85 = arith.addi %scan3A_80, %add3A_84 : vector<16xi32>
              %scan3A_86 = arith.constant 1 : i32
              %scan3A_87 = arith.addi %scan3A_79, %scan3A_86 : i32
              %gather3A_88 = tpu.vector_load_idx %arg17[%scan3A_53, %add3A_85] : memref<80x128xf32, #tpu.memory_space<vmem>>[vector<16xi32>, vector<16xi32>], vector<16xf32>,
              %mul3A_89 = arith.mulf %gather3A_88, %gather3A : vector<16xf32>
              tpu.vector_store_idx %arg19[%scan3A_53, %add3A_85], %mul3A_89 : memref<80x144xf32, #tpu.memory_space<vmem>>[vector<16xi32>, vector<16xi32>], vector<16xf32>,
              %add3A_90 = arith.constant 1 : i32
              %add3A_91 = vector.broadcast %add3A_90 : i32 to vector<16xi32>
              %add3A_92 = arith.addi %add3A_85, %add3A_91 : vector<16xi32>
              %scan3A_93 = arith.constant 2 : i32
              %scan3A_94 = arith.addi %scan3A_79, %scan3A_93 : i32
              %gather3A_95 = tpu.vector_load_idx %arg17[%scan3A_53, %add3A_92] : memref<80x128xf32, #tpu.memory_space<vmem>>[vector<16xi32>, vector<16xi32>], vector<16xf32>,
              %mul3A_96 = arith.mulf %gather3A_95, %gather3A : vector<16xf32>
              tpu.vector_store_idx %arg19[%scan3A_53, %add3A_92], %mul3A_96 : memref<80x144xf32, #tpu.memory_space<vmem>>[vector<16xi32>, vector<16xi32>], vector<16xf32>,
              %add3A_97 = arith.constant 1 : i32
              %add3A_98 = vector.broadcast %add3A_97 : i32 to vector<16xi32>
              %add3A_99 = arith.addi %add3A_92, %add3A_98 : vector<16xi32>
              %scan3A_100 = arith.constant 3 : i32
              %scan3A_101 = arith.addi %scan3A_79, %scan3A_100 : i32
              %gather3A_102 = tpu.vector_load_idx %arg17[%scan3A_53, %add3A_99] : memref<80x128xf32, #tpu.memory_space<vmem>>[vector<16xi32>, vector<16xi32>], vector<16xf32>,
              %mul3A_103 = arith.mulf %gather3A_102, %gather3A : vector<16xf32>
              tpu.vector_store_idx %arg19[%scan3A_53, %add3A_99], %mul3A_103 : memref<80x144xf32, #tpu.memory_space<vmem>>[vector<16xi32>, vector<16xi32>], vector<16xf32>,
              %add3A_104 = arith.constant 1 : i32
              %add3A_105 = vector.broadcast %add3A_104 : i32 to vector<16xi32>
              %add3A_106 = arith.addi %add3A_99, %add3A_105 : vector<16xi32>
              scf.yield %add3A_106 : vector<16xi32>
            }
            %scan3A_75 = arith.constant 32 : i32
            %add3A_76 = arith.constant 1 : i32
            %add3A_77 = vector.broadcast %add3A_76 : i32 to vector<16xi32>
            %add3A_78 = arith.addi %scan3A_69, %add3A_77 : vector<16xi32>
            scf.yield %scan3A_74, %add3A_78 : vector<16xi32>, vector<16xi32>
          }
          %scan3A_63 = arith.constant 4 : i32
          %add3A_64 = arith.constant 16 : i32
          %add3A_65 = vector.broadcast %add3A_64 : i32 to vector<16xi32>
          %add3A_66 = arith.addi %scan3A_53, %add3A_65 : vector<16xi32>
          scf.yield %add3A_66 : vector<16xi32>
        }
        %scan3A_51 = arith.constant 5 : i32
        "tpu.region"() ({
          %run_scoped3A = tpu.sem_alloc : memref<!tpu.dma_semaphore, #tpu.memory_space<semaphore_mem>>
          %dma_start3A = arith.constant 0 : i32
          %dma_start3A_52 = arith.constant 0 : i32
          %dma_start3A_53 = tpu.memref_slice %arg14[%dma_start3A, %dma_start3A_52] : memref<10000x144xf32, #tpu.memory_space<vmem_shared>> -> memref<10000x144xf32, #tpu.memory_space<vmem_shared>>
          tpu.enqueue_indirect_dma source(%arg19 : memref<80x144xf32, #tpu.memory_space<vmem>>) target(%dma_start3A_53 : memref<10000x144xf32, #tpu.memory_space<vmem_shared>>) offsets(%arg16 : memref<80xi32, #tpu.memory_space<vmem>>) semaphore(%run_scoped3A : memref<!tpu.dma_semaphore, #tpu.memory_space<semaphore_mem>>) {add = true}
          %dma_wait3A = arith.constant 0 : i32
          %dma_wait3A_54 = arith.constant 0 : i32
          %dma_wait3A_55 = tpu.memref_slice %arg14[%dma_wait3A, %dma_wait3A_54] : memref<10000x144xf32, #tpu.memory_space<vmem_shared>> -> memref<10000x144xf32, #tpu.memory_space<vmem_shared>>
          tpu.wait_indirect_dma semaphore(%run_scoped3A : memref<!tpu.dma_semaphore, #tpu.memory_space<semaphore_mem>>) src(%arg19 : memref<80x144xf32, #tpu.memory_space<vmem>>) dst(%dma_wait3A_55 : memref<10000x144xf32, #tpu.memory_space<vmem_shared>>)
          tpu.yield
        }) : () -> ()
      }
      %scan3A_35 = arith.constant 250 : i32
    } else {
    }
    %barrier3A_19 = arith.constant 0 : index
    tpu.barrier barrier_id(%barrier3A_19)
    %eq3A_20 = arith.constant 0 : i32
    %eq3A_21 = arith.cmpi eq, %arg0, %eq3A_20 : i32
    %convert_element_type3A_22 = arith.extui %eq3A_21 : i1 to i32
    %cond3A_23 = arith.constant 0 : i32
    %cond3A_24 = arith.cmpi ne, %convert_element_type3A_22, %cond3A_23 : i32
    scf.if %cond3A_24 {
      %scan3A_30 = arith.constant 0 : i32
      %scan3A_31 = arith.constant 0 : i32
      %scan3A_32 = arith.constant 40 : i32
      %scan3A_33 = arith.addi %scan3A_31, %scan3A_32 : i32
      %scan3A_34 = arith.constant 1 : i32
      scf.for %scan3A_36 = %scan3A_31 to %scan3A_33 step %scan3A_34  : i32 {
        %mul3A = arith.constant 625 : i32
        %mul3A_37 = arith.muli %mul3A, %arg1 : i32
        %mul3A_38 = arith.constant 16 : i32
        %mul3A_39 = arith.muli %mul3A_38, %scan3A_36 : i32
        %add3A = arith.addi %mul3A_37, %mul3A_39 : i32
        %jit3A = arith.constant 39 : i32
        %div3A = arith.divsi %scan3A_36, %jit3A : i32
        %sign3A = arith.constant 0 : i32
        %sign3A_40 = arith.cmpi sgt, %scan3A_36, %sign3A : i32
        %sign3A_41 = arith.extui %sign3A_40 : i1 to i32
        %sign3A_42 = arith.constant 0 : i32
        %sign3A_43 = arith.cmpi slt, %scan3A_36, %sign3A_42 : i32
        %sign3A_44 = arith.extui %sign3A_43 : i1 to i32
        %sign3A_45 = arith.subi %sign3A_41, %sign3A_44 : i32
        %sign3A_46 = arith.constant 0 : i32
        %sign3A_47 = arith.cmpi sgt, %jit3A, %sign3A_46 : i32
        %sign3A_48 = arith.extui %sign3A_47 : i1 to i32
        %sign3A_49 = arith.constant 0 : i32
        %sign3A_50 = arith.cmpi slt, %jit3A, %sign3A_49 : i32
        %sign3A_51 = arith.extui %sign3A_50 : i1 to i32
        %sign3A_52 = arith.subi %sign3A_48, %sign3A_51 : i32
        %ne3A = arith.cmpi ne, %sign3A_45, %sign3A_52 : i32
        %rem3A = arith.remsi %scan3A_36, %jit3A : i32
        %ne3A_53 = arith.constant 0 : i32
        %ne3A_54 = arith.cmpi ne, %rem3A, %ne3A_53 : i32
        %and3A = arith.andi %ne3A, %ne3A_54 : i1
        %sub3A = arith.constant 1 : i32
        %sub3A_55 = arith.subi %div3A, %sub3A : i32
        %select_n3A = arith.select %and3A, %sub3A_55, %div3A : i32
        %mul3A_56 = arith.constant 15 : i32
        %mul3A_57 = arith.muli %mul3A_56, %select_n3A : i32
        %sub3A_58 = arith.subi %add3A, %mul3A_57 : i32
        "tpu.region"() ({
          %run_scoped3A = tpu.sem_alloc : memref<!tpu.dma_semaphore, #tpu.memory_space<semaphore_mem>>
          %dma_start3A = arith.constant 0 : i32
          %dma_start3A_69 = arith.constant 0 : i32
          %dma_start3A_70 = tpu.memref_slice %arg19[%dma_start3A, %dma_start3A_69] : memref<80x144xf32, #tpu.memory_space<vmem>> -> memref<16x144xf32, #tpu.memory_space<vmem>>
          %dma_start3A_71 = arith.constant 0 : i32
          %dma_start3A_72 = tpu.memref_slice %arg14[%sub3A_58, %dma_start3A_71] : memref<10000x144xf32, #tpu.memory_space<vmem_shared>> -> memref<16x144xf32, #tpu.memory_space<vmem_shared>>
          %dma_start3A_73 = arith.constant 0 : i32
          %dma_start3A_74 = arith.constant 0 : i32
          %dma_start3A_75 = tpu.memref_slice %arg19[%dma_start3A_73, %dma_start3A_74] : memref<80x144xf32, #tpu.memory_space<vmem>> -> memref<16x144xf32, #tpu.memory_space<vmem>>
          %dma_start3A_76 = arith.constant 0 : i32
          %dma_start3A_77 = tpu.memref_slice %arg14[%sub3A_58, %dma_start3A_76] : memref<10000x144xf32, #tpu.memory_space<vmem_shared>> -> memref<16x144xf32, #tpu.memory_space<vmem_shared>>
          tpu.enqueue_dma source(%dma_start3A_77 : memref<16x144xf32, #tpu.memory_space<vmem_shared>>) target(%dma_start3A_75 : memref<16x144xf32, #tpu.memory_space<vmem>>) target_semaphore(%run_scoped3A : memref<!tpu.dma_semaphore, #tpu.memory_space<semaphore_mem>>)
          %dma_wait3A = arith.constant 0 : i32
          %dma_wait3A_78 = arith.constant 0 : i32
          %dma_wait3A_79 = tpu.memref_slice %arg19[%dma_wait3A, %dma_wait3A_78] : memref<80x144xf32, #tpu.memory_space<vmem>> -> memref<16x144xf32, #tpu.memory_space<vmem>>
          %dma_wait3A_80 = arith.constant 0 : i32
          %dma_wait3A_81 = tpu.memref_slice %arg14[%sub3A_58, %dma_wait3A_80] : memref<10000x144xf32, #tpu.memory_space<vmem_shared>> -> memref<16x144xf32, #tpu.memory_space<vmem_shared>>
          %dma_wait3A_82 = arith.constant 0 : i32
          %dma_wait3A_83 = arith.constant 0 : i32
          %dma_wait3A_84 = tpu.memref_slice %arg19[%dma_wait3A_82, %dma_wait3A_83] : memref<80x144xf32, #tpu.memory_space<vmem>> -> memref<16x144xf32, #tpu.memory_space<vmem>>
          %dma_wait3A_85 = arith.constant 0 : i32
          %dma_wait3A_86 = tpu.memref_slice %arg14[%sub3A_58, %dma_wait3A_85] : memref<10000x144xf32, #tpu.memory_space<vmem_shared>> -> memref<16x144xf32, #tpu.memory_space<vmem_shared>>
          tpu.wait_dma2 semaphore(%run_scoped3A : memref<!tpu.dma_semaphore, #tpu.memory_space<semaphore_mem>>) src(%dma_wait3A_86 : memref<16x144xf32, #tpu.memory_space<vmem_shared>>) dst(%dma_wait3A_84 : memref<16x144xf32, #tpu.memory_space<vmem>>)
          tpu.yield
        }) : () -> ()
        %broadcast_in_dim3A_59 = arith.constant 0 : i32
        %broadcast_in_dim3A_60 = vector.broadcast %broadcast_in_dim3A_59 : i32 to vector<16xi32>
        %broadcast_in_dim3A_61 = arith.constant 128 : i32
        %broadcast_in_dim3A_62 = vector.broadcast %broadcast_in_dim3A_61 : i32 to vector<16xi32>
        %scan3A_63 = arith.constant 0 : i32
        %scan3A_64 = arith.constant 4 : i32
        %scan3A_65 = arith.addi %scan3A_63, %scan3A_64 : i32
        %scan3A_66 = arith.constant 1 : i32
        %scan3A_67:2 = scf.for %scan3A_69 = %scan3A_63 to %scan3A_65 step %scan3A_66 iter_args(%scan3A_70 = %broadcast_in_dim3A_60, %scan3A_71 = %broadcast_in_dim3A_62) -> (vector<16xi32>, vector<16xi32>)  : i32 {
          %gather3A = tpu.vector_load_idx %arg19[%iota3A, %scan3A_71] : memref<80x144xf32, #tpu.memory_space<vmem>>[vector<16xi32>, vector<16xi32>], vector<16xf32>,
          %add3A_72 = arith.constant 1.000000e-16 : f32
          %add3A_73 = vector.broadcast %add3A_72 : f32 to vector<16xf32>
          %add3A_74 = arith.addf %gather3A, %add3A_73 : vector<16xf32>
          %div3A_75 = arith.constant 1.000000e+00 : f32
          %div3A_76 = vector.broadcast %div3A_75 : f32 to vector<16xf32>
          %div3A_77 = arith.divf %div3A_76, %add3A_74 : vector<16xf32>
          %scan3A_78 = arith.constant 0 : i32
          %scan3A_79 = arith.constant 32 : i32
          %scan3A_80 = arith.addi %scan3A_78, %scan3A_79 : i32
          %scan3A_81 = arith.constant 4 : i32
          %scan3A_82 = scf.for %scan3A_87 = %scan3A_78 to %scan3A_80 step %scan3A_81 iter_args(%scan3A_88 = %scan3A_70) -> (vector<16xi32>)  : i32 {
            %gather3A_89 = tpu.vector_load_idx %arg19[%iota3A, %scan3A_88] : memref<80x144xf32, #tpu.memory_space<vmem>>[vector<16xi32>, vector<16xi32>], vector<16xf32>,
            %mul3A_90 = arith.mulf %gather3A_89, %div3A_77 : vector<16xf32>
            tpu.vector_store_idx %arg18[%iota3A, %scan3A_88], %mul3A_90 : memref<80x128xf32, #tpu.memory_space<vmem>>[vector<16xi32>, vector<16xi32>], vector<16xf32>,
            %add3A_91 = arith.constant 1 : i32
            %add3A_92 = vector.broadcast %add3A_91 : i32 to vector<16xi32>
            %add3A_93 = arith.addi %scan3A_88, %add3A_92 : vector<16xi32>
            %scan3A_94 = arith.constant 1 : i32
            %scan3A_95 = arith.addi %scan3A_87, %scan3A_94 : i32
            %gather3A_96 = tpu.vector_load_idx %arg19[%iota3A, %add3A_93] : memref<80x144xf32, #tpu.memory_space<vmem>>[vector<16xi32>, vector<16xi32>], vector<16xf32>,
            %mul3A_97 = arith.mulf %gather3A_96, %div3A_77 : vector<16xf32>
            tpu.vector_store_idx %arg18[%iota3A, %add3A_93], %mul3A_97 : memref<80x128xf32, #tpu.memory_space<vmem>>[vector<16xi32>, vector<16xi32>], vector<16xf32>,
            %add3A_98 = arith.constant 1 : i32
            %add3A_99 = vector.broadcast %add3A_98 : i32 to vector<16xi32>
            %add3A_100 = arith.addi %add3A_93, %add3A_99 : vector<16xi32>
            %scan3A_101 = arith.constant 2 : i32
            %scan3A_102 = arith.addi %scan3A_87, %scan3A_101 : i32
            %gather3A_103 = tpu.vector_load_idx %arg19[%iota3A, %add3A_100] : memref<80x144xf32, #tpu.memory_space<vmem>>[vector<16xi32>, vector<16xi32>], vector<16xf32>,
            %mul3A_104 = arith.mulf %gather3A_103, %div3A_77 : vector<16xf32>
            tpu.vector_store_idx %arg18[%iota3A, %add3A_100], %mul3A_104 : memref<80x128xf32, #tpu.memory_space<vmem>>[vector<16xi32>, vector<16xi32>], vector<16xf32>,
            %add3A_105 = arith.constant 1 : i32
            %add3A_106 = vector.broadcast %add3A_105 : i32 to vector<16xi32>
            %add3A_107 = arith.addi %add3A_100, %add3A_106 : vector<16xi32>
            %scan3A_108 = arith.constant 3 : i32
            %scan3A_109 = arith.addi %scan3A_87, %scan3A_108 : i32
            %gather3A_110 = tpu.vector_load_idx %arg19[%iota3A, %add3A_107] : memref<80x144xf32, #tpu.memory_space<vmem>>[vector<16xi32>, vector<16xi32>], vector<16xf32>,
            %mul3A_111 = arith.mulf %gather3A_110, %div3A_77 : vector<16xf32>
            tpu.vector_store_idx %arg18[%iota3A, %add3A_107], %mul3A_111 : memref<80x128xf32, #tpu.memory_space<vmem>>[vector<16xi32>, vector<16xi32>], vector<16xf32>,
            %add3A_112 = arith.constant 1 : i32
            %add3A_113 = vector.broadcast %add3A_112 : i32 to vector<16xi32>
            %add3A_114 = arith.addi %add3A_107, %add3A_113 : vector<16xi32>
            scf.yield %add3A_114 : vector<16xi32>
          }
          %scan3A_83 = arith.constant 32 : i32
          %add3A_84 = arith.constant 1 : i32
          %add3A_85 = vector.broadcast %add3A_84 : i32 to vector<16xi32>
          %add3A_86 = arith.addi %scan3A_71, %add3A_85 : vector<16xi32>
          scf.yield %scan3A_82, %add3A_86 : vector<16xi32>, vector<16xi32>
        }
        %scan3A_68 = arith.constant 4 : i32
        "tpu.region"() ({
          %run_scoped3A = tpu.sem_alloc : memref<!tpu.dma_semaphore, #tpu.memory_space<semaphore_mem>>
          %dma_start3A = arith.constant 0 : i32
          %dma_start3A_69 = arith.constant 0 : i32
          %dma_start3A_70 = tpu.memref_slice %arg18[%dma_start3A, %dma_start3A_69] : memref<80x128xf32, #tpu.memory_space<vmem>> -> memref<16x128xf32, #tpu.memory_space<vmem>>
          %dma_start3A_71 = arith.constant 0 : i32
          %dma_start3A_72 = tpu.memref_slice %arg12[%sub3A_58, %dma_start3A_71] : memref<10000x128xf32, #tpu.memory_space<hbm>> -> memref<16x128xf32, #tpu.memory_space<hbm>>
          %dma_start3A_73 = arith.constant 0 : i32
          %dma_start3A_74 = tpu.memref_slice %arg12[%sub3A_58, %dma_start3A_73] : memref<10000x128xf32, #tpu.memory_space<hbm>> -> memref<16x128xf32, #tpu.memory_space<hbm>>
          %dma_start3A_75 = arith.constant 0 : i32
          %dma_start3A_76 = arith.constant 0 : i32
          %dma_start3A_77 = tpu.memref_slice %arg18[%dma_start3A_75, %dma_start3A_76] : memref<80x128xf32, #tpu.memory_space<vmem>> -> memref<16x128xf32, #tpu.memory_space<vmem>>
          tpu.enqueue_dma source(%dma_start3A_77 : memref<16x128xf32, #tpu.memory_space<vmem>>) target(%dma_start3A_74 : memref<16x128xf32, #tpu.memory_space<hbm>>) target_semaphore(%run_scoped3A : memref<!tpu.dma_semaphore, #tpu.memory_space<semaphore_mem>>)
          %dma_wait3A = arith.constant 0 : i32
          %dma_wait3A_78 = arith.constant 0 : i32
          %dma_wait3A_79 = tpu.memref_slice %arg18[%dma_wait3A, %dma_wait3A_78] : memref<80x128xf32, #tpu.memory_space<vmem>> -> memref<16x128xf32, #tpu.memory_space<vmem>>
          %dma_wait3A_80 = arith.constant 0 : i32
          %dma_wait3A_81 = tpu.memref_slice %arg12[%sub3A_58, %dma_wait3A_80] : memref<10000x128xf32, #tpu.memory_space<hbm>> -> memref<16x128xf32, #tpu.memory_space<hbm>>
          %dma_wait3A_82 = arith.constant 0 : i32
          %dma_wait3A_83 = tpu.memref_slice %arg12[%sub3A_58, %dma_wait3A_82] : memref<10000x128xf32, #tpu.memory_space<hbm>> -> memref<16x128xf32, #tpu.memory_space<hbm>>
          %dma_wait3A_84 = arith.constant 0 : i32
          %dma_wait3A_85 = arith.constant 0 : i32
          %dma_wait3A_86 = tpu.memref_slice %arg18[%dma_wait3A_84, %dma_wait3A_85] : memref<80x128xf32, #tpu.memory_space<vmem>> -> memref<16x128xf32, #tpu.memory_space<vmem>>
          tpu.wait_dma2 semaphore(%run_scoped3A : memref<!tpu.dma_semaphore, #tpu.memory_space<semaphore_mem>>) src(%dma_wait3A_86 : memref<16x128xf32, #tpu.memory_space<vmem>>) dst(%dma_wait3A_83 : memref<16x128xf32, #tpu.memory_space<hbm>>)
          tpu.yield
        }) : () -> ()
      }
      %scan3A_35 = arith.constant 40 : i32
    } else {
    }
    %eq3A_25 = arith.constant 1 : i32
    %eq3A_26 = arith.cmpi eq, %arg0, %eq3A_25 : i32
    %convert_element_type3A_27 = arith.extui %eq3A_26 : i1 to i32
    %cond3A_28 = arith.constant 0 : i32
    %cond3A_29 = arith.cmpi ne, %convert_element_type3A_27, %cond3A_28 : i32
    scf.if %cond3A_29 {
      %scan3A_30 = arith.constant 0 : i32
      %scan3A_31 = arith.constant 0 : i32
      %scan3A_32 = arith.constant 40 : i32
      %scan3A_33 = arith.addi %scan3A_31, %scan3A_32 : i32
      %scan3A_34 = arith.constant 1 : i32
      scf.for %scan3A_36 = %scan3A_31 to %scan3A_33 step %scan3A_34  : i32 {
        %mul3A = arith.constant 625 : i32
        %mul3A_37 = arith.muli %mul3A, %arg1 : i32
        %mul3A_38 = arith.constant 16 : i32
        %mul3A_39 = arith.muli %mul3A_38, %scan3A_36 : i32
        %add3A = arith.addi %mul3A_37, %mul3A_39 : i32
        %jit3A = arith.constant 39 : i32
        %div3A = arith.divsi %scan3A_36, %jit3A : i32
        %sign3A = arith.constant 0 : i32
        %sign3A_40 = arith.cmpi sgt, %scan3A_36, %sign3A : i32
        %sign3A_41 = arith.extui %sign3A_40 : i1 to i32
        %sign3A_42 = arith.constant 0 : i32
        %sign3A_43 = arith.cmpi slt, %scan3A_36, %sign3A_42 : i32
        %sign3A_44 = arith.extui %sign3A_43 : i1 to i32
        %sign3A_45 = arith.subi %sign3A_41, %sign3A_44 : i32
        %sign3A_46 = arith.constant 0 : i32
        %sign3A_47 = arith.cmpi sgt, %jit3A, %sign3A_46 : i32
        %sign3A_48 = arith.extui %sign3A_47 : i1 to i32
        %sign3A_49 = arith.constant 0 : i32
        %sign3A_50 = arith.cmpi slt, %jit3A, %sign3A_49 : i32
        %sign3A_51 = arith.extui %sign3A_50 : i1 to i32
        %sign3A_52 = arith.subi %sign3A_48, %sign3A_51 : i32
        %ne3A = arith.cmpi ne, %sign3A_45, %sign3A_52 : i32
        %rem3A = arith.remsi %scan3A_36, %jit3A : i32
        %ne3A_53 = arith.constant 0 : i32
        %ne3A_54 = arith.cmpi ne, %rem3A, %ne3A_53 : i32
        %and3A = arith.andi %ne3A, %ne3A_54 : i1
        %sub3A = arith.constant 1 : i32
        %sub3A_55 = arith.subi %div3A, %sub3A : i32
        %select_n3A = arith.select %and3A, %sub3A_55, %div3A : i32
        %mul3A_56 = arith.constant 15 : i32
        %mul3A_57 = arith.muli %mul3A_56, %select_n3A : i32
        %sub3A_58 = arith.subi %add3A, %mul3A_57 : i32
        "tpu.region"() ({
          %run_scoped3A = tpu.sem_alloc : memref<!tpu.dma_semaphore, #tpu.memory_space<semaphore_mem>>
          %dma_start3A = arith.constant 0 : i32
          %dma_start3A_69 = arith.constant 0 : i32
          %dma_start3A_70 = tpu.memref_slice %arg19[%dma_start3A, %dma_start3A_69] : memref<80x144xf32, #tpu.memory_space<vmem>> -> memref<16x144xf32, #tpu.memory_space<vmem>>
          %dma_start3A_71 = arith.constant 0 : i32
          %dma_start3A_72 = tpu.memref_slice %arg14[%sub3A_58, %dma_start3A_71] : memref<10000x144xf32, #tpu.memory_space<vmem_shared>> -> memref<16x144xf32, #tpu.memory_space<vmem_shared>>
          %dma_start3A_73 = arith.constant 0 : i32
          %dma_start3A_74 = arith.constant 0 : i32
          %dma_start3A_75 = tpu.memref_slice %arg19[%dma_start3A_73, %dma_start3A_74] : memref<80x144xf32, #tpu.memory_space<vmem>> -> memref<16x144xf32, #tpu.memory_space<vmem>>
          %dma_start3A_76 = arith.constant 0 : i32
          %dma_start3A_77 = tpu.memref_slice %arg14[%sub3A_58, %dma_start3A_76] : memref<10000x144xf32, #tpu.memory_space<vmem_shared>> -> memref<16x144xf32, #tpu.memory_space<vmem_shared>>
          tpu.enqueue_dma source(%dma_start3A_77 : memref<16x144xf32, #tpu.memory_space<vmem_shared>>) target(%dma_start3A_75 : memref<16x144xf32, #tpu.memory_space<vmem>>) target_semaphore(%run_scoped3A : memref<!tpu.dma_semaphore, #tpu.memory_space<semaphore_mem>>)
          %dma_wait3A = arith.constant 0 : i32
          %dma_wait3A_78 = arith.constant 0 : i32
          %dma_wait3A_79 = tpu.memref_slice %arg19[%dma_wait3A, %dma_wait3A_78] : memref<80x144xf32, #tpu.memory_space<vmem>> -> memref<16x144xf32, #tpu.memory_space<vmem>>
          %dma_wait3A_80 = arith.constant 0 : i32
          %dma_wait3A_81 = tpu.memref_slice %arg14[%sub3A_58, %dma_wait3A_80] : memref<10000x144xf32, #tpu.memory_space<vmem_shared>> -> memref<16x144xf32, #tpu.memory_space<vmem_shared>>
          %dma_wait3A_82 = arith.constant 0 : i32
          %dma_wait3A_83 = arith.constant 0 : i32
          %dma_wait3A_84 = tpu.memref_slice %arg19[%dma_wait3A_82, %dma_wait3A_83] : memref<80x144xf32, #tpu.memory_space<vmem>> -> memref<16x144xf32, #tpu.memory_space<vmem>>
          %dma_wait3A_85 = arith.constant 0 : i32
          %dma_wait3A_86 = tpu.memref_slice %arg14[%sub3A_58, %dma_wait3A_85] : memref<10000x144xf32, #tpu.memory_space<vmem_shared>> -> memref<16x144xf32, #tpu.memory_space<vmem_shared>>
          tpu.wait_dma2 semaphore(%run_scoped3A : memref<!tpu.dma_semaphore, #tpu.memory_space<semaphore_mem>>) src(%dma_wait3A_86 : memref<16x144xf32, #tpu.memory_space<vmem_shared>>) dst(%dma_wait3A_84 : memref<16x144xf32, #tpu.memory_space<vmem>>)
          tpu.yield
        }) : () -> ()
        %broadcast_in_dim3A_59 = arith.constant 0 : i32
        %broadcast_in_dim3A_60 = vector.broadcast %broadcast_in_dim3A_59 : i32 to vector<16xi32>
        %broadcast_in_dim3A_61 = arith.constant 128 : i32
        %broadcast_in_dim3A_62 = vector.broadcast %broadcast_in_dim3A_61 : i32 to vector<16xi32>
        %scan3A_63 = arith.constant 0 : i32
        %scan3A_64 = arith.constant 4 : i32
        %scan3A_65 = arith.addi %scan3A_63, %scan3A_64 : i32
        %scan3A_66 = arith.constant 1 : i32
        %scan3A_67:2 = scf.for %scan3A_69 = %scan3A_63 to %scan3A_65 step %scan3A_66 iter_args(%scan3A_70 = %broadcast_in_dim3A_60, %scan3A_71 = %broadcast_in_dim3A_62) -> (vector<16xi32>, vector<16xi32>)  : i32 {
          %gather3A = tpu.vector_load_idx %arg19[%iota3A, %scan3A_71] : memref<80x144xf32, #tpu.memory_space<vmem>>[vector<16xi32>, vector<16xi32>], vector<16xf32>,
          %add3A_72 = arith.constant 1.000000e-16 : f32
          %add3A_73 = vector.broadcast %add3A_72 : f32 to vector<16xf32>
          %add3A_74 = arith.addf %gather3A, %add3A_73 : vector<16xf32>
          %div3A_75 = arith.constant 1.000000e+00 : f32
          %div3A_76 = vector.broadcast %div3A_75 : f32 to vector<16xf32>
          %div3A_77 = arith.divf %div3A_76, %add3A_74 : vector<16xf32>
          %scan3A_78 = arith.constant 0 : i32
          %scan3A_79 = arith.constant 32 : i32
          %scan3A_80 = arith.addi %scan3A_78, %scan3A_79 : i32
          %scan3A_81 = arith.constant 4 : i32
          %scan3A_82 = scf.for %scan3A_87 = %scan3A_78 to %scan3A_80 step %scan3A_81 iter_args(%scan3A_88 = %scan3A_70) -> (vector<16xi32>)  : i32 {
            %gather3A_89 = tpu.vector_load_idx %arg19[%iota3A, %scan3A_88] : memref<80x144xf32, #tpu.memory_space<vmem>>[vector<16xi32>, vector<16xi32>], vector<16xf32>,
            %mul3A_90 = arith.mulf %gather3A_89, %div3A_77 : vector<16xf32>
            tpu.vector_store_idx %arg18[%iota3A, %scan3A_88], %mul3A_90 : memref<80x128xf32, #tpu.memory_space<vmem>>[vector<16xi32>, vector<16xi32>], vector<16xf32>,
            %add3A_91 = arith.constant 1 : i32
            %add3A_92 = vector.broadcast %add3A_91 : i32 to vector<16xi32>
            %add3A_93 = arith.addi %scan3A_88, %add3A_92 : vector<16xi32>
            %scan3A_94 = arith.constant 1 : i32
            %scan3A_95 = arith.addi %scan3A_87, %scan3A_94 : i32
            %gather3A_96 = tpu.vector_load_idx %arg19[%iota3A, %add3A_93] : memref<80x144xf32, #tpu.memory_space<vmem>>[vector<16xi32>, vector<16xi32>], vector<16xf32>,
            %mul3A_97 = arith.mulf %gather3A_96, %div3A_77 : vector<16xf32>
            tpu.vector_store_idx %arg18[%iota3A, %add3A_93], %mul3A_97 : memref<80x128xf32, #tpu.memory_space<vmem>>[vector<16xi32>, vector<16xi32>], vector<16xf32>,
            %add3A_98 = arith.constant 1 : i32
            %add3A_99 = vector.broadcast %add3A_98 : i32 to vector<16xi32>
            %add3A_100 = arith.addi %add3A_93, %add3A_99 : vector<16xi32>
            %scan3A_101 = arith.constant 2 : i32
            %scan3A_102 = arith.addi %scan3A_87, %scan3A_101 : i32
            %gather3A_103 = tpu.vector_load_idx %arg19[%iota3A, %add3A_100] : memref<80x144xf32, #tpu.memory_space<vmem>>[vector<16xi32>, vector<16xi32>], vector<16xf32>,
            %mul3A_104 = arith.mulf %gather3A_103, %div3A_77 : vector<16xf32>
            tpu.vector_store_idx %arg18[%iota3A, %add3A_100], %mul3A_104 : memref<80x128xf32, #tpu.memory_space<vmem>>[vector<16xi32>, vector<16xi32>], vector<16xf32>,
            %add3A_105 = arith.constant 1 : i32
            %add3A_106 = vector.broadcast %add3A_105 : i32 to vector<16xi32>
            %add3A_107 = arith.addi %add3A_100, %add3A_106 : vector<16xi32>
            %scan3A_108 = arith.constant 3 : i32
            %scan3A_109 = arith.addi %scan3A_87, %scan3A_108 : i32
            %gather3A_110 = tpu.vector_load_idx %arg19[%iota3A, %add3A_107] : memref<80x144xf32, #tpu.memory_space<vmem>>[vector<16xi32>, vector<16xi32>], vector<16xf32>,
            %mul3A_111 = arith.mulf %gather3A_110, %div3A_77 : vector<16xf32>
            tpu.vector_store_idx %arg18[%iota3A, %add3A_107], %mul3A_111 : memref<80x128xf32, #tpu.memory_space<vmem>>[vector<16xi32>, vector<16xi32>], vector<16xf32>,
            %add3A_112 = arith.constant 1 : i32
            %add3A_113 = vector.broadcast %add3A_112 : i32 to vector<16xi32>
            %add3A_114 = arith.addi %add3A_107, %add3A_113 : vector<16xi32>
            scf.yield %add3A_114 : vector<16xi32>
          }
          %scan3A_83 = arith.constant 32 : i32
          %add3A_84 = arith.constant 1 : i32
          %add3A_85 = vector.broadcast %add3A_84 : i32 to vector<16xi32>
          %add3A_86 = arith.addi %scan3A_71, %add3A_85 : vector<16xi32>
          scf.yield %scan3A_82, %add3A_86 : vector<16xi32>, vector<16xi32>
        }
        %scan3A_68 = arith.constant 4 : i32
        "tpu.region"() ({
          %run_scoped3A = tpu.sem_alloc : memref<!tpu.dma_semaphore, #tpu.memory_space<semaphore_mem>>
          %dma_start3A = arith.constant 0 : i32
          %dma_start3A_69 = arith.constant 0 : i32
          %dma_start3A_70 = tpu.memref_slice %arg18[%dma_start3A, %dma_start3A_69] : memref<80x128xf32, #tpu.memory_space<vmem>> -> memref<16x128xf32, #tpu.memory_space<vmem>>
          %dma_start3A_71 = arith.constant 0 : i32
          %dma_start3A_72 = tpu.memref_slice %arg13[%sub3A_58, %dma_start3A_71] : memref<10000x128xf32, #tpu.memory_space<hbm>> -> memref<16x128xf32, #tpu.memory_space<hbm>>
          %dma_start3A_73 = arith.constant 0 : i32
          %dma_start3A_74 = tpu.memref_slice %arg13[%sub3A_58, %dma_start3A_73] : memref<10000x128xf32, #tpu.memory_space<hbm>> -> memref<16x128xf32, #tpu.memory_space<hbm>>
          %dma_start3A_75 = arith.constant 0 : i32
          %dma_start3A_76 = arith.constant 0 : i32
          %dma_start3A_77 = tpu.memref_slice %arg18[%dma_start3A_75, %dma_start3A_76] : memref<80x128xf32, #tpu.memory_space<vmem>> -> memref<16x128xf32, #tpu.memory_space<vmem>>
          tpu.enqueue_dma source(%dma_start3A_77 : memref<16x128xf32, #tpu.memory_space<vmem>>) target(%dma_start3A_74 : memref<16x128xf32, #tpu.memory_space<hbm>>) target_semaphore(%run_scoped3A : memref<!tpu.dma_semaphore, #tpu.memory_space<semaphore_mem>>)
          %dma_wait3A = arith.constant 0 : i32
          %dma_wait3A_78 = arith.constant 0 : i32
          %dma_wait3A_79 = tpu.memref_slice %arg18[%dma_wait3A, %dma_wait3A_78] : memref<80x128xf32, #tpu.memory_space<vmem>> -> memref<16x128xf32, #tpu.memory_space<vmem>>
          %dma_wait3A_80 = arith.constant 0 : i32
          %dma_wait3A_81 = tpu.memref_slice %arg13[%sub3A_58, %dma_wait3A_80] : memref<10000x128xf32, #tpu.memory_space<hbm>> -> memref<16x128xf32, #tpu.memory_space<hbm>>
          %dma_wait3A_82 = arith.constant 0 : i32
          %dma_wait3A_83 = tpu.memref_slice %arg13[%sub3A_58, %dma_wait3A_82] : memref<10000x128xf32, #tpu.memory_space<hbm>> -> memref<16x128xf32, #tpu.memory_space<hbm>>
          %dma_wait3A_84 = arith.constant 0 : i32
          %dma_wait3A_85 = arith.constant 0 : i32
          %dma_wait3A_86 = tpu.memref_slice %arg18[%dma_wait3A_84, %dma_wait3A_85] : memref<80x128xf32, #tpu.memory_space<vmem>> -> memref<16x128xf32, #tpu.memory_space<vmem>>
          tpu.wait_dma2 semaphore(%run_scoped3A : memref<!tpu.dma_semaphore, #tpu.memory_space<semaphore_mem>>) src(%dma_wait3A_86 : memref<16x128xf32, #tpu.memory_space<vmem>>) dst(%dma_wait3A_83 : memref<16x128xf32, #tpu.memory_space<hbm>>)
          tpu.yield
        }) : () -> ()
      }
      %scan3A_35 = arith.constant 40 : i32
    } else {
    }
    return
  }
}

#map = affine_map<(d0, d1) -> (0, 0)>
#map1 = affine_map<(d0, d1) -> (0)>
module attributes {stable_mosaic.version = 14 : i64} {
  func.func @_sc_sparse_body(%arg0: i32, %arg1: i32, %arg2: memref<10000x128xf32, #tpu.memory_space<hbm>>, %arg3: memref<10000x128xf32, #tpu.memory_space<hbm>>, %arg4: memref<10000x128xf32, #tpu.memory_space<hbm>>, %arg5: memref<320000xi32, #tpu.memory_space<hbm>>, %arg6: memref<320000xi32, #tpu.memory_space<hbm>>, %arg7: memref<10000x128xf32, #tpu.memory_space<hbm>>, %arg8: memref<10000x128xf32, #tpu.memory_space<hbm>>, %arg9: memref<10000x128xf32, #tpu.memory_space<hbm>>, %arg10: memref<320000xi32, #tpu.memory_space<hbm>>, %arg11: memref<320000xi32, #tpu.memory_space<hbm>>, %arg12: memref<10000x128xf32, #tpu.memory_space<hbm>>, %arg13: memref<10000x128xf32, #tpu.memory_space<hbm>>, %arg14: memref<10000x144xf32, #tpu.memory_space<vmem_shared>>, %arg15: memref<80xi32, #tpu.memory_space<vmem>>, %arg16: memref<80xi32, #tpu.memory_space<vmem>>, %arg17: memref<80x128xf32, #tpu.memory_space<vmem>>, %arg18: memref<80x128xf32, #tpu.memory_space<vmem>>, %arg19: memref<80x144xf32, #tpu.memory_space<vmem>>) attributes {dimension_semantics = [#tpu.dimension_semantics<core_parallel>, #tpu.dimension_semantics<subcore_parallel>], iteration_bounds = array<i64: 2, 16>, scalar_prefetch = 0 : i64, scratch_operands = 6 : i64, tpu.core_type = #tpu.core_type<sc_vector_subcore>, window_params = [{transform_indices = #map}, {transform_indices = #map}, {transform_indices = #map}, {transform_indices = #map1}, {transform_indices = #map1}, {transform_indices = #map}, {transform_indices = #map}, {transform_indices = #map}, {transform_indices = #map1}, {transform_indices = #map1}, {transform_indices = #map}, {transform_indices = #map}]} {
    %broadcast_in_dim3A = arith.constant 0.000000e+00 : f32
    %broadcast_in_dim3A_0 = vector.broadcast %broadcast_in_dim3A : f32 to vector<16xf32>
    %iota3A = tpu.iota {dimensions = array<i32: 0>} : vector<16xi32>
    %scan3A = arith.constant 0 : i32
    %scan3A_1 = arith.constant 0 : i32
    %scan3A_2 = arith.constant 80 : i32
    %scan3A_3 = arith.addi %scan3A_1, %scan3A_2 : i32
    %scan3A_4 = arith.constant 1 : i32
    scf.for %scan3A_30 = %scan3A_1 to %scan3A_3 step %scan3A_4  : i32 {
      %swap3A = arith.index_cast %scan3A_30 : i32 to index
      %swap3A_31 = arith.constant 0 : index
      %swap3A_32 = tpu.vector_load %arg19[%swap3A, %swap3A_31] {strides = array<i32>} : memref<80x144xf32, #tpu.memory_space<vmem>>, vector<16xf32>,
      tpu.vector_store %arg19[%swap3A, %swap3A_31], %broadcast_in_dim3A_0 {strides = array<i32>} : memref<80x144xf32, #tpu.memory_space<vmem>>, vector<16xf32>,
      %swap3A_33 = arith.index_cast %scan3A_30 : i32 to index
      %swap3A_34 = arith.constant 16 : index
      %swap3A_35 = tpu.vector_load %arg19[%swap3A_33, %swap3A_34] {strides = array<i32>} : memref<80x144xf32, #tpu.memory_space<vmem>>, vector<16xf32>,
      tpu.vector_store %arg19[%swap3A_33, %swap3A_34], %broadcast_in_dim3A_0 {strides = array<i32>} : memref<80x144xf32, #tpu.memory_space<vmem>>, vector<16xf32>,
      %swap3A_36 = arith.index_cast %scan3A_30 : i32 to index
      %swap3A_37 = arith.constant 32 : index
      %swap3A_38 = tpu.vector_load %arg19[%swap3A_36, %swap3A_37] {strides = array<i32>} : memref<80x144xf32, #tpu.memory_space<vmem>>, vector<16xf32>,
      tpu.vector_store %arg19[%swap3A_36, %swap3A_37], %broadcast_in_dim3A_0 {strides = array<i32>} : memref<80x144xf32, #tpu.memory_space<vmem>>, vector<16xf32>,
      %swap3A_39 = arith.index_cast %scan3A_30 : i32 to index
      %swap3A_40 = arith.constant 48 : index
      %swap3A_41 = tpu.vector_load %arg19[%swap3A_39, %swap3A_40] {strides = array<i32>} : memref<80x144xf32, #tpu.memory_space<vmem>>, vector<16xf32>,
      tpu.vector_store %arg19[%swap3A_39, %swap3A_40], %broadcast_in_dim3A_0 {strides = array<i32>} : memref<80x144xf32, #tpu.memory_space<vmem>>, vector<16xf32>,
      %swap3A_42 = arith.index_cast %scan3A_30 : i32 to index
      %swap3A_43 = arith.constant 64 : index
      %swap3A_44 = tpu.vector_load %arg19[%swap3A_42, %swap3A_43] {strides = array<i32>} : memref<80x144xf32, #tpu.memory_space<vmem>>, vector<16xf32>,
      tpu.vector_store %arg19[%swap3A_42, %swap3A_43], %broadcast_in_dim3A_0 {strides = array<i32>} : memref<80x144xf32, #tpu.memory_space<vmem>>, vector<16xf32>,
      %swap3A_45 = arith.index_cast %scan3A_30 : i32 to index
      %swap3A_46 = arith.constant 80 : index
      %swap3A_47 = tpu.vector_load %arg19[%swap3A_45, %swap3A_46] {strides = array<i32>} : memref<80x144xf32, #tpu.memory_space<vmem>>, vector<16xf32>,
      tpu.vector_store %arg19[%swap3A_45, %swap3A_46], %broadcast_in_dim3A_0 {strides = array<i32>} : memref<80x144xf32, #tpu.memory_space<vmem>>, vector<16xf32>,
      %swap3A_48 = arith.index_cast %scan3A_30 : i32 to index
      %swap3A_49 = arith.constant 96 : index
      %swap3A_50 = tpu.vector_load %arg19[%swap3A_48, %swap3A_49] {strides = array<i32>} : memref<80x144xf32, #tpu.memory_space<vmem>>, vector<16xf32>,
      tpu.vector_store %arg19[%swap3A_48, %swap3A_49], %broadcast_in_dim3A_0 {strides = array<i32>} : memref<80x144xf32, #tpu.memory_space<vmem>>, vector<16xf32>,
      %swap3A_51 = arith.index_cast %scan3A_30 : i32 to index
      %swap3A_52 = arith.constant 112 : index
      %swap3A_53 = tpu.vector_load %arg19[%swap3A_51, %swap3A_52] {strides = array<i32>} : memref<80x144xf32, #tpu.memory_space<vmem>>, vector<16xf32>,
      tpu.vector_store %arg19[%swap3A_51, %swap3A_52], %broadcast_in_dim3A_0 {strides = array<i32>} : memref<80x144xf32, #tpu.memory_space<vmem>>, vector<16xf32>,
      %swap3A_54 = arith.index_cast %scan3A_30 : i32 to index
      %swap3A_55 = arith.constant 128 : index
      %swap3A_56 = tpu.vector_load %arg19[%swap3A_54, %swap3A_55] {strides = array<i32>} : memref<80x144xf32, #tpu.memory_space<vmem>>, vector<16xf32>,
      tpu.vector_store %arg19[%swap3A_54, %swap3A_55], %broadcast_in_dim3A_0 {strides = array<i32>} : memref<80x144xf32, #tpu.memory_space<vmem>>, vector<16xf32>,
    }
    %scan3A_5 = arith.constant 80 : i32
    %scan3A_6 = arith.constant 0 : i32
    %scan3A_7 = arith.constant 0 : i32
    %scan3A_8 = arith.constant 8 : i32
    %scan3A_9 = arith.addi %scan3A_7, %scan3A_8 : i32
    %scan3A_10 = arith.constant 1 : i32
    scf.for %scan3A_30 = %scan3A_7 to %scan3A_9 step %scan3A_10  : i32 {
      %mul3A = arith.constant 625 : i32
      %mul3A_31 = arith.muli %mul3A, %arg1 : i32
      %mul3A_32 = arith.constant 80 : i32
      %mul3A_33 = arith.muli %mul3A_32, %scan3A_30 : i32
      %add3A = arith.addi %mul3A_31, %mul3A_33 : i32
      %jit3A = arith.constant 7 : i32
      %div3A = arith.divsi %scan3A_30, %jit3A : i32
      %sign3A = arith.constant 0 : i32
      %sign3A_34 = arith.cmpi sgt, %scan3A_30, %sign3A : i32
      %sign3A_35 = arith.extui %sign3A_34 : i1 to i32
      %sign3A_36 = arith.constant 0 : i32
      %sign3A_37 = arith.cmpi slt, %scan3A_30, %sign3A_36 : i32
      %sign3A_38 = arith.extui %sign3A_37 : i1 to i32
      %sign3A_39 = arith.subi %sign3A_35, %sign3A_38 : i32
      %sign3A_40 = arith.constant 0 : i32
      %sign3A_41 = arith.cmpi sgt, %jit3A, %sign3A_40 : i32
      %sign3A_42 = arith.extui %sign3A_41 : i1 to i32
      %sign3A_43 = arith.constant 0 : i32
      %sign3A_44 = arith.cmpi slt, %jit3A, %sign3A_43 : i32
      %sign3A_45 = arith.extui %sign3A_44 : i1 to i32
      %sign3A_46 = arith.subi %sign3A_42, %sign3A_45 : i32
      %ne3A = arith.cmpi ne, %sign3A_39, %sign3A_46 : i32
      %rem3A = arith.remsi %scan3A_30, %jit3A : i32
      %ne3A_47 = arith.constant 0 : i32
      %ne3A_48 = arith.cmpi ne, %rem3A, %ne3A_47 : i32
      %and3A = arith.andi %ne3A, %ne3A_48 : i1
      %sub3A = arith.constant 1 : i32
      %sub3A_49 = arith.subi %div3A, %sub3A : i32
      %select_n3A = arith.select %and3A, %sub3A_49, %div3A : i32
      %mul3A_50 = arith.constant 15 : i32
      %mul3A_51 = arith.muli %mul3A_50, %select_n3A : i32
      %sub3A_52 = arith.subi %add3A, %mul3A_51 : i32
      "tpu.region"() ({
        %run_scoped3A = tpu.sem_alloc : memref<!tpu.dma_semaphore, #tpu.memory_space<semaphore_mem>>
        %dma_start3A = arith.constant 0 : i32
        %dma_start3A_53 = tpu.memref_slice %arg14[%sub3A_52, %dma_start3A] : memref<10000x144xf32, #tpu.memory_space<vmem_shared>> -> memref<80x144xf32, #tpu.memory_space<vmem_shared>>
        %dma_start3A_54 = arith.constant 0 : i32
        %dma_start3A_55 = tpu.memref_slice %arg14[%sub3A_52, %dma_start3A_54] : memref<10000x144xf32, #tpu.memory_space<vmem_shared>> -> memref<80x144xf32, #tpu.memory_space<vmem_shared>>
        tpu.enqueue_dma source(%arg19 : memref<80x144xf32, #tpu.memory_space<vmem>>) target(%dma_start3A_55 : memref<80x144xf32, #tpu.memory_space<vmem_shared>>) target_semaphore(%run_scoped3A : memref<!tpu.dma_semaphore, #tpu.memory_space<semaphore_mem>>)
        %dma_wait3A = arith.constant 0 : i32
        %dma_wait3A_56 = tpu.memref_slice %arg14[%sub3A_52, %dma_wait3A] : memref<10000x144xf32, #tpu.memory_space<vmem_shared>> -> memref<80x144xf32, #tpu.memory_space<vmem_shared>>
        %dma_wait3A_57 = arith.constant 0 : i32
        %dma_wait3A_58 = tpu.memref_slice %arg14[%sub3A_52, %dma_wait3A_57] : memref<10000x144xf32, #tpu.memory_space<vmem_shared>> -> memref<80x144xf32, #tpu.memory_space<vmem_shared>>
        tpu.wait_dma2 semaphore(%run_scoped3A : memref<!tpu.dma_semaphore, #tpu.memory_space<semaphore_mem>>) src(%arg19 : memref<80x144xf32, #tpu.memory_space<vmem>>) dst(%dma_wait3A_58 : memref<80x144xf32, #tpu.memory_space<vmem_shared>>)
        tpu.yield
      }) : () -> ()
    }
    %scan3A_11 = arith.constant 8 : i32
    %barrier3A = arith.constant 0 : index
    tpu.barrier barrier_id(%barrier3A)
    %eq3A = arith.constant 0 : i32
    %eq3A_12 = arith.cmpi eq, %arg0, %eq3A : i32
    %convert_element_type3A = arith.extui %eq3A_12 : i1 to i32
    %cond3A = arith.constant 0 : i32
    %cond3A_13 = arith.cmpi ne, %convert_element_type3A, %cond3A : i32
    scf.if %cond3A_13 {
      %scan3A_30 = arith.constant 0 : i32
      %scan3A_31 = arith.constant 0 : i32
      %scan3A_32 = arith.constant 250 : i32
      %scan3A_33 = arith.addi %scan3A_31, %scan3A_32 : i32
      %scan3A_34 = arith.constant 1 : i32
      scf.for %scan3A_36 = %scan3A_31 to %scan3A_33 step %scan3A_34  : i32 {
        %mul3A = arith.constant 20000 : i32
        %mul3A_37 = arith.muli %mul3A, %arg1 : i32
        %mul3A_38 = arith.constant 80 : i32
        %mul3A_39 = arith.muli %mul3A_38, %scan3A_36 : i32
        %add3A = arith.addi %mul3A_37, %mul3A_39 : i32
        "tpu.region"() ({
          %run_scoped3A = tpu.sem_alloc : memref<!tpu.dma_semaphore, #tpu.memory_space<semaphore_mem>>
          %dma_start3A = tpu.memref_slice %arg5[%add3A] : memref<320000xi32, #tpu.memory_space<hbm>> -> memref<80xi32, #tpu.memory_space<hbm>>
          %dma_start3A_52 = tpu.memref_slice %arg5[%add3A] : memref<320000xi32, #tpu.memory_space<hbm>> -> memref<80xi32, #tpu.memory_space<hbm>>
          tpu.enqueue_dma source(%dma_start3A_52 : memref<80xi32, #tpu.memory_space<hbm>>) target(%arg15 : memref<80xi32, #tpu.memory_space<vmem>>) target_semaphore(%run_scoped3A : memref<!tpu.dma_semaphore, #tpu.memory_space<semaphore_mem>>)
          %dma_wait3A = tpu.memref_slice %arg5[%add3A] : memref<320000xi32, #tpu.memory_space<hbm>> -> memref<80xi32, #tpu.memory_space<hbm>>
          %dma_wait3A_53 = tpu.memref_slice %arg5[%add3A] : memref<320000xi32, #tpu.memory_space<hbm>> -> memref<80xi32, #tpu.memory_space<hbm>>
          tpu.wait_dma2 semaphore(%run_scoped3A : memref<!tpu.dma_semaphore, #tpu.memory_space<semaphore_mem>>) src(%dma_wait3A_53 : memref<80xi32, #tpu.memory_space<hbm>>) dst(%arg15 : memref<80xi32, #tpu.memory_space<vmem>>)
          tpu.yield
        }) : () -> ()
        "tpu.region"() ({
          %run_scoped3A = tpu.sem_alloc : memref<!tpu.dma_semaphore, #tpu.memory_space<semaphore_mem>>
          %dma_start3A = tpu.memref_slice %arg6[%add3A] : memref<320000xi32, #tpu.memory_space<hbm>> -> memref<80xi32, #tpu.memory_space<hbm>>
          %dma_start3A_52 = tpu.memref_slice %arg6[%add3A] : memref<320000xi32, #tpu.memory_space<hbm>> -> memref<80xi32, #tpu.memory_space<hbm>>
          tpu.enqueue_dma source(%dma_start3A_52 : memref<80xi32, #tpu.memory_space<hbm>>) target(%arg16 : memref<80xi32, #tpu.memory_space<vmem>>) target_semaphore(%run_scoped3A : memref<!tpu.dma_semaphore, #tpu.memory_space<semaphore_mem>>)
          %dma_wait3A = tpu.memref_slice %arg6[%add3A] : memref<320000xi32, #tpu.memory_space<hbm>> -> memref<80xi32, #tpu.memory_space<hbm>>
          %dma_wait3A_53 = tpu.memref_slice %arg6[%add3A] : memref<320000xi32, #tpu.memory_space<hbm>> -> memref<80xi32, #tpu.memory_space<hbm>>
          tpu.wait_dma2 semaphore(%run_scoped3A : memref<!tpu.dma_semaphore, #tpu.memory_space<semaphore_mem>>) src(%dma_wait3A_53 : memref<80xi32, #tpu.memory_space<hbm>>) dst(%arg16 : memref<80xi32, #tpu.memory_space<vmem>>)
          tpu.yield
        }) : () -> ()
        "tpu.region"() ({
          %run_scoped3A = tpu.sem_alloc : memref<!tpu.dma_semaphore, #tpu.memory_space<semaphore_mem>>
          %dma_start3A = arith.constant 0 : i32
          %dma_start3A_52 = arith.constant 0 : i32
          %dma_start3A_53 = tpu.memref_slice %arg2[%dma_start3A, %dma_start3A_52] : memref<10000x128xf32, #tpu.memory_space<hbm>> -> memref<10000x128xf32, #tpu.memory_space<hbm>>
          tpu.enqueue_indirect_dma source(%dma_start3A_53 : memref<10000x128xf32, #tpu.memory_space<hbm>>) target(%arg17 : memref<80x128xf32, #tpu.memory_space<vmem>>) offsets(%arg15 : memref<80xi32, #tpu.memory_space<vmem>>) semaphore(%run_scoped3A : memref<!tpu.dma_semaphore, #tpu.memory_space<semaphore_mem>>)
          %dma_wait3A = arith.constant 0 : i32
          %dma_wait3A_54 = arith.constant 0 : i32
          %dma_wait3A_55 = tpu.memref_slice %arg2[%dma_wait3A, %dma_wait3A_54] : memref<10000x128xf32, #tpu.memory_space<hbm>> -> memref<10000x128xf32, #tpu.memory_space<hbm>>
          tpu.wait_indirect_dma semaphore(%run_scoped3A : memref<!tpu.dma_semaphore, #tpu.memory_space<semaphore_mem>>) src(%dma_wait3A_55 : memref<10000x128xf32, #tpu.memory_space<hbm>>) dst(%arg17 : memref<80x128xf32, #tpu.memory_space<vmem>>)
          tpu.yield
        }) : () -> ()
        "tpu.region"() ({
          %run_scoped3A = tpu.sem_alloc : memref<!tpu.dma_semaphore, #tpu.memory_space<semaphore_mem>>
          %dma_start3A = arith.constant 0 : i32
          %dma_start3A_52 = arith.constant 0 : i32
          %dma_start3A_53 = tpu.memref_slice %arg4[%dma_start3A, %dma_start3A_52] : memref<10000x128xf32, #tpu.memory_space<hbm>> -> memref<10000x128xf32, #tpu.memory_space<hbm>>
          tpu.enqueue_indirect_dma source(%dma_start3A_53 : memref<10000x128xf32, #tpu.memory_space<hbm>>) target(%arg18 : memref<80x128xf32, #tpu.memory_space<vmem>>) offsets(%arg16 : memref<80xi32, #tpu.memory_space<vmem>>) semaphore(%run_scoped3A : memref<!tpu.dma_semaphore, #tpu.memory_space<semaphore_mem>>)
          %dma_wait3A = arith.constant 0 : i32
          %dma_wait3A_54 = arith.constant 0 : i32
          %dma_wait3A_55 = tpu.memref_slice %arg4[%dma_wait3A, %dma_wait3A_54] : memref<10000x128xf32, #tpu.memory_space<hbm>> -> memref<10000x128xf32, #tpu.memory_space<hbm>>
          tpu.wait_indirect_dma semaphore(%run_scoped3A : memref<!tpu.dma_semaphore, #tpu.memory_space<semaphore_mem>>) src(%dma_wait3A_55 : memref<10000x128xf32, #tpu.memory_space<hbm>>) dst(%arg18 : memref<80x128xf32, #tpu.memory_space<vmem>>)
          tpu.yield
        }) : () -> ()
        %scan3A_40 = arith.constant 0 : i32
        %scan3A_41 = arith.constant 5 : i32
        %scan3A_42 = arith.addi %scan3A_40, %scan3A_41 : i32
        %scan3A_43 = arith.constant 1 : i32
        %scan3A_44 = scf.for %scan3A_52 = %scan3A_40 to %scan3A_42 step %scan3A_43 iter_args(%scan3A_53 = %iota3A) -> (vector<16xi32>)  : i32 {
          %broadcast_in_dim3A_54 = arith.constant 0 : i32
          %broadcast_in_dim3A_55 = vector.broadcast %broadcast_in_dim3A_54 : i32 to vector<16xi32>
          %broadcast_in_dim3A_56 = arith.constant 128 : i32
          %broadcast_in_dim3A_57 = vector.broadcast %broadcast_in_dim3A_56 : i32 to vector<16xi32>
          %scan3A_58 = arith.constant 0 : i32
          %scan3A_59 = arith.constant 4 : i32
          %scan3A_60 = arith.addi %scan3A_58, %scan3A_59 : i32
          %scan3A_61 = arith.constant 1 : i32
          %scan3A_62:2 = scf.for %scan3A_67 = %scan3A_58 to %scan3A_60 step %scan3A_61 iter_args(%scan3A_68 = %broadcast_in_dim3A_55, %scan3A_69 = %broadcast_in_dim3A_57) -> (vector<16xi32>, vector<16xi32>)  : i32 {
            %scan3A_70 = arith.constant 0 : i32
            %scan3A_71 = arith.constant 32 : i32
            %scan3A_72 = arith.addi %scan3A_70, %scan3A_71 : i32
            %scan3A_73 = arith.constant 4 : i32
            %scan3A_74:2 = scf.for %scan3A_79 = %scan3A_70 to %scan3A_72 step %scan3A_73 iter_args(%scan3A_80 = %broadcast_in_dim3A_0, %scan3A_81 = %scan3A_68) -> (vector<16xf32>, vector<16xi32>)  : i32 {
              %gather3A = tpu.vector_load_idx %arg18[%scan3A_53, %scan3A_81] : memref<80x128xf32, #tpu.memory_space<vmem>>[vector<16xi32>, vector<16xi32>], vector<16xf32>,
              %gather3A_82 = tpu.vector_load_idx %arg17[%scan3A_53, %scan3A_81] : memref<80x128xf32, #tpu.memory_space<vmem>>[vector<16xi32>, vector<16xi32>], vector<16xf32>,
              %mul3A_83 = arith.mulf %gather3A, %gather3A_82 : vector<16xf32>
              %add3A_84 = arith.addf %scan3A_80, %mul3A_83 : vector<16xf32>
              %add3A_85 = arith.constant 1 : i32
              %add3A_86 = vector.broadcast %add3A_85 : i32 to vector<16xi32>
              %add3A_87 = arith.addi %scan3A_81, %add3A_86 : vector<16xi32>
              %scan3A_88 = arith.constant 1 : i32
              %scan3A_89 = arith.addi %scan3A_79, %scan3A_88 : i32
              %gather3A_90 = tpu.vector_load_idx %arg18[%scan3A_53, %add3A_87] : memref<80x128xf32, #tpu.memory_space<vmem>>[vector<16xi32>, vector<16xi32>], vector<16xf32>,
              %gather3A_91 = tpu.vector_load_idx %arg17[%scan3A_53, %add3A_87] : memref<80x128xf32, #tpu.memory_space<vmem>>[vector<16xi32>, vector<16xi32>], vector<16xf32>,
              %mul3A_92 = arith.mulf %gather3A_90, %gather3A_91 : vector<16xf32>
              %add3A_93 = arith.addf %add3A_84, %mul3A_92 : vector<16xf32>
              %add3A_94 = arith.constant 1 : i32
              %add3A_95 = vector.broadcast %add3A_94 : i32 to vector<16xi32>
              %add3A_96 = arith.addi %add3A_87, %add3A_95 : vector<16xi32>
              %scan3A_97 = arith.constant 2 : i32
              %scan3A_98 = arith.addi %scan3A_79, %scan3A_97 : i32
              %gather3A_99 = tpu.vector_load_idx %arg18[%scan3A_53, %add3A_96] : memref<80x128xf32, #tpu.memory_space<vmem>>[vector<16xi32>, vector<16xi32>], vector<16xf32>,
              %gather3A_100 = tpu.vector_load_idx %arg17[%scan3A_53, %add3A_96] : memref<80x128xf32, #tpu.memory_space<vmem>>[vector<16xi32>, vector<16xi32>], vector<16xf32>,
              %mul3A_101 = arith.mulf %gather3A_99, %gather3A_100 : vector<16xf32>
              %add3A_102 = arith.addf %add3A_93, %mul3A_101 : vector<16xf32>
              %add3A_103 = arith.constant 1 : i32
              %add3A_104 = vector.broadcast %add3A_103 : i32 to vector<16xi32>
              %add3A_105 = arith.addi %add3A_96, %add3A_104 : vector<16xi32>
              %scan3A_106 = arith.constant 3 : i32
              %scan3A_107 = arith.addi %scan3A_79, %scan3A_106 : i32
              %gather3A_108 = tpu.vector_load_idx %arg18[%scan3A_53, %add3A_105] : memref<80x128xf32, #tpu.memory_space<vmem>>[vector<16xi32>, vector<16xi32>], vector<16xf32>,
              %gather3A_109 = tpu.vector_load_idx %arg17[%scan3A_53, %add3A_105] : memref<80x128xf32, #tpu.memory_space<vmem>>[vector<16xi32>, vector<16xi32>], vector<16xf32>,
              %mul3A_110 = arith.mulf %gather3A_108, %gather3A_109 : vector<16xf32>
              %add3A_111 = arith.addf %add3A_102, %mul3A_110 : vector<16xf32>
              %add3A_112 = arith.constant 1 : i32
              %add3A_113 = vector.broadcast %add3A_112 : i32 to vector<16xi32>
              %add3A_114 = arith.addi %add3A_105, %add3A_113 : vector<16xi32>
              scf.yield %add3A_111, %add3A_114 : vector<16xf32>, vector<16xi32>
            }
            %scan3A_75 = arith.constant 32 : i32
            %exp3A = math.exp %scan3A_74#0 : vector<16xf32>
            tpu.vector_store_idx %arg19[%scan3A_53, %scan3A_69], %exp3A : memref<80x144xf32, #tpu.memory_space<vmem>>[vector<16xi32>, vector<16xi32>], vector<16xf32>,
            %add3A_76 = arith.constant 1 : i32
            %add3A_77 = vector.broadcast %add3A_76 : i32 to vector<16xi32>
            %add3A_78 = arith.addi %scan3A_69, %add3A_77 : vector<16xi32>
            scf.yield %scan3A_74#1, %add3A_78 : vector<16xi32>, vector<16xi32>
          }
          %scan3A_63 = arith.constant 4 : i32
          %add3A_64 = arith.constant 16 : i32
          %add3A_65 = vector.broadcast %add3A_64 : i32 to vector<16xi32>
          %add3A_66 = arith.addi %scan3A_53, %add3A_65 : vector<16xi32>
          scf.yield %add3A_66 : vector<16xi32>
        }
        %scan3A_45 = arith.constant 5 : i32
        "tpu.region"() ({
          %run_scoped3A = tpu.sem_alloc : memref<!tpu.dma_semaphore, #tpu.memory_space<semaphore_mem>>
          %dma_start3A = arith.constant 0 : i32
          %dma_start3A_52 = arith.constant 0 : i32
          %dma_start3A_53 = tpu.memref_slice %arg3[%dma_start3A, %dma_start3A_52] : memref<10000x128xf32, #tpu.memory_space<hbm>> -> memref<10000x128xf32, #tpu.memory_space<hbm>>
          tpu.enqueue_indirect_dma source(%dma_start3A_53 : memref<10000x128xf32, #tpu.memory_space<hbm>>) target(%arg17 : memref<80x128xf32, #tpu.memory_space<vmem>>) offsets(%arg15 : memref<80xi32, #tpu.memory_space<vmem>>) semaphore(%run_scoped3A : memref<!tpu.dma_semaphore, #tpu.memory_space<semaphore_mem>>)
          %dma_wait3A = arith.constant 0 : i32
          %dma_wait3A_54 = arith.constant 0 : i32
          %dma_wait3A_55 = tpu.memref_slice %arg3[%dma_wait3A, %dma_wait3A_54] : memref<10000x128xf32, #tpu.memory_space<hbm>> -> memref<10000x128xf32, #tpu.memory_space<hbm>>
          tpu.wait_indirect_dma semaphore(%run_scoped3A : memref<!tpu.dma_semaphore, #tpu.memory_space<semaphore_mem>>) src(%dma_wait3A_55 : memref<10000x128xf32, #tpu.memory_space<hbm>>) dst(%arg17 : memref<80x128xf32, #tpu.memory_space<vmem>>)
          tpu.yield
        }) : () -> ()
        %scan3A_46 = arith.constant 0 : i32
        %scan3A_47 = arith.constant 5 : i32
        %scan3A_48 = arith.addi %scan3A_46, %scan3A_47 : i32
        %scan3A_49 = arith.constant 1 : i32
        %scan3A_50 = scf.for %scan3A_52 = %scan3A_46 to %scan3A_48 step %scan3A_49 iter_args(%scan3A_53 = %iota3A) -> (vector<16xi32>)  : i32 {
          %broadcast_in_dim3A_54 = arith.constant 0 : i32
          %broadcast_in_dim3A_55 = vector.broadcast %broadcast_in_dim3A_54 : i32 to vector<16xi32>
          %broadcast_in_dim3A_56 = arith.constant 128 : i32
          %broadcast_in_dim3A_57 = vector.broadcast %broadcast_in_dim3A_56 : i32 to vector<16xi32>
          %scan3A_58 = arith.constant 0 : i32
          %scan3A_59 = arith.constant 4 : i32
          %scan3A_60 = arith.addi %scan3A_58, %scan3A_59 : i32
          %scan3A_61 = arith.constant 1 : i32
          %scan3A_62:2 = scf.for %scan3A_67 = %scan3A_58 to %scan3A_60 step %scan3A_61 iter_args(%scan3A_68 = %broadcast_in_dim3A_55, %scan3A_69 = %broadcast_in_dim3A_57) -> (vector<16xi32>, vector<16xi32>)  : i32 {
            %gather3A = tpu.vector_load_idx %arg19[%scan3A_53, %scan3A_69] : memref<80x144xf32, #tpu.memory_space<vmem>>[vector<16xi32>, vector<16xi32>], vector<16xf32>,
            %scan3A_70 = arith.constant 0 : i32
            %scan3A_71 = arith.constant 32 : i32
            %scan3A_72 = arith.addi %scan3A_70, %scan3A_71 : i32
            %scan3A_73 = arith.constant 4 : i32
            %scan3A_74 = scf.for %scan3A_79 = %scan3A_70 to %scan3A_72 step %scan3A_73 iter_args(%scan3A_80 = %scan3A_68) -> (vector<16xi32>)  : i32 {
              %gather3A_81 = tpu.vector_load_idx %arg17[%scan3A_53, %scan3A_80] : memref<80x128xf32, #tpu.memory_space<vmem>>[vector<16xi32>, vector<16xi32>], vector<16xf32>,
              %mul3A_82 = arith.mulf %gather3A_81, %gather3A : vector<16xf32>
              tpu.vector_store_idx %arg19[%scan3A_53, %scan3A_80], %mul3A_82 : memref<80x144xf32, #tpu.memory_space<vmem>>[vector<16xi32>, vector<16xi32>], vector<16xf32>,
              %add3A_83 = arith.constant 1 : i32
              %add3A_84 = vector.broadcast %add3A_83 : i32 to vector<16xi32>
              %add3A_85 = arith.addi %scan3A_80, %add3A_84 : vector<16xi32>
              %scan3A_86 = arith.constant 1 : i32
              %scan3A_87 = arith.addi %scan3A_79, %scan3A_86 : i32
              %gather3A_88 = tpu.vector_load_idx %arg17[%scan3A_53, %add3A_85] : memref<80x128xf32, #tpu.memory_space<vmem>>[vector<16xi32>, vector<16xi32>], vector<16xf32>,
              %mul3A_89 = arith.mulf %gather3A_88, %gather3A : vector<16xf32>
              tpu.vector_store_idx %arg19[%scan3A_53, %add3A_85], %mul3A_89 : memref<80x144xf32, #tpu.memory_space<vmem>>[vector<16xi32>, vector<16xi32>], vector<16xf32>,
              %add3A_90 = arith.constant 1 : i32
              %add3A_91 = vector.broadcast %add3A_90 : i32 to vector<16xi32>
              %add3A_92 = arith.addi %add3A_85, %add3A_91 : vector<16xi32>
              %scan3A_93 = arith.constant 2 : i32
              %scan3A_94 = arith.addi %scan3A_79, %scan3A_93 : i32
              %gather3A_95 = tpu.vector_load_idx %arg17[%scan3A_53, %add3A_92] : memref<80x128xf32, #tpu.memory_space<vmem>>[vector<16xi32>, vector<16xi32>], vector<16xf32>,
              %mul3A_96 = arith.mulf %gather3A_95, %gather3A : vector<16xf32>
              tpu.vector_store_idx %arg19[%scan3A_53, %add3A_92], %mul3A_96 : memref<80x144xf32, #tpu.memory_space<vmem>>[vector<16xi32>, vector<16xi32>], vector<16xf32>,
              %add3A_97 = arith.constant 1 : i32
              %add3A_98 = vector.broadcast %add3A_97 : i32 to vector<16xi32>
              %add3A_99 = arith.addi %add3A_92, %add3A_98 : vector<16xi32>
              %scan3A_100 = arith.constant 3 : i32
              %scan3A_101 = arith.addi %scan3A_79, %scan3A_100 : i32
              %gather3A_102 = tpu.vector_load_idx %arg17[%scan3A_53, %add3A_99] : memref<80x128xf32, #tpu.memory_space<vmem>>[vector<16xi32>, vector<16xi32>], vector<16xf32>,
              %mul3A_103 = arith.mulf %gather3A_102, %gather3A : vector<16xf32>
              tpu.vector_store_idx %arg19[%scan3A_53, %add3A_99], %mul3A_103 : memref<80x144xf32, #tpu.memory_space<vmem>>[vector<16xi32>, vector<16xi32>], vector<16xf32>,
              %add3A_104 = arith.constant 1 : i32
              %add3A_105 = vector.broadcast %add3A_104 : i32 to vector<16xi32>
              %add3A_106 = arith.addi %add3A_99, %add3A_105 : vector<16xi32>
              scf.yield %add3A_106 : vector<16xi32>
            }
            %scan3A_75 = arith.constant 32 : i32
            %add3A_76 = arith.constant 1 : i32
            %add3A_77 = vector.broadcast %add3A_76 : i32 to vector<16xi32>
            %add3A_78 = arith.addi %scan3A_69, %add3A_77 : vector<16xi32>
            scf.yield %scan3A_74, %add3A_78 : vector<16xi32>, vector<16xi32>
          }
          %scan3A_63 = arith.constant 4 : i32
          %add3A_64 = arith.constant 16 : i32
          %add3A_65 = vector.broadcast %add3A_64 : i32 to vector<16xi32>
          %add3A_66 = arith.addi %scan3A_53, %add3A_65 : vector<16xi32>
          scf.yield %add3A_66 : vector<16xi32>
        }
        %scan3A_51 = arith.constant 5 : i32
        "tpu.region"() ({
          %run_scoped3A = tpu.sem_alloc : memref<!tpu.dma_semaphore, #tpu.memory_space<semaphore_mem>>
          %dma_start3A = arith.constant 0 : i32
          %dma_start3A_52 = arith.constant 0 : i32
          %dma_start3A_53 = tpu.memref_slice %arg14[%dma_start3A, %dma_start3A_52] : memref<10000x144xf32, #tpu.memory_space<vmem_shared>> -> memref<10000x144xf32, #tpu.memory_space<vmem_shared>>
          tpu.enqueue_indirect_dma source(%arg19 : memref<80x144xf32, #tpu.memory_space<vmem>>) target(%dma_start3A_53 : memref<10000x144xf32, #tpu.memory_space<vmem_shared>>) offsets(%arg16 : memref<80xi32, #tpu.memory_space<vmem>>) semaphore(%run_scoped3A : memref<!tpu.dma_semaphore, #tpu.memory_space<semaphore_mem>>) {add = true}
          %dma_wait3A = arith.constant 0 : i32
          %dma_wait3A_54 = arith.constant 0 : i32
          %dma_wait3A_55 = tpu.memref_slice %arg14[%dma_wait3A, %dma_wait3A_54] : memref<10000x144xf32, #tpu.memory_space<vmem_shared>> -> memref<10000x144xf32, #tpu.memory_space<vmem_shared>>
          tpu.wait_indirect_dma semaphore(%run_scoped3A : memref<!tpu.dma_semaphore, #tpu.memory_space<semaphore_mem>>) src(%arg19 : memref<80x144xf32, #tpu.memory_space<vmem>>) dst(%dma_wait3A_55 : memref<10000x144xf32, #tpu.memory_space<vmem_shared>>)
          tpu.yield
        }) : () -> ()
      }
      %scan3A_35 = arith.constant 250 : i32
    } else {
    }
    %eq3A_14 = arith.constant 1 : i32
    %eq3A_15 = arith.cmpi eq, %arg0, %eq3A_14 : i32
    %convert_element_type3A_16 = arith.extui %eq3A_15 : i1 to i32
    %cond3A_17 = arith.constant 0 : i32
    %cond3A_18 = arith.cmpi ne, %convert_element_type3A_16, %cond3A_17 : i32
    scf.if %cond3A_18 {
      %scan3A_30 = arith.constant 0 : i32
      %scan3A_31 = arith.constant 0 : i32
      %scan3A_32 = arith.constant 250 : i32
      %scan3A_33 = arith.addi %scan3A_31, %scan3A_32 : i32
      %scan3A_34 = arith.constant 1 : i32
      scf.for %scan3A_36 = %scan3A_31 to %scan3A_33 step %scan3A_34  : i32 {
        %mul3A = arith.constant 20000 : i32
        %mul3A_37 = arith.muli %mul3A, %arg1 : i32
        %mul3A_38 = arith.constant 80 : i32
        %mul3A_39 = arith.muli %mul3A_38, %scan3A_36 : i32
        %add3A = arith.addi %mul3A_37, %mul3A_39 : i32
        "tpu.region"() ({
          %run_scoped3A = tpu.sem_alloc : memref<!tpu.dma_semaphore, #tpu.memory_space<semaphore_mem>>
          %dma_start3A = tpu.memref_slice %arg10[%add3A] : memref<320000xi32, #tpu.memory_space<hbm>> -> memref<80xi32, #tpu.memory_space<hbm>>
          %dma_start3A_52 = tpu.memref_slice %arg10[%add3A] : memref<320000xi32, #tpu.memory_space<hbm>> -> memref<80xi32, #tpu.memory_space<hbm>>
          tpu.enqueue_dma source(%dma_start3A_52 : memref<80xi32, #tpu.memory_space<hbm>>) target(%arg15 : memref<80xi32, #tpu.memory_space<vmem>>) target_semaphore(%run_scoped3A : memref<!tpu.dma_semaphore, #tpu.memory_space<semaphore_mem>>)
          %dma_wait3A = tpu.memref_slice %arg10[%add3A] : memref<320000xi32, #tpu.memory_space<hbm>> -> memref<80xi32, #tpu.memory_space<hbm>>
          %dma_wait3A_53 = tpu.memref_slice %arg10[%add3A] : memref<320000xi32, #tpu.memory_space<hbm>> -> memref<80xi32, #tpu.memory_space<hbm>>
          tpu.wait_dma2 semaphore(%run_scoped3A : memref<!tpu.dma_semaphore, #tpu.memory_space<semaphore_mem>>) src(%dma_wait3A_53 : memref<80xi32, #tpu.memory_space<hbm>>) dst(%arg15 : memref<80xi32, #tpu.memory_space<vmem>>)
          tpu.yield
        }) : () -> ()
        "tpu.region"() ({
          %run_scoped3A = tpu.sem_alloc : memref<!tpu.dma_semaphore, #tpu.memory_space<semaphore_mem>>
          %dma_start3A = tpu.memref_slice %arg11[%add3A] : memref<320000xi32, #tpu.memory_space<hbm>> -> memref<80xi32, #tpu.memory_space<hbm>>
          %dma_start3A_52 = tpu.memref_slice %arg11[%add3A] : memref<320000xi32, #tpu.memory_space<hbm>> -> memref<80xi32, #tpu.memory_space<hbm>>
          tpu.enqueue_dma source(%dma_start3A_52 : memref<80xi32, #tpu.memory_space<hbm>>) target(%arg16 : memref<80xi32, #tpu.memory_space<vmem>>) target_semaphore(%run_scoped3A : memref<!tpu.dma_semaphore, #tpu.memory_space<semaphore_mem>>)
          %dma_wait3A = tpu.memref_slice %arg11[%add3A] : memref<320000xi32, #tpu.memory_space<hbm>> -> memref<80xi32, #tpu.memory_space<hbm>>
          %dma_wait3A_53 = tpu.memref_slice %arg11[%add3A] : memref<320000xi32, #tpu.memory_space<hbm>> -> memref<80xi32, #tpu.memory_space<hbm>>
          tpu.wait_dma2 semaphore(%run_scoped3A : memref<!tpu.dma_semaphore, #tpu.memory_space<semaphore_mem>>) src(%dma_wait3A_53 : memref<80xi32, #tpu.memory_space<hbm>>) dst(%arg16 : memref<80xi32, #tpu.memory_space<vmem>>)
          tpu.yield
        }) : () -> ()
        "tpu.region"() ({
          %run_scoped3A = tpu.sem_alloc : memref<!tpu.dma_semaphore, #tpu.memory_space<semaphore_mem>>
          %dma_start3A = arith.constant 0 : i32
          %dma_start3A_52 = arith.constant 0 : i32
          %dma_start3A_53 = tpu.memref_slice %arg7[%dma_start3A, %dma_start3A_52] : memref<10000x128xf32, #tpu.memory_space<hbm>> -> memref<10000x128xf32, #tpu.memory_space<hbm>>
          tpu.enqueue_indirect_dma source(%dma_start3A_53 : memref<10000x128xf32, #tpu.memory_space<hbm>>) target(%arg17 : memref<80x128xf32, #tpu.memory_space<vmem>>) offsets(%arg15 : memref<80xi32, #tpu.memory_space<vmem>>) semaphore(%run_scoped3A : memref<!tpu.dma_semaphore, #tpu.memory_space<semaphore_mem>>)
          %dma_wait3A = arith.constant 0 : i32
          %dma_wait3A_54 = arith.constant 0 : i32
          %dma_wait3A_55 = tpu.memref_slice %arg7[%dma_wait3A, %dma_wait3A_54] : memref<10000x128xf32, #tpu.memory_space<hbm>> -> memref<10000x128xf32, #tpu.memory_space<hbm>>
          tpu.wait_indirect_dma semaphore(%run_scoped3A : memref<!tpu.dma_semaphore, #tpu.memory_space<semaphore_mem>>) src(%dma_wait3A_55 : memref<10000x128xf32, #tpu.memory_space<hbm>>) dst(%arg17 : memref<80x128xf32, #tpu.memory_space<vmem>>)
          tpu.yield
        }) : () -> ()
        "tpu.region"() ({
          %run_scoped3A = tpu.sem_alloc : memref<!tpu.dma_semaphore, #tpu.memory_space<semaphore_mem>>
          %dma_start3A = arith.constant 0 : i32
          %dma_start3A_52 = arith.constant 0 : i32
          %dma_start3A_53 = tpu.memref_slice %arg9[%dma_start3A, %dma_start3A_52] : memref<10000x128xf32, #tpu.memory_space<hbm>> -> memref<10000x128xf32, #tpu.memory_space<hbm>>
          tpu.enqueue_indirect_dma source(%dma_start3A_53 : memref<10000x128xf32, #tpu.memory_space<hbm>>) target(%arg18 : memref<80x128xf32, #tpu.memory_space<vmem>>) offsets(%arg16 : memref<80xi32, #tpu.memory_space<vmem>>) semaphore(%run_scoped3A : memref<!tpu.dma_semaphore, #tpu.memory_space<semaphore_mem>>)
          %dma_wait3A = arith.constant 0 : i32
          %dma_wait3A_54 = arith.constant 0 : i32
          %dma_wait3A_55 = tpu.memref_slice %arg9[%dma_wait3A, %dma_wait3A_54] : memref<10000x128xf32, #tpu.memory_space<hbm>> -> memref<10000x128xf32, #tpu.memory_space<hbm>>
          tpu.wait_indirect_dma semaphore(%run_scoped3A : memref<!tpu.dma_semaphore, #tpu.memory_space<semaphore_mem>>) src(%dma_wait3A_55 : memref<10000x128xf32, #tpu.memory_space<hbm>>) dst(%arg18 : memref<80x128xf32, #tpu.memory_space<vmem>>)
          tpu.yield
        }) : () -> ()
        %scan3A_40 = arith.constant 0 : i32
        %scan3A_41 = arith.constant 5 : i32
        %scan3A_42 = arith.addi %scan3A_40, %scan3A_41 : i32
        %scan3A_43 = arith.constant 1 : i32
        %scan3A_44 = scf.for %scan3A_52 = %scan3A_40 to %scan3A_42 step %scan3A_43 iter_args(%scan3A_53 = %iota3A) -> (vector<16xi32>)  : i32 {
          %broadcast_in_dim3A_54 = arith.constant 0 : i32
          %broadcast_in_dim3A_55 = vector.broadcast %broadcast_in_dim3A_54 : i32 to vector<16xi32>
          %broadcast_in_dim3A_56 = arith.constant 128 : i32
          %broadcast_in_dim3A_57 = vector.broadcast %broadcast_in_dim3A_56 : i32 to vector<16xi32>
          %scan3A_58 = arith.constant 0 : i32
          %scan3A_59 = arith.constant 4 : i32
          %scan3A_60 = arith.addi %scan3A_58, %scan3A_59 : i32
          %scan3A_61 = arith.constant 1 : i32
          %scan3A_62:2 = scf.for %scan3A_67 = %scan3A_58 to %scan3A_60 step %scan3A_61 iter_args(%scan3A_68 = %broadcast_in_dim3A_55, %scan3A_69 = %broadcast_in_dim3A_57) -> (vector<16xi32>, vector<16xi32>)  : i32 {
            %scan3A_70 = arith.constant 0 : i32
            %scan3A_71 = arith.constant 32 : i32
            %scan3A_72 = arith.addi %scan3A_70, %scan3A_71 : i32
            %scan3A_73 = arith.constant 4 : i32
            %scan3A_74:2 = scf.for %scan3A_79 = %scan3A_70 to %scan3A_72 step %scan3A_73 iter_args(%scan3A_80 = %broadcast_in_dim3A_0, %scan3A_81 = %scan3A_68) -> (vector<16xf32>, vector<16xi32>)  : i32 {
              %gather3A = tpu.vector_load_idx %arg18[%scan3A_53, %scan3A_81] : memref<80x128xf32, #tpu.memory_space<vmem>>[vector<16xi32>, vector<16xi32>], vector<16xf32>,
              %gather3A_82 = tpu.vector_load_idx %arg17[%scan3A_53, %scan3A_81] : memref<80x128xf32, #tpu.memory_space<vmem>>[vector<16xi32>, vector<16xi32>], vector<16xf32>,
              %mul3A_83 = arith.mulf %gather3A, %gather3A_82 : vector<16xf32>
              %add3A_84 = arith.addf %scan3A_80, %mul3A_83 : vector<16xf32>
              %add3A_85 = arith.constant 1 : i32
              %add3A_86 = vector.broadcast %add3A_85 : i32 to vector<16xi32>
              %add3A_87 = arith.addi %scan3A_81, %add3A_86 : vector<16xi32>
              %scan3A_88 = arith.constant 1 : i32
              %scan3A_89 = arith.addi %scan3A_79, %scan3A_88 : i32
              %gather3A_90 = tpu.vector_load_idx %arg18[%scan3A_53, %add3A_87] : memref<80x128xf32, #tpu.memory_space<vmem>>[vector<16xi32>, vector<16xi32>], vector<16xf32>,
              %gather3A_91 = tpu.vector_load_idx %arg17[%scan3A_53, %add3A_87] : memref<80x128xf32, #tpu.memory_space<vmem>>[vector<16xi32>, vector<16xi32>], vector<16xf32>,
              %mul3A_92 = arith.mulf %gather3A_90, %gather3A_91 : vector<16xf32>
              %add3A_93 = arith.addf %add3A_84, %mul3A_92 : vector<16xf32>
              %add3A_94 = arith.constant 1 : i32
              %add3A_95 = vector.broadcast %add3A_94 : i32 to vector<16xi32>
              %add3A_96 = arith.addi %add3A_87, %add3A_95 : vector<16xi32>
              %scan3A_97 = arith.constant 2 : i32
              %scan3A_98 = arith.addi %scan3A_79, %scan3A_97 : i32
              %gather3A_99 = tpu.vector_load_idx %arg18[%scan3A_53, %add3A_96] : memref<80x128xf32, #tpu.memory_space<vmem>>[vector<16xi32>, vector<16xi32>], vector<16xf32>,
              %gather3A_100 = tpu.vector_load_idx %arg17[%scan3A_53, %add3A_96] : memref<80x128xf32, #tpu.memory_space<vmem>>[vector<16xi32>, vector<16xi32>], vector<16xf32>,
              %mul3A_101 = arith.mulf %gather3A_99, %gather3A_100 : vector<16xf32>
              %add3A_102 = arith.addf %add3A_93, %mul3A_101 : vector<16xf32>
              %add3A_103 = arith.constant 1 : i32
              %add3A_104 = vector.broadcast %add3A_103 : i32 to vector<16xi32>
              %add3A_105 = arith.addi %add3A_96, %add3A_104 : vector<16xi32>
              %scan3A_106 = arith.constant 3 : i32
              %scan3A_107 = arith.addi %scan3A_79, %scan3A_106 : i32
              %gather3A_108 = tpu.vector_load_idx %arg18[%scan3A_53, %add3A_105] : memref<80x128xf32, #tpu.memory_space<vmem>>[vector<16xi32>, vector<16xi32>], vector<16xf32>,
              %gather3A_109 = tpu.vector_load_idx %arg17[%scan3A_53, %add3A_105] : memref<80x128xf32, #tpu.memory_space<vmem>>[vector<16xi32>, vector<16xi32>], vector<16xf32>,
              %mul3A_110 = arith.mulf %gather3A_108, %gather3A_109 : vector<16xf32>
              %add3A_111 = arith.addf %add3A_102, %mul3A_110 : vector<16xf32>
              %add3A_112 = arith.constant 1 : i32
              %add3A_113 = vector.broadcast %add3A_112 : i32 to vector<16xi32>
              %add3A_114 = arith.addi %add3A_105, %add3A_113 : vector<16xi32>
              scf.yield %add3A_111, %add3A_114 : vector<16xf32>, vector<16xi32>
            }
            %scan3A_75 = arith.constant 32 : i32
            %exp3A = math.exp %scan3A_74#0 : vector<16xf32>
            tpu.vector_store_idx %arg19[%scan3A_53, %scan3A_69], %exp3A : memref<80x144xf32, #tpu.memory_space<vmem>>[vector<16xi32>, vector<16xi32>], vector<16xf32>,
            %add3A_76 = arith.constant 1 : i32
            %add3A_77 = vector.broadcast %add3A_76 : i32 to vector<16xi32>
            %add3A_78 = arith.addi %scan3A_69, %add3A_77 : vector<16xi32>
            scf.yield %scan3A_74#1, %add3A_78 : vector<16xi32>, vector<16xi32>
          }
          %scan3A_63 = arith.constant 4 : i32
          %add3A_64 = arith.constant 16 : i32
          %add3A_65 = vector.broadcast %add3A_64 : i32 to vector<16xi32>
          %add3A_66 = arith.addi %scan3A_53, %add3A_65 : vector<16xi32>
          scf.yield %add3A_66 : vector<16xi32>
        }
        %scan3A_45 = arith.constant 5 : i32
        "tpu.region"() ({
          %run_scoped3A = tpu.sem_alloc : memref<!tpu.dma_semaphore, #tpu.memory_space<semaphore_mem>>
          %dma_start3A = arith.constant 0 : i32
          %dma_start3A_52 = arith.constant 0 : i32
          %dma_start3A_53 = tpu.memref_slice %arg8[%dma_start3A, %dma_start3A_52] : memref<10000x128xf32, #tpu.memory_space<hbm>> -> memref<10000x128xf32, #tpu.memory_space<hbm>>
          tpu.enqueue_indirect_dma source(%dma_start3A_53 : memref<10000x128xf32, #tpu.memory_space<hbm>>) target(%arg17 : memref<80x128xf32, #tpu.memory_space<vmem>>) offsets(%arg15 : memref<80xi32, #tpu.memory_space<vmem>>) semaphore(%run_scoped3A : memref<!tpu.dma_semaphore, #tpu.memory_space<semaphore_mem>>)
          %dma_wait3A = arith.constant 0 : i32
          %dma_wait3A_54 = arith.constant 0 : i32
          %dma_wait3A_55 = tpu.memref_slice %arg8[%dma_wait3A, %dma_wait3A_54] : memref<10000x128xf32, #tpu.memory_space<hbm>> -> memref<10000x128xf32, #tpu.memory_space<hbm>>
          tpu.wait_indirect_dma semaphore(%run_scoped3A : memref<!tpu.dma_semaphore, #tpu.memory_space<semaphore_mem>>) src(%dma_wait3A_55 : memref<10000x128xf32, #tpu.memory_space<hbm>>) dst(%arg17 : memref<80x128xf32, #tpu.memory_space<vmem>>)
          tpu.yield
        }) : () -> ()
        %scan3A_46 = arith.constant 0 : i32
        %scan3A_47 = arith.constant 5 : i32
        %scan3A_48 = arith.addi %scan3A_46, %scan3A_47 : i32
        %scan3A_49 = arith.constant 1 : i32
        %scan3A_50 = scf.for %scan3A_52 = %scan3A_46 to %scan3A_48 step %scan3A_49 iter_args(%scan3A_53 = %iota3A) -> (vector<16xi32>)  : i32 {
          %broadcast_in_dim3A_54 = arith.constant 0 : i32
          %broadcast_in_dim3A_55 = vector.broadcast %broadcast_in_dim3A_54 : i32 to vector<16xi32>
          %broadcast_in_dim3A_56 = arith.constant 128 : i32
          %broadcast_in_dim3A_57 = vector.broadcast %broadcast_in_dim3A_56 : i32 to vector<16xi32>
          %scan3A_58 = arith.constant 0 : i32
          %scan3A_59 = arith.constant 4 : i32
          %scan3A_60 = arith.addi %scan3A_58, %scan3A_59 : i32
          %scan3A_61 = arith.constant 1 : i32
          %scan3A_62:2 = scf.for %scan3A_67 = %scan3A_58 to %scan3A_60 step %scan3A_61 iter_args(%scan3A_68 = %broadcast_in_dim3A_55, %scan3A_69 = %broadcast_in_dim3A_57) -> (vector<16xi32>, vector<16xi32>)  : i32 {
            %gather3A = tpu.vector_load_idx %arg19[%scan3A_53, %scan3A_69] : memref<80x144xf32, #tpu.memory_space<vmem>>[vector<16xi32>, vector<16xi32>], vector<16xf32>,
            %scan3A_70 = arith.constant 0 : i32
            %scan3A_71 = arith.constant 32 : i32
            %scan3A_72 = arith.addi %scan3A_70, %scan3A_71 : i32
            %scan3A_73 = arith.constant 4 : i32
            %scan3A_74 = scf.for %scan3A_79 = %scan3A_70 to %scan3A_72 step %scan3A_73 iter_args(%scan3A_80 = %scan3A_68) -> (vector<16xi32>)  : i32 {
              %gather3A_81 = tpu.vector_load_idx %arg17[%scan3A_53, %scan3A_80] : memref<80x128xf32, #tpu.memory_space<vmem>>[vector<16xi32>, vector<16xi32>], vector<16xf32>,
              %mul3A_82 = arith.mulf %gather3A_81, %gather3A : vector<16xf32>
              tpu.vector_store_idx %arg19[%scan3A_53, %scan3A_80], %mul3A_82 : memref<80x144xf32, #tpu.memory_space<vmem>>[vector<16xi32>, vector<16xi32>], vector<16xf32>,
              %add3A_83 = arith.constant 1 : i32
              %add3A_84 = vector.broadcast %add3A_83 : i32 to vector<16xi32>
              %add3A_85 = arith.addi %scan3A_80, %add3A_84 : vector<16xi32>
              %scan3A_86 = arith.constant 1 : i32
              %scan3A_87 = arith.addi %scan3A_79, %scan3A_86 : i32
              %gather3A_88 = tpu.vector_load_idx %arg17[%scan3A_53, %add3A_85] : memref<80x128xf32, #tpu.memory_space<vmem>>[vector<16xi32>, vector<16xi32>], vector<16xf32>,
              %mul3A_89 = arith.mulf %gather3A_88, %gather3A : vector<16xf32>
              tpu.vector_store_idx %arg19[%scan3A_53, %add3A_85], %mul3A_89 : memref<80x144xf32, #tpu.memory_space<vmem>>[vector<16xi32>, vector<16xi32>], vector<16xf32>,
              %add3A_90 = arith.constant 1 : i32
              %add3A_91 = vector.broadcast %add3A_90 : i32 to vector<16xi32>
              %add3A_92 = arith.addi %add3A_85, %add3A_91 : vector<16xi32>
              %scan3A_93 = arith.constant 2 : i32
              %scan3A_94 = arith.addi %scan3A_79, %scan3A_93 : i32
              %gather3A_95 = tpu.vector_load_idx %arg17[%scan3A_53, %add3A_92] : memref<80x128xf32, #tpu.memory_space<vmem>>[vector<16xi32>, vector<16xi32>], vector<16xf32>,
              %mul3A_96 = arith.mulf %gather3A_95, %gather3A : vector<16xf32>
              tpu.vector_store_idx %arg19[%scan3A_53, %add3A_92], %mul3A_96 : memref<80x144xf32, #tpu.memory_space<vmem>>[vector<16xi32>, vector<16xi32>], vector<16xf32>,
              %add3A_97 = arith.constant 1 : i32
              %add3A_98 = vector.broadcast %add3A_97 : i32 to vector<16xi32>
              %add3A_99 = arith.addi %add3A_92, %add3A_98 : vector<16xi32>
              %scan3A_100 = arith.constant 3 : i32
              %scan3A_101 = arith.addi %scan3A_79, %scan3A_100 : i32
              %gather3A_102 = tpu.vector_load_idx %arg17[%scan3A_53, %add3A_99] : memref<80x128xf32, #tpu.memory_space<vmem>>[vector<16xi32>, vector<16xi32>], vector<16xf32>,
              %mul3A_103 = arith.mulf %gather3A_102, %gather3A : vector<16xf32>
              tpu.vector_store_idx %arg19[%scan3A_53, %add3A_99], %mul3A_103 : memref<80x144xf32, #tpu.memory_space<vmem>>[vector<16xi32>, vector<16xi32>], vector<16xf32>,
              %add3A_104 = arith.constant 1 : i32
              %add3A_105 = vector.broadcast %add3A_104 : i32 to vector<16xi32>
              %add3A_106 = arith.addi %add3A_99, %add3A_105 : vector<16xi32>
              scf.yield %add3A_106 : vector<16xi32>
            }
            %scan3A_75 = arith.constant 32 : i32
            %add3A_76 = arith.constant 1 : i32
            %add3A_77 = vector.broadcast %add3A_76 : i32 to vector<16xi32>
            %add3A_78 = arith.addi %scan3A_69, %add3A_77 : vector<16xi32>
            scf.yield %scan3A_74, %add3A_78 : vector<16xi32>, vector<16xi32>
          }
          %scan3A_63 = arith.constant 4 : i32
          %add3A_64 = arith.constant 16 : i32
          %add3A_65 = vector.broadcast %add3A_64 : i32 to vector<16xi32>
          %add3A_66 = arith.addi %scan3A_53, %add3A_65 : vector<16xi32>
          scf.yield %add3A_66 : vector<16xi32>
        }
        %scan3A_51 = arith.constant 5 : i32
        "tpu.region"() ({
          %run_scoped3A = tpu.sem_alloc : memref<!tpu.dma_semaphore, #tpu.memory_space<semaphore_mem>>
          %dma_start3A = arith.constant 0 : i32
          %dma_start3A_52 = arith.constant 0 : i32
          %dma_start3A_53 = tpu.memref_slice %arg14[%dma_start3A, %dma_start3A_52] : memref<10000x144xf32, #tpu.memory_space<vmem_shared>> -> memref<10000x144xf32, #tpu.memory_space<vmem_shared>>
          tpu.enqueue_indirect_dma source(%arg19 : memref<80x144xf32, #tpu.memory_space<vmem>>) target(%dma_start3A_53 : memref<10000x144xf32, #tpu.memory_space<vmem_shared>>) offsets(%arg16 : memref<80xi32, #tpu.memory_space<vmem>>) semaphore(%run_scoped3A : memref<!tpu.dma_semaphore, #tpu.memory_space<semaphore_mem>>) {add = true}
          %dma_wait3A = arith.constant 0 : i32
          %dma_wait3A_54 = arith.constant 0 : i32
          %dma_wait3A_55 = tpu.memref_slice %arg14[%dma_wait3A, %dma_wait3A_54] : memref<10000x144xf32, #tpu.memory_space<vmem_shared>> -> memref<10000x144xf32, #tpu.memory_space<vmem_shared>>
          tpu.wait_indirect_dma semaphore(%run_scoped3A : memref<!tpu.dma_semaphore, #tpu.memory_space<semaphore_mem>>) src(%arg19 : memref<80x144xf32, #tpu.memory_space<vmem>>) dst(%dma_wait3A_55 : memref<10000x144xf32, #tpu.memory_space<vmem_shared>>)
          tpu.yield
        }) : () -> ()
      }
      %scan3A_35 = arith.constant 250 : i32
    } else {
    }
    %barrier3A_19 = arith.constant 0 : index
    tpu.barrier barrier_id(%barrier3A_19)
    %eq3A_20 = arith.constant 0 : i32
    %eq3A_21 = arith.cmpi eq, %arg0, %eq3A_20 : i32
    %convert_element_type3A_22 = arith.extui %eq3A_21 : i1 to i32
    %cond3A_23 = arith.constant 0 : i32
    %cond3A_24 = arith.cmpi ne, %convert_element_type3A_22, %cond3A_23 : i32
    scf.if %cond3A_24 {
      %scan3A_30 = arith.constant 0 : i32
      %scan3A_31 = arith.constant 0 : i32
      %scan3A_32 = arith.constant 40 : i32
      %scan3A_33 = arith.addi %scan3A_31, %scan3A_32 : i32
      %scan3A_34 = arith.constant 1 : i32
      scf.for %scan3A_36 = %scan3A_31 to %scan3A_33 step %scan3A_34  : i32 {
        %mul3A = arith.constant 625 : i32
        %mul3A_37 = arith.muli %mul3A, %arg1 : i32
        %mul3A_38 = arith.constant 16 : i32
        %mul3A_39 = arith.muli %mul3A_38, %scan3A_36 : i32
        %add3A = arith.addi %mul3A_37, %mul3A_39 : i32
        %jit3A = arith.constant 39 : i32
        %div3A = arith.divsi %scan3A_36, %jit3A : i32
        %sign3A = arith.constant 0 : i32
        %sign3A_40 = arith.cmpi sgt, %scan3A_36, %sign3A : i32
        %sign3A_41 = arith.extui %sign3A_40 : i1 to i32
        %sign3A_42 = arith.constant 0 : i32
        %sign3A_43 = arith.cmpi slt, %scan3A_36, %sign3A_42 : i32
        %sign3A_44 = arith.extui %sign3A_43 : i1 to i32
        %sign3A_45 = arith.subi %sign3A_41, %sign3A_44 : i32
        %sign3A_46 = arith.constant 0 : i32
        %sign3A_47 = arith.cmpi sgt, %jit3A, %sign3A_46 : i32
        %sign3A_48 = arith.extui %sign3A_47 : i1 to i32
        %sign3A_49 = arith.constant 0 : i32
        %sign3A_50 = arith.cmpi slt, %jit3A, %sign3A_49 : i32
        %sign3A_51 = arith.extui %sign3A_50 : i1 to i32
        %sign3A_52 = arith.subi %sign3A_48, %sign3A_51 : i32
        %ne3A = arith.cmpi ne, %sign3A_45, %sign3A_52 : i32
        %rem3A = arith.remsi %scan3A_36, %jit3A : i32
        %ne3A_53 = arith.constant 0 : i32
        %ne3A_54 = arith.cmpi ne, %rem3A, %ne3A_53 : i32
        %and3A = arith.andi %ne3A, %ne3A_54 : i1
        %sub3A = arith.constant 1 : i32
        %sub3A_55 = arith.subi %div3A, %sub3A : i32
        %select_n3A = arith.select %and3A, %sub3A_55, %div3A : i32
        %mul3A_56 = arith.constant 15 : i32
        %mul3A_57 = arith.muli %mul3A_56, %select_n3A : i32
        %sub3A_58 = arith.subi %add3A, %mul3A_57 : i32
        "tpu.region"() ({
          %run_scoped3A = tpu.sem_alloc : memref<!tpu.dma_semaphore, #tpu.memory_space<semaphore_mem>>
          %dma_start3A = arith.constant 0 : i32
          %dma_start3A_69 = arith.constant 0 : i32
          %dma_start3A_70 = tpu.memref_slice %arg19[%dma_start3A, %dma_start3A_69] : memref<80x144xf32, #tpu.memory_space<vmem>> -> memref<16x144xf32, #tpu.memory_space<vmem>>
          %dma_start3A_71 = arith.constant 0 : i32
          %dma_start3A_72 = tpu.memref_slice %arg14[%sub3A_58, %dma_start3A_71] : memref<10000x144xf32, #tpu.memory_space<vmem_shared>> -> memref<16x144xf32, #tpu.memory_space<vmem_shared>>
          %dma_start3A_73 = arith.constant 0 : i32
          %dma_start3A_74 = arith.constant 0 : i32
          %dma_start3A_75 = tpu.memref_slice %arg19[%dma_start3A_73, %dma_start3A_74] : memref<80x144xf32, #tpu.memory_space<vmem>> -> memref<16x144xf32, #tpu.memory_space<vmem>>
          %dma_start3A_76 = arith.constant 0 : i32
          %dma_start3A_77 = tpu.memref_slice %arg14[%sub3A_58, %dma_start3A_76] : memref<10000x144xf32, #tpu.memory_space<vmem_shared>> -> memref<16x144xf32, #tpu.memory_space<vmem_shared>>
          tpu.enqueue_dma source(%dma_start3A_77 : memref<16x144xf32, #tpu.memory_space<vmem_shared>>) target(%dma_start3A_75 : memref<16x144xf32, #tpu.memory_space<vmem>>) target_semaphore(%run_scoped3A : memref<!tpu.dma_semaphore, #tpu.memory_space<semaphore_mem>>)
          %dma_wait3A = arith.constant 0 : i32
          %dma_wait3A_78 = arith.constant 0 : i32
          %dma_wait3A_79 = tpu.memref_slice %arg19[%dma_wait3A, %dma_wait3A_78] : memref<80x144xf32, #tpu.memory_space<vmem>> -> memref<16x144xf32, #tpu.memory_space<vmem>>
          %dma_wait3A_80 = arith.constant 0 : i32
          %dma_wait3A_81 = tpu.memref_slice %arg14[%sub3A_58, %dma_wait3A_80] : memref<10000x144xf32, #tpu.memory_space<vmem_shared>> -> memref<16x144xf32, #tpu.memory_space<vmem_shared>>
          %dma_wait3A_82 = arith.constant 0 : i32
          %dma_wait3A_83 = arith.constant 0 : i32
          %dma_wait3A_84 = tpu.memref_slice %arg19[%dma_wait3A_82, %dma_wait3A_83] : memref<80x144xf32, #tpu.memory_space<vmem>> -> memref<16x144xf32, #tpu.memory_space<vmem>>
          %dma_wait3A_85 = arith.constant 0 : i32
          %dma_wait3A_86 = tpu.memref_slice %arg14[%sub3A_58, %dma_wait3A_85] : memref<10000x144xf32, #tpu.memory_space<vmem_shared>> -> memref<16x144xf32, #tpu.memory_space<vmem_shared>>
          tpu.wait_dma2 semaphore(%run_scoped3A : memref<!tpu.dma_semaphore, #tpu.memory_space<semaphore_mem>>) src(%dma_wait3A_86 : memref<16x144xf32, #tpu.memory_space<vmem_shared>>) dst(%dma_wait3A_84 : memref<16x144xf32, #tpu.memory_space<vmem>>)
          tpu.yield
        }) : () -> ()
        %broadcast_in_dim3A_59 = arith.constant 0 : i32
        %broadcast_in_dim3A_60 = vector.broadcast %broadcast_in_dim3A_59 : i32 to vector<16xi32>
        %broadcast_in_dim3A_61 = arith.constant 128 : i32
        %broadcast_in_dim3A_62 = vector.broadcast %broadcast_in_dim3A_61 : i32 to vector<16xi32>
        %scan3A_63 = arith.constant 0 : i32
        %scan3A_64 = arith.constant 4 : i32
        %scan3A_65 = arith.addi %scan3A_63, %scan3A_64 : i32
        %scan3A_66 = arith.constant 1 : i32
        %scan3A_67:2 = scf.for %scan3A_69 = %scan3A_63 to %scan3A_65 step %scan3A_66 iter_args(%scan3A_70 = %broadcast_in_dim3A_60, %scan3A_71 = %broadcast_in_dim3A_62) -> (vector<16xi32>, vector<16xi32>)  : i32 {
          %gather3A = tpu.vector_load_idx %arg19[%iota3A, %scan3A_71] : memref<80x144xf32, #tpu.memory_space<vmem>>[vector<16xi32>, vector<16xi32>], vector<16xf32>,
          %add3A_72 = arith.constant 1.000000e-16 : f32
          %add3A_73 = vector.broadcast %add3A_72 : f32 to vector<16xf32>
          %add3A_74 = arith.addf %gather3A, %add3A_73 : vector<16xf32>
          %div3A_75 = arith.constant 1.000000e+00 : f32
          %div3A_76 = vector.broadcast %div3A_75 : f32 to vector<16xf32>
          %div3A_77 = arith.divf %div3A_76, %add3A_74 : vector<16xf32>
          %scan3A_78 = arith.constant 0 : i32
          %scan3A_79 = arith.constant 32 : i32
          %scan3A_80 = arith.addi %scan3A_78, %scan3A_79 : i32
          %scan3A_81 = arith.constant 4 : i32
          %scan3A_82 = scf.for %scan3A_87 = %scan3A_78 to %scan3A_80 step %scan3A_81 iter_args(%scan3A_88 = %scan3A_70) -> (vector<16xi32>)  : i32 {
            %gather3A_89 = tpu.vector_load_idx %arg19[%iota3A, %scan3A_88] : memref<80x144xf32, #tpu.memory_space<vmem>>[vector<16xi32>, vector<16xi32>], vector<16xf32>,
            %mul3A_90 = arith.mulf %gather3A_89, %div3A_77 : vector<16xf32>
            tpu.vector_store_idx %arg18[%iota3A, %scan3A_88], %mul3A_90 : memref<80x128xf32, #tpu.memory_space<vmem>>[vector<16xi32>, vector<16xi32>], vector<16xf32>,
            %add3A_91 = arith.constant 1 : i32
            %add3A_92 = vector.broadcast %add3A_91 : i32 to vector<16xi32>
            %add3A_93 = arith.addi %scan3A_88, %add3A_92 : vector<16xi32>
            %scan3A_94 = arith.constant 1 : i32
            %scan3A_95 = arith.addi %scan3A_87, %scan3A_94 : i32
            %gather3A_96 = tpu.vector_load_idx %arg19[%iota3A, %add3A_93] : memref<80x144xf32, #tpu.memory_space<vmem>>[vector<16xi32>, vector<16xi32>], vector<16xf32>,
            %mul3A_97 = arith.mulf %gather3A_96, %div3A_77 : vector<16xf32>
            tpu.vector_store_idx %arg18[%iota3A, %add3A_93], %mul3A_97 : memref<80x128xf32, #tpu.memory_space<vmem>>[vector<16xi32>, vector<16xi32>], vector<16xf32>,
            %add3A_98 = arith.constant 1 : i32
            %add3A_99 = vector.broadcast %add3A_98 : i32 to vector<16xi32>
            %add3A_100 = arith.addi %add3A_93, %add3A_99 : vector<16xi32>
            %scan3A_101 = arith.constant 2 : i32
            %scan3A_102 = arith.addi %scan3A_87, %scan3A_101 : i32
            %gather3A_103 = tpu.vector_load_idx %arg19[%iota3A, %add3A_100] : memref<80x144xf32, #tpu.memory_space<vmem>>[vector<16xi32>, vector<16xi32>], vector<16xf32>,
            %mul3A_104 = arith.mulf %gather3A_103, %div3A_77 : vector<16xf32>
            tpu.vector_store_idx %arg18[%iota3A, %add3A_100], %mul3A_104 : memref<80x128xf32, #tpu.memory_space<vmem>>[vector<16xi32>, vector<16xi32>], vector<16xf32>,
            %add3A_105 = arith.constant 1 : i32
            %add3A_106 = vector.broadcast %add3A_105 : i32 to vector<16xi32>
            %add3A_107 = arith.addi %add3A_100, %add3A_106 : vector<16xi32>
            %scan3A_108 = arith.constant 3 : i32
            %scan3A_109 = arith.addi %scan3A_87, %scan3A_108 : i32
            %gather3A_110 = tpu.vector_load_idx %arg19[%iota3A, %add3A_107] : memref<80x144xf32, #tpu.memory_space<vmem>>[vector<16xi32>, vector<16xi32>], vector<16xf32>,
            %mul3A_111 = arith.mulf %gather3A_110, %div3A_77 : vector<16xf32>
            tpu.vector_store_idx %arg18[%iota3A, %add3A_107], %mul3A_111 : memref<80x128xf32, #tpu.memory_space<vmem>>[vector<16xi32>, vector<16xi32>], vector<16xf32>,
            %add3A_112 = arith.constant 1 : i32
            %add3A_113 = vector.broadcast %add3A_112 : i32 to vector<16xi32>
            %add3A_114 = arith.addi %add3A_107, %add3A_113 : vector<16xi32>
            scf.yield %add3A_114 : vector<16xi32>
          }
          %scan3A_83 = arith.constant 32 : i32
          %add3A_84 = arith.constant 1 : i32
          %add3A_85 = vector.broadcast %add3A_84 : i32 to vector<16xi32>
          %add3A_86 = arith.addi %scan3A_71, %add3A_85 : vector<16xi32>
          scf.yield %scan3A_82, %add3A_86 : vector<16xi32>, vector<16xi32>
        }
        %scan3A_68 = arith.constant 4 : i32
        "tpu.region"() ({
          %run_scoped3A = tpu.sem_alloc : memref<!tpu.dma_semaphore, #tpu.memory_space<semaphore_mem>>
          %dma_start3A = arith.constant 0 : i32
          %dma_start3A_69 = arith.constant 0 : i32
          %dma_start3A_70 = tpu.memref_slice %arg18[%dma_start3A, %dma_start3A_69] : memref<80x128xf32, #tpu.memory_space<vmem>> -> memref<16x128xf32, #tpu.memory_space<vmem>>
          %dma_start3A_71 = arith.constant 0 : i32
          %dma_start3A_72 = tpu.memref_slice %arg12[%sub3A_58, %dma_start3A_71] : memref<10000x128xf32, #tpu.memory_space<hbm>> -> memref<16x128xf32, #tpu.memory_space<hbm>>
          %dma_start3A_73 = arith.constant 0 : i32
          %dma_start3A_74 = tpu.memref_slice %arg12[%sub3A_58, %dma_start3A_73] : memref<10000x128xf32, #tpu.memory_space<hbm>> -> memref<16x128xf32, #tpu.memory_space<hbm>>
          %dma_start3A_75 = arith.constant 0 : i32
          %dma_start3A_76 = arith.constant 0 : i32
          %dma_start3A_77 = tpu.memref_slice %arg18[%dma_start3A_75, %dma_start3A_76] : memref<80x128xf32, #tpu.memory_space<vmem>> -> memref<16x128xf32, #tpu.memory_space<vmem>>
          tpu.enqueue_dma source(%dma_start3A_77 : memref<16x128xf32, #tpu.memory_space<vmem>>) target(%dma_start3A_74 : memref<16x128xf32, #tpu.memory_space<hbm>>) target_semaphore(%run_scoped3A : memref<!tpu.dma_semaphore, #tpu.memory_space<semaphore_mem>>)
          %dma_wait3A = arith.constant 0 : i32
          %dma_wait3A_78 = arith.constant 0 : i32
          %dma_wait3A_79 = tpu.memref_slice %arg18[%dma_wait3A, %dma_wait3A_78] : memref<80x128xf32, #tpu.memory_space<vmem>> -> memref<16x128xf32, #tpu.memory_space<vmem>>
          %dma_wait3A_80 = arith.constant 0 : i32
          %dma_wait3A_81 = tpu.memref_slice %arg12[%sub3A_58, %dma_wait3A_80] : memref<10000x128xf32, #tpu.memory_space<hbm>> -> memref<16x128xf32, #tpu.memory_space<hbm>>
          %dma_wait3A_82 = arith.constant 0 : i32
          %dma_wait3A_83 = tpu.memref_slice %arg12[%sub3A_58, %dma_wait3A_82] : memref<10000x128xf32, #tpu.memory_space<hbm>> -> memref<16x128xf32, #tpu.memory_space<hbm>>
          %dma_wait3A_84 = arith.constant 0 : i32
          %dma_wait3A_85 = arith.constant 0 : i32
          %dma_wait3A_86 = tpu.memref_slice %arg18[%dma_wait3A_84, %dma_wait3A_85] : memref<80x128xf32, #tpu.memory_space<vmem>> -> memref<16x128xf32, #tpu.memory_space<vmem>>
          tpu.wait_dma2 semaphore(%run_scoped3A : memref<!tpu.dma_semaphore, #tpu.memory_space<semaphore_mem>>) src(%dma_wait3A_86 : memref<16x128xf32, #tpu.memory_space<vmem>>) dst(%dma_wait3A_83 : memref<16x128xf32, #tpu.memory_space<hbm>>)
          tpu.yield
        }) : () -> ()
      }
      %scan3A_35 = arith.constant 40 : i32
    } else {
    }
    %eq3A_25 = arith.constant 1 : i32
    %eq3A_26 = arith.cmpi eq, %arg0, %eq3A_25 : i32
    %convert_element_type3A_27 = arith.extui %eq3A_26 : i1 to i32
    %cond3A_28 = arith.constant 0 : i32
    %cond3A_29 = arith.cmpi ne, %convert_element_type3A_27, %cond3A_28 : i32
    scf.if %cond3A_29 {
      %scan3A_30 = arith.constant 0 : i32
      %scan3A_31 = arith.constant 0 : i32
      %scan3A_32 = arith.constant 40 : i32
      %scan3A_33 = arith.addi %scan3A_31, %scan3A_32 : i32
      %scan3A_34 = arith.constant 1 : i32
      scf.for %scan3A_36 = %scan3A_31 to %scan3A_33 step %scan3A_34  : i32 {
        %mul3A = arith.constant 625 : i32
        %mul3A_37 = arith.muli %mul3A, %arg1 : i32
        %mul3A_38 = arith.constant 16 : i32
        %mul3A_39 = arith.muli %mul3A_38, %scan3A_36 : i32
        %add3A = arith.addi %mul3A_37, %mul3A_39 : i32
        %jit3A = arith.constant 39 : i32
        %div3A = arith.divsi %scan3A_36, %jit3A : i32
        %sign3A = arith.constant 0 : i32
        %sign3A_40 = arith.cmpi sgt, %scan3A_36, %sign3A : i32
        %sign3A_41 = arith.extui %sign3A_40 : i1 to i32
        %sign3A_42 = arith.constant 0 : i32
        %sign3A_43 = arith.cmpi slt, %scan3A_36, %sign3A_42 : i32
        %sign3A_44 = arith.extui %sign3A_43 : i1 to i32
        %sign3A_45 = arith.subi %sign3A_41, %sign3A_44 : i32
        %sign3A_46 = arith.constant 0 : i32
        %sign3A_47 = arith.cmpi sgt, %jit3A, %sign3A_46 : i32
        %sign3A_48 = arith.extui %sign3A_47 : i1 to i32
        %sign3A_49 = arith.constant 0 : i32
        %sign3A_50 = arith.cmpi slt, %jit3A, %sign3A_49 : i32
        %sign3A_51 = arith.extui %sign3A_50 : i1 to i32
        %sign3A_52 = arith.subi %sign3A_48, %sign3A_51 : i32
        %ne3A = arith.cmpi ne, %sign3A_45, %sign3A_52 : i32
        %rem3A = arith.remsi %scan3A_36, %jit3A : i32
        %ne3A_53 = arith.constant 0 : i32
        %ne3A_54 = arith.cmpi ne, %rem3A, %ne3A_53 : i32
        %and3A = arith.andi %ne3A, %ne3A_54 : i1
        %sub3A = arith.constant 1 : i32
        %sub3A_55 = arith.subi %div3A, %sub3A : i32
        %select_n3A = arith.select %and3A, %sub3A_55, %div3A : i32
        %mul3A_56 = arith.constant 15 : i32
        %mul3A_57 = arith.muli %mul3A_56, %select_n3A : i32
        %sub3A_58 = arith.subi %add3A, %mul3A_57 : i32
        "tpu.region"() ({
          %run_scoped3A = tpu.sem_alloc : memref<!tpu.dma_semaphore, #tpu.memory_space<semaphore_mem>>
          %dma_start3A = arith.constant 0 : i32
          %dma_start3A_69 = arith.constant 0 : i32
          %dma_start3A_70 = tpu.memref_slice %arg19[%dma_start3A, %dma_start3A_69] : memref<80x144xf32, #tpu.memory_space<vmem>> -> memref<16x144xf32, #tpu.memory_space<vmem>>
          %dma_start3A_71 = arith.constant 0 : i32
          %dma_start3A_72 = tpu.memref_slice %arg14[%sub3A_58, %dma_start3A_71] : memref<10000x144xf32, #tpu.memory_space<vmem_shared>> -> memref<16x144xf32, #tpu.memory_space<vmem_shared>>
          %dma_start3A_73 = arith.constant 0 : i32
          %dma_start3A_74 = arith.constant 0 : i32
          %dma_start3A_75 = tpu.memref_slice %arg19[%dma_start3A_73, %dma_start3A_74] : memref<80x144xf32, #tpu.memory_space<vmem>> -> memref<16x144xf32, #tpu.memory_space<vmem>>
          %dma_start3A_76 = arith.constant 0 : i32
          %dma_start3A_77 = tpu.memref_slice %arg14[%sub3A_58, %dma_start3A_76] : memref<10000x144xf32, #tpu.memory_space<vmem_shared>> -> memref<16x144xf32, #tpu.memory_space<vmem_shared>>
          tpu.enqueue_dma source(%dma_start3A_77 : memref<16x144xf32, #tpu.memory_space<vmem_shared>>) target(%dma_start3A_75 : memref<16x144xf32, #tpu.memory_space<vmem>>) target_semaphore(%run_scoped3A : memref<!tpu.dma_semaphore, #tpu.memory_space<semaphore_mem>>)
          %dma_wait3A = arith.constant 0 : i32
          %dma_wait3A_78 = arith.constant 0 : i32
          %dma_wait3A_79 = tpu.memref_slice %arg19[%dma_wait3A, %dma_wait3A_78] : memref<80x144xf32, #tpu.memory_space<vmem>> -> memref<16x144xf32, #tpu.memory_space<vmem>>
          %dma_wait3A_80 = arith.constant 0 : i32
          %dma_wait3A_81 = tpu.memref_slice %arg14[%sub3A_58, %dma_wait3A_80] : memref<10000x144xf32, #tpu.memory_space<vmem_shared>> -> memref<16x144xf32, #tpu.memory_space<vmem_shared>>
          %dma_wait3A_82 = arith.constant 0 : i32
          %dma_wait3A_83 = arith.constant 0 : i32
          %dma_wait3A_84 = tpu.memref_slice %arg19[%dma_wait3A_82, %dma_wait3A_83] : memref<80x144xf32, #tpu.memory_space<vmem>> -> memref<16x144xf32, #tpu.memory_space<vmem>>
          %dma_wait3A_85 = arith.constant 0 : i32
          %dma_wait3A_86 = tpu.memref_slice %arg14[%sub3A_58, %dma_wait3A_85] : memref<10000x144xf32, #tpu.memory_space<vmem_shared>> -> memref<16x144xf32, #tpu.memory_space<vmem_shared>>
          tpu.wait_dma2 semaphore(%run_scoped3A : memref<!tpu.dma_semaphore, #tpu.memory_space<semaphore_mem>>) src(%dma_wait3A_86 : memref<16x144xf32, #tpu.memory_space<vmem_shared>>) dst(%dma_wait3A_84 : memref<16x144xf32, #tpu.memory_space<vmem>>)
          tpu.yield
        }) : () -> ()
        %broadcast_in_dim3A_59 = arith.constant 0 : i32
        %broadcast_in_dim3A_60 = vector.broadcast %broadcast_in_dim3A_59 : i32 to vector<16xi32>
        %broadcast_in_dim3A_61 = arith.constant 128 : i32
        %broadcast_in_dim3A_62 = vector.broadcast %broadcast_in_dim3A_61 : i32 to vector<16xi32>
        %scan3A_63 = arith.constant 0 : i32
        %scan3A_64 = arith.constant 4 : i32
        %scan3A_65 = arith.addi %scan3A_63, %scan3A_64 : i32
        %scan3A_66 = arith.constant 1 : i32
        %scan3A_67:2 = scf.for %scan3A_69 = %scan3A_63 to %scan3A_65 step %scan3A_66 iter_args(%scan3A_70 = %broadcast_in_dim3A_60, %scan3A_71 = %broadcast_in_dim3A_62) -> (vector<16xi32>, vector<16xi32>)  : i32 {
          %gather3A = tpu.vector_load_idx %arg19[%iota3A, %scan3A_71] : memref<80x144xf32, #tpu.memory_space<vmem>>[vector<16xi32>, vector<16xi32>], vector<16xf32>,
          %add3A_72 = arith.constant 1.000000e-16 : f32
          %add3A_73 = vector.broadcast %add3A_72 : f32 to vector<16xf32>
          %add3A_74 = arith.addf %gather3A, %add3A_73 : vector<16xf32>
          %div3A_75 = arith.constant 1.000000e+00 : f32
          %div3A_76 = vector.broadcast %div3A_75 : f32 to vector<16xf32>
          %div3A_77 = arith.divf %div3A_76, %add3A_74 : vector<16xf32>
          %scan3A_78 = arith.constant 0 : i32
          %scan3A_79 = arith.constant 32 : i32
          %scan3A_80 = arith.addi %scan3A_78, %scan3A_79 : i32
          %scan3A_81 = arith.constant 4 : i32
          %scan3A_82 = scf.for %scan3A_87 = %scan3A_78 to %scan3A_80 step %scan3A_81 iter_args(%scan3A_88 = %scan3A_70) -> (vector<16xi32>)  : i32 {
            %gather3A_89 = tpu.vector_load_idx %arg19[%iota3A, %scan3A_88] : memref<80x144xf32, #tpu.memory_space<vmem>>[vector<16xi32>, vector<16xi32>], vector<16xf32>,
            %mul3A_90 = arith.mulf %gather3A_89, %div3A_77 : vector<16xf32>
            tpu.vector_store_idx %arg18[%iota3A, %scan3A_88], %mul3A_90 : memref<80x128xf32, #tpu.memory_space<vmem>>[vector<16xi32>, vector<16xi32>], vector<16xf32>,
            %add3A_91 = arith.constant 1 : i32
            %add3A_92 = vector.broadcast %add3A_91 : i32 to vector<16xi32>
            %add3A_93 = arith.addi %scan3A_88, %add3A_92 : vector<16xi32>
            %scan3A_94 = arith.constant 1 : i32
            %scan3A_95 = arith.addi %scan3A_87, %scan3A_94 : i32
            %gather3A_96 = tpu.vector_load_idx %arg19[%iota3A, %add3A_93] : memref<80x144xf32, #tpu.memory_space<vmem>>[vector<16xi32>, vector<16xi32>], vector<16xf32>,
            %mul3A_97 = arith.mulf %gather3A_96, %div3A_77 : vector<16xf32>
            tpu.vector_store_idx %arg18[%iota3A, %add3A_93], %mul3A_97 : memref<80x128xf32, #tpu.memory_space<vmem>>[vector<16xi32>, vector<16xi32>], vector<16xf32>,
            %add3A_98 = arith.constant 1 : i32
            %add3A_99 = vector.broadcast %add3A_98 : i32 to vector<16xi32>
            %add3A_100 = arith.addi %add3A_93, %add3A_99 : vector<16xi32>
            %scan3A_101 = arith.constant 2 : i32
            %scan3A_102 = arith.addi %scan3A_87, %scan3A_101 : i32
            %gather3A_103 = tpu.vector_load_idx %arg19[%iota3A, %add3A_100] : memref<80x144xf32, #tpu.memory_space<vmem>>[vector<16xi32>, vector<16xi32>], vector<16xf32>,
            %mul3A_104 = arith.mulf %gather3A_103, %div3A_77 : vector<16xf32>
            tpu.vector_store_idx %arg18[%iota3A, %add3A_100], %mul3A_104 : memref<80x128xf32, #tpu.memory_space<vmem>>[vector<16xi32>, vector<16xi32>], vector<16xf32>,
            %add3A_105 = arith.constant 1 : i32
            %add3A_106 = vector.broadcast %add3A_105 : i32 to vector<16xi32>
            %add3A_107 = arith.addi %add3A_100, %add3A_106 : vector<16xi32>
            %scan3A_108 = arith.constant 3 : i32
            %scan3A_109 = arith.addi %scan3A_87, %scan3A_108 : i32
            %gather3A_110 = tpu.vector_load_idx %arg19[%iota3A, %add3A_107] : memref<80x144xf32, #tpu.memory_space<vmem>>[vector<16xi32>, vector<16xi32>], vector<16xf32>,
            %mul3A_111 = arith.mulf %gather3A_110, %div3A_77 : vector<16xf32>
            tpu.vector_store_idx %arg18[%iota3A, %add3A_107], %mul3A_111 : memref<80x128xf32, #tpu.memory_space<vmem>>[vector<16xi32>, vector<16xi32>], vector<16xf32>,
            %add3A_112 = arith.constant 1 : i32
            %add3A_113 = vector.broadcast %add3A_112 : i32 to vector<16xi32>
            %add3A_114 = arith.addi %add3A_107, %add3A_113 : vector<16xi32>
            scf.yield %add3A_114 : vector<16xi32>
          }
          %scan3A_83 = arith.constant 32 : i32
          %add3A_84 = arith.constant 1 : i32
          %add3A_85 = vector.broadcast %add3A_84 : i32 to vector<16xi32>
          %add3A_86 = arith.addi %scan3A_71, %add3A_85 : vector<16xi32>
          scf.yield %scan3A_82, %add3A_86 : vector<16xi32>, vector<16xi32>
        }
        %scan3A_68 = arith.constant 4 : i32
        "tpu.region"() ({
          %run_scoped3A = tpu.sem_alloc : memref<!tpu.dma_semaphore, #tpu.memory_space<semaphore_mem>>
          %dma_start3A = arith.constant 0 : i32
          %dma_start3A_69 = arith.constant 0 : i32
          %dma_start3A_70 = tpu.memref_slice %arg18[%dma_start3A, %dma_start3A_69] : memref<80x128xf32, #tpu.memory_space<vmem>> -> memref<16x128xf32, #tpu.memory_space<vmem>>
          %dma_start3A_71 = arith.constant 0 : i32
          %dma_start3A_72 = tpu.memref_slice %arg13[%sub3A_58, %dma_start3A_71] : memref<10000x128xf32, #tpu.memory_space<hbm>> -> memref<16x128xf32, #tpu.memory_space<hbm>>
          %dma_start3A_73 = arith.constant 0 : i32
          %dma_start3A_74 = tpu.memref_slice %arg13[%sub3A_58, %dma_start3A_73] : memref<10000x128xf32, #tpu.memory_space<hbm>> -> memref<16x128xf32, #tpu.memory_space<hbm>>
          %dma_start3A_75 = arith.constant 0 : i32
          %dma_start3A_76 = arith.constant 0 : i32
          %dma_start3A_77 = tpu.memref_slice %arg18[%dma_start3A_75, %dma_start3A_76] : memref<80x128xf32, #tpu.memory_space<vmem>> -> memref<16x128xf32, #tpu.memory_space<vmem>>
          tpu.enqueue_dma source(%dma_start3A_77 : memref<16x128xf32, #tpu.memory_space<vmem>>) target(%dma_start3A_74 : memref<16x128xf32, #tpu.memory_space<hbm>>) target_semaphore(%run_scoped3A : memref<!tpu.dma_semaphore, #tpu.memory_space<semaphore_mem>>)
          %dma_wait3A = arith.constant 0 : i32
          %dma_wait3A_78 = arith.constant 0 : i32
          %dma_wait3A_79 = tpu.memref_slice %arg18[%dma_wait3A, %dma_wait3A_78] : memref<80x128xf32, #tpu.memory_space<vmem>> -> memref<16x128xf32, #tpu.memory_space<vmem>>
          %dma_wait3A_80 = arith.constant 0 : i32
          %dma_wait3A_81 = tpu.memref_slice %arg13[%sub3A_58, %dma_wait3A_80] : memref<10000x128xf32, #tpu.memory_space<hbm>> -> memref<16x128xf32, #tpu.memory_space<hbm>>
          %dma_wait3A_82 = arith.constant 0 : i32
          %dma_wait3A_83 = tpu.memref_slice %arg13[%sub3A_58, %dma_wait3A_82] : memref<10000x128xf32, #tpu.memory_space<hbm>> -> memref<16x128xf32, #tpu.memory_space<hbm>>
          %dma_wait3A_84 = arith.constant 0 : i32
          %dma_wait3A_85 = arith.constant 0 : i32
          %dma_wait3A_86 = tpu.memref_slice %arg18[%dma_wait3A_84, %dma_wait3A_85] : memref<80x128xf32, #tpu.memory_space<vmem>> -> memref<16x128xf32, #tpu.memory_space<vmem>>
          tpu.wait_dma2 semaphore(%run_scoped3A : memref<!tpu.dma_semaphore, #tpu.memory_space<semaphore_mem>>) src(%dma_wait3A_86 : memref<16x128xf32, #tpu.memory_space<vmem>>) dst(%dma_wait3A_83 : memref<16x128xf32, #tpu.memory_space<hbm>>)
          tpu.yield
        }) : () -> ()
      }
      %scan3A_35 = arith.constant 40 : i32
    } else {
    }
    return
  }
}

#map = affine_map<(d0, d1) -> (0, 0)>
#map1 = affine_map<(d0, d1) -> (0)>
module attributes {stable_mosaic.version = 14 : i64} {
  func.func @_sc_decode_body(%arg0: i32, %arg1: i32, %arg2: memref<10000x128xf32, #tpu.memory_space<hbm>>, %arg3: memref<10000x128xf32, #tpu.memory_space<hbm>>, %arg4: memref<4096xi32, #tpu.memory_space<hbm>>, %arg5: memref<4096xi32, #tpu.memory_space<hbm>>, %arg6: memref<4096xf32, #tpu.memory_space<hbm>>, %arg7: memref<128xi32, #tpu.memory_space<vmem>>, %arg8: memref<128xi32, #tpu.memory_space<vmem>>, %arg9: memref<128x128xf32, #tpu.memory_space<vmem>>, %arg10: memref<128x128xf32, #tpu.memory_space<vmem>>, %arg11: memref<128xf32, #tpu.memory_space<vmem>>) attributes {dimension_semantics = [#tpu.dimension_semantics<core_parallel>, #tpu.dimension_semantics<subcore_parallel>], iteration_bounds = array<i64: 2, 16>, scalar_prefetch = 0 : i64, scratch_operands = 5 : i64, tpu.core_type = #tpu.core_type<sc_vector_subcore>, window_params = [{transform_indices = #map}, {transform_indices = #map}, {transform_indices = #map1}, {transform_indices = #map1}, {transform_indices = #map1}]} {
    %iota3A = tpu.iota {dimensions = array<i32: 0>} : vector<16xi32>
    %mul3A = arith.constant 16 : i32
    %mul3A_0 = arith.muli %arg0, %mul3A : i32
    %add3A = arith.addi %mul3A_0, %arg1 : i32
    %mul3A_1 = arith.constant 128 : i32
    %mul3A_2 = arith.muli %add3A, %mul3A_1 : i32
    "tpu.region"() ({
      %run_scoped3A = tpu.sem_alloc : memref<!tpu.dma_semaphore, #tpu.memory_space<semaphore_mem>>
      %dma_start3A = tpu.memref_slice %arg4[%mul3A_2] : memref<4096xi32, #tpu.memory_space<hbm>> -> memref<128xi32, #tpu.memory_space<hbm>>
      %dma_start3A_152 = tpu.memref_slice %arg4[%mul3A_2] : memref<4096xi32, #tpu.memory_space<hbm>> -> memref<128xi32, #tpu.memory_space<hbm>>
      tpu.enqueue_dma source(%dma_start3A_152 : memref<128xi32, #tpu.memory_space<hbm>>) target(%arg7 : memref<128xi32, #tpu.memory_space<vmem>>) target_semaphore(%run_scoped3A : memref<!tpu.dma_semaphore, #tpu.memory_space<semaphore_mem>>)
      %dma_wait3A = tpu.memref_slice %arg4[%mul3A_2] : memref<4096xi32, #tpu.memory_space<hbm>> -> memref<128xi32, #tpu.memory_space<hbm>>
      %dma_wait3A_153 = tpu.memref_slice %arg4[%mul3A_2] : memref<4096xi32, #tpu.memory_space<hbm>> -> memref<128xi32, #tpu.memory_space<hbm>>
      tpu.wait_dma2 semaphore(%run_scoped3A : memref<!tpu.dma_semaphore, #tpu.memory_space<semaphore_mem>>) src(%dma_wait3A_153 : memref<128xi32, #tpu.memory_space<hbm>>) dst(%arg7 : memref<128xi32, #tpu.memory_space<vmem>>)
      tpu.yield
    }) : () -> ()
    "tpu.region"() ({
      %run_scoped3A = tpu.sem_alloc : memref<!tpu.dma_semaphore, #tpu.memory_space<semaphore_mem>>
      %dma_start3A = tpu.memref_slice %arg5[%mul3A_2] : memref<4096xi32, #tpu.memory_space<hbm>> -> memref<128xi32, #tpu.memory_space<hbm>>
      %dma_start3A_152 = tpu.memref_slice %arg5[%mul3A_2] : memref<4096xi32, #tpu.memory_space<hbm>> -> memref<128xi32, #tpu.memory_space<hbm>>
      tpu.enqueue_dma source(%dma_start3A_152 : memref<128xi32, #tpu.memory_space<hbm>>) target(%arg8 : memref<128xi32, #tpu.memory_space<vmem>>) target_semaphore(%run_scoped3A : memref<!tpu.dma_semaphore, #tpu.memory_space<semaphore_mem>>)
      %dma_wait3A = tpu.memref_slice %arg5[%mul3A_2] : memref<4096xi32, #tpu.memory_space<hbm>> -> memref<128xi32, #tpu.memory_space<hbm>>
      %dma_wait3A_153 = tpu.memref_slice %arg5[%mul3A_2] : memref<4096xi32, #tpu.memory_space<hbm>> -> memref<128xi32, #tpu.memory_space<hbm>>
      tpu.wait_dma2 semaphore(%run_scoped3A : memref<!tpu.dma_semaphore, #tpu.memory_space<semaphore_mem>>) src(%dma_wait3A_153 : memref<128xi32, #tpu.memory_space<hbm>>) dst(%arg8 : memref<128xi32, #tpu.memory_space<vmem>>)
      tpu.yield
    }) : () -> ()
    "tpu.region"() ({
      %run_scoped3A = tpu.sem_alloc : memref<!tpu.dma_semaphore, #tpu.memory_space<semaphore_mem>>
      %dma_start3A = arith.constant 0 : i32
      %dma_start3A_152 = arith.constant 0 : i32
      %dma_start3A_153 = tpu.memref_slice %arg2[%dma_start3A, %dma_start3A_152] : memref<10000x128xf32, #tpu.memory_space<hbm>> -> memref<10000x128xf32, #tpu.memory_space<hbm>>
      tpu.enqueue_indirect_dma source(%dma_start3A_153 : memref<10000x128xf32, #tpu.memory_space<hbm>>) target(%arg9 : memref<128x128xf32, #tpu.memory_space<vmem>>) offsets(%arg7 : memref<128xi32, #tpu.memory_space<vmem>>) semaphore(%run_scoped3A : memref<!tpu.dma_semaphore, #tpu.memory_space<semaphore_mem>>)
      %dma_wait3A = arith.constant 0 : i32
      %dma_wait3A_154 = arith.constant 0 : i32
      %dma_wait3A_155 = tpu.memref_slice %arg2[%dma_wait3A, %dma_wait3A_154] : memref<10000x128xf32, #tpu.memory_space<hbm>> -> memref<10000x128xf32, #tpu.memory_space<hbm>>
      tpu.wait_indirect_dma semaphore(%run_scoped3A : memref<!tpu.dma_semaphore, #tpu.memory_space<semaphore_mem>>) src(%dma_wait3A_155 : memref<10000x128xf32, #tpu.memory_space<hbm>>) dst(%arg9 : memref<128x128xf32, #tpu.memory_space<vmem>>)
      tpu.yield
    }) : () -> ()
    "tpu.region"() ({
      %run_scoped3A = tpu.sem_alloc : memref<!tpu.dma_semaphore, #tpu.memory_space<semaphore_mem>>
      %dma_start3A = arith.constant 0 : i32
      %dma_start3A_152 = arith.constant 0 : i32
      %dma_start3A_153 = tpu.memref_slice %arg3[%dma_start3A, %dma_start3A_152] : memref<10000x128xf32, #tpu.memory_space<hbm>> -> memref<10000x128xf32, #tpu.memory_space<hbm>>
      tpu.enqueue_indirect_dma source(%dma_start3A_153 : memref<10000x128xf32, #tpu.memory_space<hbm>>) target(%arg10 : memref<128x128xf32, #tpu.memory_space<vmem>>) offsets(%arg8 : memref<128xi32, #tpu.memory_space<vmem>>) semaphore(%run_scoped3A : memref<!tpu.dma_semaphore, #tpu.memory_space<semaphore_mem>>)
      %dma_wait3A = arith.constant 0 : i32
      %dma_wait3A_154 = arith.constant 0 : i32
      %dma_wait3A_155 = tpu.memref_slice %arg3[%dma_wait3A, %dma_wait3A_154] : memref<10000x128xf32, #tpu.memory_space<hbm>> -> memref<10000x128xf32, #tpu.memory_space<hbm>>
      tpu.wait_indirect_dma semaphore(%run_scoped3A : memref<!tpu.dma_semaphore, #tpu.memory_space<semaphore_mem>>) src(%dma_wait3A_155 : memref<10000x128xf32, #tpu.memory_space<hbm>>) dst(%arg10 : memref<128x128xf32, #tpu.memory_space<vmem>>)
      tpu.yield
    }) : () -> ()
    %broadcast_in_dim3A = arith.constant 0.000000e+00 : f32
    %broadcast_in_dim3A_3 = vector.broadcast %broadcast_in_dim3A : f32 to vector<16xf32>
    %add3A_4 = arith.constant 0 : i32
    %add3A_5 = vector.broadcast %add3A_4 : i32 to vector<16xi32>
    %add3A_6 = arith.addi %iota3A, %add3A_5 : vector<16xi32>
    %broadcast_in_dim3A_7 = arith.constant 0 : i32
    %broadcast_in_dim3A_8 = vector.broadcast %broadcast_in_dim3A_7 : i32 to vector<16xi32>
    %scan3A = arith.constant 0 : i32
    %scan3A_9 = arith.constant 64 : i32
    %scan3A_10 = arith.addi %scan3A, %scan3A_9 : i32
    %scan3A_11 = arith.constant 4 : i32
    %scan3A_12:2 = scf.for %scan3A_152 = %scan3A to %scan3A_10 step %scan3A_11 iter_args(%scan3A_153 = %broadcast_in_dim3A_3, %scan3A_154 = %broadcast_in_dim3A_8) -> (vector<16xf32>, vector<16xi32>)  : i32 {
      %gather3A = tpu.vector_load_idx %arg9[%add3A_6, %scan3A_154] : memref<128x128xf32, #tpu.memory_space<vmem>>[vector<16xi32>, vector<16xi32>], vector<16xf32>,
      %gather3A_155 = tpu.vector_load_idx %arg10[%add3A_6, %scan3A_154] : memref<128x128xf32, #tpu.memory_space<vmem>>[vector<16xi32>, vector<16xi32>], vector<16xf32>,
      %mul3A_156 = arith.mulf %gather3A, %gather3A_155 : vector<16xf32>
      %add3A_157 = arith.addf %scan3A_153, %mul3A_156 : vector<16xf32>
      %add3A_158 = arith.constant 1 : i32
      %add3A_159 = vector.broadcast %add3A_158 : i32 to vector<16xi32>
      %add3A_160 = arith.addi %scan3A_154, %add3A_159 : vector<16xi32>
      %scan3A_161 = arith.constant 1 : i32
      %scan3A_162 = arith.addi %scan3A_152, %scan3A_161 : i32
      %gather3A_163 = tpu.vector_load_idx %arg9[%add3A_6, %add3A_160] : memref<128x128xf32, #tpu.memory_space<vmem>>[vector<16xi32>, vector<16xi32>], vector<16xf32>,
      %gather3A_164 = tpu.vector_load_idx %arg10[%add3A_6, %add3A_160] : memref<128x128xf32, #tpu.memory_space<vmem>>[vector<16xi32>, vector<16xi32>], vector<16xf32>,
      %mul3A_165 = arith.mulf %gather3A_163, %gather3A_164 : vector<16xf32>
      %add3A_166 = arith.addf %add3A_157, %mul3A_165 : vector<16xf32>
      %add3A_167 = arith.constant 1 : i32
      %add3A_168 = vector.broadcast %add3A_167 : i32 to vector<16xi32>
      %add3A_169 = arith.addi %add3A_160, %add3A_168 : vector<16xi32>
      %scan3A_170 = arith.constant 2 : i32
      %scan3A_171 = arith.addi %scan3A_152, %scan3A_170 : i32
      %gather3A_172 = tpu.vector_load_idx %arg9[%add3A_6, %add3A_169] : memref<128x128xf32, #tpu.memory_space<vmem>>[vector<16xi32>, vector<16xi32>], vector<16xf32>,
      %gather3A_173 = tpu.vector_load_idx %arg10[%add3A_6, %add3A_169] : memref<128x128xf32, #tpu.memory_space<vmem>>[vector<16xi32>, vector<16xi32>], vector<16xf32>,
      %mul3A_174 = arith.mulf %gather3A_172, %gather3A_173 : vector<16xf32>
      %add3A_175 = arith.addf %add3A_166, %mul3A_174 : vector<16xf32>
      %add3A_176 = arith.constant 1 : i32
      %add3A_177 = vector.broadcast %add3A_176 : i32 to vector<16xi32>
      %add3A_178 = arith.addi %add3A_169, %add3A_177 : vector<16xi32>
      %scan3A_179 = arith.constant 3 : i32
      %scan3A_180 = arith.addi %scan3A_152, %scan3A_179 : i32
      %gather3A_181 = tpu.vector_load_idx %arg9[%add3A_6, %add3A_178] : memref<128x128xf32, #tpu.memory_space<vmem>>[vector<16xi32>, vector<16xi32>], vector<16xf32>,
      %gather3A_182 = tpu.vector_load_idx %arg10[%add3A_6, %add3A_178] : memref<128x128xf32, #tpu.memory_space<vmem>>[vector<16xi32>, vector<16xi32>], vector<16xf32>,
      %mul3A_183 = arith.mulf %gather3A_181, %gather3A_182 : vector<16xf32>
      %add3A_184 = arith.addf %add3A_175, %mul3A_183 : vector<16xf32>
      %add3A_185 = arith.constant 1 : i32
      %add3A_186 = vector.broadcast %add3A_185 : i32 to vector<16xi32>
      %add3A_187 = arith.addi %add3A_178, %add3A_186 : vector<16xi32>
      scf.yield %add3A_184, %add3A_187 : vector<16xf32>, vector<16xi32>
    }
    %scan3A_13 = arith.constant 64 : i32
    %max3A = arith.constant -1.000000e+01 : f32
    %max3A_14 = vector.broadcast %max3A : f32 to vector<16xf32>
    %max3A_15 = arith.maximumf %scan3A_12#0, %max3A_14 : vector<16xf32>
    %min3A = arith.constant 1.000000e+01 : f32
    %min3A_16 = vector.broadcast %min3A : f32 to vector<16xf32>
    %min3A_17 = arith.minimumf %max3A_15, %min3A_16 : vector<16xf32>
    %swap3A = arith.constant 0 : index
    %swap3A_18 = tpu.vector_load %arg11[%swap3A] {strides = array<i32>} : memref<128xf32, #tpu.memory_space<vmem>>, vector<16xf32>,
    tpu.vector_store %arg11[%swap3A], %min3A_17 {strides = array<i32>} : memref<128xf32, #tpu.memory_space<vmem>>, vector<16xf32>,
    %add3A_19 = arith.constant 16 : i32
    %add3A_20 = vector.broadcast %add3A_19 : i32 to vector<16xi32>
    %add3A_21 = arith.addi %iota3A, %add3A_20 : vector<16xi32>
    %broadcast_in_dim3A_22 = arith.constant 0 : i32
    %broadcast_in_dim3A_23 = vector.broadcast %broadcast_in_dim3A_22 : i32 to vector<16xi32>
    %scan3A_24 = arith.constant 0 : i32
    %scan3A_25 = arith.constant 64 : i32
    %scan3A_26 = arith.addi %scan3A_24, %scan3A_25 : i32
    %scan3A_27 = arith.constant 4 : i32
    %scan3A_28:2 = scf.for %scan3A_152 = %scan3A_24 to %scan3A_26 step %scan3A_27 iter_args(%scan3A_153 = %broadcast_in_dim3A_3, %scan3A_154 = %broadcast_in_dim3A_23) -> (vector<16xf32>, vector<16xi32>)  : i32 {
      %gather3A = tpu.vector_load_idx %arg9[%add3A_21, %scan3A_154] : memref<128x128xf32, #tpu.memory_space<vmem>>[vector<16xi32>, vector<16xi32>], vector<16xf32>,
      %gather3A_155 = tpu.vector_load_idx %arg10[%add3A_21, %scan3A_154] : memref<128x128xf32, #tpu.memory_space<vmem>>[vector<16xi32>, vector<16xi32>], vector<16xf32>,
      %mul3A_156 = arith.mulf %gather3A, %gather3A_155 : vector<16xf32>
      %add3A_157 = arith.addf %scan3A_153, %mul3A_156 : vector<16xf32>
      %add3A_158 = arith.constant 1 : i32
      %add3A_159 = vector.broadcast %add3A_158 : i32 to vector<16xi32>
      %add3A_160 = arith.addi %scan3A_154, %add3A_159 : vector<16xi32>
      %scan3A_161 = arith.constant 1 : i32
      %scan3A_162 = arith.addi %scan3A_152, %scan3A_161 : i32
      %gather3A_163 = tpu.vector_load_idx %arg9[%add3A_21, %add3A_160] : memref<128x128xf32, #tpu.memory_space<vmem>>[vector<16xi32>, vector<16xi32>], vector<16xf32>,
      %gather3A_164 = tpu.vector_load_idx %arg10[%add3A_21, %add3A_160] : memref<128x128xf32, #tpu.memory_space<vmem>>[vector<16xi32>, vector<16xi32>], vector<16xf32>,
      %mul3A_165 = arith.mulf %gather3A_163, %gather3A_164 : vector<16xf32>
      %add3A_166 = arith.addf %add3A_157, %mul3A_165 : vector<16xf32>
      %add3A_167 = arith.constant 1 : i32
      %add3A_168 = vector.broadcast %add3A_167 : i32 to vector<16xi32>
      %add3A_169 = arith.addi %add3A_160, %add3A_168 : vector<16xi32>
      %scan3A_170 = arith.constant 2 : i32
      %scan3A_171 = arith.addi %scan3A_152, %scan3A_170 : i32
      %gather3A_172 = tpu.vector_load_idx %arg9[%add3A_21, %add3A_169] : memref<128x128xf32, #tpu.memory_space<vmem>>[vector<16xi32>, vector<16xi32>], vector<16xf32>,
      %gather3A_173 = tpu.vector_load_idx %arg10[%add3A_21, %add3A_169] : memref<128x128xf32, #tpu.memory_space<vmem>>[vector<16xi32>, vector<16xi32>], vector<16xf32>,
      %mul3A_174 = arith.mulf %gather3A_172, %gather3A_173 : vector<16xf32>
      %add3A_175 = arith.addf %add3A_166, %mul3A_174 : vector<16xf32>
      %add3A_176 = arith.constant 1 : i32
      %add3A_177 = vector.broadcast %add3A_176 : i32 to vector<16xi32>
      %add3A_178 = arith.addi %add3A_169, %add3A_177 : vector<16xi32>
      %scan3A_179 = arith.constant 3 : i32
      %scan3A_180 = arith.addi %scan3A_152, %scan3A_179 : i32
      %gather3A_181 = tpu.vector_load_idx %arg9[%add3A_21, %add3A_178] : memref<128x128xf32, #tpu.memory_space<vmem>>[vector<16xi32>, vector<16xi32>], vector<16xf32>,
      %gather3A_182 = tpu.vector_load_idx %arg10[%add3A_21, %add3A_178] : memref<128x128xf32, #tpu.memory_space<vmem>>[vector<16xi32>, vector<16xi32>], vector<16xf32>,
      %mul3A_183 = arith.mulf %gather3A_181, %gather3A_182 : vector<16xf32>
      %add3A_184 = arith.addf %add3A_175, %mul3A_183 : vector<16xf32>
      %add3A_185 = arith.constant 1 : i32
      %add3A_186 = vector.broadcast %add3A_185 : i32 to vector<16xi32>
      %add3A_187 = arith.addi %add3A_178, %add3A_186 : vector<16xi32>
      scf.yield %add3A_184, %add3A_187 : vector<16xf32>, vector<16xi32>
    }
    %scan3A_29 = arith.constant 64 : i32
    %max3A_30 = arith.constant -1.000000e+01 : f32
    %max3A_31 = vector.broadcast %max3A_30 : f32 to vector<16xf32>
    %max3A_32 = arith.maximumf %scan3A_28#0, %max3A_31 : vector<16xf32>
    %min3A_33 = arith.constant 1.000000e+01 : f32
    %min3A_34 = vector.broadcast %min3A_33 : f32 to vector<16xf32>
    %min3A_35 = arith.minimumf %max3A_32, %min3A_34 : vector<16xf32>
    %swap3A_36 = arith.constant 16 : index
    %swap3A_37 = tpu.vector_load %arg11[%swap3A_36] {strides = array<i32>} : memref<128xf32, #tpu.memory_space<vmem>>, vector<16xf32>,
    tpu.vector_store %arg11[%swap3A_36], %min3A_35 {strides = array<i32>} : memref<128xf32, #tpu.memory_space<vmem>>, vector<16xf32>,
    %add3A_38 = arith.constant 32 : i32
    %add3A_39 = vector.broadcast %add3A_38 : i32 to vector<16xi32>
    %add3A_40 = arith.addi %iota3A, %add3A_39 : vector<16xi32>
    %broadcast_in_dim3A_41 = arith.constant 0 : i32
    %broadcast_in_dim3A_42 = vector.broadcast %broadcast_in_dim3A_41 : i32 to vector<16xi32>
    %scan3A_43 = arith.constant 0 : i32
    %scan3A_44 = arith.constant 64 : i32
    %scan3A_45 = arith.addi %scan3A_43, %scan3A_44 : i32
    %scan3A_46 = arith.constant 4 : i32
    %scan3A_47:2 = scf.for %scan3A_152 = %scan3A_43 to %scan3A_45 step %scan3A_46 iter_args(%scan3A_153 = %broadcast_in_dim3A_3, %scan3A_154 = %broadcast_in_dim3A_42) -> (vector<16xf32>, vector<16xi32>)  : i32 {
      %gather3A = tpu.vector_load_idx %arg9[%add3A_40, %scan3A_154] : memref<128x128xf32, #tpu.memory_space<vmem>>[vector<16xi32>, vector<16xi32>], vector<16xf32>,
      %gather3A_155 = tpu.vector_load_idx %arg10[%add3A_40, %scan3A_154] : memref<128x128xf32, #tpu.memory_space<vmem>>[vector<16xi32>, vector<16xi32>], vector<16xf32>,
      %mul3A_156 = arith.mulf %gather3A, %gather3A_155 : vector<16xf32>
      %add3A_157 = arith.addf %scan3A_153, %mul3A_156 : vector<16xf32>
      %add3A_158 = arith.constant 1 : i32
      %add3A_159 = vector.broadcast %add3A_158 : i32 to vector<16xi32>
      %add3A_160 = arith.addi %scan3A_154, %add3A_159 : vector<16xi32>
      %scan3A_161 = arith.constant 1 : i32
      %scan3A_162 = arith.addi %scan3A_152, %scan3A_161 : i32
      %gather3A_163 = tpu.vector_load_idx %arg9[%add3A_40, %add3A_160] : memref<128x128xf32, #tpu.memory_space<vmem>>[vector<16xi32>, vector<16xi32>], vector<16xf32>,
      %gather3A_164 = tpu.vector_load_idx %arg10[%add3A_40, %add3A_160] : memref<128x128xf32, #tpu.memory_space<vmem>>[vector<16xi32>, vector<16xi32>], vector<16xf32>,
      %mul3A_165 = arith.mulf %gather3A_163, %gather3A_164 : vector<16xf32>
      %add3A_166 = arith.addf %add3A_157, %mul3A_165 : vector<16xf32>
      %add3A_167 = arith.constant 1 : i32
      %add3A_168 = vector.broadcast %add3A_167 : i32 to vector<16xi32>
      %add3A_169 = arith.addi %add3A_160, %add3A_168 : vector<16xi32>
      %scan3A_170 = arith.constant 2 : i32
      %scan3A_171 = arith.addi %scan3A_152, %scan3A_170 : i32
      %gather3A_172 = tpu.vector_load_idx %arg9[%add3A_40, %add3A_169] : memref<128x128xf32, #tpu.memory_space<vmem>>[vector<16xi32>, vector<16xi32>], vector<16xf32>,
      %gather3A_173 = tpu.vector_load_idx %arg10[%add3A_40, %add3A_169] : memref<128x128xf32, #tpu.memory_space<vmem>>[vector<16xi32>, vector<16xi32>], vector<16xf32>,
      %mul3A_174 = arith.mulf %gather3A_172, %gather3A_173 : vector<16xf32>
      %add3A_175 = arith.addf %add3A_166, %mul3A_174 : vector<16xf32>
      %add3A_176 = arith.constant 1 : i32
      %add3A_177 = vector.broadcast %add3A_176 : i32 to vector<16xi32>
      %add3A_178 = arith.addi %add3A_169, %add3A_177 : vector<16xi32>
      %scan3A_179 = arith.constant 3 : i32
      %scan3A_180 = arith.addi %scan3A_152, %scan3A_179 : i32
      %gather3A_181 = tpu.vector_load_idx %arg9[%add3A_40, %add3A_178] : memref<128x128xf32, #tpu.memory_space<vmem>>[vector<16xi32>, vector<16xi32>], vector<16xf32>,
      %gather3A_182 = tpu.vector_load_idx %arg10[%add3A_40, %add3A_178] : memref<128x128xf32, #tpu.memory_space<vmem>>[vector<16xi32>, vector<16xi32>], vector<16xf32>,
      %mul3A_183 = arith.mulf %gather3A_181, %gather3A_182 : vector<16xf32>
      %add3A_184 = arith.addf %add3A_175, %mul3A_183 : vector<16xf32>
      %add3A_185 = arith.constant 1 : i32
      %add3A_186 = vector.broadcast %add3A_185 : i32 to vector<16xi32>
      %add3A_187 = arith.addi %add3A_178, %add3A_186 : vector<16xi32>
      scf.yield %add3A_184, %add3A_187 : vector<16xf32>, vector<16xi32>
    }
    %scan3A_48 = arith.constant 64 : i32
    %max3A_49 = arith.constant -1.000000e+01 : f32
    %max3A_50 = vector.broadcast %max3A_49 : f32 to vector<16xf32>
    %max3A_51 = arith.maximumf %scan3A_47#0, %max3A_50 : vector<16xf32>
    %min3A_52 = arith.constant 1.000000e+01 : f32
    %min3A_53 = vector.broadcast %min3A_52 : f32 to vector<16xf32>
    %min3A_54 = arith.minimumf %max3A_51, %min3A_53 : vector<16xf32>
    %swap3A_55 = arith.constant 32 : index
    %swap3A_56 = tpu.vector_load %arg11[%swap3A_55] {strides = array<i32>} : memref<128xf32, #tpu.memory_space<vmem>>, vector<16xf32>,
    tpu.vector_store %arg11[%swap3A_55], %min3A_54 {strides = array<i32>} : memref<128xf32, #tpu.memory_space<vmem>>, vector<16xf32>,
    %add3A_57 = arith.constant 48 : i32
    %add3A_58 = vector.broadcast %add3A_57 : i32 to vector<16xi32>
    %add3A_59 = arith.addi %iota3A, %add3A_58 : vector<16xi32>
    %broadcast_in_dim3A_60 = arith.constant 0 : i32
    %broadcast_in_dim3A_61 = vector.broadcast %broadcast_in_dim3A_60 : i32 to vector<16xi32>
    %scan3A_62 = arith.constant 0 : i32
    %scan3A_63 = arith.constant 64 : i32
    %scan3A_64 = arith.addi %scan3A_62, %scan3A_63 : i32
    %scan3A_65 = arith.constant 4 : i32
    %scan3A_66:2 = scf.for %scan3A_152 = %scan3A_62 to %scan3A_64 step %scan3A_65 iter_args(%scan3A_153 = %broadcast_in_dim3A_3, %scan3A_154 = %broadcast_in_dim3A_61) -> (vector<16xf32>, vector<16xi32>)  : i32 {
      %gather3A = tpu.vector_load_idx %arg9[%add3A_59, %scan3A_154] : memref<128x128xf32, #tpu.memory_space<vmem>>[vector<16xi32>, vector<16xi32>], vector<16xf32>,
      %gather3A_155 = tpu.vector_load_idx %arg10[%add3A_59, %scan3A_154] : memref<128x128xf32, #tpu.memory_space<vmem>>[vector<16xi32>, vector<16xi32>], vector<16xf32>,
      %mul3A_156 = arith.mulf %gather3A, %gather3A_155 : vector<16xf32>
      %add3A_157 = arith.addf %scan3A_153, %mul3A_156 : vector<16xf32>
      %add3A_158 = arith.constant 1 : i32
      %add3A_159 = vector.broadcast %add3A_158 : i32 to vector<16xi32>
      %add3A_160 = arith.addi %scan3A_154, %add3A_159 : vector<16xi32>
      %scan3A_161 = arith.constant 1 : i32
      %scan3A_162 = arith.addi %scan3A_152, %scan3A_161 : i32
      %gather3A_163 = tpu.vector_load_idx %arg9[%add3A_59, %add3A_160] : memref<128x128xf32, #tpu.memory_space<vmem>>[vector<16xi32>, vector<16xi32>], vector<16xf32>,
      %gather3A_164 = tpu.vector_load_idx %arg10[%add3A_59, %add3A_160] : memref<128x128xf32, #tpu.memory_space<vmem>>[vector<16xi32>, vector<16xi32>], vector<16xf32>,
      %mul3A_165 = arith.mulf %gather3A_163, %gather3A_164 : vector<16xf32>
      %add3A_166 = arith.addf %add3A_157, %mul3A_165 : vector<16xf32>
      %add3A_167 = arith.constant 1 : i32
      %add3A_168 = vector.broadcast %add3A_167 : i32 to vector<16xi32>
      %add3A_169 = arith.addi %add3A_160, %add3A_168 : vector<16xi32>
      %scan3A_170 = arith.constant 2 : i32
      %scan3A_171 = arith.addi %scan3A_152, %scan3A_170 : i32
      %gather3A_172 = tpu.vector_load_idx %arg9[%add3A_59, %add3A_169] : memref<128x128xf32, #tpu.memory_space<vmem>>[vector<16xi32>, vector<16xi32>], vector<16xf32>,
      %gather3A_173 = tpu.vector_load_idx %arg10[%add3A_59, %add3A_169] : memref<128x128xf32, #tpu.memory_space<vmem>>[vector<16xi32>, vector<16xi32>], vector<16xf32>,
      %mul3A_174 = arith.mulf %gather3A_172, %gather3A_173 : vector<16xf32>
      %add3A_175 = arith.addf %add3A_166, %mul3A_174 : vector<16xf32>
      %add3A_176 = arith.constant 1 : i32
      %add3A_177 = vector.broadcast %add3A_176 : i32 to vector<16xi32>
      %add3A_178 = arith.addi %add3A_169, %add3A_177 : vector<16xi32>
      %scan3A_179 = arith.constant 3 : i32
      %scan3A_180 = arith.addi %scan3A_152, %scan3A_179 : i32
      %gather3A_181 = tpu.vector_load_idx %arg9[%add3A_59, %add3A_178] : memref<128x128xf32, #tpu.memory_space<vmem>>[vector<16xi32>, vector<16xi32>], vector<16xf32>,
      %gather3A_182 = tpu.vector_load_idx %arg10[%add3A_59, %add3A_178] : memref<128x128xf32, #tpu.memory_space<vmem>>[vector<16xi32>, vector<16xi32>], vector<16xf32>,
      %mul3A_183 = arith.mulf %gather3A_181, %gather3A_182 : vector<16xf32>
      %add3A_184 = arith.addf %add3A_175, %mul3A_183 : vector<16xf32>
      %add3A_185 = arith.constant 1 : i32
      %add3A_186 = vector.broadcast %add3A_185 : i32 to vector<16xi32>
      %add3A_187 = arith.addi %add3A_178, %add3A_186 : vector<16xi32>
      scf.yield %add3A_184, %add3A_187 : vector<16xf32>, vector<16xi32>
    }
    %scan3A_67 = arith.constant 64 : i32
    %max3A_68 = arith.constant -1.000000e+01 : f32
    %max3A_69 = vector.broadcast %max3A_68 : f32 to vector<16xf32>
    %max3A_70 = arith.maximumf %scan3A_66#0, %max3A_69 : vector<16xf32>
    %min3A_71 = arith.constant 1.000000e+01 : f32
    %min3A_72 = vector.broadcast %min3A_71 : f32 to vector<16xf32>
    %min3A_73 = arith.minimumf %max3A_70, %min3A_72 : vector<16xf32>
    %swap3A_74 = arith.constant 48 : index
    %swap3A_75 = tpu.vector_load %arg11[%swap3A_74] {strides = array<i32>} : memref<128xf32, #tpu.memory_space<vmem>>, vector<16xf32>,
    tpu.vector_store %arg11[%swap3A_74], %min3A_73 {strides = array<i32>} : memref<128xf32, #tpu.memory_space<vmem>>, vector<16xf32>,
    %add3A_76 = arith.constant 64 : i32
    %add3A_77 = vector.broadcast %add3A_76 : i32 to vector<16xi32>
    %add3A_78 = arith.addi %iota3A, %add3A_77 : vector<16xi32>
    %broadcast_in_dim3A_79 = arith.constant 0 : i32
    %broadcast_in_dim3A_80 = vector.broadcast %broadcast_in_dim3A_79 : i32 to vector<16xi32>
    %scan3A_81 = arith.constant 0 : i32
    %scan3A_82 = arith.constant 64 : i32
    %scan3A_83 = arith.addi %scan3A_81, %scan3A_82 : i32
    %scan3A_84 = arith.constant 4 : i32
    %scan3A_85:2 = scf.for %scan3A_152 = %scan3A_81 to %scan3A_83 step %scan3A_84 iter_args(%scan3A_153 = %broadcast_in_dim3A_3, %scan3A_154 = %broadcast_in_dim3A_80) -> (vector<16xf32>, vector<16xi32>)  : i32 {
      %gather3A = tpu.vector_load_idx %arg9[%add3A_78, %scan3A_154] : memref<128x128xf32, #tpu.memory_space<vmem>>[vector<16xi32>, vector<16xi32>], vector<16xf32>,
      %gather3A_155 = tpu.vector_load_idx %arg10[%add3A_78, %scan3A_154] : memref<128x128xf32, #tpu.memory_space<vmem>>[vector<16xi32>, vector<16xi32>], vector<16xf32>,
      %mul3A_156 = arith.mulf %gather3A, %gather3A_155 : vector<16xf32>
      %add3A_157 = arith.addf %scan3A_153, %mul3A_156 : vector<16xf32>
      %add3A_158 = arith.constant 1 : i32
      %add3A_159 = vector.broadcast %add3A_158 : i32 to vector<16xi32>
      %add3A_160 = arith.addi %scan3A_154, %add3A_159 : vector<16xi32>
      %scan3A_161 = arith.constant 1 : i32
      %scan3A_162 = arith.addi %scan3A_152, %scan3A_161 : i32
      %gather3A_163 = tpu.vector_load_idx %arg9[%add3A_78, %add3A_160] : memref<128x128xf32, #tpu.memory_space<vmem>>[vector<16xi32>, vector<16xi32>], vector<16xf32>,
      %gather3A_164 = tpu.vector_load_idx %arg10[%add3A_78, %add3A_160] : memref<128x128xf32, #tpu.memory_space<vmem>>[vector<16xi32>, vector<16xi32>], vector<16xf32>,
      %mul3A_165 = arith.mulf %gather3A_163, %gather3A_164 : vector<16xf32>
      %add3A_166 = arith.addf %add3A_157, %mul3A_165 : vector<16xf32>
      %add3A_167 = arith.constant 1 : i32
      %add3A_168 = vector.broadcast %add3A_167 : i32 to vector<16xi32>
      %add3A_169 = arith.addi %add3A_160, %add3A_168 : vector<16xi32>
      %scan3A_170 = arith.constant 2 : i32
      %scan3A_171 = arith.addi %scan3A_152, %scan3A_170 : i32
      %gather3A_172 = tpu.vector_load_idx %arg9[%add3A_78, %add3A_169] : memref<128x128xf32, #tpu.memory_space<vmem>>[vector<16xi32>, vector<16xi32>], vector<16xf32>,
      %gather3A_173 = tpu.vector_load_idx %arg10[%add3A_78, %add3A_169] : memref<128x128xf32, #tpu.memory_space<vmem>>[vector<16xi32>, vector<16xi32>], vector<16xf32>,
      %mul3A_174 = arith.mulf %gather3A_172, %gather3A_173 : vector<16xf32>
      %add3A_175 = arith.addf %add3A_166, %mul3A_174 : vector<16xf32>
      %add3A_176 = arith.constant 1 : i32
      %add3A_177 = vector.broadcast %add3A_176 : i32 to vector<16xi32>
      %add3A_178 = arith.addi %add3A_169, %add3A_177 : vector<16xi32>
      %scan3A_179 = arith.constant 3 : i32
      %scan3A_180 = arith.addi %scan3A_152, %scan3A_179 : i32
      %gather3A_181 = tpu.vector_load_idx %arg9[%add3A_78, %add3A_178] : memref<128x128xf32, #tpu.memory_space<vmem>>[vector<16xi32>, vector<16xi32>], vector<16xf32>,
      %gather3A_182 = tpu.vector_load_idx %arg10[%add3A_78, %add3A_178] : memref<128x128xf32, #tpu.memory_space<vmem>>[vector<16xi32>, vector<16xi32>], vector<16xf32>,
      %mul3A_183 = arith.mulf %gather3A_181, %gather3A_182 : vector<16xf32>
      %add3A_184 = arith.addf %add3A_175, %mul3A_183 : vector<16xf32>
      %add3A_185 = arith.constant 1 : i32
      %add3A_186 = vector.broadcast %add3A_185 : i32 to vector<16xi32>
      %add3A_187 = arith.addi %add3A_178, %add3A_186 : vector<16xi32>
      scf.yield %add3A_184, %add3A_187 : vector<16xf32>, vector<16xi32>
    }
    %scan3A_86 = arith.constant 64 : i32
    %max3A_87 = arith.constant -1.000000e+01 : f32
    %max3A_88 = vector.broadcast %max3A_87 : f32 to vector<16xf32>
    %max3A_89 = arith.maximumf %scan3A_85#0, %max3A_88 : vector<16xf32>
    %min3A_90 = arith.constant 1.000000e+01 : f32
    %min3A_91 = vector.broadcast %min3A_90 : f32 to vector<16xf32>
    %min3A_92 = arith.minimumf %max3A_89, %min3A_91 : vector<16xf32>
    %swap3A_93 = arith.constant 64 : index
    %swap3A_94 = tpu.vector_load %arg11[%swap3A_93] {strides = array<i32>} : memref<128xf32, #tpu.memory_space<vmem>>, vector<16xf32>,
    tpu.vector_store %arg11[%swap3A_93], %min3A_92 {strides = array<i32>} : memref<128xf32, #tpu.memory_space<vmem>>, vector<16xf32>,
    %add3A_95 = arith.constant 80 : i32
    %add3A_96 = vector.broadcast %add3A_95 : i32 to vector<16xi32>
    %add3A_97 = arith.addi %iota3A, %add3A_96 : vector<16xi32>
    %broadcast_in_dim3A_98 = arith.constant 0 : i32
    %broadcast_in_dim3A_99 = vector.broadcast %broadcast_in_dim3A_98 : i32 to vector<16xi32>
    %scan3A_100 = arith.constant 0 : i32
    %scan3A_101 = arith.constant 64 : i32
    %scan3A_102 = arith.addi %scan3A_100, %scan3A_101 : i32
    %scan3A_103 = arith.constant 4 : i32
    %scan3A_104:2 = scf.for %scan3A_152 = %scan3A_100 to %scan3A_102 step %scan3A_103 iter_args(%scan3A_153 = %broadcast_in_dim3A_3, %scan3A_154 = %broadcast_in_dim3A_99) -> (vector<16xf32>, vector<16xi32>)  : i32 {
      %gather3A = tpu.vector_load_idx %arg9[%add3A_97, %scan3A_154] : memref<128x128xf32, #tpu.memory_space<vmem>>[vector<16xi32>, vector<16xi32>], vector<16xf32>,
      %gather3A_155 = tpu.vector_load_idx %arg10[%add3A_97, %scan3A_154] : memref<128x128xf32, #tpu.memory_space<vmem>>[vector<16xi32>, vector<16xi32>], vector<16xf32>,
      %mul3A_156 = arith.mulf %gather3A, %gather3A_155 : vector<16xf32>
      %add3A_157 = arith.addf %scan3A_153, %mul3A_156 : vector<16xf32>
      %add3A_158 = arith.constant 1 : i32
      %add3A_159 = vector.broadcast %add3A_158 : i32 to vector<16xi32>
      %add3A_160 = arith.addi %scan3A_154, %add3A_159 : vector<16xi32>
      %scan3A_161 = arith.constant 1 : i32
      %scan3A_162 = arith.addi %scan3A_152, %scan3A_161 : i32
      %gather3A_163 = tpu.vector_load_idx %arg9[%add3A_97, %add3A_160] : memref<128x128xf32, #tpu.memory_space<vmem>>[vector<16xi32>, vector<16xi32>], vector<16xf32>,
      %gather3A_164 = tpu.vector_load_idx %arg10[%add3A_97, %add3A_160] : memref<128x128xf32, #tpu.memory_space<vmem>>[vector<16xi32>, vector<16xi32>], vector<16xf32>,
      %mul3A_165 = arith.mulf %gather3A_163, %gather3A_164 : vector<16xf32>
      %add3A_166 = arith.addf %add3A_157, %mul3A_165 : vector<16xf32>
      %add3A_167 = arith.constant 1 : i32
      %add3A_168 = vector.broadcast %add3A_167 : i32 to vector<16xi32>
      %add3A_169 = arith.addi %add3A_160, %add3A_168 : vector<16xi32>
      %scan3A_170 = arith.constant 2 : i32
      %scan3A_171 = arith.addi %scan3A_152, %scan3A_170 : i32
      %gather3A_172 = tpu.vector_load_idx %arg9[%add3A_97, %add3A_169] : memref<128x128xf32, #tpu.memory_space<vmem>>[vector<16xi32>, vector<16xi32>], vector<16xf32>,
      %gather3A_173 = tpu.vector_load_idx %arg10[%add3A_97, %add3A_169] : memref<128x128xf32, #tpu.memory_space<vmem>>[vector<16xi32>, vector<16xi32>], vector<16xf32>,
      %mul3A_174 = arith.mulf %gather3A_172, %gather3A_173 : vector<16xf32>
      %add3A_175 = arith.addf %add3A_166, %mul3A_174 : vector<16xf32>
      %add3A_176 = arith.constant 1 : i32
      %add3A_177 = vector.broadcast %add3A_176 : i32 to vector<16xi32>
      %add3A_178 = arith.addi %add3A_169, %add3A_177 : vector<16xi32>
      %scan3A_179 = arith.constant 3 : i32
      %scan3A_180 = arith.addi %scan3A_152, %scan3A_179 : i32
      %gather3A_181 = tpu.vector_load_idx %arg9[%add3A_97, %add3A_178] : memref<128x128xf32, #tpu.memory_space<vmem>>[vector<16xi32>, vector<16xi32>], vector<16xf32>,
      %gather3A_182 = tpu.vector_load_idx %arg10[%add3A_97, %add3A_178] : memref<128x128xf32, #tpu.memory_space<vmem>>[vector<16xi32>, vector<16xi32>], vector<16xf32>,
      %mul3A_183 = arith.mulf %gather3A_181, %gather3A_182 : vector<16xf32>
      %add3A_184 = arith.addf %add3A_175, %mul3A_183 : vector<16xf32>
      %add3A_185 = arith.constant 1 : i32
      %add3A_186 = vector.broadcast %add3A_185 : i32 to vector<16xi32>
      %add3A_187 = arith.addi %add3A_178, %add3A_186 : vector<16xi32>
      scf.yield %add3A_184, %add3A_187 : vector<16xf32>, vector<16xi32>
    }
    %scan3A_105 = arith.constant 64 : i32
    %max3A_106 = arith.constant -1.000000e+01 : f32
    %max3A_107 = vector.broadcast %max3A_106 : f32 to vector<16xf32>
    %max3A_108 = arith.maximumf %scan3A_104#0, %max3A_107 : vector<16xf32>
    %min3A_109 = arith.constant 1.000000e+01 : f32
    %min3A_110 = vector.broadcast %min3A_109 : f32 to vector<16xf32>
    %min3A_111 = arith.minimumf %max3A_108, %min3A_110 : vector<16xf32>
    %swap3A_112 = arith.constant 80 : index
    %swap3A_113 = tpu.vector_load %arg11[%swap3A_112] {strides = array<i32>} : memref<128xf32, #tpu.memory_space<vmem>>, vector<16xf32>,
    tpu.vector_store %arg11[%swap3A_112], %min3A_111 {strides = array<i32>} : memref<128xf32, #tpu.memory_space<vmem>>, vector<16xf32>,
    %add3A_114 = arith.constant 96 : i32
    %add3A_115 = vector.broadcast %add3A_114 : i32 to vector<16xi32>
    %add3A_116 = arith.addi %iota3A, %add3A_115 : vector<16xi32>
    %broadcast_in_dim3A_117 = arith.constant 0 : i32
    %broadcast_in_dim3A_118 = vector.broadcast %broadcast_in_dim3A_117 : i32 to vector<16xi32>
    %scan3A_119 = arith.constant 0 : i32
    %scan3A_120 = arith.constant 64 : i32
    %scan3A_121 = arith.addi %scan3A_119, %scan3A_120 : i32
    %scan3A_122 = arith.constant 4 : i32
    %scan3A_123:2 = scf.for %scan3A_152 = %scan3A_119 to %scan3A_121 step %scan3A_122 iter_args(%scan3A_153 = %broadcast_in_dim3A_3, %scan3A_154 = %broadcast_in_dim3A_118) -> (vector<16xf32>, vector<16xi32>)  : i32 {
      %gather3A = tpu.vector_load_idx %arg9[%add3A_116, %scan3A_154] : memref<128x128xf32, #tpu.memory_space<vmem>>[vector<16xi32>, vector<16xi32>], vector<16xf32>,
      %gather3A_155 = tpu.vector_load_idx %arg10[%add3A_116, %scan3A_154] : memref<128x128xf32, #tpu.memory_space<vmem>>[vector<16xi32>, vector<16xi32>], vector<16xf32>,
      %mul3A_156 = arith.mulf %gather3A, %gather3A_155 : vector<16xf32>
      %add3A_157 = arith.addf %scan3A_153, %mul3A_156 : vector<16xf32>
      %add3A_158 = arith.constant 1 : i32
      %add3A_159 = vector.broadcast %add3A_158 : i32 to vector<16xi32>
      %add3A_160 = arith.addi %scan3A_154, %add3A_159 : vector<16xi32>
      %scan3A_161 = arith.constant 1 : i32
      %scan3A_162 = arith.addi %scan3A_152, %scan3A_161 : i32
      %gather3A_163 = tpu.vector_load_idx %arg9[%add3A_116, %add3A_160] : memref<128x128xf32, #tpu.memory_space<vmem>>[vector<16xi32>, vector<16xi32>], vector<16xf32>,
      %gather3A_164 = tpu.vector_load_idx %arg10[%add3A_116, %add3A_160] : memref<128x128xf32, #tpu.memory_space<vmem>>[vector<16xi32>, vector<16xi32>], vector<16xf32>,
      %mul3A_165 = arith.mulf %gather3A_163, %gather3A_164 : vector<16xf32>
      %add3A_166 = arith.addf %add3A_157, %mul3A_165 : vector<16xf32>
      %add3A_167 = arith.constant 1 : i32
      %add3A_168 = vector.broadcast %add3A_167 : i32 to vector<16xi32>
      %add3A_169 = arith.addi %add3A_160, %add3A_168 : vector<16xi32>
      %scan3A_170 = arith.constant 2 : i32
      %scan3A_171 = arith.addi %scan3A_152, %scan3A_170 : i32
      %gather3A_172 = tpu.vector_load_idx %arg9[%add3A_116, %add3A_169] : memref<128x128xf32, #tpu.memory_space<vmem>>[vector<16xi32>, vector<16xi32>], vector<16xf32>,
      %gather3A_173 = tpu.vector_load_idx %arg10[%add3A_116, %add3A_169] : memref<128x128xf32, #tpu.memory_space<vmem>>[vector<16xi32>, vector<16xi32>], vector<16xf32>,
      %mul3A_174 = arith.mulf %gather3A_172, %gather3A_173 : vector<16xf32>
      %add3A_175 = arith.addf %add3A_166, %mul3A_174 : vector<16xf32>
      %add3A_176 = arith.constant 1 : i32
      %add3A_177 = vector.broadcast %add3A_176 : i32 to vector<16xi32>
      %add3A_178 = arith.addi %add3A_169, %add3A_177 : vector<16xi32>
      %scan3A_179 = arith.constant 3 : i32
      %scan3A_180 = arith.addi %scan3A_152, %scan3A_179 : i32
      %gather3A_181 = tpu.vector_load_idx %arg9[%add3A_116, %add3A_178] : memref<128x128xf32, #tpu.memory_space<vmem>>[vector<16xi32>, vector<16xi32>], vector<16xf32>,
      %gather3A_182 = tpu.vector_load_idx %arg10[%add3A_116, %add3A_178] : memref<128x128xf32, #tpu.memory_space<vmem>>[vector<16xi32>, vector<16xi32>], vector<16xf32>,
      %mul3A_183 = arith.mulf %gather3A_181, %gather3A_182 : vector<16xf32>
      %add3A_184 = arith.addf %add3A_175, %mul3A_183 : vector<16xf32>
      %add3A_185 = arith.constant 1 : i32
      %add3A_186 = vector.broadcast %add3A_185 : i32 to vector<16xi32>
      %add3A_187 = arith.addi %add3A_178, %add3A_186 : vector<16xi32>
      scf.yield %add3A_184, %add3A_187 : vector<16xf32>, vector<16xi32>
    }
    %scan3A_124 = arith.constant 64 : i32
    %max3A_125 = arith.constant -1.000000e+01 : f32
    %max3A_126 = vector.broadcast %max3A_125 : f32 to vector<16xf32>
    %max3A_127 = arith.maximumf %scan3A_123#0, %max3A_126 : vector<16xf32>
    %min3A_128 = arith.constant 1.000000e+01 : f32
    %min3A_129 = vector.broadcast %min3A_128 : f32 to vector<16xf32>
    %min3A_130 = arith.minimumf %max3A_127, %min3A_129 : vector<16xf32>
    %swap3A_131 = arith.constant 96 : index
    %swap3A_132 = tpu.vector_load %arg11[%swap3A_131] {strides = array<i32>} : memref<128xf32, #tpu.memory_space<vmem>>, vector<16xf32>,
    tpu.vector_store %arg11[%swap3A_131], %min3A_130 {strides = array<i32>} : memref<128xf32, #tpu.memory_space<vmem>>, vector<16xf32>,
    %add3A_133 = arith.constant 112 : i32
    %add3A_134 = vector.broadcast %add3A_133 : i32 to vector<16xi32>
    %add3A_135 = arith.addi %iota3A, %add3A_134 : vector<16xi32>
    %broadcast_in_dim3A_136 = arith.constant 0 : i32
    %broadcast_in_dim3A_137 = vector.broadcast %broadcast_in_dim3A_136 : i32 to vector<16xi32>
    %scan3A_138 = arith.constant 0 : i32
    %scan3A_139 = arith.constant 64 : i32
    %scan3A_140 = arith.addi %scan3A_138, %scan3A_139 : i32
    %scan3A_141 = arith.constant 4 : i32
    %scan3A_142:2 = scf.for %scan3A_152 = %scan3A_138 to %scan3A_140 step %scan3A_141 iter_args(%scan3A_153 = %broadcast_in_dim3A_3, %scan3A_154 = %broadcast_in_dim3A_137) -> (vector<16xf32>, vector<16xi32>)  : i32 {
      %gather3A = tpu.vector_load_idx %arg9[%add3A_135, %scan3A_154] : memref<128x128xf32, #tpu.memory_space<vmem>>[vector<16xi32>, vector<16xi32>], vector<16xf32>,
      %gather3A_155 = tpu.vector_load_idx %arg10[%add3A_135, %scan3A_154] : memref<128x128xf32, #tpu.memory_space<vmem>>[vector<16xi32>, vector<16xi32>], vector<16xf32>,
      %mul3A_156 = arith.mulf %gather3A, %gather3A_155 : vector<16xf32>
      %add3A_157 = arith.addf %scan3A_153, %mul3A_156 : vector<16xf32>
      %add3A_158 = arith.constant 1 : i32
      %add3A_159 = vector.broadcast %add3A_158 : i32 to vector<16xi32>
      %add3A_160 = arith.addi %scan3A_154, %add3A_159 : vector<16xi32>
      %scan3A_161 = arith.constant 1 : i32
      %scan3A_162 = arith.addi %scan3A_152, %scan3A_161 : i32
      %gather3A_163 = tpu.vector_load_idx %arg9[%add3A_135, %add3A_160] : memref<128x128xf32, #tpu.memory_space<vmem>>[vector<16xi32>, vector<16xi32>], vector<16xf32>,
      %gather3A_164 = tpu.vector_load_idx %arg10[%add3A_135, %add3A_160] : memref<128x128xf32, #tpu.memory_space<vmem>>[vector<16xi32>, vector<16xi32>], vector<16xf32>,
      %mul3A_165 = arith.mulf %gather3A_163, %gather3A_164 : vector<16xf32>
      %add3A_166 = arith.addf %add3A_157, %mul3A_165 : vector<16xf32>
      %add3A_167 = arith.constant 1 : i32
      %add3A_168 = vector.broadcast %add3A_167 : i32 to vector<16xi32>
      %add3A_169 = arith.addi %add3A_160, %add3A_168 : vector<16xi32>
      %scan3A_170 = arith.constant 2 : i32
      %scan3A_171 = arith.addi %scan3A_152, %scan3A_170 : i32
      %gather3A_172 = tpu.vector_load_idx %arg9[%add3A_135, %add3A_169] : memref<128x128xf32, #tpu.memory_space<vmem>>[vector<16xi32>, vector<16xi32>], vector<16xf32>,
      %gather3A_173 = tpu.vector_load_idx %arg10[%add3A_135, %add3A_169] : memref<128x128xf32, #tpu.memory_space<vmem>>[vector<16xi32>, vector<16xi32>], vector<16xf32>,
      %mul3A_174 = arith.mulf %gather3A_172, %gather3A_173 : vector<16xf32>
      %add3A_175 = arith.addf %add3A_166, %mul3A_174 : vector<16xf32>
      %add3A_176 = arith.constant 1 : i32
      %add3A_177 = vector.broadcast %add3A_176 : i32 to vector<16xi32>
      %add3A_178 = arith.addi %add3A_169, %add3A_177 : vector<16xi32>
      %scan3A_179 = arith.constant 3 : i32
      %scan3A_180 = arith.addi %scan3A_152, %scan3A_179 : i32
      %gather3A_181 = tpu.vector_load_idx %arg9[%add3A_135, %add3A_178] : memref<128x128xf32, #tpu.memory_space<vmem>>[vector<16xi32>, vector<16xi32>], vector<16xf32>,
      %gather3A_182 = tpu.vector_load_idx %arg10[%add3A_135, %add3A_178] : memref<128x128xf32, #tpu.memory_space<vmem>>[vector<16xi32>, vector<16xi32>], vector<16xf32>,
      %mul3A_183 = arith.mulf %gather3A_181, %gather3A_182 : vector<16xf32>
      %add3A_184 = arith.addf %add3A_175, %mul3A_183 : vector<16xf32>
      %add3A_185 = arith.constant 1 : i32
      %add3A_186 = vector.broadcast %add3A_185 : i32 to vector<16xi32>
      %add3A_187 = arith.addi %add3A_178, %add3A_186 : vector<16xi32>
      scf.yield %add3A_184, %add3A_187 : vector<16xf32>, vector<16xi32>
    }
    %scan3A_143 = arith.constant 64 : i32
    %max3A_144 = arith.constant -1.000000e+01 : f32
    %max3A_145 = vector.broadcast %max3A_144 : f32 to vector<16xf32>
    %max3A_146 = arith.maximumf %scan3A_142#0, %max3A_145 : vector<16xf32>
    %min3A_147 = arith.constant 1.000000e+01 : f32
    %min3A_148 = vector.broadcast %min3A_147 : f32 to vector<16xf32>
    %min3A_149 = arith.minimumf %max3A_146, %min3A_148 : vector<16xf32>
    %swap3A_150 = arith.constant 112 : index
    %swap3A_151 = tpu.vector_load %arg11[%swap3A_150] {strides = array<i32>} : memref<128xf32, #tpu.memory_space<vmem>>, vector<16xf32>,
    tpu.vector_store %arg11[%swap3A_150], %min3A_149 {strides = array<i32>} : memref<128xf32, #tpu.memory_space<vmem>>, vector<16xf32>,
    "tpu.region"() ({
      %run_scoped3A = tpu.sem_alloc : memref<!tpu.dma_semaphore, #tpu.memory_space<semaphore_mem>>
      %dma_start3A = tpu.memref_slice %arg6[%mul3A_2] : memref<4096xf32, #tpu.memory_space<hbm>> -> memref<128xf32, #tpu.memory_space<hbm>>
      %dma_start3A_152 = tpu.memref_slice %arg6[%mul3A_2] : memref<4096xf32, #tpu.memory_space<hbm>> -> memref<128xf32, #tpu.memory_space<hbm>>
      tpu.enqueue_dma source(%arg11 : memref<128xf32, #tpu.memory_space<vmem>>) target(%dma_start3A_152 : memref<128xf32, #tpu.memory_space<hbm>>) target_semaphore(%run_scoped3A : memref<!tpu.dma_semaphore, #tpu.memory_space<semaphore_mem>>)
      %dma_wait3A = tpu.memref_slice %arg6[%mul3A_2] : memref<4096xf32, #tpu.memory_space<hbm>> -> memref<128xf32, #tpu.memory_space<hbm>>
      %dma_wait3A_153 = tpu.memref_slice %arg6[%mul3A_2] : memref<4096xf32, #tpu.memory_space<hbm>> -> memref<128xf32, #tpu.memory_space<hbm>>
      tpu.wait_dma2 semaphore(%run_scoped3A : memref<!tpu.dma_semaphore, #tpu.memory_space<semaphore_mem>>) src(%arg11 : memref<128xf32, #tpu.memory_space<vmem>>) dst(%dma_wait3A_153 : memref<128xf32, #tpu.memory_space<hbm>>)
      tpu.yield
    }) : () -> ()
    return
  }
}

module attributes {stable_mosaic.version = 14 : i64} {
  func.func @body(%arg0: i32, %arg1: memref<1000x128xf32, #tpu.memory_space<vmem>>, %arg2: memref<128x128xf32, #tpu.memory_space<vmem>>, %arg3: memref<1x128xf32, #tpu.memory_space<vmem>>, %arg4: memref<128x128xf32, #tpu.memory_space<vmem>>, %arg5: memref<1x128xf32, #tpu.memory_space<vmem>>, %arg6: memref<128x128xf32, #tpu.memory_space<vmem>>, %arg7: memref<1x128xf32, #tpu.memory_space<vmem>>, %arg8: memref<128x128xf32, #tpu.memory_space<vmem>>, %arg9: memref<1x128xf32, #tpu.memory_space<vmem>>, %arg10: memref<1000x128xf32, #tpu.memory_space<vmem>>, %arg11: memref<1000x128xf32, #tpu.memory_space<vmem>>, %arg12: memref<1000x128xf32, #tpu.memory_space<vmem>>, %arg13: memref<1000x128xf32, #tpu.memory_space<vmem>>) attributes {dimension_semantics = [#tpu.dimension_semantics<arbitrary>], iteration_bounds = array<i64: 10>, scalar_prefetch = 0 : i64, scratch_operands = 0 : i64, tpu.core_type = #tpu.core_type<tc>, window_params = [{transform_indices = @transform_0, window_bounds = array<i64: 1000, 128>}, {pipeline_mode = #tpu.pipeline_mode<synchronous>, transform_indices = @transform_1, window_bounds = array<i64: 128, 128>}, {pipeline_mode = #tpu.pipeline_mode<synchronous>, transform_indices = @transform_2, window_bounds = array<i64: 1, 128>}, {pipeline_mode = #tpu.pipeline_mode<synchronous>, transform_indices = @transform_3, window_bounds = array<i64: 128, 128>}, {pipeline_mode = #tpu.pipeline_mode<synchronous>, transform_indices = @transform_4, window_bounds = array<i64: 1, 128>}, {pipeline_mode = #tpu.pipeline_mode<synchronous>, transform_indices = @transform_5, window_bounds = array<i64: 128, 128>}, {pipeline_mode = #tpu.pipeline_mode<synchronous>, transform_indices = @transform_6, window_bounds = array<i64: 1, 128>}, {pipeline_mode = #tpu.pipeline_mode<synchronous>, transform_indices = @transform_7, window_bounds = array<i64: 128, 128>}, {pipeline_mode = #tpu.pipeline_mode<synchronous>, transform_indices = @transform_8, window_bounds = array<i64: 1, 128>}, {transform_indices = @transform_9, window_bounds = array<i64: 1000, 128>}, {transform_indices = @transform_10, window_bounds = array<i64: 1000, 128>}, {transform_indices = @transform_11, window_bounds = array<i64: 1000, 128>}, {transform_indices = @transform_12, window_bounds = array<i64: 1000, 128>}]} {
    %get3A = arith.constant 0 : index
    %get3A_0 = arith.constant 0 : index
    %get3A_1 = vector.load %arg1[%get3A, %get3A_0] : memref<1000x128xf32, #tpu.memory_space<vmem>>, vector<1000x128xf32>
    %get3A_2 = arith.constant 0 : index
    %get3A_3 = arith.constant 0 : index
    %get3A_4 = vector.load %arg2[%get3A_2, %get3A_3] : memref<128x128xf32, #tpu.memory_space<vmem>>, vector<128x128xf32>
    %dot_general3A = arith.constant dense<0.000000e+00> : vector<1000x128xf32>
    %dot_general3A_5 = tpu.matmul %get3A_1, %get3A_4, %dot_general3A {dimension_numbers = #tpu.dot_dimension_numbers<[1], [0], [0], [1], [0, 0, 1, 1], [], []>, transpose_lhs_hint = false} : vector<1000x128xf32>, vector<128x128xf32>, vector<1000x128xf32> -> vector<1000x128xf32>
    %get3A_6 = arith.constant 0 : index
    %get3A_7 = arith.constant 0 : index
    %get3A_8 = vector.load %arg3[%get3A_6, %get3A_7] : memref<1x128xf32, #tpu.memory_space<vmem>>, vector<1x128xf32>
    %add3A = vector.broadcast %get3A_8 : vector<1x128xf32> to vector<1000x128xf32>
    %add3A_9 = arith.addf %dot_general3A_5, %add3A : vector<1000x128xf32>
    %max3A = arith.constant 0.000000e+00 : f32
    %max3A_10 = vector.broadcast %max3A : f32 to vector<1000x128xf32>
    %max3A_11 = arith.maximumf %add3A_9, %max3A_10 : vector<1000x128xf32>
    %swap3A = arith.constant 0 : index
    %swap3A_12 = arith.constant 0 : index
    %swap3A_13 = vector.load %arg10[%swap3A, %swap3A_12] : memref<1000x128xf32, #tpu.memory_space<vmem>>, vector<1000x128xf32>
    tpu.vector_store %arg10[%swap3A, %swap3A_12], %max3A_11 {strides = array<i32>} : memref<1000x128xf32, #tpu.memory_space<vmem>>, vector<1000x128xf32>,
    %get3A_14 = arith.constant 0 : index
    %get3A_15 = arith.constant 0 : index
    %get3A_16 = vector.load %arg4[%get3A_14, %get3A_15] : memref<128x128xf32, #tpu.memory_space<vmem>>, vector<128x128xf32>
    %dot_general3A_17 = arith.constant dense<0.000000e+00> : vector<1000x128xf32>
    %dot_general3A_18 = tpu.matmul %max3A_11, %get3A_16, %dot_general3A_17 {dimension_numbers = #tpu.dot_dimension_numbers<[1], [0], [0], [1], [0, 0, 1, 1], [], []>, transpose_lhs_hint = false} : vector<1000x128xf32>, vector<128x128xf32>, vector<1000x128xf32> -> vector<1000x128xf32>
    %get3A_19 = arith.constant 0 : index
    %get3A_20 = arith.constant 0 : index
    %get3A_21 = vector.load %arg5[%get3A_19, %get3A_20] : memref<1x128xf32, #tpu.memory_space<vmem>>, vector<1x128xf32>
    %add3A_22 = vector.broadcast %get3A_21 : vector<1x128xf32> to vector<1000x128xf32>
    %add3A_23 = arith.addf %dot_general3A_18, %add3A_22 : vector<1000x128xf32>
    %swap3A_24 = arith.constant 0 : index
    %swap3A_25 = arith.constant 0 : index
    %swap3A_26 = vector.load %arg11[%swap3A_24, %swap3A_25] : memref<1000x128xf32, #tpu.memory_space<vmem>>, vector<1000x128xf32>
    tpu.vector_store %arg11[%swap3A_24, %swap3A_25], %add3A_23 {strides = array<i32>} : memref<1000x128xf32, #tpu.memory_space<vmem>>, vector<1000x128xf32>,
    %get3A_27 = arith.constant 0 : index
    %get3A_28 = arith.constant 0 : index
    %get3A_29 = vector.load %arg6[%get3A_27, %get3A_28] : memref<128x128xf32, #tpu.memory_space<vmem>>, vector<128x128xf32>
    %dot_general3A_30 = arith.constant dense<0.000000e+00> : vector<1000x128xf32>
    %dot_general3A_31 = tpu.matmul %max3A_11, %get3A_29, %dot_general3A_30 {dimension_numbers = #tpu.dot_dimension_numbers<[1], [0], [0], [1], [0, 0, 1, 1], [], []>, transpose_lhs_hint = false} : vector<1000x128xf32>, vector<128x128xf32>, vector<1000x128xf32> -> vector<1000x128xf32>
    %get3A_32 = arith.constant 0 : index
    %get3A_33 = arith.constant 0 : index
    %get3A_34 = vector.load %arg7[%get3A_32, %get3A_33] : memref<1x128xf32, #tpu.memory_space<vmem>>, vector<1x128xf32>
    %add3A_35 = vector.broadcast %get3A_34 : vector<1x128xf32> to vector<1000x128xf32>
    %add3A_36 = arith.addf %dot_general3A_31, %add3A_35 : vector<1000x128xf32>
    %swap3A_37 = arith.constant 0 : index
    %swap3A_38 = arith.constant 0 : index
    %swap3A_39 = vector.load %arg12[%swap3A_37, %swap3A_38] : memref<1000x128xf32, #tpu.memory_space<vmem>>, vector<1000x128xf32>
    tpu.vector_store %arg12[%swap3A_37, %swap3A_38], %add3A_36 {strides = array<i32>} : memref<1000x128xf32, #tpu.memory_space<vmem>>, vector<1000x128xf32>,
    %get3A_40 = arith.constant 0 : index
    %get3A_41 = arith.constant 0 : index
    %get3A_42 = vector.load %arg8[%get3A_40, %get3A_41] : memref<128x128xf32, #tpu.memory_space<vmem>>, vector<128x128xf32>
    %dot_general3A_43 = arith.constant dense<0.000000e+00> : vector<1000x128xf32>
    %dot_general3A_44 = tpu.matmul %max3A_11, %get3A_42, %dot_general3A_43 {dimension_numbers = #tpu.dot_dimension_numbers<[1], [0], [0], [1], [0, 0, 1, 1], [], []>, transpose_lhs_hint = false} : vector<1000x128xf32>, vector<128x128xf32>, vector<1000x128xf32> -> vector<1000x128xf32>
    %get3A_45 = arith.constant 0 : index
    %get3A_46 = arith.constant 0 : index
    %get3A_47 = vector.load %arg9[%get3A_45, %get3A_46] : memref<1x128xf32, #tpu.memory_space<vmem>>, vector<1x128xf32>
    %add3A_48 = vector.broadcast %get3A_47 : vector<1x128xf32> to vector<1000x128xf32>
    %add3A_49 = arith.addf %dot_general3A_44, %add3A_48 : vector<1000x128xf32>
    %swap3A_50 = arith.constant 0 : index
    %swap3A_51 = arith.constant 0 : index
    %swap3A_52 = vector.load %arg13[%swap3A_50, %swap3A_51] : memref<1000x128xf32, #tpu.memory_space<vmem>>, vector<1000x128xf32>
    tpu.vector_store %arg13[%swap3A_50, %swap3A_51], %add3A_49 {strides = array<i32>} : memref<1000x128xf32, #tpu.memory_space<vmem>>, vector<1000x128xf32>,
    return
  }
  func.func @transform_0(%arg0: i32) -> (i32, i32) {
    %c0_i32 = arith.constant 0 : i32
    %c0_i32_0 = arith.constant 0 : i32
    return %arg0, %c0_i32 : i32, i32
  }
  func.func @transform_1(%arg0: i32) -> (i32, i32) {
    %c0_i32 = arith.constant 0 : i32
    %c0_i32_0 = arith.constant 0 : i32
    %c0_i32_1 = arith.constant 0 : i32
    return %c0_i32, %c0_i32_0 : i32, i32
  }
  func.func @transform_2(%arg0: i32) -> (i32, i32) {
    %c0_i32 = arith.constant 0 : i32
    %c0_i32_0 = arith.constant 0 : i32
    %c0_i32_1 = arith.constant 0 : i32
    return %c0_i32, %c0_i32_0 : i32, i32
  }
  func.func @transform_3(%arg0: i32) -> (i32, i32) {
    %c0_i32 = arith.constant 0 : i32
    %c0_i32_0 = arith.constant 0 : i32
    %c0_i32_1 = arith.constant 0 : i32
    return %c0_i32, %c0_i32_0 : i32, i32
  }
  func.func @transform_4(%arg0: i32) -> (i32, i32) {
    %c0_i32 = arith.constant 0 : i32
    %c0_i32_0 = arith.constant 0 : i32
    %c0_i32_1 = arith.constant 0 : i32
    return %c0_i32, %c0_i32_0 : i32, i32
  }
  func.func @transform_5(%arg0: i32) -> (i32, i32) {
    %c0_i32 = arith.constant 0 : i32
    %c0_i32_0 = arith.constant 0 : i32
    %c0_i32_1 = arith.constant 0 : i32
    return %c0_i32, %c0_i32_0 : i32, i32
  }
  func.func @transform_6(%arg0: i32) -> (i32, i32) {
    %c0_i32 = arith.constant 0 : i32
    %c0_i32_0 = arith.constant 0 : i32
    %c0_i32_1 = arith.constant 0 : i32
    return %c0_i32, %c0_i32_0 : i32, i32
  }
  func.func @transform_7(%arg0: i32) -> (i32, i32) {
    %c0_i32 = arith.constant 0 : i32
    %c0_i32_0 = arith.constant 0 : i32
    %c0_i32_1 = arith.constant 0 : i32
    return %c0_i32, %c0_i32_0 : i32, i32
  }
  func.func @transform_8(%arg0: i32) -> (i32, i32) {
    %c0_i32 = arith.constant 0 : i32
    %c0_i32_0 = arith.constant 0 : i32
    %c0_i32_1 = arith.constant 0 : i32
    return %c0_i32, %c0_i32_0 : i32, i32
  }
  func.func @transform_9(%arg0: i32) -> (i32, i32) {
    %c0_i32 = arith.constant 0 : i32
    %c0_i32_0 = arith.constant 0 : i32
    return %arg0, %c0_i32 : i32, i32
  }
  func.func @transform_10(%arg0: i32) -> (i32, i32) {
    %c0_i32 = arith.constant 0 : i32
    %c0_i32_0 = arith.constant 0 : i32
    return %arg0, %c0_i32 : i32, i32
  }
  func.func @transform_11(%arg0: i32) -> (i32, i32) {
    %c0_i32 = arith.constant 0 : i32
    %c0_i32_0 = arith.constant 0 : i32
    return %arg0, %c0_i32 : i32, i32
  }
  func.func @transform_12(%arg0: i32) -> (i32, i32) {
    %c0_i32 = arith.constant 0 : i32
    %c0_i32_0 = arith.constant 0 : i32
    return %arg0, %c0_i32 : i32, i32
  }
}

module attributes {stable_mosaic.version = 14 : i64} {
  func.func @body(%arg0: i32, %arg1: memref<1000x512xf32, #tpu.memory_space<vmem>>, %arg2: memref<512x128xf32, #tpu.memory_space<vmem>>, %arg3: memref<1x128xf32, #tpu.memory_space<vmem>>, %arg4: memref<128x128xf32, #tpu.memory_space<vmem>>, %arg5: memref<1x128xf32, #tpu.memory_space<vmem>>, %arg6: memref<128x128xf32, #tpu.memory_space<vmem>>, %arg7: memref<1x128xf32, #tpu.memory_space<vmem>>, %arg8: memref<128x128xf32, #tpu.memory_space<vmem>>, %arg9: memref<1x128xf32, #tpu.memory_space<vmem>>, %arg10: memref<1000x128xf32, #tpu.memory_space<vmem>>, %arg11: memref<1000x128xf32, #tpu.memory_space<vmem>>, %arg12: memref<1000x128xf32, #tpu.memory_space<vmem>>, %arg13: memref<1000x128xf32, #tpu.memory_space<vmem>>) attributes {dimension_semantics = [#tpu.dimension_semantics<arbitrary>], iteration_bounds = array<i64: 10>, scalar_prefetch = 0 : i64, scratch_operands = 0 : i64, tpu.core_type = #tpu.core_type<tc>, window_params = [{transform_indices = @transform_0, window_bounds = array<i64: 1000, 512>}, {pipeline_mode = #tpu.pipeline_mode<synchronous>, transform_indices = @transform_1, window_bounds = array<i64: 512, 128>}, {pipeline_mode = #tpu.pipeline_mode<synchronous>, transform_indices = @transform_2, window_bounds = array<i64: 1, 128>}, {pipeline_mode = #tpu.pipeline_mode<synchronous>, transform_indices = @transform_3, window_bounds = array<i64: 128, 128>}, {pipeline_mode = #tpu.pipeline_mode<synchronous>, transform_indices = @transform_4, window_bounds = array<i64: 1, 128>}, {pipeline_mode = #tpu.pipeline_mode<synchronous>, transform_indices = @transform_5, window_bounds = array<i64: 128, 128>}, {pipeline_mode = #tpu.pipeline_mode<synchronous>, transform_indices = @transform_6, window_bounds = array<i64: 1, 128>}, {pipeline_mode = #tpu.pipeline_mode<synchronous>, transform_indices = @transform_7, window_bounds = array<i64: 128, 128>}, {pipeline_mode = #tpu.pipeline_mode<synchronous>, transform_indices = @transform_8, window_bounds = array<i64: 1, 128>}, {transform_indices = @transform_9, window_bounds = array<i64: 1000, 128>}, {transform_indices = @transform_10, window_bounds = array<i64: 1000, 128>}, {transform_indices = @transform_11, window_bounds = array<i64: 1000, 128>}, {transform_indices = @transform_12, window_bounds = array<i64: 1000, 128>}]} {
    %get3A = arith.constant 0 : index
    %get3A_0 = arith.constant 0 : index
    %get3A_1 = vector.load %arg1[%get3A, %get3A_0] : memref<1000x512xf32, #tpu.memory_space<vmem>>, vector<1000x512xf32>
    %get3A_2 = arith.constant 0 : index
    %get3A_3 = arith.constant 0 : index
    %get3A_4 = vector.load %arg2[%get3A_2, %get3A_3] : memref<512x128xf32, #tpu.memory_space<vmem>>, vector<512x128xf32>
    %dot_general3A = arith.constant dense<0.000000e+00> : vector<1000x128xf32>
    %dot_general3A_5 = tpu.matmul %get3A_1, %get3A_4, %dot_general3A {dimension_numbers = #tpu.dot_dimension_numbers<[1], [0], [0], [1], [0, 0, 1, 1], [], []>, transpose_lhs_hint = false} : vector<1000x512xf32>, vector<512x128xf32>, vector<1000x128xf32> -> vector<1000x128xf32>
    %get3A_6 = arith.constant 0 : index
    %get3A_7 = arith.constant 0 : index
    %get3A_8 = vector.load %arg3[%get3A_6, %get3A_7] : memref<1x128xf32, #tpu.memory_space<vmem>>, vector<1x128xf32>
    %add3A = vector.broadcast %get3A_8 : vector<1x128xf32> to vector<1000x128xf32>
    %add3A_9 = arith.addf %dot_general3A_5, %add3A : vector<1000x128xf32>
    %max3A = arith.constant 0.000000e+00 : f32
    %max3A_10 = vector.broadcast %max3A : f32 to vector<1000x128xf32>
    %max3A_11 = arith.maximumf %add3A_9, %max3A_10 : vector<1000x128xf32>
    %swap3A = arith.constant 0 : index
    %swap3A_12 = arith.constant 0 : index
    %swap3A_13 = vector.load %arg10[%swap3A, %swap3A_12] : memref<1000x128xf32, #tpu.memory_space<vmem>>, vector<1000x128xf32>
    tpu.vector_store %arg10[%swap3A, %swap3A_12], %max3A_11 {strides = array<i32>} : memref<1000x128xf32, #tpu.memory_space<vmem>>, vector<1000x128xf32>,
    %get3A_14 = arith.constant 0 : index
    %get3A_15 = arith.constant 0 : index
    %get3A_16 = vector.load %arg4[%get3A_14, %get3A_15] : memref<128x128xf32, #tpu.memory_space<vmem>>, vector<128x128xf32>
    %dot_general3A_17 = arith.constant dense<0.000000e+00> : vector<1000x128xf32>
    %dot_general3A_18 = tpu.matmul %max3A_11, %get3A_16, %dot_general3A_17 {dimension_numbers = #tpu.dot_dimension_numbers<[1], [0], [0], [1], [0, 0, 1, 1], [], []>, transpose_lhs_hint = false} : vector<1000x128xf32>, vector<128x128xf32>, vector<1000x128xf32> -> vector<1000x128xf32>
    %get3A_19 = arith.constant 0 : index
    %get3A_20 = arith.constant 0 : index
    %get3A_21 = vector.load %arg5[%get3A_19, %get3A_20] : memref<1x128xf32, #tpu.memory_space<vmem>>, vector<1x128xf32>
    %add3A_22 = vector.broadcast %get3A_21 : vector<1x128xf32> to vector<1000x128xf32>
    %add3A_23 = arith.addf %dot_general3A_18, %add3A_22 : vector<1000x128xf32>
    %swap3A_24 = arith.constant 0 : index
    %swap3A_25 = arith.constant 0 : index
    %swap3A_26 = vector.load %arg11[%swap3A_24, %swap3A_25] : memref<1000x128xf32, #tpu.memory_space<vmem>>, vector<1000x128xf32>
    tpu.vector_store %arg11[%swap3A_24, %swap3A_25], %add3A_23 {strides = array<i32>} : memref<1000x128xf32, #tpu.memory_space<vmem>>, vector<1000x128xf32>,
    %get3A_27 = arith.constant 0 : index
    %get3A_28 = arith.constant 0 : index
    %get3A_29 = vector.load %arg6[%get3A_27, %get3A_28] : memref<128x128xf32, #tpu.memory_space<vmem>>, vector<128x128xf32>
    %dot_general3A_30 = arith.constant dense<0.000000e+00> : vector<1000x128xf32>
    %dot_general3A_31 = tpu.matmul %max3A_11, %get3A_29, %dot_general3A_30 {dimension_numbers = #tpu.dot_dimension_numbers<[1], [0], [0], [1], [0, 0, 1, 1], [], []>, transpose_lhs_hint = false} : vector<1000x128xf32>, vector<128x128xf32>, vector<1000x128xf32> -> vector<1000x128xf32>
    %get3A_32 = arith.constant 0 : index
    %get3A_33 = arith.constant 0 : index
    %get3A_34 = vector.load %arg7[%get3A_32, %get3A_33] : memref<1x128xf32, #tpu.memory_space<vmem>>, vector<1x128xf32>
    %add3A_35 = vector.broadcast %get3A_34 : vector<1x128xf32> to vector<1000x128xf32>
    %add3A_36 = arith.addf %dot_general3A_31, %add3A_35 : vector<1000x128xf32>
    %swap3A_37 = arith.constant 0 : index
    %swap3A_38 = arith.constant 0 : index
    %swap3A_39 = vector.load %arg12[%swap3A_37, %swap3A_38] : memref<1000x128xf32, #tpu.memory_space<vmem>>, vector<1000x128xf32>
    tpu.vector_store %arg12[%swap3A_37, %swap3A_38], %add3A_36 {strides = array<i32>} : memref<1000x128xf32, #tpu.memory_space<vmem>>, vector<1000x128xf32>,
    %get3A_40 = arith.constant 0 : index
    %get3A_41 = arith.constant 0 : index
    %get3A_42 = vector.load %arg8[%get3A_40, %get3A_41] : memref<128x128xf32, #tpu.memory_space<vmem>>, vector<128x128xf32>
    %dot_general3A_43 = arith.constant dense<0.000000e+00> : vector<1000x128xf32>
    %dot_general3A_44 = tpu.matmul %max3A_11, %get3A_42, %dot_general3A_43 {dimension_numbers = #tpu.dot_dimension_numbers<[1], [0], [0], [1], [0, 0, 1, 1], [], []>, transpose_lhs_hint = false} : vector<1000x128xf32>, vector<128x128xf32>, vector<1000x128xf32> -> vector<1000x128xf32>
    %get3A_45 = arith.constant 0 : index
    %get3A_46 = arith.constant 0 : index
    %get3A_47 = vector.load %arg9[%get3A_45, %get3A_46] : memref<1x128xf32, #tpu.memory_space<vmem>>, vector<1x128xf32>
    %add3A_48 = vector.broadcast %get3A_47 : vector<1x128xf32> to vector<1000x128xf32>
    %add3A_49 = arith.addf %dot_general3A_44, %add3A_48 : vector<1000x128xf32>
    %swap3A_50 = arith.constant 0 : index
    %swap3A_51 = arith.constant 0 : index
    %swap3A_52 = vector.load %arg13[%swap3A_50, %swap3A_51] : memref<1000x128xf32, #tpu.memory_space<vmem>>, vector<1000x128xf32>
    tpu.vector_store %arg13[%swap3A_50, %swap3A_51], %add3A_49 {strides = array<i32>} : memref<1000x128xf32, #tpu.memory_space<vmem>>, vector<1000x128xf32>,
    return
  }
  func.func @transform_0(%arg0: i32) -> (i32, i32) {
    %c0_i32 = arith.constant 0 : i32
    %c0_i32_0 = arith.constant 0 : i32
    return %arg0, %c0_i32 : i32, i32
  }
  func.func @transform_1(%arg0: i32) -> (i32, i32) {
    %c0_i32 = arith.constant 0 : i32
    %c0_i32_0 = arith.constant 0 : i32
    %c0_i32_1 = arith.constant 0 : i32
    return %c0_i32, %c0_i32_0 : i32, i32
  }
  func.func @transform_2(%arg0: i32) -> (i32, i32) {
    %c0_i32 = arith.constant 0 : i32
    %c0_i32_0 = arith.constant 0 : i32
    %c0_i32_1 = arith.constant 0 : i32
    return %c0_i32, %c0_i32_0 : i32, i32
  }
  func.func @transform_3(%arg0: i32) -> (i32, i32) {
    %c0_i32 = arith.constant 0 : i32
    %c0_i32_0 = arith.constant 0 : i32
    %c0_i32_1 = arith.constant 0 : i32
    return %c0_i32, %c0_i32_0 : i32, i32
  }
  func.func @transform_4(%arg0: i32) -> (i32, i32) {
    %c0_i32 = arith.constant 0 : i32
    %c0_i32_0 = arith.constant 0 : i32
    %c0_i32_1 = arith.constant 0 : i32
    return %c0_i32, %c0_i32_0 : i32, i32
  }
  func.func @transform_5(%arg0: i32) -> (i32, i32) {
    %c0_i32 = arith.constant 0 : i32
    %c0_i32_0 = arith.constant 0 : i32
    %c0_i32_1 = arith.constant 0 : i32
    return %c0_i32, %c0_i32_0 : i32, i32
  }
  func.func @transform_6(%arg0: i32) -> (i32, i32) {
    %c0_i32 = arith.constant 0 : i32
    %c0_i32_0 = arith.constant 0 : i32
    %c0_i32_1 = arith.constant 0 : i32
    return %c0_i32, %c0_i32_0 : i32, i32
  }
  func.func @transform_7(%arg0: i32) -> (i32, i32) {
    %c0_i32 = arith.constant 0 : i32
    %c0_i32_0 = arith.constant 0 : i32
    %c0_i32_1 = arith.constant 0 : i32
    return %c0_i32, %c0_i32_0 : i32, i32
  }
  func.func @transform_8(%arg0: i32) -> (i32, i32) {
    %c0_i32 = arith.constant 0 : i32
    %c0_i32_0 = arith.constant 0 : i32
    %c0_i32_1 = arith.constant 0 : i32
    return %c0_i32, %c0_i32_0 : i32, i32
  }
  func.func @transform_9(%arg0: i32) -> (i32, i32) {
    %c0_i32 = arith.constant 0 : i32
    %c0_i32_0 = arith.constant 0 : i32
    return %arg0, %c0_i32 : i32, i32
  }
  func.func @transform_10(%arg0: i32) -> (i32, i32) {
    %c0_i32 = arith.constant 0 : i32
    %c0_i32_0 = arith.constant 0 : i32
    return %arg0, %c0_i32 : i32, i32
  }
  func.func @transform_11(%arg0: i32) -> (i32, i32) {
    %c0_i32 = arith.constant 0 : i32
    %c0_i32_0 = arith.constant 0 : i32
    return %arg0, %c0_i32 : i32, i32
  }
  func.func @transform_12(%arg0: i32) -> (i32, i32) {
    %c0_i32 = arith.constant 0 : i32
    %c0_i32_0 = arith.constant 0 : i32
    return %arg0, %c0_i32 : i32, i32
  }
}

module attributes {stable_mosaic.version = 14 : i64} {
  func.func @body(%arg0: i32, %arg1: memref<2000x128xf32, #tpu.memory_space<vmem>>, %arg2: memref<2000x128xf32, #tpu.memory_space<vmem>>, %arg3: memref<1x128xf32, #tpu.memory_space<vmem>>, %arg4: memref<128x128xf32, #tpu.memory_space<vmem>>, %arg5: memref<1x128xf32, #tpu.memory_space<vmem>>, %arg6: memref<128x128xf32, #tpu.memory_space<vmem>>, %arg7: memref<1x128xf32, #tpu.memory_space<vmem>>, %arg8: memref<128x128xf32, #tpu.memory_space<vmem>>, %arg9: memref<1x128xf32, #tpu.memory_space<vmem>>, %arg10: memref<128x128xf32, #tpu.memory_space<vmem>>, %arg11: memref<1x128xf32, #tpu.memory_space<vmem>>, %arg12: memref<2000x128xf32, #tpu.memory_space<vmem>>, %arg13: memref<2000x128xf32, #tpu.memory_space<vmem>>, %arg14: memref<2000x128xf32, #tpu.memory_space<vmem>>, %arg15: memref<2000x128xf32, #tpu.memory_space<vmem>>) attributes {dimension_semantics = [#tpu.dimension_semantics<arbitrary>], iteration_bounds = array<i64: 5>, scalar_prefetch = 0 : i64, scratch_operands = 0 : i64, tpu.core_type = #tpu.core_type<tc>, window_params = [{transform_indices = @transform_0, window_bounds = array<i64: 2000, 128>}, {transform_indices = @transform_1, window_bounds = array<i64: 2000, 128>}, {pipeline_mode = #tpu.pipeline_mode<synchronous>, transform_indices = @transform_2, window_bounds = array<i64: 1, 128>}, {pipeline_mode = #tpu.pipeline_mode<synchronous>, transform_indices = @transform_3, window_bounds = array<i64: 128, 128>}, {pipeline_mode = #tpu.pipeline_mode<synchronous>, transform_indices = @transform_4, window_bounds = array<i64: 1, 128>}, {pipeline_mode = #tpu.pipeline_mode<synchronous>, transform_indices = @transform_5, window_bounds = array<i64: 128, 128>}, {pipeline_mode = #tpu.pipeline_mode<synchronous>, transform_indices = @transform_6, window_bounds = array<i64: 1, 128>}, {pipeline_mode = #tpu.pipeline_mode<synchronous>, transform_indices = @transform_7, window_bounds = array<i64: 128, 128>}, {pipeline_mode = #tpu.pipeline_mode<synchronous>, transform_indices = @transform_8, window_bounds = array<i64: 1, 128>}, {pipeline_mode = #tpu.pipeline_mode<synchronous>, transform_indices = @transform_9, window_bounds = array<i64: 128, 128>}, {pipeline_mode = #tpu.pipeline_mode<synchronous>, transform_indices = @transform_10, window_bounds = array<i64: 1, 128>}, {transform_indices = @transform_11, window_bounds = array<i64: 2000, 128>}, {transform_indices = @transform_12, window_bounds = array<i64: 2000, 128>}, {transform_indices = @transform_13, window_bounds = array<i64: 2000, 128>}, {transform_indices = @transform_14, window_bounds = array<i64: 2000, 128>}]} {
    %get3A = arith.constant 0 : index
    %get3A_0 = arith.constant 0 : index
    %get3A_1 = vector.load %arg1[%get3A, %get3A_0] : memref<2000x128xf32, #tpu.memory_space<vmem>>, vector<2000x128xf32>
    %integer_pow3A = arith.mulf %get3A_1, %get3A_1 : vector<2000x128xf32>
    %integer_pow3A_2 = arith.mulf %get3A_1, %integer_pow3A : vector<2000x128xf32>
    %mul3A = arith.constant 4.471500e-02 : f32
    %mul3A_3 = vector.broadcast %mul3A : f32 to vector<2000x128xf32>
    %mul3A_4 = arith.mulf %mul3A_3, %integer_pow3A_2 : vector<2000x128xf32>
    %add3A = arith.addf %get3A_1, %mul3A_4 : vector<2000x128xf32>
    %mul3A_5 = arith.constant 0.797884583 : f32
    %mul3A_6 = vector.broadcast %mul3A_5 : f32 to vector<2000x128xf32>
    %mul3A_7 = arith.mulf %mul3A_6, %add3A : vector<2000x128xf32>
    %tanh3A = math.tanh %mul3A_7 : vector<2000x128xf32>
    %add3A_8 = arith.constant 1.000000e+00 : f32
    %add3A_9 = vector.broadcast %add3A_8 : f32 to vector<2000x128xf32>
    %add3A_10 = arith.addf %add3A_9, %tanh3A : vector<2000x128xf32>
    %mul3A_11 = arith.constant 5.000000e-01 : f32
    %mul3A_12 = vector.broadcast %mul3A_11 : f32 to vector<2000x128xf32>
    %mul3A_13 = arith.mulf %mul3A_12, %add3A_10 : vector<2000x128xf32>
    %mul3A_14 = arith.mulf %get3A_1, %mul3A_13 : vector<2000x128xf32>
    %get3A_15 = arith.constant 0 : index
    %get3A_16 = arith.constant 0 : index
    %get3A_17 = vector.load %arg4[%get3A_15, %get3A_16] : memref<128x128xf32, #tpu.memory_space<vmem>>, vector<128x128xf32>
    %dot_general3A = arith.constant dense<0.000000e+00> : vector<2000x128xf32>
    %dot_general3A_18 = tpu.matmul %mul3A_14, %get3A_17, %dot_general3A {dimension_numbers = #tpu.dot_dimension_numbers<[1], [0], [0], [1], [0, 0, 1, 1], [], []>, transpose_lhs_hint = false} : vector<2000x128xf32>, vector<128x128xf32>, vector<2000x128xf32> -> vector<2000x128xf32>
    %get3A_19 = arith.constant 0 : index
    %get3A_20 = arith.constant 0 : index
    %get3A_21 = vector.load %arg5[%get3A_19, %get3A_20] : memref<1x128xf32, #tpu.memory_space<vmem>>, vector<1x128xf32>
    %add3A_22 = vector.broadcast %get3A_21 : vector<1x128xf32> to vector<2000x128xf32>
    %add3A_23 = arith.addf %dot_general3A_18, %add3A_22 : vector<2000x128xf32>
    %get3A_24 = arith.constant 0 : index
    %get3A_25 = arith.constant 0 : index
    %get3A_26 = vector.load %arg3[%get3A_24, %get3A_25] : memref<1x128xf32, #tpu.memory_space<vmem>>, vector<1x128xf32>
    %get3A_27 = arith.constant 0 : index
    %get3A_28 = arith.constant 0 : index
    %get3A_29 = vector.load %arg2[%get3A_27, %get3A_28] : memref<2000x128xf32, #tpu.memory_space<vmem>>, vector<2000x128xf32>
    %mul3A_30 = vector.broadcast %get3A_26 : vector<1x128xf32> to vector<2000x128xf32>
    %mul3A_31 = arith.mulf %mul3A_30, %get3A_29 : vector<2000x128xf32>
    %add3A_32 = arith.addf %add3A_23, %mul3A_31 : vector<2000x128xf32>
    %max3A = arith.constant 0.000000e+00 : f32
    %max3A_33 = vector.broadcast %max3A : f32 to vector<2000x128xf32>
    %max3A_34 = arith.maximumf %add3A_32, %max3A_33 : vector<2000x128xf32>
    %swap3A = arith.constant 0 : index
    %swap3A_35 = arith.constant 0 : index
    %swap3A_36 = vector.load %arg12[%swap3A, %swap3A_35] : memref<2000x128xf32, #tpu.memory_space<vmem>>, vector<2000x128xf32>
    tpu.vector_store %arg12[%swap3A, %swap3A_35], %max3A_34 {strides = array<i32>} : memref<2000x128xf32, #tpu.memory_space<vmem>>, vector<2000x128xf32>,
    %get3A_37 = arith.constant 0 : index
    %get3A_38 = arith.constant 0 : index
    %get3A_39 = vector.load %arg6[%get3A_37, %get3A_38] : memref<128x128xf32, #tpu.memory_space<vmem>>, vector<128x128xf32>
    %dot_general3A_40 = arith.constant dense<0.000000e+00> : vector<2000x128xf32>
    %dot_general3A_41 = tpu.matmul %max3A_34, %get3A_39, %dot_general3A_40 {dimension_numbers = #tpu.dot_dimension_numbers<[1], [0], [0], [1], [0, 0, 1, 1], [], []>, transpose_lhs_hint = false} : vector<2000x128xf32>, vector<128x128xf32>, vector<2000x128xf32> -> vector<2000x128xf32>
    %get3A_42 = arith.constant 0 : index
    %get3A_43 = arith.constant 0 : index
    %get3A_44 = vector.load %arg7[%get3A_42, %get3A_43] : memref<1x128xf32, #tpu.memory_space<vmem>>, vector<1x128xf32>
    %add3A_45 = vector.broadcast %get3A_44 : vector<1x128xf32> to vector<2000x128xf32>
    %add3A_46 = arith.addf %dot_general3A_41, %add3A_45 : vector<2000x128xf32>
    %swap3A_47 = arith.constant 0 : index
    %swap3A_48 = arith.constant 0 : index
    %swap3A_49 = vector.load %arg13[%swap3A_47, %swap3A_48] : memref<2000x128xf32, #tpu.memory_space<vmem>>, vector<2000x128xf32>
    tpu.vector_store %arg13[%swap3A_47, %swap3A_48], %add3A_46 {strides = array<i32>} : memref<2000x128xf32, #tpu.memory_space<vmem>>, vector<2000x128xf32>,
    %get3A_50 = arith.constant 0 : index
    %get3A_51 = arith.constant 0 : index
    %get3A_52 = vector.load %arg8[%get3A_50, %get3A_51] : memref<128x128xf32, #tpu.memory_space<vmem>>, vector<128x128xf32>
    %dot_general3A_53 = arith.constant dense<0.000000e+00> : vector<2000x128xf32>
    %dot_general3A_54 = tpu.matmul %max3A_34, %get3A_52, %dot_general3A_53 {dimension_numbers = #tpu.dot_dimension_numbers<[1], [0], [0], [1], [0, 0, 1, 1], [], []>, transpose_lhs_hint = false} : vector<2000x128xf32>, vector<128x128xf32>, vector<2000x128xf32> -> vector<2000x128xf32>
    %get3A_55 = arith.constant 0 : index
    %get3A_56 = arith.constant 0 : index
    %get3A_57 = vector.load %arg9[%get3A_55, %get3A_56] : memref<1x128xf32, #tpu.memory_space<vmem>>, vector<1x128xf32>
    %add3A_58 = vector.broadcast %get3A_57 : vector<1x128xf32> to vector<2000x128xf32>
    %add3A_59 = arith.addf %dot_general3A_54, %add3A_58 : vector<2000x128xf32>
    %swap3A_60 = arith.constant 0 : index
    %swap3A_61 = arith.constant 0 : index
    %swap3A_62 = vector.load %arg14[%swap3A_60, %swap3A_61] : memref<2000x128xf32, #tpu.memory_space<vmem>>, vector<2000x128xf32>
    tpu.vector_store %arg14[%swap3A_60, %swap3A_61], %add3A_59 {strides = array<i32>} : memref<2000x128xf32, #tpu.memory_space<vmem>>, vector<2000x128xf32>,
    %get3A_63 = arith.constant 0 : index
    %get3A_64 = arith.constant 0 : index
    %get3A_65 = vector.load %arg10[%get3A_63, %get3A_64] : memref<128x128xf32, #tpu.memory_space<vmem>>, vector<128x128xf32>
    %dot_general3A_66 = arith.constant dense<0.000000e+00> : vector<2000x128xf32>
    %dot_general3A_67 = tpu.matmul %max3A_34, %get3A_65, %dot_general3A_66 {dimension_numbers = #tpu.dot_dimension_numbers<[1], [0], [0], [1], [0, 0, 1, 1], [], []>, transpose_lhs_hint = false} : vector<2000x128xf32>, vector<128x128xf32>, vector<2000x128xf32> -> vector<2000x128xf32>
    %get3A_68 = arith.constant 0 : index
    %get3A_69 = arith.constant 0 : index
    %get3A_70 = vector.load %arg11[%get3A_68, %get3A_69] : memref<1x128xf32, #tpu.memory_space<vmem>>, vector<1x128xf32>
    %add3A_71 = vector.broadcast %get3A_70 : vector<1x128xf32> to vector<2000x128xf32>
    %add3A_72 = arith.addf %dot_general3A_67, %add3A_71 : vector<2000x128xf32>
    %swap3A_73 = arith.constant 0 : index
    %swap3A_74 = arith.constant 0 : index
    %swap3A_75 = vector.load %arg15[%swap3A_73, %swap3A_74] : memref<2000x128xf32, #tpu.memory_space<vmem>>, vector<2000x128xf32>
    tpu.vector_store %arg15[%swap3A_73, %swap3A_74], %add3A_72 {strides = array<i32>} : memref<2000x128xf32, #tpu.memory_space<vmem>>, vector<2000x128xf32>,
    return
  }
  func.func @transform_0(%arg0: i32) -> (i32, i32) {
    %c0_i32 = arith.constant 0 : i32
    %c0_i32_0 = arith.constant 0 : i32
    return %arg0, %c0_i32 : i32, i32
  }
  func.func @transform_1(%arg0: i32) -> (i32, i32) {
    %c0_i32 = arith.constant 0 : i32
    %c0_i32_0 = arith.constant 0 : i32
    return %arg0, %c0_i32 : i32, i32
  }
  func.func @transform_2(%arg0: i32) -> (i32, i32) {
    %c0_i32 = arith.constant 0 : i32
    %c0_i32_0 = arith.constant 0 : i32
    %c0_i32_1 = arith.constant 0 : i32
    return %c0_i32, %c0_i32_0 : i32, i32
  }
  func.func @transform_3(%arg0: i32) -> (i32, i32) {
    %c0_i32 = arith.constant 0 : i32
    %c0_i32_0 = arith.constant 0 : i32
    %c0_i32_1 = arith.constant 0 : i32
    return %c0_i32, %c0_i32_0 : i32, i32
  }
  func.func @transform_4(%arg0: i32) -> (i32, i32) {
    %c0_i32 = arith.constant 0 : i32
    %c0_i32_0 = arith.constant 0 : i32
    %c0_i32_1 = arith.constant 0 : i32
    return %c0_i32, %c0_i32_0 : i32, i32
  }
  func.func @transform_5(%arg0: i32) -> (i32, i32) {
    %c0_i32 = arith.constant 0 : i32
    %c0_i32_0 = arith.constant 0 : i32
    %c0_i32_1 = arith.constant 0 : i32
    return %c0_i32, %c0_i32_0 : i32, i32
  }
  func.func @transform_6(%arg0: i32) -> (i32, i32) {
    %c0_i32 = arith.constant 0 : i32
    %c0_i32_0 = arith.constant 0 : i32
    %c0_i32_1 = arith.constant 0 : i32
    return %c0_i32, %c0_i32_0 : i32, i32
  }
  func.func @transform_7(%arg0: i32) -> (i32, i32) {
    %c0_i32 = arith.constant 0 : i32
    %c0_i32_0 = arith.constant 0 : i32
    %c0_i32_1 = arith.constant 0 : i32
    return %c0_i32, %c0_i32_0 : i32, i32
  }
  func.func @transform_8(%arg0: i32) -> (i32, i32) {
    %c0_i32 = arith.constant 0 : i32
    %c0_i32_0 = arith.constant 0 : i32
    %c0_i32_1 = arith.constant 0 : i32
    return %c0_i32, %c0_i32_0 : i32, i32
  }
  func.func @transform_9(%arg0: i32) -> (i32, i32) {
    %c0_i32 = arith.constant 0 : i32
    %c0_i32_0 = arith.constant 0 : i32
    %c0_i32_1 = arith.constant 0 : i32
    return %c0_i32, %c0_i32_0 : i32, i32
  }
  func.func @transform_10(%arg0: i32) -> (i32, i32) {
    %c0_i32 = arith.constant 0 : i32
    %c0_i32_0 = arith.constant 0 : i32
    %c0_i32_1 = arith.constant 0 : i32
    return %c0_i32, %c0_i32_0 : i32, i32
  }
  func.func @transform_11(%arg0: i32) -> (i32, i32) {
    %c0_i32 = arith.constant 0 : i32
    %c0_i32_0 = arith.constant 0 : i32
    return %arg0, %c0_i32 : i32, i32
  }
  func.func @transform_12(%arg0: i32) -> (i32, i32) {
    %c0_i32 = arith.constant 0 : i32
    %c0_i32_0 = arith.constant 0 : i32
    return %arg0, %c0_i32 : i32, i32
  }
  func.func @transform_13(%arg0: i32) -> (i32, i32) {
    %c0_i32 = arith.constant 0 : i32
    %c0_i32_0 = arith.constant 0 : i32
    return %arg0, %c0_i32 : i32, i32
  }
  func.func @transform_14(%arg0: i32) -> (i32, i32) {
    %c0_i32 = arith.constant 0 : i32
    %c0_i32_0 = arith.constant 0 : i32
    return %arg0, %c0_i32 : i32, i32
  }
}

module attributes {stable_mosaic.version = 14 : i64} {
  func.func @body(%arg0: i32, %arg1: memref<2000x128xf32, #tpu.memory_space<vmem>>, %arg2: memref<2000x128xf32, #tpu.memory_space<vmem>>, %arg3: memref<1x128xf32, #tpu.memory_space<vmem>>, %arg4: memref<128x128xf32, #tpu.memory_space<vmem>>, %arg5: memref<1x128xf32, #tpu.memory_space<vmem>>, %arg6: memref<128x128xf32, #tpu.memory_space<vmem>>, %arg7: memref<1x128xf32, #tpu.memory_space<vmem>>, %arg8: memref<2000x128xf32, #tpu.memory_space<vmem>>) attributes {dimension_semantics = [#tpu.dimension_semantics<arbitrary>], iteration_bounds = array<i64: 5>, scalar_prefetch = 0 : i64, scratch_operands = 0 : i64, tpu.core_type = #tpu.core_type<tc>, window_params = [{transform_indices = @transform_0, window_bounds = array<i64: 2000, 128>}, {transform_indices = @transform_1, window_bounds = array<i64: 2000, 128>}, {pipeline_mode = #tpu.pipeline_mode<synchronous>, transform_indices = @transform_2, window_bounds = array<i64: 1, 128>}, {pipeline_mode = #tpu.pipeline_mode<synchronous>, transform_indices = @transform_3, window_bounds = array<i64: 128, 128>}, {pipeline_mode = #tpu.pipeline_mode<synchronous>, transform_indices = @transform_4, window_bounds = array<i64: 1, 128>}, {pipeline_mode = #tpu.pipeline_mode<synchronous>, transform_indices = @transform_5, window_bounds = array<i64: 128, 128>}, {pipeline_mode = #tpu.pipeline_mode<synchronous>, transform_indices = @transform_6, window_bounds = array<i64: 1, 128>}, {transform_indices = @transform_7, window_bounds = array<i64: 2000, 128>}]} {
    %get3A = arith.constant 0 : index
    %get3A_0 = arith.constant 0 : index
    %get3A_1 = vector.load %arg1[%get3A, %get3A_0] : memref<2000x128xf32, #tpu.memory_space<vmem>>, vector<2000x128xf32>
    %integer_pow3A = arith.mulf %get3A_1, %get3A_1 : vector<2000x128xf32>
    %integer_pow3A_2 = arith.mulf %get3A_1, %integer_pow3A : vector<2000x128xf32>
    %mul3A = arith.constant 4.471500e-02 : f32
    %mul3A_3 = vector.broadcast %mul3A : f32 to vector<2000x128xf32>
    %mul3A_4 = arith.mulf %mul3A_3, %integer_pow3A_2 : vector<2000x128xf32>
    %add3A = arith.addf %get3A_1, %mul3A_4 : vector<2000x128xf32>
    %mul3A_5 = arith.constant 0.797884583 : f32
    %mul3A_6 = vector.broadcast %mul3A_5 : f32 to vector<2000x128xf32>
    %mul3A_7 = arith.mulf %mul3A_6, %add3A : vector<2000x128xf32>
    %tanh3A = math.tanh %mul3A_7 : vector<2000x128xf32>
    %add3A_8 = arith.constant 1.000000e+00 : f32
    %add3A_9 = vector.broadcast %add3A_8 : f32 to vector<2000x128xf32>
    %add3A_10 = arith.addf %add3A_9, %tanh3A : vector<2000x128xf32>
    %mul3A_11 = arith.constant 5.000000e-01 : f32
    %mul3A_12 = vector.broadcast %mul3A_11 : f32 to vector<2000x128xf32>
    %mul3A_13 = arith.mulf %mul3A_12, %add3A_10 : vector<2000x128xf32>
    %mul3A_14 = arith.mulf %get3A_1, %mul3A_13 : vector<2000x128xf32>
    %get3A_15 = arith.constant 0 : index
    %get3A_16 = arith.constant 0 : index
    %get3A_17 = vector.load %arg4[%get3A_15, %get3A_16] : memref<128x128xf32, #tpu.memory_space<vmem>>, vector<128x128xf32>
    %dot_general3A = arith.constant dense<0.000000e+00> : vector<2000x128xf32>
    %dot_general3A_18 = tpu.matmul %mul3A_14, %get3A_17, %dot_general3A {dimension_numbers = #tpu.dot_dimension_numbers<[1], [0], [0], [1], [0, 0, 1, 1], [], []>, transpose_lhs_hint = false} : vector<2000x128xf32>, vector<128x128xf32>, vector<2000x128xf32> -> vector<2000x128xf32>
    %get3A_19 = arith.constant 0 : index
    %get3A_20 = arith.constant 0 : index
    %get3A_21 = vector.load %arg5[%get3A_19, %get3A_20] : memref<1x128xf32, #tpu.memory_space<vmem>>, vector<1x128xf32>
    %add3A_22 = vector.broadcast %get3A_21 : vector<1x128xf32> to vector<2000x128xf32>
    %add3A_23 = arith.addf %dot_general3A_18, %add3A_22 : vector<2000x128xf32>
    %get3A_24 = arith.constant 0 : index
    %get3A_25 = arith.constant 0 : index
    %get3A_26 = vector.load %arg3[%get3A_24, %get3A_25] : memref<1x128xf32, #tpu.memory_space<vmem>>, vector<1x128xf32>
    %get3A_27 = arith.constant 0 : index
    %get3A_28 = arith.constant 0 : index
    %get3A_29 = vector.load %arg2[%get3A_27, %get3A_28] : memref<2000x128xf32, #tpu.memory_space<vmem>>, vector<2000x128xf32>
    %mul3A_30 = vector.broadcast %get3A_26 : vector<1x128xf32> to vector<2000x128xf32>
    %mul3A_31 = arith.mulf %mul3A_30, %get3A_29 : vector<2000x128xf32>
    %add3A_32 = arith.addf %add3A_23, %mul3A_31 : vector<2000x128xf32>
    %max3A = arith.constant 0.000000e+00 : f32
    %max3A_33 = vector.broadcast %max3A : f32 to vector<2000x128xf32>
    %max3A_34 = arith.maximumf %add3A_32, %max3A_33 : vector<2000x128xf32>
    %get3A_35 = arith.constant 0 : index
    %get3A_36 = arith.constant 0 : index
    %get3A_37 = vector.load %arg6[%get3A_35, %get3A_36] : memref<128x128xf32, #tpu.memory_space<vmem>>, vector<128x128xf32>
    %dot_general3A_38 = arith.constant dense<0.000000e+00> : vector<2000x128xf32>
    %dot_general3A_39 = tpu.matmul %max3A_34, %get3A_37, %dot_general3A_38 {dimension_numbers = #tpu.dot_dimension_numbers<[1], [0], [0], [1], [0, 0, 1, 1], [], []>, transpose_lhs_hint = false} : vector<2000x128xf32>, vector<128x128xf32>, vector<2000x128xf32> -> vector<2000x128xf32>
    %get3A_40 = arith.constant 0 : index
    %get3A_41 = arith.constant 0 : index
    %get3A_42 = vector.load %arg7[%get3A_40, %get3A_41] : memref<1x128xf32, #tpu.memory_space<vmem>>, vector<1x128xf32>
    %add3A_43 = vector.broadcast %get3A_42 : vector<1x128xf32> to vector<2000x128xf32>
    %add3A_44 = arith.addf %dot_general3A_39, %add3A_43 : vector<2000x128xf32>
    %swap3A = arith.constant 0 : index
    %swap3A_45 = arith.constant 0 : index
    %swap3A_46 = vector.load %arg8[%swap3A, %swap3A_45] : memref<2000x128xf32, #tpu.memory_space<vmem>>, vector<2000x128xf32>
    tpu.vector_store %arg8[%swap3A, %swap3A_45], %add3A_44 {strides = array<i32>} : memref<2000x128xf32, #tpu.memory_space<vmem>>, vector<2000x128xf32>,
    return
  }
  func.func @transform_0(%arg0: i32) -> (i32, i32) {
    %c0_i32 = arith.constant 0 : i32
    %c0_i32_0 = arith.constant 0 : i32
    return %arg0, %c0_i32 : i32, i32
  }
  func.func @transform_1(%arg0: i32) -> (i32, i32) {
    %c0_i32 = arith.constant 0 : i32
    %c0_i32_0 = arith.constant 0 : i32
    return %arg0, %c0_i32 : i32, i32
  }
  func.func @transform_2(%arg0: i32) -> (i32, i32) {
    %c0_i32 = arith.constant 0 : i32
    %c0_i32_0 = arith.constant 0 : i32
    %c0_i32_1 = arith.constant 0 : i32
    return %c0_i32, %c0_i32_0 : i32, i32
  }
  func.func @transform_3(%arg0: i32) -> (i32, i32) {
    %c0_i32 = arith.constant 0 : i32
    %c0_i32_0 = arith.constant 0 : i32
    %c0_i32_1 = arith.constant 0 : i32
    return %c0_i32, %c0_i32_0 : i32, i32
  }
  func.func @transform_4(%arg0: i32) -> (i32, i32) {
    %c0_i32 = arith.constant 0 : i32
    %c0_i32_0 = arith.constant 0 : i32
    %c0_i32_1 = arith.constant 0 : i32
    return %c0_i32, %c0_i32_0 : i32, i32
  }
  func.func @transform_5(%arg0: i32) -> (i32, i32) {
    %c0_i32 = arith.constant 0 : i32
    %c0_i32_0 = arith.constant 0 : i32
    %c0_i32_1 = arith.constant 0 : i32
    return %c0_i32, %c0_i32_0 : i32, i32
  }
  func.func @transform_6(%arg0: i32) -> (i32, i32) {
    %c0_i32 = arith.constant 0 : i32
    %c0_i32_0 = arith.constant 0 : i32
    %c0_i32_1 = arith.constant 0 : i32
    return %c0_i32, %c0_i32_0 : i32, i32
  }
  func.func @transform_7(%arg0: i32) -> (i32, i32) {
    %c0_i32 = arith.constant 0 : i32
    %c0_i32_0 = arith.constant 0 : i32
    return %arg0, %c0_i32 : i32, i32
  }
}

</mosaic_0001>

<sc_bundles>
// kernel: kernel.11.cloned.1.call-start
scs
__scs_entry_jumppad:
0x0: {  	(pc) =	sbr.rel $0x88, $3  }
0x1: {  	(tag) =	ssettag $0x0;
	lr =	simm.s32 $0x1  }
0x2: {  	[smem:$0x3F64] =	sst lr;
	_ =	strace $0xD0000000  }
0x3: {  	_ = 	snop  }
0x4: {  	_ = 	snop  }
0x5: {  	_ = 	snop  }
0x6: {  	_ = 	snop  }
0x7: {  	_ = 	snop  }
__scs_overlays_trampoline_lowered:
0x8: {  	[smem:$0x3F73] =	sst s0  }
0x9: {  	[smem:$0x3F74] =	sst s1  }
0xa: {  	[smem:$0x3F75] =	sst s2  }
0xb: {  	[smem:$0x3F76] =	sst s3  }
0xc: {  	[smem:$0x3F77] =	sst s4  }
0xd: {  	[smem:$0x3F78] =	sst s5  }
0xe: {  	[smem:$0x3F79] =	sst s6  }
0xf: {  	[smem:$0x3F7A] =	sst s7  }
0x10: {  	[smem:$0x3F7B] =	sst s8  }
0x11: {  	[smem:$0x3F7C] =	sst s9;
	s0 =	simm.s32 @!p0 $0x0  }
0x12: {  	s1 =	sld [smem:$0x3F62];
	s0 =	simm.s32 @p0 $0x1  }
0x13: {  	[smem:$0x3F7D] =	sst s0;
	s0 =	simm.s32 @!p1 $0x0  }
0x14: {  	s2 =	sld [smem:$0x3F61];
	s0 =	simm.s32 @p1 $0x1  }
0x15: {  	[smem:$0x3F7E] =	sst s0;
	s0 =	simm.s32 @!p2 $0x0  }
0x16: {  	s3 =	sld [smem:$0x3FDB];
	s0 =	simm.s32 @p2 $0x1  }
0x17: {  	s4 =	simm.s32 $0x1BF5;
	[smem:$0x3F80] =	sst s0  }
0x18: {  	s0 =	sld [smem:$0x3F63];
	_ =	swait.ge [sflag:s4], $0x0  }
0x19: {  	s7 =	sld [smem:$0x3F64]  }
0x1a: {  	s8 =	sadd.s32 $0xFFFFE003, lr  }
0x1b: {  	s9 =	sadd.s32 $0xFFFFFEF7, lr;
	s5 =	simm.s32 $0xFFFFFFFF;
	p2 =	slt.u32 s8, $0xFFFFF086  }
0x1c: {  	p1 =	slt.u32 s9, $0xF7A;
	s5 =	simm.s32 @!p2 $0x0  }
0x1d: {  	s5 =	simm.s32 @p1 $0x1;
	p0 =	seq.s32 s7, s2  }
0x1e: {  	s7 =	smul.u32 @!p0 $0xF7A, s2;
	p2 =	seq.s32 @!p0 s5, $0x0  }
0x1f: {  	s9 =	smul.u32 $0xF7A, s1;
	s8 =	simm.s32 @!p0 $0x1BF5;
	p2 =	por !p2, p0  }
0x20: {  	[sflag:s8] =	ssyncset.s32 @!p0 $0xFFFFF086;
	s6 =	sadd.s32 @!p0 s3, s7;
	s7 =	simm.s32 @!p0 $0x108  }
0x21: {  	s3 =	sadd.s32 s3, s9;
	s6 =	sadd.s32 @!p0 $0x88, s6;
	s7 =	simm.s32 @p2 $0x1082  }
0x22: {  	[simem:s7], [sflag:s8] =	dma.local @!p0 [hbm:s6], $0xF7A  }
0x23: {  	s9 =	sor.u32 $0xD0000000, s2;
	s6 =	simm.s32 $0x108;
	_ =	swait.ge @!p0 [sflag:s8], $0x0  }
0x24: {  	s3 =	sadd.s32 $0x88, s3;
	s6 =	simm.s32 @!p1 $0x1082;
	[sflag:s4] =	ssyncset.s32 $0xFFFFF086  }
0x25: {  	[simem:s6], [sflag:s4] =	dma.local [hbm:s3], $0xF7A  }
0x26: {  	[smem:$0x3F64] =	sst s1;
	(tag) =	ssettag s2;
	_ =	strace s9  }
0x27: {  	s1 =	sld [smem:$0x3F74]  }
0x28: {  	s2 =	sld [smem:$0x3F75]  }
0x29: {  	s4 =	sld [smem:$0x3F77]  }
0x2a: {  	p0 =	seq.s32 s5, $0x0;
	s5 =	sld [smem:$0x3F78]  }
0x2b: {  	s6 =	sld [smem:$0x3F79]  }
0x2c: {  	s7 =	sld [smem:$0x3F7A]  }
0x2d: {  	s3 =	simm.s32 $0x108;
	s8 =	sld [smem:$0x3F7B]  }
0x2e: {  	s3 =	simm.s32 @!p0 $0x1082;
	s9 =	sld [smem:$0x3F7C]  }
0x2f: {  	lr =	sadd.s32 s0, s3;
	s0 =	sld [smem:$0x3F73]  }
0x30: {  	s3 =	sld [smem:$0x3F76]  }
0x31: {  	[smem:$0x3F7F] =	sst s10  }
0x32: {  	s10 =	sld [smem:$0x3F7D];
	_ =	sdelay $0x3  }
0x33: {  	p0 =	seq.s32 s10, $0x1;
	s10 =	sld [smem:$0x3F7F];
	_ =	sdelay $0x3  }
0x34: {  	[smem:$0x3F7F] =	sst s10  }
0x35: {  	s10 =	sld [smem:$0x3F7E];
	_ =	sdelay $0x3  }
0x36: {  	p1 =	seq.s32 s10, $0x1;
	s10 =	sld [smem:$0x3F7F];
	_ =	sdelay $0x3  }
0x37: {  	[smem:$0x3F7F] =	sst s10  }
0x38: {  	s10 =	sld [smem:$0x3F80]  }
0x39: {  	_ = 	snop;
	(pc) =	sbr.ind lr, $3  }
0x3a: {  	_ = 	snop  }
0x3b: {  	_ = 	snop  }
0x3c: {  	p2 =	seq.s32 s10, $0x1;
	s10 =	sld [smem:$0x3F7F]  }
0x3d: {  	_ =	shalt  }
0x3e: {  	_ =	shalt  }
0x3f: {  	_ =	shalt  }
0x40: {  	_ =	shalt  }
0x41: {  	_ =	shalt  }
0x42: {  	_ =	shalt  }
0x43: {  	_ =	shalt  }
0x44: {  	_ =	shalt  }
0x45: {  	_ =	shalt  }
0x46: {  	_ =	shalt  }
0x47: {  	_ =	shalt  }
0x48: {  	_ =	shalt  }
0x49: {  	_ =	shalt  }
0x4a: {  	_ =	shalt  }
0x4b: {  	_ =	shalt  }
0x4c: {  	_ =	shalt  }
0x4d: {  	_ =	shalt  }
0x4e: {  	_ =	shalt  }
0x4f: {  	_ =	shalt  }
0x50: {  	_ =	shalt  }
0x51: {  	_ =	shalt  }
0x52: {  	_ =	shalt  }
0x53: {  	_ =	shalt  }
0x54: {  	_ =	shalt  }
0x55: {  	_ =	shalt  }
0x56: {  	_ =	shalt  }
0x57: {  	_ =	shalt  }
0x58: {  	_ =	shalt  }
0x59: {  	_ =	shalt  }
0x5a: {  	_ =	shalt  }
0x5b: {  	_ =	shalt  }
0x5c: {  	_ =	shalt  }
0x5d: {  	_ =	shalt  }
0x5e: {  	_ =	shalt  }
0x5f: {  	_ =	shalt  }
0x60: {  	_ =	shalt  }
0x61: {  	_ =	shalt  }
0x62: {  	_ =	shalt  }
0x63: {  	_ =	shalt  }
0x64: {  	_ =	shalt  }
0x65: {  	_ =	shalt  }
0x66: {  	_ =	shalt  }
0x67: {  	_ =	shalt  }
0x68: {  	_ =	shalt  }
0x69: {  	_ =	shalt  }
0x6a: {  	_ =	shalt  }
0x6b: {  	_ =	shalt  }
0x6c: {  	_ =	shalt  }
0x6d: {  	_ =	shalt  }
0x6e: {  	_ =	shalt  }
0x6f: {  	_ =	shalt  }
0x70: {  	_ =	shalt  }
0x71: {  	_ =	shalt  }
0x72: {  	_ =	shalt  }
0x73: {  	_ =	shalt  }
0x74: {  	_ =	shalt  }
0x75: {  	_ =	shalt  }
0x76: {  	_ =	shalt  }
0x77: {  	_ =	shalt  }
0x78: {  	_ =	shalt  }
0x79: {  	_ =	shalt  }
0x7a: {  	_ =	shalt  }
0x7b: {  	_ =	shalt  }
0x7c: {  	_ =	shalt  }
0x7d: {  	_ =	shalt  }
0x7e: {  	_ =	shalt  }
0x7f: {  	_ =	shalt  }
0x80: {  	_ =	shalt  }
0x81: {  	_ =	shalt  }
0x82: {  	_ =	shalt  }
0x83: {  	_ =	shalt  }
0x84: {  	_ =	shalt  }
0x85: {  	_ =	shalt  }
0x86: {  	_ =	shalt  }
0x87: {  	_ =	shalt  }
.Lfunc_end0:
.L_simem_size_0:
called_computation_lowered:
.L_overlay_start_0:
0x88: {  	s2 =	sld [smem:$0x3FD9]  }
0x89: {  	s3 =	sld [smem:$0x3FFE];
	_ =	sdelay $0x1  }
0x8a: {  	s1 =	srdreg.scid  }
0x8b: {  	s0 =	sand.u32 $0x1, s1  }
0x8c: {  	s16 =	sshll.u32 s0, $0xA;
	s2 =	sadd.s32 s3, s2  }
0x8d: {  	s2 =	sadd.s32 s2, s16  }
0x8e: {  	[smem:$0x3F8B] =	sst s2  }
0x8f: {  	_ = 	snop  }
0x90: {  	(tm) =	ssettm $0x1  }
0x91: {  	s17 =	sld [smem:$0x3FFB];
	_ =	sdelay $0x3  }
0x92: {  	_ =	strace s17  }
0x93: {  	s2 =	sld [smem:$0x3FFC];
	_ =	sdelay $0x3  }
0x94: {  	_ =	strace s2  }
0x95: {  	s2 =	sld [smem:$0x3FFD];
	_ =	sdelay $0x3  }
0x96: {  	_ =	strace s2  }
0x97: {  	_ =	strace $0x8FFFFFFF  }
0x98: {  	s18 =	sld [smem:$0x3FDB];
	_ =	sdelay $0x1  }
0x99: {  	s19 =	simm.s32 $_scs_section_size  }
0x9a: {  	s4 =	simm.s32 $_size__tile_overlayer_lowered;
	s5 =	simm.s32 $_tile_overlayer_lowered  }
0x9b: {  	s22 =	simm.s32 $0x1BFF;
	s21 =	sshll.u32 s5, $0x1;
	s2 =	sadd.s32 s19, s18  }
0x9c: {  	s6 =	simm.s32 $0x0;
	s20 =	sshll.u32 s4, $0x1;
	s4 =	sadd.s32 s21, s2  }
0x9d: {  	[timem:s6], [sflag:s22] =	dma.local [hbm:s4], s20  }
0x9e: {  	_ =	swait.ge [sflag:s22], s20  }
0x9f: {  	s3 =	ssub.s32 $0x0, s20;
	[sflag:s22] =	ssyncset.done $0x0  }
0xa0: {  	[sflag:s22] =	ssyncadd.s32 s3;
	_ =	sdelay $0x1  }
0xa1: {  	s23 =	simm.s32 $0x1B8B  }
0xa2: {  	_ =	swait.ge [sflag:s23], $0x1  }
0xa3: {  	[sflag:s23] =	ssyncset.done $0x0  }
0xa4: {  	s25 =	simm.s32 $0x1B8E;
	s24 =	sld [smem:$0x3FFE];
	[sflag:s23] =	ssyncadd.s32 $0xFFFFFFFF  }
0xa5: {  	s26 =	simm.s32 $execute0_lowered;
	[smem:$0x3FD2] =	sst s25  }
0xa6: {  	s4 =	sshll.u32 s26, $0x1;
	_ =	strace $0x80000046;
	[dreg:$0x1] =	wrdreg $0xFFFFFFFF  }
0xa7: {  	s28 =	simm.s32 $_size_execute0_lowered;
	s2 =	sadd.s32 s2, s4;
	[dreg:$0x0] =	wrdreg $0x0  }
0xa8: {  	s4 =	sshll.u32 s28, $0x1;
	[dreg:$0x2] =	wrdreg s2  }
0xa9: {  	[dreg:$0x3] =	wrdreg s4  }
0xaa: {  	[dreg:$0x4] =	wrdreg $0xC0  }
0xab: {  	_ =	task [dreg:s6], $0x5FFFF  }
0xac: {  	[dreg:$0x1] =	wrdreg $0xFFFFFFFF  }
0xad: {  	[dreg:$0x0] =	wrdreg $0x60  }
0xae: {  	[dreg:$0x2] =	wrdreg s24  }
0xaf: {  	[dreg:$0x3] =	wrdreg $0x0  }
0xb0: {  	[dreg:$0x4] =	wrdreg $0x9  }
0xb1: {  	_ =	task.clear_ibuf [dreg:s6], $0x5FFFF;
	_ =	strace $0x90000046  }
0xb2: {  	s29 =	simm.s32 $0x9;
	_ =	strace $0x80000048  }
0xb3: {  	_ =	swait.ge [sflag:s29], $0x1  }
0xb4: {  	[sflag:s29] =	ssyncadd.s32 $0xFFFFFFFF  }
0xb5: {  	_ =	strace $0x90000048  }
0xb6: {  	_ =	sfence  }
0xb7: {  	s30 =	sld [smem:$0x0];
	_ =	sdelay $0x2  }
0xb8: {  	s31 =	sshll.u32 s1, $0xD;
	s1 =	sshrl.u32 s1, $0x2  }
0xb9: {  	s3 =	sand.u32 $0x4000, s31;
	s1 =	sadd.s32 s1, s30  }
0xba: {  	s0 =	sor.u32 s3, s0;
	s1 =	sshll.u32 s1, $0x11  }
0xbb: {  	s0 =	sor.u32 s1, s0  }
0xbc: {  	s0 =	sadd.s32 $0x8F2B, s0  }
0xbd: {  	[sflag:s0] =	ssyncadd.remote.s32 $0x1  }
0xbe: {  	_ =	sfence.sel $0xFFFF  }
0xbf: {  	[dreg:$0x0] =	wrdreg $0xFFFFFFFF;
	(pc) =	sbr.abs _section_cstart, $3  }
0xc0: {  	[dreg:$0x1] =	wrdreg $0xFFFFFFFF  }
0xc1: {  	_ =	task.clear_ibuf [dreg:s6], $0x2FFFF;
	_ =	strace $0x9FFFFFFF  }
0xc2: {  	(tm) =	ssettm $0x7FFFFFFF  }
0xc3: {  	_ =	shalt  }
tec
execute0_lowered:
.L_overlay_start_1:
0x0: {  	(tag) =	ssettag $0x1  }
0x1: {  	s0 =	rddreg [dreg:$0x0]  }
0x2: {  	s1 =	rddreg [dreg:$0x1]  }
0x3: {  	s2 =	simm.s32 $0x0;
	s8 =	srdreg.scid;
	s19 =	stileid.u32  }
0x4: {  	s28 =	simm.s32 $0x1B030;
	s29 =	simm.s32 $0x1;
	s30 =	simm.s32 $0x15F90  }
0x5: {  	s31 =	simm.s32 $0x15FE0;
	[smem:$0x7FF] =	sst s2;
	s3 =	sadd.s32 $0xCDA00, s0  }
0x6: {  	s4 =	sadd.s32 $0xF4C00, s0;
	s5 =	sadd.s32 $0x7F600, s0;
	s6 =	sadd.s32 $0x27400, s0  }
0x7: {  	s7 =	sadd.s32 $0x1D600, s0;
	s9 =	sadd.s32 $0x31200, s0;
	s10 =	sadd.s32 $0x58400, s0  }
0x8: {  	s11 =	sadd.s32 $0x11BE00, s0;
	s12 =	sadd.s32 $0x13800, s0;
	s8 =	sand.u32 $0x1, s8  }
0x9: {  	s16 =	smul.u32 $0x57E40, s19;
	s13 =	sadd.s32 $0x9A00, s0;
	s17 =	ssub.s32 $0x2, s8  }
0xa: {  	s14 =	sadd.s32 $0x16A200, s0;
	s15 =	sadd.s32 $0x191400, s0;
	s20 =	sshrl.u32 s17, $0x1  }
0xb: {  	_ =	strace $0x80000047;
	s18 =	sshrl.u32 s16, $0x2;
	s0 =	ssub.s32 s17, s20  }
0xc: {  	p0 =	sne.s32 s8, $0x0;
	s17 =	sadd.s32 s18, s1;
	s0 =	smax.u32 s0, $0x1  }
0xd: {  	s8 =	simm.s32 $0x16030;
	s21 =	sadd.s32 $0x2D00, s17;
	[dreg:$0x3] =	wrdreg s0  }
0xe: {  	s16 =	smul.u32 $0x271, s19;
	s22 =	sadd.s32 $0x5A00, s17;
	[dreg:$0x4] =	wrdreg s21  }
.Ltmp0:
0xf: {  	v1 =	vlaneseq.u32;
	s23 =	sadd.s32 $0x8700, s17;
	[dreg:$0x5] =	wrdreg s22;
	(pc) =	sbr.rel .LBB2_1-.Ltmp0, $4  }
0x10: {  	v0 =	vmul.u32 $0x90, v1;
	v1 =	vmul.u32 $0x80, v1;
	s18 =	smul.u32 $0x4E20, s19;
	s24 =	sadd.s32 $0xB400, s17;
	[dreg:$0x6] =	wrdreg s23  }
0x11: {  	v2 =	vimm.f32 $0.0e+00;
	s19 =	simm.s32 $0x18830;
	s25 =	sadd.s32 $0xE100, s17;
	[dreg:$0x7] =	wrdreg s24  }
0x12: {  	v3 =	vor.u32 $0x1, v0;
	v4 =	vor.u32 $0x1, v1;
	v5 =	vor.u32 $0x2, v0;
	s20 =	simm.s32 $0x0;
	s26 =	sadd.s32 $0x10E00, s17;
	[dreg:$0x8] =	wrdreg s25  }
0x13: {  	v6 =	vor.u32 $0x2, v1;
	v7 =	vor.u32 $0x3, v0;
	v8 =	vor.u32 $0x3, v1;
	[dreg:$0x9] =	wrdreg s26;
	s26 =	sadd.s32 $0x13290, s17;
	s0 =	simm.s32 $0x50  }
.LBB2_42:
0x14: {  	s20 =	sadd.s32 $0x1, s20;
	s21 =	rddreg [dreg:$0x3]  }
0x15: {  	p1 =	sne.s32 s20, s21  }
.Ltmp1:
0x16: {  	_ = 	snop;
	(pc) =	sbr.rel @!p1 .LBB2_43-.Ltmp1, $1  }
0x17: {  	_ =	sdelay $0x3  }
.LBB2_1:
0x18: {  	s21 =	simm.s32 $0x0;
	s22 =	simm.s32 $0x240  }
.LBB2_2:
0x19: {  	p1 =	sne.s32 s22, $0xB1C0;
	[tilespmem:s21+$0x1B0B0] =	vst v2  }
0x1a: {  	[tilespmem:s21+$0x1B030] =	vst v2  }
0x1b: {  	[tilespmem:s21+$0x1B040] =	vst v2  }
0x1c: {  	[tilespmem:s21+$0x1B050] =	vst v2  }
.Ltmp2:
0x1d: {  	[tilespmem:s21+$0x1B060] =	vst v2;
	(pc) =	sbr.rel @p1 .LBB2_2-.Ltmp2, $4  }
0x1e: {  	[tilespmem:s21+$0x1B070] =	vst v2  }
0x1f: {  	[tilespmem:s21+$0x1B080] =	vst v2  }
0x20: {  	[tilespmem:s21+$0x1B090] =	vst v2  }
0x21: {  	[tilespmem:s21+$0x1B0A0] =	vst v2;
	s21 =	sshra.s32 s22, $0x2;
	s22 =	sadd.s32 $0x240, s22  }
0x22: {  	[tilespmem:s21+$0x1B0B0] =	vst v2  }
0x23: {  	[tilespmem:s21+$0x1B030] =	vst v2  }
0x24: {  	[tilespmem:s21+$0x1B040] =	vst v2  }
0x25: {  	[tilespmem:s21+$0x1B050] =	vst v2  }
0x26: {  	[tilespmem:s21+$0x1B060] =	vst v2  }
0x27: {  	[tilespmem:s21+$0x1B070] =	vst v2  }
0x28: {  	[tilespmem:s21+$0x1B080] =	vst v2  }
0x29: {  	[tilespmem:s21+$0x1B090] =	vst v2  }
0x2a: {  	[tilespmem:s21+$0x1B0A0] =	vst v2  }
0x2b: {  	[spmem:s17] =	stream.linear.scatter [tilespmem:s28], [sflag:$0x1], $0x2D00, $0x38;
	[tilespmem:$0x1DD30] =	vst v63  }
0x2c: {  	_ =	swait.ge [sflag:s29], $0x2D00  }
0x2d: {  	[sflag:s29] =	ssyncset.done $0x0  }
0x2e: {  	s24 =	rddreg [dreg:$0x4];
	[sflag:s29] =	ssyncadd.s32 $0xFFFFD300  }
0x2f: {  	[spmem:s24] =	stream.linear.scatter [tilespmem:s28], [sflag:$0x1], $0x2D00, $0x38;
	[tilespmem:$0x1DD30] =	vst v63  }
0x30: {  	_ =	swait.ge [sflag:s29], $0x2D00  }
0x31: {  	[sflag:s29] =	ssyncset.done $0x0  }
0x32: {  	s25 =	rddreg [dreg:$0x5];
	[sflag:s29] =	ssyncadd.s32 $0xFFFFD300  }
0x33: {  	[spmem:s25] =	stream.linear.scatter [tilespmem:s28], [sflag:$0x1], $0x2D00, $0x38;
	[tilespmem:$0x1DD30] =	vst v63  }
0x34: {  	_ =	swait.ge [sflag:s29], $0x2D00  }
0x35: {  	[sflag:s29] =	ssyncset.done $0x0  }
0x36: {  	s22 =	rddreg [dreg:$0x6];
	[sflag:s29] =	ssyncadd.s32 $0xFFFFD300  }
0x37: {  	[spmem:s22] =	stream.linear.scatter [tilespmem:s28], [sflag:$0x1], $0x2D00, $0x38;
	[tilespmem:$0x1DD30] =	vst v63  }
0x38: {  	_ =	swait.ge [sflag:s29], $0x2D00  }
0x39: {  	[sflag:s29] =	ssyncset.done $0x0  }
0x3a: {  	s23 =	rddreg [dreg:$0x7];
	[sflag:s29] =	ssyncadd.s32 $0xFFFFD300  }
0x3b: {  	[spmem:s23] =	stream.linear.scatter [tilespmem:s28], [sflag:$0x1], $0x2D00, $0x38;
	[tilespmem:$0x1DD30] =	vst v63  }
0x3c: {  	_ =	swait.ge [sflag:s29], $0x2D00  }
0x3d: {  	[sflag:s29] =	ssyncset.done $0x0  }
0x3e: {  	s24 =	rddreg [dreg:$0x8];
	[sflag:s29] =	ssyncadd.s32 $0xFFFFD300  }
0x3f: {  	[spmem:s24] =	stream.linear.scatter [tilespmem:s28], [sflag:$0x1], $0x2D00, $0x38;
	[tilespmem:$0x1DD30] =	vst v63  }
0x40: {  	_ =	swait.ge [sflag:s29], $0x2D00  }
0x41: {  	[sflag:s29] =	ssyncset.done $0x0  }
0x42: {  	s25 =	rddreg [dreg:$0x9];
	[sflag:s29] =	ssyncadd.s32 $0xFFFFD300  }
0x43: {  	[spmem:s25] =	stream.linear.scatter [tilespmem:s28], [sflag:$0x1], $0x2D00, $0x38;
	[tilespmem:$0x1DD30] =	vst v63  }
0x44: {  	_ =	swait.ge [sflag:s29], $0x2D00  }
0x45: {  	[sflag:s29] =	ssyncset.done $0x0  }
0x46: {  	[sflag:s29] =	ssyncadd.s32 $0xFFFFD300  }
0x47: {  	[spmem:s26] =	stream.linear.scatter [tilespmem:s28], [sflag:$0x1], $0x2D00, $0x38;
	[tilespmem:$0x1DD30] =	vst v63  }
.Ltmp3:
0x48: {  	_ =	swait.ge [sflag:s29], $0x2D00;
	(pc) =	sbr.rel @p0 .LBB2_23-.Ltmp3, $4  }
0x49: {  	[sflag:s29] =	ssyncset.done $0x0  }
0x4a: {  	[sflag:s29] =	ssyncadd.s32 $0xFFFFD300  }
0x4b: {  	[bflag:$0x0] =	sbarrier.arrive $0xFFFF  }
0x4c: {  	s21 =	simm.s32 $0x0;
	s22 =	simm.s32 $0x0;
	s23 =	simm.s32 $0x0  }
.LBB2_4:
0x4d: {  	s23 =	smul.u32 $0x50, s22;
	_ =	sdelay $0x1  }
0x4e: {  	s23 =	sadd.s32 s18, s23  }
0x4f: {  	s23 =	sshrl.u32 s23, $0x3  }
0x50: {  	s24 =	sadd.s32 s6, s23  }
0x51: {  	[tilespmem:s30], [sflag:$0x1] =	stream.linear.gather [hbm4b:s24+s21], $0x50, $0x38;
	[tilespmem:$0x1DD30] =	vst v63  }
0x52: {  	_ =	swait.ge [sflag:s29], $0x50  }
0x53: {  	[sflag:s29] =	ssyncset.done $0x0  }
0x54: {  	s23 =	sadd.s32 s7, s23;
	[sflag:s29] =	ssyncadd.s32 $0xFFFFFFB0  }
0x55: {  	[tilespmem:s31], [sflag:$0x1] =	stream.linear.gather [hbm4b:s23+s21], $0x50, $0x38;
	[tilespmem:$0x1DD30] =	vst v63  }
0x56: {  	_ =	swait.ge [sflag:s29], $0x50  }
0x57: {  	[sflag:s29] =	ssyncset.done $0x0  }
0x58: {  	[sflag:s29] =	ssyncadd.s32 $0xFFFFFFB0  }
0x59: {  	[tilespmem:s8], [sflag:$0x1] =	stream.indirect.gather [hbm4b:s3+s0], $0x80, s30, s0, $0xb8;
	[tilespmem:$0x1DD30] =	vst v63  }
0x5a: {  	_ =	swait.ge [sflag:s29], $0x2800  }
0x5b: {  	[sflag:s29] =	ssyncset.done $0x0  }
0x5c: {  	[sflag:s29] =	ssyncadd.s32 $0xFFFFD800  }
0x5d: {  	[tilespmem:s19], [sflag:$0x1] =	stream.indirect.gather [hbm4b:s5+s0], $0x80, s31, s0, $0xb8;
	[tilespmem:$0x1DD30] =	vst v63  }
0x5e: {  	_ =	swait.ge [sflag:s29], $0x2800  }
0x5f: {  	[sflag:s29] =	ssyncset.done $0x0  }
0x60: {  	v9 =	vlaneseq.u32;
	s23 =	simm.s32 $0x0;
	[sflag:s29] =	ssyncadd.s32 $0xFFFFD800  }
.LBB2_5:
0x61: {  	v10 =	vshll.u32 v9, $0x7  }
0x62: {  	v11 =	vmul.u32 $0x90, v9;
	s24 =	simm.s32 $0x0;
	v13 =	vimm.s32 $0x0;
	v12 =	vimm.s32 $0x80  }
.LBB2_6:
0x63: {  	v14 =	vand.u32 $0xFFFFFFF8, v13  }
0x64: {  	v15 =	vand.u32 $0x7, v13;
	v16 =	vadd.s32 $0x1, v13;
	v14 =	vadd.s32 v10, v14  }
0x65: {  	v14 =	vor.u32 v15, v14;
	v15 =	vand.u32 $0xFFFFFFF8, v16  }
0x66: {  	v17 =	vadd.s32 $0x2, v13;
	v16 =	vand.u32 $0x7, v16;
	v15 =	vadd.s32 v10, v15  }
0x67: {  	v15 =	vor.u32 v16, v15;
	v16 =	vand.u32 $0xFFFFFFF8, v17  }
0x68: {  	v18 =	vadd.s32 $0x3, v13;
	v17 =	vand.u32 $0x7, v17;
	v16 =	vadd.s32 v10, v16  }
0x69: {  	v16 =	vor.u32 v17, v16;
	v17 =	vand.u32 $0xFFFFFFF8, v18  }
0x6a: {  	v18 =	vand.u32 $0x7, v18;
	v19 =	vld.idx.msk [tilespmem:v14+s19+$0x0], $0xffff;
	v17 =	vadd.s32 v10, v17  }
0x6b: {  	v13 =	vadd.s32 $0x4, v13;
	v14 =	vld.idx.msk [tilespmem:v14+s8+$0x0], $0xffff;
	v17 =	vor.u32 v18, v17  }
0x6c: {  	v21 =	vimm.f32 $0.0e+00;
	v20 =	vand.u32 $0xFFFFFFF8, v13;
	v18 =	vld.idx.msk [tilespmem:v15+s19+$0x0], $0xffff  }
0x6d: {  	v23 =	vadd.s32 $0x1, v13;
	v20 =	vadd.s32 v10, v20;
	v22 =	vld.idx.msk [tilespmem:v15+s8+$0x0], $0xffff;
	v15 =	vand.u32 $0x7, v13  }
0x6e: {  	v24 =	vadd.s32 $0x3, v13;
	v26 =	vor.u32 v15, v20;
	v15 =	vand.u32 $0xFFFFFFF8, v23;
	v25 =	vld.idx.msk [tilespmem:v16+s19+$0x0], $0xffff  }
0x6f: {  	v20 =	vadd.s32 $0x2, v13;
	v27 =	vld.idx.msk [tilespmem:v16+s8+$0x0], $0xffff;
	v16 =	vand.u32 $0x7, v23;
	v15 =	vadd.s32 v10, v15  }
0x70: {  	v23 =	vand.u32 $0xFFFFFFF8, v20;
	v16 =	vor.u32 v16, v15;
	v14 =	vmul.f32 v14, v19;
	v15 =	vld.idx.msk [tilespmem:v17+s19+$0x0], $0xffff  }
0x71: {  	v28 =	vand.u32 $0xFFFFFFF8, v24;
	v19 =	vand.u32 $0x7, v20;
	v23 =	vadd.s32 v10, v23;
	v20 =	vld.idx.msk [tilespmem:v17+s8+$0x0], $0xffff  }
0x72: {  	v17 =	vor.u32 v19, v23;
	v21 =	vadd.f32 v14, v21;
	v22 =	vmul.f32 v22, v18  }
0x73: {  	v13 =	vadd.s32 $0x4, v13;
	v23 =	vadd.s32 v10, v28;
	v18 =	vand.u32 $0x7, v24;
	v14 =	vld.idx.msk [tilespmem:v26+s19+$0x0], $0xffff  }
0x74: {  	s25 =	simm.s32 $0x4;
	v19 =	vld.idx.msk [tilespmem:v26+s8+$0x0], $0xffff;
	v18 =	vor.u32 v18, v23;
	v21 =	vadd.f32 v22, v21;
	v22 =	vmul.f32 v27, v25  }
.LBB2_7:
0x75: {  	v23 =	vadd.s32 $0x3, v13;
	v24 =	vld.idx.msk [tilespmem:v16+s19+$0x0], $0xffff  }
0x76: {  	v25 =	vand.u32 $0xFFFFFFF8, v13;
	v15 =	vmul.f32 v20, v15;
	v26 =	vld.idx.msk [tilespmem:v16+s8+$0x0], $0xffff;
	v16 =	vadd.f32 v22, v21  }
0x77: {  	v20 =	vand.u32 $0x7, v13;
	s25 =	sadd.s32 $0x4, s25;
	v21 =	vadd.s32 v10, v25;
	v22 =	vadd.s32 $0x1, v13;
	v25 =	vld.idx.msk [tilespmem:v17+s19+$0x0], $0xffff  }
0x78: {  	p1 =	slt.u32 s25, $0x1C;
	v21 =	vor.u32 v20, v21;
	v20 =	vand.u32 $0xFFFFFFF8, v22;
	v27 =	vld.idx.msk [tilespmem:v17+s8+$0x0], $0xffff;
	v28 =	vadd.f32 v15, v16  }
0x79: {  	v16 =	vand.u32 $0x7, v22;
	v17 =	vadd.s32 v10, v20;
	v22 =	vadd.s32 $0x2, v13;
	v15 =	vld.idx.msk [tilespmem:v18+s19+$0x0], $0xffff  }
.Ltmp4:
0x7a: {  	v16 =	vor.u32 v16, v17;
	v17 =	vand.u32 $0xFFFFFFF8, v22;
	v14 =	vmul.f32 v19, v14;
	v20 =	vld.idx.msk [tilespmem:v18+s8+$0x0], $0xffff;
	(pc) =	sbr.rel @p1 .LBB2_7-.Ltmp4, $4  }
0x7b: {  	v19 =	vand.u32 $0xFFFFFFF8, v23;
	v18 =	vand.u32 $0x7, v22;
	v17 =	vadd.s32 v10, v17  }
0x7c: {  	v17 =	vor.u32 v18, v17;
	v22 =	vadd.f32 v14, v28;
	v24 =	vmul.f32 v26, v24  }
0x7d: {  	v13 =	vadd.s32 $0x4, v13;
	v18 =	vand.u32 $0x7, v23;
	v23 =	vadd.s32 v10, v19;
	v14 =	vld.idx.msk [tilespmem:v21+s19+$0x0], $0xffff  }
0x7e: {  	v18 =	vor.u32 v18, v23;
	v19 =	vld.idx.msk [tilespmem:v21+s8+$0x0], $0xffff;
	v21 =	vadd.f32 v24, v22;
	v22 =	vmul.f32 v27, v25  }
0x7f: {  	_ =	sdelay $0x3  }
0x80: {  	v23 =	vld.idx.msk [tilespmem:v16+s19+$0x0], $0xffff  }
0x81: {  	v59 =	vld.idx.msk [tilespmem:v16+s8+$0x0], $0xffff  }
0x82: {  	v15 =	vmul.f32 v20, v15;
	v60 =	vld.idx.msk [tilespmem:v17+s19+$0x0], $0xffff;
	v21 =	vadd.f32 v22, v21  }
0x83: {  	v61 =	vld.idx.msk [tilespmem:v17+s8+$0x0], $0xffff  }
0x84: {  	v62 =	vld.idx.msk [tilespmem:v18+s19+$0x0], $0xffff;
	v15 =	vadd.f32 v15, v21;
	v14 =	vmul.f32 v19, v14  }
0x85: {  	v63 =	vld.idx.msk [tilespmem:v18+s8+$0x0], $0xffff  }
0x86: {  	v14 =	vadd.f32 v14, v15;
	v15 =	vmul.f32 v59, v23;
	_ =	sdelay $0x1  }
0x87: {  	v14 =	vadd.f32 v15, v14;
	v15 =	vmul.f32 v61, v60;
	_ =	sdelay $0x1  }
0x88: {  	v14 =	vadd.f32 v15, v14;
	v15 =	vmul.f32 v63, v62;
	_ =	sdelay $0x1  }
0x89: {  	v14 =	vadd.f32 v15, v14;
	_ =	sdelay $0x1  }
0x8a: {  	v14 =	vmul.f32 $1.442695020e+00, v14;
	_ =	sdelay $0x1  }
0x8b: {  	(erf) = vpow2.f32 v14;
	_ =	sdelay $0x2  }
0x8c: {  	v14 =	vand.u32 $0xFFFFFFF8, v12  }
0x8d: {  	s24 =	sadd.s32 $0x1, s24;
	v15 =	vand.u32 $0x7, v12;
	v14 =	vadd.s32 v11, v14  }
0x8e: {  	p1 =	sne.s32 s24, $0x4;
	v14 =	vor.u32 v15, v14  }
.Ltmp5:
0x8f: {  	_ = 	snop;
	(pc) =	sbr.rel @p1 .LBB2_6-.Ltmp5, $3  }
0x90: {  	_ =	sdelay $0x1  }
0x91: {  	v15 =	vpop (erf)  }
0x92: {  	v12 =	vadd.s32 $0x1, v12;
	[tilespmem:v14+s28+$0x0] =	vst.idx.msk $0xffff, v15  }
0x93: {  	s23 =	sadd.s32 $0x1, s23  }
0x94: {  	p1 =	sne.s32 s23, $0x5  }
.Ltmp6:
0x95: {  	_ = 	snop;
	(pc) =	sbr.rel @p1 .LBB2_5-.Ltmp6, $2  }
0x96: {  	_ =	sdelay $0x2  }
0x97: {  	v9 =	vadd.s32 $0x10, v9  }
0x98: {  	[tilespmem:s8], [sflag:$0x1] =	stream.indirect.gather [hbm4b:s4+s0], $0x80, s30, s0, $0xb8;
	[tilespmem:$0x1DD30] =	vst v63  }
0x99: {  	_ =	swait.ge [sflag:s29], $0x2800  }
0x9a: {  	[sflag:s29] =	ssyncset.done $0x0  }
0x9b: {  	s23 =	simm.s32 $0x0;
	v9 =	vlaneseq.u32;
	[sflag:s29] =	ssyncadd.s32 $0xFFFFD800  }
.LBB2_11:
0x9c: {  	v10 =	vmul.u32 $0x90, v9  }
0x9d: {  	v11 =	vshll.u32 v9, $0x7;
	v14 =	vimm.s32 $0x0;
	v12 =	vimm.s32 $0x80;
	s24 =	simm.s32 $0x0  }
.LBB2_12:
0x9e: {  	v13 =	vand.u32 $0xFFFFFFF8, v12  }
0x9f: {  	v15 =	vand.u32 $0x7, v12;
	v16 =	vand.u32 $0xFFFFFFF8, v14;
	v13 =	vadd.s32 v10, v13  }
0xa0: {  	v17 =	vadd.s32 v11, v16;
	v13 =	vor.u32 v15, v13;
	v15 =	vand.u32 $0x7, v14  }
0xa1: {  	v17 =	vor.u32 v15, v17;
	_ =	sdelay $0x3  }
0xa2: {  	v13 =	vld.idx.msk [tilespmem:v13+s28+$0x0], $0xffff  }
0xa3: {  	v18 =	vadd.s32 $0x1, v14;
	v17 =	vld.idx.msk [tilespmem:v17+s8+$0x0], $0xffff  }
0xa4: {  	v16 =	vadd.s32 v10, v16;
	v19 =	vand.u32 $0xFFFFFFF8, v18  }
0xa5: {  	v15 =	vor.u32 v15, v16;
	v16 =	vand.u32 $0x7, v18;
	v18 =	vadd.s32 v11, v19  }
0xa6: {  	v18 =	vor.u32 v16, v18;
	_ =	sdelay $0x1  }
0xa7: {  	v17 =	vmul.f32 v17, v13;
	_ =	sdelay $0x1  }
0xa8: {  	[tilespmem:v15+s28+$0x0] =	vst.idx.msk $0xffff, v17  }
0xa9: {  	v17 =	vadd.s32 $0x2, v14;
	v15 =	vld.idx.msk [tilespmem:v18+s8+$0x0], $0xffff  }
0xaa: {  	v18 =	vadd.s32 v10, v19;
	v19 =	vand.u32 $0xFFFFFFF8, v17  }
0xab: {  	v17 =	vand.u32 $0x7, v17;
	v16 =	vor.u32 v16, v18;
	v18 =	vadd.s32 v11, v19  }
0xac: {  	v18 =	vor.u32 v17, v18;
	_ =	sdelay $0x1  }
0xad: {  	v15 =	vmul.f32 v15, v13;
	_ =	sdelay $0x1  }
0xae: {  	[tilespmem:v16+s28+$0x0] =	vst.idx.msk $0xffff, v15  }
0xaf: {  	v16 =	vadd.s32 $0x3, v14;
	v15 =	vld.idx.msk [tilespmem:v18+s8+$0x0], $0xffff  }
0xb0: {  	v18 =	vadd.s32 v10, v19;
	v19 =	vand.u32 $0xFFFFFFF8, v16  }
0xb1: {  	v16 =	vand.u32 $0x7, v16;
	v17 =	vor.u32 v17, v18;
	v18 =	vadd.s32 v11, v19  }
0xb2: {  	v18 =	vor.u32 v16, v18;
	_ =	sdelay $0x1  }
0xb3: {  	v15 =	vmul.f32 v15, v13;
	_ =	sdelay $0x1  }
0xb4: {  	[tilespmem:v17+s28+$0x0] =	vst.idx.msk $0xffff, v15  }
0xb5: {  	v14 =	vadd.s32 $0x4, v14;
	v20 =	vld.idx.msk [tilespmem:v18+s8+$0x0], $0xffff  }
0xb6: {  	v15 =	vadd.s32 v10, v19;
	v17 =	vand.u32 $0xFFFFFFF8, v14  }
0xb7: {  	v15 =	vor.u32 v16, v15;
	v16 =	vand.u32 $0x7, v14;
	v18 =	vadd.s32 v11, v17  }
0xb8: {  	v18 =	vor.u32 v16, v18;
	_ =	sdelay $0x1  }
0xb9: {  	s25 =	simm.s32 $0x4;
	v17 =	vadd.s32 v10, v17;
	v19 =	vmul.f32 v20, v13  }
.LBB2_13:
0xba: {  	_ = 	snop  }
0xbb: {  	s25 =	sadd.s32 $0x4, s25;
	[tilespmem:v15+s28+$0x0] =	vst.idx.msk $0xffff, v19  }
0xbc: {  	p1 =	slt.u32 s25, $0x1C;
	v15 =	vld.idx.msk [tilespmem:v18+s8+$0x0], $0xffff  }
0xbd: {  	v18 =	vadd.s32 $0x1, v14  }
0xbe: {  	v19 =	vand.u32 $0xFFFFFFF8, v18  }
0xbf: {  	v16 =	vor.u32 v16, v17;
	v17 =	vand.u32 $0x7, v18;
	v18 =	vadd.s32 v11, v19  }
0xc0: {  	v19 =	vadd.s32 v10, v19;
	v18 =	vor.u32 v17, v18  }
0xc1: {  	v17 =	vor.u32 v17, v19  }
0xc2: {  	v15 =	vmul.f32 v15, v13;
	_ =	sdelay $0x1  }
0xc3: {  	[tilespmem:v16+s28+$0x0] =	vst.idx.msk $0xffff, v15  }
0xc4: {  	v15 =	vld.idx.msk [tilespmem:v18+s8+$0x0], $0xffff  }
0xc5: {  	v16 =	vadd.s32 $0x2, v14  }
0xc6: {  	v18 =	vand.u32 $0xFFFFFFF8, v16  }
0xc7: {  	v16 =	vand.u32 $0x7, v16;
	v19 =	vadd.s32 v11, v18;
	v18 =	vadd.s32 v10, v18  }
0xc8: {  	v19 =	vor.u32 v16, v19;
	v16 =	vor.u32 v16, v18;
	_ =	sdelay $0x1  }
0xc9: {  	v15 =	vmul.f32 v15, v13;
	_ =	sdelay $0x1  }
0xca: {  	[tilespmem:v17+s28+$0x0] =	vst.idx.msk $0xffff, v15  }
0xcb: {  	v17 =	vld.idx.msk [tilespmem:v19+s8+$0x0], $0xffff  }
0xcc: {  	v15 =	vadd.s32 $0x3, v14  }
0xcd: {  	v18 =	vand.u32 $0xFFFFFFF8, v15  }
0xce: {  	v15 =	vand.u32 $0x7, v15;
	v19 =	vadd.s32 v11, v18;
	v18 =	vadd.s32 v10, v18  }
0xcf: {  	v19 =	vor.u32 v15, v19;
	v15 =	vor.u32 v15, v18;
	_ =	sdelay $0x1  }
0xd0: {  	v17 =	vmul.f32 v17, v13;
	_ =	sdelay $0x1  }
0xd1: {  	[tilespmem:v16+s28+$0x0] =	vst.idx.msk $0xffff, v17  }
0xd2: {  	v19 =	vld.idx.msk [tilespmem:v19+s8+$0x0], $0xffff  }
0xd3: {  	v14 =	vadd.s32 $0x4, v14  }
.Ltmp7:
0xd4: {  	v17 =	vand.u32 $0xFFFFFFF8, v14;
	(pc) =	sbr.rel @p1 .LBB2_13-.Ltmp7, $3  }
0xd5: {  	v16 =	vand.u32 $0x7, v14;
	v18 =	vadd.s32 v11, v17;
	v17 =	vadd.s32 v10, v17  }
0xd6: {  	v18 =	vor.u32 v16, v18;
	_ =	sdelay $0x1  }
0xd7: {  	v19 =	vmul.f32 v19, v13  }
0xd8: {  	_ =	sdelay $0x3  }
0xd9: {  	[tilespmem:v15+s28+$0x0] =	vst.idx.msk $0xffff, v19  }
0xda: {  	v51 =	vadd.s32 $0x1, v14;
	v15 =	vld.idx.msk [tilespmem:v18+s8+$0x0], $0xffff  }
0xdb: {  	v52 =	vand.u32 $0xFFFFFFF8, v51  }
0xdc: {  	v16 =	vor.u32 v16, v17;
	v53 =	vand.u32 $0x7, v51;
	v54 =	vadd.s32 v11, v52  }
0xdd: {  	v18 =	vor.u32 v53, v54;
	_ =	sdelay $0x1  }
0xde: {  	v15 =	vmul.f32 v15, v13;
	_ =	sdelay $0x1  }
0xdf: {  	[tilespmem:v16+s28+$0x0] =	vst.idx.msk $0xffff, v15  }
0xe0: {  	v55 =	vadd.s32 $0x2, v14;
	v15 =	vld.idx.msk [tilespmem:v18+s8+$0x0], $0xffff  }
0xe1: {  	v57 =	vand.u32 $0xFFFFFFF8, v55;
	v56 =	vadd.s32 v10, v52  }
0xe2: {  	v58 =	vadd.s32 v11, v57;
	v17 =	vor.u32 v53, v56;
	v16 =	vand.u32 $0x7, v55  }
0xe3: {  	v18 =	vor.u32 v16, v58;
	_ =	sdelay $0x1  }
0xe4: {  	v15 =	vmul.f32 v15, v13;
	_ =	sdelay $0x1  }
0xe5: {  	[tilespmem:v17+s28+$0x0] =	vst.idx.msk $0xffff, v15  }
0xe6: {  	v59 =	vadd.s32 $0x3, v14;
	v15 =	vld.idx.msk [tilespmem:v18+s8+$0x0], $0xffff  }
0xe7: {  	v61 =	vand.u32 $0xFFFFFFF8, v59;
	v60 =	vadd.s32 v10, v57  }
0xe8: {  	v62 =	vadd.s32 v11, v61;
	v16 =	vor.u32 v16, v60;
	v17 =	vand.u32 $0x7, v59  }
0xe9: {  	v18 =	vor.u32 v17, v62;
	_ =	sdelay $0x1  }
0xea: {  	v15 =	vmul.f32 v15, v13;
	_ =	sdelay $0x1  }
0xeb: {  	[tilespmem:v16+s28+$0x0] =	vst.idx.msk $0xffff, v15  }
0xec: {  	v15 =	vld.idx.msk [tilespmem:v18+s8+$0x0], $0xffff  }
0xed: {  	s24 =	sadd.s32 $0x1, s24;
	v63 =	vadd.s32 v10, v61  }
0xee: {  	p1 =	sne.s32 s24, $0x4;
	v16 =	vor.u32 v17, v63  }
.Ltmp8:
0xef: {  	_ = 	snop;
	(pc) =	sbr.rel @p1 .LBB2_12-.Ltmp8, $3  }
0xf0: {  	_ = 	snop  }
0xf1: {  	v13 =	vmul.f32 v15, v13;
	_ =	sdelay $0x1  }
0xf2: {  	v14 =	vadd.s32 $0x4, v14;
	v12 =	vadd.s32 $0x1, v12;
	[tilespmem:v16+s28+$0x0] =	vst.idx.msk $0xffff, v13  }
0xf3: {  	s23 =	sadd.s32 $0x1, s23  }
0xf4: {  	p1 =	sne.s32 s23, $0x5  }
.Ltmp9:
0xf5: {  	_ = 	snop;
	(pc) =	sbr.rel @p1 .LBB2_11-.Ltmp9, $2  }
0xf6: {  	_ =	sdelay $0x2  }
0xf7: {  	v9 =	vadd.s32 $0x10, v9  }
0xf8: {  	s22 =	sadd.s32 $0x1, s22  }
0xf9: {  	p1 =	seq.s32 s22, $0xFA  }
.Ltmp10:
0xfa: {  	_ = 	snop;
	(pc) =	sbr.rel @!p1 .LBB2_4-.Ltmp10, $4  }
0xfb: {  	[spmem:s1] =	stream.indirect.scatter.add.f32 [tilespmem:s28], [sflag:$0x1], $0x90, s31, s0, $0xb8;
	[tilespmem:$0x1DD30] =	vst v63  }
0xfc: {  	_ =	swait.ge [sflag:s29], $0x2D00  }
0xfd: {  	[sflag:s29] =	ssyncset.done $0x0  }
0xfe: {  	[sflag:s29] =	ssyncadd.s32 $0xFFFFD300  }
0xff: {  	[bflag:$0x0] =	sbarrier.arrive $0xFFFF;
	s21 =	simm.s32 $0x0  }
.LBB2_18:
0x100: {  	s22 =	sshll.u32 s21, $0x4;
	p1 =	seq.s32 s21, $0x27;
	s23 =	simm.s32 $0xFFFFFFF1  }
0x101: {  	s22 =	sadd.s32 s16, s22;
	s23 =	simm.s32 @!p1 $0x0  }
0x102: {  	s22 =	sadd.s32 s23, s22  }
0x103: {  	s23 =	smul.u32 $0x240, s22;
	_ =	sdelay $0x1  }
0x104: {  	s23 =	sshra.s32 s23, $0x2  }
0x105: {  	s23 =	sadd.s32 s23, s1  }
0x106: {  	[tilespmem:s28], [sflag:$0x1] =	stream.linear.gather [spmem:s23], $0x900, $0x38;
	[tilespmem:$0x1DD30] =	vst v63  }
0x107: {  	_ =	swait.ge [sflag:s29], $0x900  }
0x108: {  	[sflag:s29] =	ssyncset.done $0x0  }
0x109: {  	v12 =	vimm.s32 $0x0;
	v9 =	vimm.s32 $0x80;
	s23 =	simm.s32 $0x0;
	[sflag:s29] =	ssyncadd.s32 $0xFFFFF700  }
.LBB2_19:
0x10a: {  	v10 =	vadd.s32 v0, v9;
	_ =	sdelay $0x4  }
0x10b: {  	v10 =	vld.idx.msk [tilespmem:v10+s28+$0x0], $0xffff;
	_ =	sdelay $0x4  }
0x10c: {  	v10 =	vadd.f32 $1.000000020e-16, v10;
	_ =	sdelay $0x1  }
0x10d: {  	(erf) = vrcp.f32 v10;
	v10 =	vadd.s32 v0, v12;
	_ =	sdelay $0x4  }
0x10e: {  	v11 =	vld.idx.msk [tilespmem:v10+s28+$0x0], $0xffff;
	_ =	sdelay $0x1  }
0x10f: {  	v13 =	vadd.s32 v1, v12  }
0x110: {  	v14 =	vadd.s32 v3, v12  }
0x111: {  	v10 =	vpop (erf)  }
0x112: {  	v11 =	vmul.f32 v11, v10;
	_ =	sdelay $0x1  }
0x113: {  	[tilespmem:v13+s19+$0x0] =	vst.idx.msk $0xffff, v11  }
0x114: {  	v11 =	vld.idx.msk [tilespmem:v14+s28+$0x0], $0xffff;
	_ =	sdelay $0x1  }
0x115: {  	v13 =	vadd.s32 v4, v12  }
0x116: {  	v14 =	vadd.s32 v5, v12;
	_ =	sdelay $0x1  }
0x117: {  	v11 =	vmul.f32 v11, v10;
	_ =	sdelay $0x1  }
0x118: {  	[tilespmem:v13+s19+$0x0] =	vst.idx.msk $0xffff, v11  }
0x119: {  	v11 =	vld.idx.msk [tilespmem:v14+s28+$0x0], $0xffff;
	_ =	sdelay $0x1  }
0x11a: {  	v13 =	vadd.s32 v6, v12  }
0x11b: {  	v14 =	vadd.s32 v7, v12;
	_ =	sdelay $0x1  }
0x11c: {  	v11 =	vmul.f32 v11, v10;
	_ =	sdelay $0x1  }
0x11d: {  	[tilespmem:v13+s19+$0x0] =	vst.idx.msk $0xffff, v11  }
0x11e: {  	v14 =	vld.idx.msk [tilespmem:v14+s28+$0x0], $0xffff;
	_ =	sdelay $0x1  }
0x11f: {  	v11 =	vadd.s32 $0x4, v12;
	v12 =	vadd.s32 v8, v12  }
0x120: {  	v13 =	vadd.s32 v0, v11;
	_ =	sdelay $0x1  }
0x121: {  	s24 =	simm.s32 $0x4;
	v14 =	vmul.f32 v14, v10  }
.LBB2_20:
0x122: {  	_ = 	snop  }
0x123: {  	s24 =	sadd.s32 $0x4, s24;
	[tilespmem:v12+s19+$0x0] =	vst.idx.msk $0xffff, v14  }
0x124: {  	p1 =	slt.u32 s24, $0x1C;
	v12 =	vld.idx.msk [tilespmem:v13+s28+$0x0], $0xffff;
	_ =	sdelay $0x2  }
0x125: {  	v13 =	vadd.s32 v1, v11  }
0x126: {  	v14 =	vadd.s32 v3, v11;
	_ =	sdelay $0x1  }
0x127: {  	v12 =	vmul.f32 v12, v10;
	_ =	sdelay $0x1  }
0x128: {  	[tilespmem:v13+s19+$0x0] =	vst.idx.msk $0xffff, v12  }
0x129: {  	v12 =	vld.idx.msk [tilespmem:v14+s28+$0x0], $0xffff;
	_ =	sdelay $0x2  }
0x12a: {  	v13 =	vadd.s32 v4, v11  }
0x12b: {  	v14 =	vadd.s32 v5, v11;
	_ =	sdelay $0x1  }
0x12c: {  	v12 =	vmul.f32 v12, v10;
	_ =	sdelay $0x1  }
0x12d: {  	[tilespmem:v13+s19+$0x0] =	vst.idx.msk $0xffff, v12  }
0x12e: {  	v12 =	vld.idx.msk [tilespmem:v14+s28+$0x0], $0xffff;
	_ =	sdelay $0x2  }
0x12f: {  	v13 =	vadd.s32 v6, v11  }
0x130: {  	v14 =	vadd.s32 v7, v11;
	_ =	sdelay $0x1  }
0x131: {  	v12 =	vmul.f32 v12, v10;
	_ =	sdelay $0x1  }
0x132: {  	[tilespmem:v13+s19+$0x0] =	vst.idx.msk $0xffff, v12  }
0x133: {  	v14 =	vld.idx.msk [tilespmem:v14+s28+$0x0], $0xffff;
	_ =	sdelay $0x1  }
.Ltmp11:
0x134: {  	(pc) =	sbr.rel @p1 .LBB2_20-.Ltmp11, $3  }
0x135: {  	v12 =	vadd.s32 v8, v11;
	v11 =	vadd.s32 $0x4, v11  }
0x136: {  	v13 =	vadd.s32 v0, v11;
	_ =	sdelay $0x1  }
0x137: {  	v14 =	vmul.f32 v14, v10  }
0x138: {  	_ =	sdelay $0x3  }
0x139: {  	[tilespmem:v12+s19+$0x0] =	vst.idx.msk $0xffff, v14  }
0x13a: {  	v12 =	vld.idx.msk [tilespmem:v13+s28+$0x0], $0xffff;
	_ =	sdelay $0x1  }
0x13b: {  	v13 =	vadd.s32 v1, v11  }
0x13c: {  	v14 =	vadd.s32 v3, v11;
	_ =	sdelay $0x1  }
0x13d: {  	v12 =	vmul.f32 v12, v10;
	_ =	sdelay $0x1  }
0x13e: {  	[tilespmem:v13+s19+$0x0] =	vst.idx.msk $0xffff, v12  }
0x13f: {  	v12 =	vld.idx.msk [tilespmem:v14+s28+$0x0], $0xffff;
	_ =	sdelay $0x1  }
0x140: {  	v13 =	vadd.s32 v4, v11  }
0x141: {  	v14 =	vadd.s32 v5, v11;
	_ =	sdelay $0x1  }
0x142: {  	v12 =	vmul.f32 v12, v10;
	_ =	sdelay $0x1  }
0x143: {  	[tilespmem:v13+s19+$0x0] =	vst.idx.msk $0xffff, v12  }
0x144: {  	v12 =	vld.idx.msk [tilespmem:v14+s28+$0x0], $0xffff;
	_ =	sdelay $0x1  }
0x145: {  	v13 =	vadd.s32 v6, v11  }
0x146: {  	v14 =	vadd.s32 v7, v11;
	_ =	sdelay $0x1  }
0x147: {  	v12 =	vmul.f32 v12, v10;
	_ =	sdelay $0x1  }
0x148: {  	[tilespmem:v13+s19+$0x0] =	vst.idx.msk $0xffff, v12  }
0x149: {  	v12 =	vld.idx.msk [tilespmem:v14+s28+$0x0], $0xffff  }
0x14a: {  	s23 =	sadd.s32 $0x1, s23  }
0x14b: {  	p1 =	sne.s32 s23, $0x4;
	v13 =	vadd.s32 v8, v11  }
.Ltmp12:
0x14c: {  	_ = 	snop;
	(pc) =	sbr.rel @p1 .LBB2_19-.Ltmp12, $3  }
0x14d: {  	_ = 	snop  }
0x14e: {  	v10 =	vmul.f32 v12, v10;
	_ =	sdelay $0x1  }
0x14f: {  	v9 =	vadd.s32 $0x1, v9;
	v12 =	vadd.s32 $0x4, v11;
	[tilespmem:v13+s19+$0x0] =	vst.idx.msk $0xffff, v10  }
0x150: {  	s22 =	sshll.u32 s22, $0x4  }
0x151: {  	s21 =	sadd.s32 $0x1, s21;
	s22 =	sand.u32 $0x1FFFFFF0, s22  }
0x152: {  	p1 =	seq.s32 s21, $0x28;
	s22 =	sadd.s32 s14, s22  }
0x153: {  	[hbm4b:s22+s2] =	stream.linear.scatter [tilespmem:s19], [sflag:$0x1], $0x800, $0x38;
	[tilespmem:$0x1DD30] =	vst v63  }
.Ltmp13:
0x154: {  	_ = 	snop;
	(pc) =	sbr.rel @!p1 .LBB2_18-.Ltmp13, $4  }
.Ltmp14:
0x155: {  	_ = 	snop;
	(pc) =	sbr.rel @p1 .LBB2_42-.Ltmp14, $4  }
0x156: {  	_ =	swait.ge [sflag:s29], $0x800  }
0x157: {  	[sflag:s29] =	ssyncset.done $0x0  }
0x158: {  	[sflag:s29] =	ssyncadd.s32 $0xFFFFF800  }
0x159: {  	_ = 	snop  }
.LBB2_23:
0x15a: {  	s22 =	smul.u32 $0x50, s23;
	_ =	sdelay $0x1  }
0x15b: {  	s22 =	sadd.s32 s18, s22  }
0x15c: {  	s22 =	sshrl.u32 s22, $0x3  }
0x15d: {  	s24 =	sadd.s32 s12, s22  }
0x15e: {  	[tilespmem:s30], [sflag:$0x1] =	stream.linear.gather [hbm4b:s24+s21], $0x50, $0x38;
	[tilespmem:$0x1DD30] =	vst v63  }
0x15f: {  	_ =	swait.ge [sflag:s29], $0x50  }
0x160: {  	[sflag:s29] =	ssyncset.done $0x0  }
0x161: {  	s22 =	sadd.s32 s13, s22;
	[sflag:s29] =	ssyncadd.s32 $0xFFFFFFB0  }
0x162: {  	[tilespmem:s31], [sflag:$0x1] =	stream.linear.gather [hbm4b:s22+s21], $0x50, $0x38;
	[tilespmem:$0x1DD30] =	vst v63  }
0x163: {  	_ =	swait.ge [sflag:s29], $0x50  }
0x164: {  	[sflag:s29] =	ssyncset.done $0x0  }
0x165: {  	[sflag:s29] =	ssyncadd.s32 $0xFFFFFFB0  }
0x166: {  	[tilespmem:s8], [sflag:$0x1] =	stream.indirect.gather [hbm4b:s9+s0], $0x80, s30, s0, $0xb8;
	[tilespmem:$0x1DD30] =	vst v63  }
0x167: {  	_ =	swait.ge [sflag:s29], $0x2800  }
0x168: {  	[sflag:s29] =	ssyncset.done $0x0  }
0x169: {  	[sflag:s29] =	ssyncadd.s32 $0xFFFFD800  }
0x16a: {  	[tilespmem:s19], [sflag:$0x1] =	stream.indirect.gather [hbm4b:s11+s0], $0x80, s31, s0, $0xb8;
	[tilespmem:$0x1DD30] =	vst v63  }
0x16b: {  	_ =	swait.ge [sflag:s29], $0x2800  }
0x16c: {  	[sflag:s29] =	ssyncset.done $0x0  }
0x16d: {  	v9 =	vlaneseq.u32;
	s22 =	simm.s32 $0x0;
	[sflag:s29] =	ssyncadd.s32 $0xFFFFD800  }
.LBB2_24:
0x16e: {  	v10 =	vshll.u32 v9, $0x7  }
0x16f: {  	v11 =	vmul.u32 $0x90, v9;
	s24 =	simm.s32 $0x0;
	v13 =	vimm.s32 $0x0;
	v12 =	vimm.s32 $0x80  }
.LBB2_25:
0x170: {  	v14 =	vand.u32 $0xFFFFFFF8, v13  }
0x171: {  	v15 =	vand.u32 $0x7, v13;
	v16 =	vadd.s32 $0x1, v13;
	v14 =	vadd.s32 v10, v14  }
0x172: {  	v14 =	vor.u32 v15, v14;
	v15 =	vand.u32 $0xFFFFFFF8, v16  }
0x173: {  	v17 =	vadd.s32 $0x2, v13;
	v16 =	vand.u32 $0x7, v16;
	v15 =	vadd.s32 v10, v15  }
0x174: {  	v15 =	vor.u32 v16, v15;
	v16 =	vand.u32 $0xFFFFFFF8, v17  }
0x175: {  	v18 =	vadd.s32 $0x3, v13;
	v17 =	vand.u32 $0x7, v17;
	v16 =	vadd.s32 v10, v16  }
0x176: {  	v16 =	vor.u32 v17, v16;
	v17 =	vand.u32 $0xFFFFFFF8, v18  }
0x177: {  	v18 =	vand.u32 $0x7, v18;
	v19 =	vld.idx.msk [tilespmem:v14+s19+$0x0], $0xffff;
	v17 =	vadd.s32 v10, v17  }
0x178: {  	v13 =	vadd.s32 $0x4, v13;
	v14 =	vld.idx.msk [tilespmem:v14+s8+$0x0], $0xffff;
	v17 =	vor.u32 v18, v17  }
0x179: {  	v21 =	vimm.f32 $0.0e+00;
	v20 =	vand.u32 $0xFFFFFFF8, v13;
	v18 =	vld.idx.msk [tilespmem:v15+s19+$0x0], $0xffff  }
0x17a: {  	v23 =	vadd.s32 $0x1, v13;
	v20 =	vadd.s32 v10, v20;
	v22 =	vld.idx.msk [tilespmem:v15+s8+$0x0], $0xffff;
	v15 =	vand.u32 $0x7, v13  }
0x17b: {  	v24 =	vadd.s32 $0x3, v13;
	v26 =	vor.u32 v15, v20;
	v15 =	vand.u32 $0xFFFFFFF8, v23;
	v25 =	vld.idx.msk [tilespmem:v16+s19+$0x0], $0xffff  }
0x17c: {  	v20 =	vadd.s32 $0x2, v13;
	v27 =	vld.idx.msk [tilespmem:v16+s8+$0x0], $0xffff;
	v16 =	vand.u32 $0x7, v23;
	v15 =	vadd.s32 v10, v15  }
0x17d: {  	v23 =	vand.u32 $0xFFFFFFF8, v20;
	v16 =	vor.u32 v16, v15;
	v14 =	vmul.f32 v14, v19;
	v15 =	vld.idx.msk [tilespmem:v17+s19+$0x0], $0xffff  }
0x17e: {  	v28 =	vand.u32 $0xFFFFFFF8, v24;
	v19 =	vand.u32 $0x7, v20;
	v23 =	vadd.s32 v10, v23;
	v20 =	vld.idx.msk [tilespmem:v17+s8+$0x0], $0xffff  }
0x17f: {  	v17 =	vor.u32 v19, v23;
	v21 =	vadd.f32 v14, v21;
	v22 =	vmul.f32 v22, v18  }
0x180: {  	v13 =	vadd.s32 $0x4, v13;
	v23 =	vadd.s32 v10, v28;
	v18 =	vand.u32 $0x7, v24;
	v14 =	vld.idx.msk [tilespmem:v26+s19+$0x0], $0xffff  }
0x181: {  	s25 =	simm.s32 $0x4;
	v19 =	vld.idx.msk [tilespmem:v26+s8+$0x0], $0xffff;
	v18 =	vor.u32 v18, v23;
	v21 =	vadd.f32 v22, v21;
	v22 =	vmul.f32 v27, v25  }
.LBB2_26:
0x182: {  	v23 =	vadd.s32 $0x3, v13;
	v24 =	vld.idx.msk [tilespmem:v16+s19+$0x0], $0xffff  }
0x183: {  	v25 =	vand.u32 $0xFFFFFFF8, v13;
	v15 =	vmul.f32 v20, v15;
	v26 =	vld.idx.msk [tilespmem:v16+s8+$0x0], $0xffff;
	v16 =	vadd.f32 v22, v21  }
0x184: {  	v20 =	vand.u32 $0x7, v13;
	s25 =	sadd.s32 $0x4, s25;
	v21 =	vadd.s32 v10, v25;
	v22 =	vadd.s32 $0x1, v13;
	v25 =	vld.idx.msk [tilespmem:v17+s19+$0x0], $0xffff  }
0x185: {  	p1 =	slt.u32 s25, $0x1C;
	v21 =	vor.u32 v20, v21;
	v20 =	vand.u32 $0xFFFFFFF8, v22;
	v27 =	vld.idx.msk [tilespmem:v17+s8+$0x0], $0xffff;
	v28 =	vadd.f32 v15, v16  }
0x186: {  	v16 =	vand.u32 $0x7, v22;
	v17 =	vadd.s32 v10, v20;
	v22 =	vadd.s32 $0x2, v13;
	v15 =	vld.idx.msk [tilespmem:v18+s19+$0x0], $0xffff  }
.Ltmp15:
0x187: {  	v16 =	vor.u32 v16, v17;
	v17 =	vand.u32 $0xFFFFFFF8, v22;
	v14 =	vmul.f32 v19, v14;
	v20 =	vld.idx.msk [tilespmem:v18+s8+$0x0], $0xffff;
	(pc) =	sbr.rel @p1 .LBB2_26-.Ltmp15, $4  }
0x188: {  	v19 =	vand.u32 $0xFFFFFFF8, v23;
	v18 =	vand.u32 $0x7, v22;
	v17 =	vadd.s32 v10, v17  }
0x189: {  	v17 =	vor.u32 v18, v17;
	v22 =	vadd.f32 v14, v28;
	v24 =	vmul.f32 v26, v24  }
0x18a: {  	v13 =	vadd.s32 $0x4, v13;
	v18 =	vand.u32 $0x7, v23;
	v23 =	vadd.s32 v10, v19;
	v14 =	vld.idx.msk [tilespmem:v21+s19+$0x0], $0xffff  }
0x18b: {  	v18 =	vor.u32 v18, v23;
	v19 =	vld.idx.msk [tilespmem:v21+s8+$0x0], $0xffff;
	v21 =	vadd.f32 v24, v22;
	v22 =	vmul.f32 v27, v25  }
0x18c: {  	_ =	sdelay $0x3  }
0x18d: {  	v23 =	vld.idx.msk [tilespmem:v16+s19+$0x0], $0xffff  }
0x18e: {  	v59 =	vld.idx.msk [tilespmem:v16+s8+$0x0], $0xffff  }
0x18f: {  	v15 =	vmul.f32 v20, v15;
	v60 =	vld.idx.msk [tilespmem:v17+s19+$0x0], $0xffff;
	v21 =	vadd.f32 v22, v21  }
0x190: {  	v61 =	vld.idx.msk [tilespmem:v17+s8+$0x0], $0xffff  }
0x191: {  	v62 =	vld.idx.msk [tilespmem:v18+s19+$0x0], $0xffff;
	v15 =	vadd.f32 v15, v21;
	v14 =	vmul.f32 v19, v14  }
0x192: {  	v63 =	vld.idx.msk [tilespmem:v18+s8+$0x0], $0xffff  }
0x193: {  	v14 =	vadd.f32 v14, v15;
	v15 =	vmul.f32 v59, v23;
	_ =	sdelay $0x1  }
0x194: {  	v14 =	vadd.f32 v15, v14;
	v15 =	vmul.f32 v61, v60;
	_ =	sdelay $0x1  }
0x195: {  	v14 =	vadd.f32 v15, v14;
	v15 =	vmul.f32 v63, v62;
	_ =	sdelay $0x1  }
0x196: {  	v14 =	vadd.f32 v15, v14;
	_ =	sdelay $0x1  }
0x197: {  	v14 =	vmul.f32 $1.442695020e+00, v14;
	_ =	sdelay $0x1  }
0x198: {  	(erf) = vpow2.f32 v14;
	_ =	sdelay $0x2  }
0x199: {  	v14 =	vand.u32 $0xFFFFFFF8, v12  }
0x19a: {  	s24 =	sadd.s32 $0x1, s24;
	v15 =	vand.u32 $0x7, v12;
	v14 =	vadd.s32 v11, v14  }
0x19b: {  	p1 =	sne.s32 s24, $0x4;
	v14 =	vor.u32 v15, v14  }
.Ltmp16:
0x19c: {  	_ = 	snop;
	(pc) =	sbr.rel @p1 .LBB2_25-.Ltmp16, $3  }
0x19d: {  	_ =	sdelay $0x1  }
0x19e: {  	v15 =	vpop (erf)  }
0x19f: {  	v12 =	vadd.s32 $0x1, v12;
	[tilespmem:v14+s28+$0x0] =	vst.idx.msk $0xffff, v15  }
0x1a0: {  	s22 =	sadd.s32 $0x1, s22  }
0x1a1: {  	p1 =	sne.s32 s22, $0x5  }
.Ltmp17:
0x1a2: {  	_ = 	snop;
	(pc) =	sbr.rel @p1 .LBB2_24-.Ltmp17, $2  }
0x1a3: {  	_ =	sdelay $0x2  }
0x1a4: {  	v9 =	vadd.s32 $0x10, v9  }
0x1a5: {  	[tilespmem:s8], [sflag:$0x1] =	stream.indirect.gather [hbm4b:s10+s0], $0x80, s30, s0, $0xb8;
	[tilespmem:$0x1DD30] =	vst v63  }
0x1a6: {  	_ =	swait.ge [sflag:s29], $0x2800  }
0x1a7: {  	[sflag:s29] =	ssyncset.done $0x0  }
0x1a8: {  	s22 =	simm.s32 $0x0;
	v9 =	vlaneseq.u32;
	[sflag:s29] =	ssyncadd.s32 $0xFFFFD800  }
.LBB2_30:
0x1a9: {  	v10 =	vmul.u32 $0x90, v9  }
0x1aa: {  	v11 =	vshll.u32 v9, $0x7;
	v14 =	vimm.s32 $0x0;
	v12 =	vimm.s32 $0x80;
	s24 =	simm.s32 $0x0  }
.LBB2_31:
0x1ab: {  	v13 =	vand.u32 $0xFFFFFFF8, v12  }
0x1ac: {  	v15 =	vand.u32 $0x7, v12;
	v16 =	vand.u32 $0xFFFFFFF8, v14;
	v13 =	vadd.s32 v10, v13  }
0x1ad: {  	v17 =	vadd.s32 v11, v16;
	v13 =	vor.u32 v15, v13;
	v15 =	vand.u32 $0x7, v14  }
0x1ae: {  	v17 =	vor.u32 v15, v17;
	_ =	sdelay $0x3  }
0x1af: {  	v13 =	vld.idx.msk [tilespmem:v13+s28+$0x0], $0xffff  }
0x1b0: {  	v18 =	vadd.s32 $0x1, v14;
	v17 =	vld.idx.msk [tilespmem:v17+s8+$0x0], $0xffff  }
0x1b1: {  	v16 =	vadd.s32 v10, v16;
	v19 =	vand.u32 $0xFFFFFFF8, v18  }
0x1b2: {  	v15 =	vor.u32 v15, v16;
	v16 =	vand.u32 $0x7, v18;
	v18 =	vadd.s32 v11, v19  }
0x1b3: {  	v18 =	vor.u32 v16, v18;
	_ =	sdelay $0x1  }
0x1b4: {  	v17 =	vmul.f32 v17, v13;
	_ =	sdelay $0x1  }
0x1b5: {  	[tilespmem:v15+s28+$0x0] =	vst.idx.msk $0xffff, v17  }
0x1b6: {  	v17 =	vadd.s32 $0x2, v14;
	v15 =	vld.idx.msk [tilespmem:v18+s8+$0x0], $0xffff  }
0x1b7: {  	v18 =	vadd.s32 v10, v19;
	v19 =	vand.u32 $0xFFFFFFF8, v17  }
0x1b8: {  	v17 =	vand.u32 $0x7, v17;
	v16 =	vor.u32 v16, v18;
	v18 =	vadd.s32 v11, v19  }
0x1b9: {  	v18 =	vor.u32 v17, v18;
	_ =	sdelay $0x1  }
0x1ba: {  	v15 =	vmul.f32 v15, v13;
	_ =	sdelay $0x1  }
0x1bb: {  	[tilespmem:v16+s28+$0x0] =	vst.idx.msk $0xffff, v15  }
0x1bc: {  	v16 =	vadd.s32 $0x3, v14;
	v15 =	vld.idx.msk [tilespmem:v18+s8+$0x0], $0xffff  }
0x1bd: {  	v18 =	vadd.s32 v10, v19;
	v19 =	vand.u32 $0xFFFFFFF8, v16  }
0x1be: {  	v16 =	vand.u32 $0x7, v16;
	v17 =	vor.u32 v17, v18;
	v18 =	vadd.s32 v11, v19  }
0x1bf: {  	v18 =	vor.u32 v16, v18;
	_ =	sdelay $0x1  }
0x1c0: {  	v15 =	vmul.f32 v15, v13;
	_ =	sdelay $0x1  }
0x1c1: {  	[tilespmem:v17+s28+$0x0] =	vst.idx.msk $0xffff, v15  }
0x1c2: {  	v14 =	vadd.s32 $0x4, v14;
	v20 =	vld.idx.msk [tilespmem:v18+s8+$0x0], $0xffff  }
0x1c3: {  	v15 =	vadd.s32 v10, v19;
	v17 =	vand.u32 $0xFFFFFFF8, v14  }
0x1c4: {  	v15 =	vor.u32 v16, v15;
	v16 =	vand.u32 $0x7, v14;
	v18 =	vadd.s32 v11, v17  }
0x1c5: {  	v18 =	vor.u32 v16, v18;
	_ =	sdelay $0x1  }
0x1c6: {  	s25 =	simm.s32 $0x4;
	v17 =	vadd.s32 v10, v17;
	v19 =	vmul.f32 v20, v13  }
.LBB2_32:
0x1c7: {  	_ = 	snop  }
0x1c8: {  	s25 =	sadd.s32 $0x4, s25;
	[tilespmem:v15+s28+$0x0] =	vst.idx.msk $0xffff, v19  }
0x1c9: {  	p1 =	slt.u32 s25, $0x1C;
	v15 =	vld.idx.msk [tilespmem:v18+s8+$0x0], $0xffff  }
0x1ca: {  	v18 =	vadd.s32 $0x1, v14  }
0x1cb: {  	v19 =	vand.u32 $0xFFFFFFF8, v18  }
0x1cc: {  	v16 =	vor.u32 v16, v17;
	v17 =	vand.u32 $0x7, v18;
	v18 =	vadd.s32 v11, v19  }
0x1cd: {  	v19 =	vadd.s32 v10, v19;
	v18 =	vor.u32 v17, v18  }
0x1ce: {  	v17 =	vor.u32 v17, v19  }
0x1cf: {  	v15 =	vmul.f32 v15, v13;
	_ =	sdelay $0x1  }
0x1d0: {  	[tilespmem:v16+s28+$0x0] =	vst.idx.msk $0xffff, v15  }
0x1d1: {  	v15 =	vld.idx.msk [tilespmem:v18+s8+$0x0], $0xffff  }
0x1d2: {  	v16 =	vadd.s32 $0x2, v14  }
0x1d3: {  	v18 =	vand.u32 $0xFFFFFFF8, v16  }
0x1d4: {  	v16 =	vand.u32 $0x7, v16;
	v19 =	vadd.s32 v11, v18;
	v18 =	vadd.s32 v10, v18  }
0x1d5: {  	v19 =	vor.u32 v16, v19;
	v16 =	vor.u32 v16, v18;
	_ =	sdelay $0x1  }
0x1d6: {  	v15 =	vmul.f32 v15, v13;
	_ =	sdelay $0x1  }
0x1d7: {  	[tilespmem:v17+s28+$0x0] =	vst.idx.msk $0xffff, v15  }
0x1d8: {  	v17 =	vld.idx.msk [tilespmem:v19+s8+$0x0], $0xffff  }
0x1d9: {  	v15 =	vadd.s32 $0x3, v14  }
0x1da: {  	v18 =	vand.u32 $0xFFFFFFF8, v15  }
0x1db: {  	v15 =	vand.u32 $0x7, v15;
	v19 =	vadd.s32 v11, v18;
	v18 =	vadd.s32 v10, v18  }
0x1dc: {  	v19 =	vor.u32 v15, v19;
	v15 =	vor.u32 v15, v18;
	_ =	sdelay $0x1  }
0x1dd: {  	v17 =	vmul.f32 v17, v13;
	_ =	sdelay $0x1  }
0x1de: {  	[tilespmem:v16+s28+$0x0] =	vst.idx.msk $0xffff, v17  }
0x1df: {  	v19 =	vld.idx.msk [tilespmem:v19+s8+$0x0], $0xffff  }
0x1e0: {  	v14 =	vadd.s32 $0x4, v14  }
.Ltmp18:
0x1e1: {  	v17 =	vand.u32 $0xFFFFFFF8, v14;
	(pc) =	sbr.rel @p1 .LBB2_32-.Ltmp18, $3  }
0x1e2: {  	v16 =	vand.u32 $0x7, v14;
	v18 =	vadd.s32 v11, v17;
	v17 =	vadd.s32 v10, v17  }
0x1e3: {  	v18 =	vor.u32 v16, v18;
	_ =	sdelay $0x1  }
0x1e4: {  	v19 =	vmul.f32 v19, v13  }
0x1e5: {  	_ =	sdelay $0x3  }
0x1e6: {  	[tilespmem:v15+s28+$0x0] =	vst.idx.msk $0xffff, v19  }
0x1e7: {  	v51 =	vadd.s32 $0x1, v14;
	v15 =	vld.idx.msk [tilespmem:v18+s8+$0x0], $0xffff  }
0x1e8: {  	v52 =	vand.u32 $0xFFFFFFF8, v51  }
0x1e9: {  	v16 =	vor.u32 v16, v17;
	v53 =	vand.u32 $0x7, v51;
	v54 =	vadd.s32 v11, v52  }
0x1ea: {  	v18 =	vor.u32 v53, v54;
	_ =	sdelay $0x1  }
0x1eb: {  	v15 =	vmul.f32 v15, v13;
	_ =	sdelay $0x1  }
0x1ec: {  	[tilespmem:v16+s28+$0x0] =	vst.idx.msk $0xffff, v15  }
0x1ed: {  	v55 =	vadd.s32 $0x2, v14;
	v15 =	vld.idx.msk [tilespmem:v18+s8+$0x0], $0xffff  }
0x1ee: {  	v57 =	vand.u32 $0xFFFFFFF8, v55;
	v56 =	vadd.s32 v10, v52  }
0x1ef: {  	v58 =	vadd.s32 v11, v57;
	v17 =	vor.u32 v53, v56;
	v16 =	vand.u32 $0x7, v55  }
0x1f0: {  	v18 =	vor.u32 v16, v58;
	_ =	sdelay $0x1  }
0x1f1: {  	v15 =	vmul.f32 v15, v13;
	_ =	sdelay $0x1  }
0x1f2: {  	[tilespmem:v17+s28+$0x0] =	vst.idx.msk $0xffff, v15  }
0x1f3: {  	v59 =	vadd.s32 $0x3, v14;
	v15 =	vld.idx.msk [tilespmem:v18+s8+$0x0], $0xffff  }
0x1f4: {  	v61 =	vand.u32 $0xFFFFFFF8, v59;
	v60 =	vadd.s32 v10, v57  }
0x1f5: {  	v62 =	vadd.s32 v11, v61;
	v16 =	vor.u32 v16, v60;
	v17 =	vand.u32 $0x7, v59  }
0x1f6: {  	v18 =	vor.u32 v17, v62;
	_ =	sdelay $0x1  }
0x1f7: {  	v15 =	vmul.f32 v15, v13;
	_ =	sdelay $0x1  }
0x1f8: {  	[tilespmem:v16+s28+$0x0] =	vst.idx.msk $0xffff, v15  }
0x1f9: {  	v15 =	vld.idx.msk [tilespmem:v18+s8+$0x0], $0xffff  }
0x1fa: {  	s24 =	sadd.s32 $0x1, s24;
	v63 =	vadd.s32 v10, v61  }
0x1fb: {  	p1 =	sne.s32 s24, $0x4;
	v16 =	vor.u32 v17, v63  }
.Ltmp19:
0x1fc: {  	_ = 	snop;
	(pc) =	sbr.rel @p1 .LBB2_31-.Ltmp19, $3  }
0x1fd: {  	_ = 	snop  }
0x1fe: {  	v13 =	vmul.f32 v15, v13;
	_ =	sdelay $0x1  }
0x1ff: {  	v14 =	vadd.s32 $0x4, v14;
	v12 =	vadd.s32 $0x1, v12;
	[tilespmem:v16+s28+$0x0] =	vst.idx.msk $0xffff, v13  }
0x200: {  	s22 =	sadd.s32 $0x1, s22  }
0x201: {  	p1 =	sne.s32 s22, $0x5  }
.Ltmp20:
0x202: {  	_ = 	snop;
	(pc) =	sbr.rel @p1 .LBB2_30-.Ltmp20, $2  }
0x203: {  	_ =	sdelay $0x2  }
0x204: {  	v9 =	vadd.s32 $0x10, v9  }
0x205: {  	s23 =	sadd.s32 $0x1, s23  }
0x206: {  	p1 =	seq.s32 s23, $0xFA  }
.Ltmp21:
0x207: {  	_ = 	snop;
	(pc) =	sbr.rel @!p1 .LBB2_23-.Ltmp21, $4  }
0x208: {  	[spmem:s1] =	stream.indirect.scatter.add.f32 [tilespmem:s28], [sflag:$0x1], $0x90, s31, s0, $0xb8;
	[tilespmem:$0x1DD30] =	vst v63  }
0x209: {  	_ =	swait.ge [sflag:s29], $0x2D00  }
0x20a: {  	[sflag:s29] =	ssyncset.done $0x0  }
0x20b: {  	[sflag:s29] =	ssyncadd.s32 $0xFFFFD300  }
0x20c: {  	[bflag:$0x0] =	sbarrier.arrive $0xFFFF;
	s21 =	simm.s32 $0x0  }
.LBB2_37:
0x20d: {  	s22 =	sshll.u32 s21, $0x4;
	p1 =	seq.s32 s21, $0x27;
	s23 =	simm.s32 $0xFFFFFFF1  }
0x20e: {  	s22 =	sadd.s32 s16, s22;
	s23 =	simm.s32 @!p1 $0x0  }
0x20f: {  	s22 =	sadd.s32 s23, s22  }
0x210: {  	s23 =	smul.u32 $0x240, s22;
	_ =	sdelay $0x1  }
0x211: {  	s23 =	sshra.s32 s23, $0x2  }
0x212: {  	s23 =	sadd.s32 s23, s1  }
0x213: {  	[tilespmem:s28], [sflag:$0x1] =	stream.linear.gather [spmem:s23], $0x900, $0x38;
	[tilespmem:$0x1DD30] =	vst v63  }
0x214: {  	_ =	swait.ge [sflag:s29], $0x900  }
0x215: {  	[sflag:s29] =	ssyncset.done $0x0  }
0x216: {  	v12 =	vimm.s32 $0x0;
	v9 =	vimm.s32 $0x80;
	s23 =	simm.s32 $0x0;
	[sflag:s29] =	ssyncadd.s32 $0xFFFFF700  }
.LBB2_38:
0x217: {  	v10 =	vadd.s32 v0, v9;
	_ =	sdelay $0x4  }
0x218: {  	v10 =	vld.idx.msk [tilespmem:v10+s28+$0x0], $0xffff;
	_ =	sdelay $0x4  }
0x219: {  	v10 =	vadd.f32 $1.000000020e-16, v10;
	_ =	sdelay $0x1  }
0x21a: {  	(erf) = vrcp.f32 v10;
	v10 =	vadd.s32 v0, v12;
	_ =	sdelay $0x4  }
0x21b: {  	v11 =	vld.idx.msk [tilespmem:v10+s28+$0x0], $0xffff;
	_ =	sdelay $0x1  }
0x21c: {  	v13 =	vadd.s32 v1, v12  }
0x21d: {  	v14 =	vadd.s32 v3, v12  }
0x21e: {  	v10 =	vpop (erf)  }
0x21f: {  	v11 =	vmul.f32 v11, v10;
	_ =	sdelay $0x1  }
0x220: {  	[tilespmem:v13+s19+$0x0] =	vst.idx.msk $0xffff, v11  }
0x221: {  	v11 =	vld.idx.msk [tilespmem:v14+s28+$0x0], $0xffff;
	_ =	sdelay $0x1  }
0x222: {  	v13 =	vadd.s32 v4, v12  }
0x223: {  	v14 =	vadd.s32 v5, v12;
	_ =	sdelay $0x1  }
0x224: {  	v11 =	vmul.f32 v11, v10;
	_ =	sdelay $0x1  }
0x225: {  	[tilespmem:v13+s19+$0x0] =	vst.idx.msk $0xffff, v11  }
0x226: {  	v11 =	vld.idx.msk [tilespmem:v14+s28+$0x0], $0xffff;
	_ =	sdelay $0x1  }
0x227: {  	v13 =	vadd.s32 v6, v12  }
0x228: {  	v14 =	vadd.s32 v7, v12;
	_ =	sdelay $0x1  }
0x229: {  	v11 =	vmul.f32 v11, v10;
	_ =	sdelay $0x1  }
0x22a: {  	[tilespmem:v13+s19+$0x0] =	vst.idx.msk $0xffff, v11  }
0x22b: {  	v14 =	vld.idx.msk [tilespmem:v14+s28+$0x0], $0xffff;
	_ =	sdelay $0x1  }
0x22c: {  	v11 =	vadd.s32 $0x4, v12;
	v12 =	vadd.s32 v8, v12  }
0x22d: {  	v13 =	vadd.s32 v0, v11;
	_ =	sdelay $0x1  }
0x22e: {  	s24 =	simm.s32 $0x4;
	v14 =	vmul.f32 v14, v10  }
.LBB2_39:
0x22f: {  	_ = 	snop  }
0x230: {  	s24 =	sadd.s32 $0x4, s24;
	[tilespmem:v12+s19+$0x0] =	vst.idx.msk $0xffff, v14  }
0x231: {  	p1 =	slt.u32 s24, $0x1C;
	v12 =	vld.idx.msk [tilespmem:v13+s28+$0x0], $0xffff;
	_ =	sdelay $0x2  }
0x232: {  	v13 =	vadd.s32 v1, v11  }
0x233: {  	v14 =	vadd.s32 v3, v11;
	_ =	sdelay $0x1  }
0x234: {  	v12 =	vmul.f32 v12, v10;
	_ =	sdelay $0x1  }
0x235: {  	[tilespmem:v13+s19+$0x0] =	vst.idx.msk $0xffff, v12  }
0x236: {  	v12 =	vld.idx.msk [tilespmem:v14+s28+$0x0], $0xffff;
	_ =	sdelay $0x2  }
0x237: {  	v13 =	vadd.s32 v4, v11  }
0x238: {  	v14 =	vadd.s32 v5, v11;
	_ =	sdelay $0x1  }
0x239: {  	v12 =	vmul.f32 v12, v10;
	_ =	sdelay $0x1  }
0x23a: {  	[tilespmem:v13+s19+$0x0] =	vst.idx.msk $0xffff, v12  }
0x23b: {  	v12 =	vld.idx.msk [tilespmem:v14+s28+$0x0], $0xffff;
	_ =	sdelay $0x2  }
0x23c: {  	v13 =	vadd.s32 v6, v11  }
0x23d: {  	v14 =	vadd.s32 v7, v11;
	_ =	sdelay $0x1  }
0x23e: {  	v12 =	vmul.f32 v12, v10;
	_ =	sdelay $0x1  }
0x23f: {  	[tilespmem:v13+s19+$0x0] =	vst.idx.msk $0xffff, v12  }
0x240: {  	v14 =	vld.idx.msk [tilespmem:v14+s28+$0x0], $0xffff;
	_ =	sdelay $0x1  }
.Ltmp22:
0x241: {  	(pc) =	sbr.rel @p1 .LBB2_39-.Ltmp22, $3  }
0x242: {  	v12 =	vadd.s32 v8, v11;
	v11 =	vadd.s32 $0x4, v11  }
0x243: {  	v13 =	vadd.s32 v0, v11;
	_ =	sdelay $0x1  }
0x244: {  	v14 =	vmul.f32 v14, v10  }
0x245: {  	_ =	sdelay $0x3  }
0x246: {  	[tilespmem:v12+s19+$0x0] =	vst.idx.msk $0xffff, v14  }
0x247: {  	v12 =	vld.idx.msk [tilespmem:v13+s28+$0x0], $0xffff;
	_ =	sdelay $0x1  }
0x248: {  	v13 =	vadd.s32 v1, v11  }
0x249: {  	v14 =	vadd.s32 v3, v11;
	_ =	sdelay $0x1  }
0x24a: {  	v12 =	vmul.f32 v12, v10;
	_ =	sdelay $0x1  }
0x24b: {  	[tilespmem:v13+s19+$0x0] =	vst.idx.msk $0xffff, v12  }
0x24c: {  	v12 =	vld.idx.msk [tilespmem:v14+s28+$0x0], $0xffff;
	_ =	sdelay $0x1  }
0x24d: {  	v13 =	vadd.s32 v4, v11  }
0x24e: {  	v14 =	vadd.s32 v5, v11;
	_ =	sdelay $0x1  }
0x24f: {  	v12 =	vmul.f32 v12, v10;
	_ =	sdelay $0x1  }
0x250: {  	[tilespmem:v13+s19+$0x0] =	vst.idx.msk $0xffff, v12  }
0x251: {  	v12 =	vld.idx.msk [tilespmem:v14+s28+$0x0], $0xffff;
	_ =	sdelay $0x1  }
0x252: {  	v13 =	vadd.s32 v6, v11  }
0x253: {  	v14 =	vadd.s32 v7, v11;
	_ =	sdelay $0x1  }
0x254: {  	v12 =	vmul.f32 v12, v10;
	_ =	sdelay $0x1  }
0x255: {  	[tilespmem:v13+s19+$0x0] =	vst.idx.msk $0xffff, v12  }
0x256: {  	v12 =	vld.idx.msk [tilespmem:v14+s28+$0x0], $0xffff  }
0x257: {  	s23 =	sadd.s32 $0x1, s23  }
0x258: {  	p1 =	sne.s32 s23, $0x4;
	v13 =	vadd.s32 v8, v11  }
.Ltmp23:
0x259: {  	_ = 	snop;
	(pc) =	sbr.rel @p1 .LBB2_38-.Ltmp23, $3  }
0x25a: {  	_ = 	snop  }
0x25b: {  	v10 =	vmul.f32 v12, v10;
	_ =	sdelay $0x1  }
0x25c: {  	v9 =	vadd.s32 $0x1, v9;
	v12 =	vadd.s32 $0x4, v11;
	[tilespmem:v13+s19+$0x0] =	vst.idx.msk $0xffff, v10  }
0x25d: {  	s22 =	sshll.u32 s22, $0x4  }
0x25e: {  	s21 =	sadd.s32 $0x1, s21;
	s22 =	sand.u32 $0x1FFFFFF0, s22  }
0x25f: {  	p1 =	sne.s32 s21, $0x28;
	s22 =	sadd.s32 s15, s22  }
0x260: {  	[hbm4b:s22+s2] =	stream.linear.scatter [tilespmem:s19], [sflag:$0x1], $0x800, $0x38;
	[tilespmem:$0x1DD30] =	vst v63  }
.Ltmp24:
0x261: {  	_ = 	snop;
	(pc) =	sbr.rel @p1 .LBB2_37-.Ltmp24, $4  }
.Ltmp25:
0x262: {  	_ = 	snop;
	(pc) =	sbr.rel @!p1 .LBB2_42-.Ltmp25, $4  }
0x263: {  	_ =	swait.ge [sflag:s29], $0x800  }
0x264: {  	[sflag:s29] =	ssyncset.done $0x0  }
0x265: {  	[sflag:s29] =	ssyncadd.s32 $0xFFFFF800  }
0x266: {  	_ = 	snop  }
.LBB2_43:
0x267: {  	_ =	sfence.sel $0x180000  }
0x268: {  	[bflag:$0x0] =	sbarrier.arrive $0xFFFF  }
0x269: {  	_ =	strace $0x90000047  }
0x26a: {  	s0 =	stileid.u32;
	[bflag:$0x2] =	sbarrier.arrive $0xFFFF  }
0x26b: {  	p0 =	sne.s32 s0, $0x0;
	s0 =	rddreg [dreg:$0x2]  }
0x26c: {  	s0 =	sadd.s32 @!p0 $0x100000, s0  }
0x26d: {  	[sflag:s0] =	ssyncadd.tile.s32 @!p0 $0x1;
	_ =	shalt  }
.Lfunc_end2:
_tile_overlayer_lowered:
.L_overlay_start_2:
0x26e: {  	(tag) =	ssettag $0x2  }
0x26f: {  	s0 =	rddreg [dreg:$0x0];
	s2 =	stileid.u32  }
0x270: {  	s1 =	rddreg [dreg:$0x1];
	p0 =	sne.s32 s2, $0x0  }
0x271: {  	s3 =	rddreg [dreg:$0x2];
	[bflag:$0x3] =	sbarrier.arrive $0xFFFF;
	s2 =	simm.s32 @!p0 $0x1C01  }
0x272: {  	[timem:s3], [sflag:s2] =	dma.local @!p0 [hbm:s0], s1  }
0x273: {  	s0 =	simm.s32 @!p0 $0x1  }
0x274: {  	_ =	swait.ge @!p0 [sflag:s0], s1  }
0x275: {  	s1 =	ssub.s32 @!p0 $0x0, s1;
	[sflag:s0] =	ssyncset.done @!p0 $0x0  }
0x276: {  	[sflag:s0] =	ssyncadd.s32 @!p0 s1  }
0x277: {  	[bflag:$0x3] =	sbarrier.arrive $0xFFFF  }
0x278: {  	_ =	shalt  }

// kernel: kernel.14.cloned.1.call-start
scs
__scs_entry_jumppad:
0x0: {  	(pc) =	sbr.rel $0x88, $3  }
0x1: {  	(tag) =	ssettag $0x0;
	lr =	simm.s32 $0x1  }
0x2: {  	[smem:$0x3F64] =	sst lr;
	_ =	strace $0xD0000000  }
0x3: {  	_ = 	snop  }
0x4: {  	_ = 	snop  }
0x5: {  	_ = 	snop  }
0x6: {  	_ = 	snop  }
0x7: {  	_ = 	snop  }
__scs_overlays_trampoline_lowered:
0x8: {  	[smem:$0x3F73] =	sst s0  }
0x9: {  	[smem:$0x3F74] =	sst s1  }
0xa: {  	[smem:$0x3F75] =	sst s2  }
0xb: {  	[smem:$0x3F76] =	sst s3  }
0xc: {  	[smem:$0x3F77] =	sst s4  }
0xd: {  	[smem:$0x3F78] =	sst s5  }
0xe: {  	[smem:$0x3F79] =	sst s6  }
0xf: {  	[smem:$0x3F7A] =	sst s7  }
0x10: {  	[smem:$0x3F7B] =	sst s8  }
0x11: {  	[smem:$0x3F7C] =	sst s9;
	s0 =	simm.s32 @!p0 $0x0  }
0x12: {  	s1 =	sld [smem:$0x3F62];
	s0 =	simm.s32 @p0 $0x1  }
0x13: {  	[smem:$0x3F7D] =	sst s0;
	s0 =	simm.s32 @!p1 $0x0  }
0x14: {  	s2 =	sld [smem:$0x3F61];
	s0 =	simm.s32 @p1 $0x1  }
0x15: {  	[smem:$0x3F7E] =	sst s0;
	s0 =	simm.s32 @!p2 $0x0  }
0x16: {  	s3 =	sld [smem:$0x3FDB];
	s0 =	simm.s32 @p2 $0x1  }
0x17: {  	s4 =	simm.s32 $0x1BF5;
	[smem:$0x3F80] =	sst s0  }
0x18: {  	s0 =	sld [smem:$0x3F63];
	_ =	swait.ge [sflag:s4], $0x0  }
0x19: {  	s7 =	sld [smem:$0x3F64]  }
0x1a: {  	s8 =	sadd.s32 $0xFFFFE003, lr  }
0x1b: {  	s9 =	sadd.s32 $0xFFFFFEF7, lr;
	s5 =	simm.s32 $0xFFFFFFFF;
	p2 =	slt.u32 s8, $0xFFFFF086  }
0x1c: {  	p1 =	slt.u32 s9, $0xF7A;
	s5 =	simm.s32 @!p2 $0x0  }
0x1d: {  	s5 =	simm.s32 @p1 $0x1;
	p0 =	seq.s32 s7, s2  }
0x1e: {  	s7 =	smul.u32 @!p0 $0xF7A, s2;
	p2 =	seq.s32 @!p0 s5, $0x0  }
0x1f: {  	s9 =	smul.u32 $0xF7A, s1;
	s8 =	simm.s32 @!p0 $0x1BF5;
	p2 =	por !p2, p0  }
0x20: {  	[sflag:s8] =	ssyncset.s32 @!p0 $0xFFFFF086;
	s6 =	sadd.s32 @!p0 s3, s7;
	s7 =	simm.s32 @!p0 $0x108  }
0x21: {  	s3 =	sadd.s32 s3, s9;
	s6 =	sadd.s32 @!p0 $0x88, s6;
	s7 =	simm.s32 @p2 $0x1082  }
0x22: {  	[simem:s7], [sflag:s8] =	dma.local @!p0 [hbm:s6], $0xF7A  }
0x23: {  	s9 =	sor.u32 $0xD0000000, s2;
	s6 =	simm.s32 $0x108;
	_ =	swait.ge @!p0 [sflag:s8], $0x0  }
0x24: {  	s3 =	sadd.s32 $0x88, s3;
	s6 =	simm.s32 @!p1 $0x1082;
	[sflag:s4] =	ssyncset.s32 $0xFFFFF086  }
0x25: {  	[simem:s6], [sflag:s4] =	dma.local [hbm:s3], $0xF7A  }
0x26: {  	[smem:$0x3F64] =	sst s1;
	(tag) =	ssettag s2;
	_ =	strace s9  }
0x27: {  	s1 =	sld [smem:$0x3F74]  }
0x28: {  	s2 =	sld [smem:$0x3F75]  }
0x29: {  	s4 =	sld [smem:$0x3F77]  }
0x2a: {  	p0 =	seq.s32 s5, $0x0;
	s5 =	sld [smem:$0x3F78]  }
0x2b: {  	s6 =	sld [smem:$0x3F79]  }
0x2c: {  	s7 =	sld [smem:$0x3F7A]  }
0x2d: {  	s3 =	simm.s32 $0x108;
	s8 =	sld [smem:$0x3F7B]  }
0x2e: {  	s3 =	simm.s32 @!p0 $0x1082;
	s9 =	sld [smem:$0x3F7C]  }
0x2f: {  	lr =	sadd.s32 s0, s3;
	s0 =	sld [smem:$0x3F73]  }
0x30: {  	s3 =	sld [smem:$0x3F76]  }
0x31: {  	[smem:$0x3F7F] =	sst s10  }
0x32: {  	s10 =	sld [smem:$0x3F7D];
	_ =	sdelay $0x3  }
0x33: {  	p0 =	seq.s32 s10, $0x1;
	s10 =	sld [smem:$0x3F7F];
	_ =	sdelay $0x3  }
0x34: {  	[smem:$0x3F7F] =	sst s10  }
0x35: {  	s10 =	sld [smem:$0x3F7E];
	_ =	sdelay $0x3  }
0x36: {  	p1 =	seq.s32 s10, $0x1;
	s10 =	sld [smem:$0x3F7F];
	_ =	sdelay $0x3  }
0x37: {  	[smem:$0x3F7F] =	sst s10  }
0x38: {  	s10 =	sld [smem:$0x3F80]  }
0x39: {  	_ = 	snop;
	(pc) =	sbr.ind lr, $3  }
0x3a: {  	_ = 	snop  }
0x3b: {  	_ = 	snop  }
0x3c: {  	p2 =	seq.s32 s10, $0x1;
	s10 =	sld [smem:$0x3F7F]  }
0x3d: {  	_ =	shalt  }
0x3e: {  	_ =	shalt  }
0x3f: {  	_ =	shalt  }
0x40: {  	_ =	shalt  }
0x41: {  	_ =	shalt  }
0x42: {  	_ =	shalt  }
0x43: {  	_ =	shalt  }
0x44: {  	_ =	shalt  }
0x45: {  	_ =	shalt  }
0x46: {  	_ =	shalt  }
0x47: {  	_ =	shalt  }
0x48: {  	_ =	shalt  }
0x49: {  	_ =	shalt  }
0x4a: {  	_ =	shalt  }
0x4b: {  	_ =	shalt  }
0x4c: {  	_ =	shalt  }
0x4d: {  	_ =	shalt  }
0x4e: {  	_ =	shalt  }
0x4f: {  	_ =	shalt  }
0x50: {  	_ =	shalt  }
0x51: {  	_ =	shalt  }
0x52: {  	_ =	shalt  }
0x53: {  	_ =	shalt  }
0x54: {  	_ =	shalt  }
0x55: {  	_ =	shalt  }
0x56: {  	_ =	shalt  }
0x57: {  	_ =	shalt  }
0x58: {  	_ =	shalt  }
0x59: {  	_ =	shalt  }
0x5a: {  	_ =	shalt  }
0x5b: {  	_ =	shalt  }
0x5c: {  	_ =	shalt  }
0x5d: {  	_ =	shalt  }
0x5e: {  	_ =	shalt  }
0x5f: {  	_ =	shalt  }
0x60: {  	_ =	shalt  }
0x61: {  	_ =	shalt  }
0x62: {  	_ =	shalt  }
0x63: {  	_ =	shalt  }
0x64: {  	_ =	shalt  }
0x65: {  	_ =	shalt  }
0x66: {  	_ =	shalt  }
0x67: {  	_ =	shalt  }
0x68: {  	_ =	shalt  }
0x69: {  	_ =	shalt  }
0x6a: {  	_ =	shalt  }
0x6b: {  	_ =	shalt  }
0x6c: {  	_ =	shalt  }
0x6d: {  	_ =	shalt  }
0x6e: {  	_ =	shalt  }
0x6f: {  	_ =	shalt  }
0x70: {  	_ =	shalt  }
0x71: {  	_ =	shalt  }
0x72: {  	_ =	shalt  }
0x73: {  	_ =	shalt  }
0x74: {  	_ =	shalt  }
0x75: {  	_ =	shalt  }
0x76: {  	_ =	shalt  }
0x77: {  	_ =	shalt  }
0x78: {  	_ =	shalt  }
0x79: {  	_ =	shalt  }
0x7a: {  	_ =	shalt  }
0x7b: {  	_ =	shalt  }
0x7c: {  	_ =	shalt  }
0x7d: {  	_ =	shalt  }
0x7e: {  	_ =	shalt  }
0x7f: {  	_ =	shalt  }
0x80: {  	_ =	shalt  }
0x81: {  	_ =	shalt  }
0x82: {  	_ =	shalt  }
0x83: {  	_ =	shalt  }
0x84: {  	_ =	shalt  }
0x85: {  	_ =	shalt  }
0x86: {  	_ =	shalt  }
0x87: {  	_ =	shalt  }
.Lfunc_end0:
.L_simem_size_0:
called_computation.1_lowered:
.L_overlay_start_0:
0x88: {  	s2 =	sld [smem:$0x3FD9]  }
0x89: {  	s3 =	sld [smem:$0x3FFE];
	_ =	sdelay $0x1  }
0x8a: {  	s1 =	srdreg.scid  }
0x8b: {  	s0 =	sand.u32 $0x1, s1  }
0x8c: {  	s16 =	sshll.u32 s0, $0xA;
	s2 =	sadd.s32 s3, s2  }
0x8d: {  	s2 =	sadd.s32 s2, s16  }
0x8e: {  	[smem:$0x3F8B] =	sst s2  }
0x8f: {  	_ = 	snop  }
0x90: {  	(tm) =	ssettm $0x1  }
0x91: {  	s17 =	sld [smem:$0x3FFB];
	_ =	sdelay $0x3  }
0x92: {  	_ =	strace s17  }
0x93: {  	s2 =	sld [smem:$0x3FFC];
	_ =	sdelay $0x3  }
0x94: {  	_ =	strace s2  }
0x95: {  	s2 =	sld [smem:$0x3FFD];
	_ =	sdelay $0x3  }
0x96: {  	_ =	strace s2  }
0x97: {  	_ =	strace $0x8FFFFFFF  }
0x98: {  	s18 =	sld [smem:$0x3FDB];
	_ =	sdelay $0x1  }
0x99: {  	s19 =	simm.s32 $_scs_section_size  }
0x9a: {  	s4 =	simm.s32 $_size__tile_overlayer_lowered;
	s5 =	simm.s32 $_tile_overlayer_lowered  }
0x9b: {  	s22 =	simm.s32 $0x1BFF;
	s21 =	sshll.u32 s5, $0x1;
	s2 =	sadd.s32 s19, s18  }
0x9c: {  	s6 =	simm.s32 $0x0;
	s20 =	sshll.u32 s4, $0x1;
	s4 =	sadd.s32 s21, s2  }
0x9d: {  	[timem:s6], [sflag:s22] =	dma.local [hbm:s4], s20  }
0x9e: {  	_ =	swait.ge [sflag:s22], s20  }
0x9f: {  	s3 =	ssub.s32 $0x0, s20;
	[sflag:s22] =	ssyncset.done $0x0  }
0xa0: {  	[sflag:s22] =	ssyncadd.s32 s3;
	_ =	sdelay $0x1  }
0xa1: {  	s23 =	simm.s32 $0x1B8B  }
0xa2: {  	_ =	swait.ge [sflag:s23], $0x1  }
0xa3: {  	[sflag:s23] =	ssyncset.done $0x0  }
0xa4: {  	s25 =	simm.s32 $0x1B8E;
	s24 =	sld [smem:$0x3FFE];
	[sflag:s23] =	ssyncadd.s32 $0xFFFFFFFF  }
0xa5: {  	s26 =	simm.s32 $execute0_lowered;
	[smem:$0x3FD2] =	sst s25  }
0xa6: {  	s4 =	sshll.u32 s26, $0x1;
	_ =	strace $0x80000049;
	[dreg:$0x1] =	wrdreg $0xFFFFFFFF  }
0xa7: {  	s28 =	simm.s32 $_size_execute0_lowered;
	s2 =	sadd.s32 s2, s4;
	[dreg:$0x0] =	wrdreg $0x0  }
0xa8: {  	s4 =	sshll.u32 s28, $0x1;
	[dreg:$0x2] =	wrdreg s2  }
0xa9: {  	[dreg:$0x3] =	wrdreg s4  }
0xaa: {  	[dreg:$0x4] =	wrdreg $0xC0  }
0xab: {  	_ =	task [dreg:s6], $0x5FFFF  }
0xac: {  	[dreg:$0x1] =	wrdreg $0xFFFFFFFF  }
0xad: {  	[dreg:$0x0] =	wrdreg $0x60  }
0xae: {  	[dreg:$0x2] =	wrdreg s24  }
0xaf: {  	[dreg:$0x3] =	wrdreg $0x0  }
0xb0: {  	[dreg:$0x4] =	wrdreg $0x9  }
0xb1: {  	_ =	task.clear_ibuf [dreg:s6], $0x5FFFF;
	_ =	strace $0x90000049  }
0xb2: {  	s29 =	simm.s32 $0x9;
	_ =	strace $0x8000004B  }
0xb3: {  	_ =	swait.ge [sflag:s29], $0x1  }
0xb4: {  	[sflag:s29] =	ssyncadd.s32 $0xFFFFFFFF  }
0xb5: {  	_ =	strace $0x9000004B  }
0xb6: {  	_ =	sfence  }
0xb7: {  	s30 =	sld [smem:$0x0];
	_ =	sdelay $0x2  }
0xb8: {  	s31 =	sshll.u32 s1, $0xD;
	s1 =	sshrl.u32 s1, $0x2  }
0xb9: {  	s3 =	sand.u32 $0x4000, s31;
	s1 =	sadd.s32 s1, s30  }
0xba: {  	s0 =	sor.u32 s3, s0;
	s1 =	sshll.u32 s1, $0x11  }
0xbb: {  	s0 =	sor.u32 s1, s0  }
0xbc: {  	s0 =	sadd.s32 $0x8F2B, s0  }
0xbd: {  	[sflag:s0] =	ssyncadd.remote.s32 $0x1  }
0xbe: {  	_ =	sfence.sel $0xFFFF  }
0xbf: {  	[dreg:$0x0] =	wrdreg $0xFFFFFFFF;
	(pc) =	sbr.abs _section_cstart, $3  }
0xc0: {  	[dreg:$0x1] =	wrdreg $0xFFFFFFFF  }
0xc1: {  	_ =	task.clear_ibuf [dreg:s6], $0x2FFFF;
	_ =	strace $0x9FFFFFFF  }
0xc2: {  	(tm) =	ssettm $0x7FFFFFFF  }
0xc3: {  	_ =	shalt  }
tec
execute0_lowered:
.L_overlay_start_1:
0x0: {  	(tag) =	ssettag $0x1  }
0x1: {  	s0 =	rddreg [dreg:$0x0]  }
0x2: {  	s1 =	rddreg [dreg:$0x1]  }
0x3: {  	s2 =	simm.s32 $0x0;
	s8 =	srdreg.scid;
	s19 =	stileid.u32  }
0x4: {  	s28 =	simm.s32 $0x1B030;
	s29 =	simm.s32 $0x1;
	s30 =	simm.s32 $0x15F90  }
0x5: {  	s31 =	simm.s32 $0x15FE0;
	[smem:$0x7FF] =	sst s2;
	s3 =	sadd.s32 $0x7F600, s0  }
0x6: {  	s4 =	sadd.s32 $0xA6800, s0;
	s5 =	sadd.s32 $0x58400, s0;
	s6 =	sadd.s32 $0x27400, s0  }
0x7: {  	s7 =	sadd.s32 $0x1D600, s0;
	s9 =	sadd.s32 $0x16A200, s0;
	s10 =	sadd.s32 $0x31200, s0  }
0x8: {  	s11 =	sadd.s32 $0xCDA00, s0;
	s12 =	sadd.s32 $0x13800, s0;
	s8 =	sand.u32 $0x1, s8  }
0x9: {  	s16 =	smul.u32 $0x57E40, s19;
	s13 =	sadd.s32 $0x9A00, s0;
	s17 =	ssub.s32 $0x2, s8  }
0xa: {  	s14 =	sadd.s32 $0xF4C00, s0;
	s15 =	sadd.s32 $0x11BE00, s0;
	s20 =	sshrl.u32 s17, $0x1  }
0xb: {  	_ =	strace $0x8000004A;
	s18 =	sshrl.u32 s16, $0x2;
	s0 =	ssub.s32 s17, s20  }
0xc: {  	p0 =	sne.s32 s8, $0x0;
	s17 =	sadd.s32 s18, s1;
	s0 =	smax.u32 s0, $0x1  }
0xd: {  	s8 =	simm.s32 $0x16030;
	s21 =	sadd.s32 $0x2D00, s17;
	[dreg:$0x3] =	wrdreg s0  }
0xe: {  	s16 =	smul.u32 $0x271, s19;
	s22 =	sadd.s32 $0x5A00, s17;
	[dreg:$0x4] =	wrdreg s21  }
.Ltmp0:
0xf: {  	v1 =	vlaneseq.u32;
	s23 =	sadd.s32 $0x8700, s17;
	[dreg:$0x5] =	wrdreg s22;
	(pc) =	sbr.rel .LBB2_1-.Ltmp0, $4  }
0x10: {  	v0 =	vmul.u32 $0x90, v1;
	v1 =	vmul.u32 $0x80, v1;
	s18 =	smul.u32 $0x4E20, s19;
	s24 =	sadd.s32 $0xB400, s17;
	[dreg:$0x6] =	wrdreg s23  }
0x11: {  	v2 =	vimm.f32 $0.0e+00;
	s19 =	simm.s32 $0x18830;
	s25 =	sadd.s32 $0xE100, s17;
	[dreg:$0x7] =	wrdreg s24  }
0x12: {  	v3 =	vor.u32 $0x1, v0;
	v4 =	vor.u32 $0x1, v1;
	v5 =	vor.u32 $0x2, v0;
	s20 =	simm.s32 $0x0;
	s26 =	sadd.s32 $0x10E00, s17;
	[dreg:$0x8] =	wrdreg s25  }
0x13: {  	v6 =	vor.u32 $0x2, v1;
	v7 =	vor.u32 $0x3, v0;
	v8 =	vor.u32 $0x3, v1;
	[dreg:$0x9] =	wrdreg s26;
	s26 =	sadd.s32 $0x13290, s17;
	s0 =	simm.s32 $0x50  }
.LBB2_42:
0x14: {  	s20 =	sadd.s32 $0x1, s20;
	s21 =	rddreg [dreg:$0x3]  }
0x15: {  	p1 =	sne.s32 s20, s21  }
.Ltmp1:
0x16: {  	_ = 	snop;
	(pc) =	sbr.rel @!p1 .LBB2_43-.Ltmp1, $1  }
0x17: {  	_ =	sdelay $0x3  }
.LBB2_1:
0x18: {  	s21 =	simm.s32 $0x0;
	s22 =	simm.s32 $0x240  }
.LBB2_2:
0x19: {  	p1 =	sne.s32 s22, $0xB1C0;
	[tilespmem:s21+$0x1B0B0] =	vst v2  }
0x1a: {  	[tilespmem:s21+$0x1B030] =	vst v2  }
0x1b: {  	[tilespmem:s21+$0x1B040] =	vst v2  }
0x1c: {  	[tilespmem:s21+$0x1B050] =	vst v2  }
.Ltmp2:
0x1d: {  	[tilespmem:s21+$0x1B060] =	vst v2;
	(pc) =	sbr.rel @p1 .LBB2_2-.Ltmp2, $4  }
0x1e: {  	[tilespmem:s21+$0x1B070] =	vst v2  }
0x1f: {  	[tilespmem:s21+$0x1B080] =	vst v2  }
0x20: {  	[tilespmem:s21+$0x1B090] =	vst v2  }
0x21: {  	[tilespmem:s21+$0x1B0A0] =	vst v2;
	s21 =	sshra.s32 s22, $0x2;
	s22 =	sadd.s32 $0x240, s22  }
0x22: {  	[tilespmem:s21+$0x1B0B0] =	vst v2  }
0x23: {  	[tilespmem:s21+$0x1B030] =	vst v2  }
0x24: {  	[tilespmem:s21+$0x1B040] =	vst v2  }
0x25: {  	[tilespmem:s21+$0x1B050] =	vst v2  }
0x26: {  	[tilespmem:s21+$0x1B060] =	vst v2  }
0x27: {  	[tilespmem:s21+$0x1B070] =	vst v2  }
0x28: {  	[tilespmem:s21+$0x1B080] =	vst v2  }
0x29: {  	[tilespmem:s21+$0x1B090] =	vst v2  }
0x2a: {  	[tilespmem:s21+$0x1B0A0] =	vst v2  }
0x2b: {  	[spmem:s17] =	stream.linear.scatter [tilespmem:s28], [sflag:$0x1], $0x2D00, $0x38;
	[tilespmem:$0x1DD30] =	vst v63  }
0x2c: {  	_ =	swait.ge [sflag:s29], $0x2D00  }
0x2d: {  	[sflag:s29] =	ssyncset.done $0x0  }
0x2e: {  	s24 =	rddreg [dreg:$0x4];
	[sflag:s29] =	ssyncadd.s32 $0xFFFFD300  }
0x2f: {  	[spmem:s24] =	stream.linear.scatter [tilespmem:s28], [sflag:$0x1], $0x2D00, $0x38;
	[tilespmem:$0x1DD30] =	vst v63  }
0x30: {  	_ =	swait.ge [sflag:s29], $0x2D00  }
0x31: {  	[sflag:s29] =	ssyncset.done $0x0  }
0x32: {  	s25 =	rddreg [dreg:$0x5];
	[sflag:s29] =	ssyncadd.s32 $0xFFFFD300  }
0x33: {  	[spmem:s25] =	stream.linear.scatter [tilespmem:s28], [sflag:$0x1], $0x2D00, $0x38;
	[tilespmem:$0x1DD30] =	vst v63  }
0x34: {  	_ =	swait.ge [sflag:s29], $0x2D00  }
0x35: {  	[sflag:s29] =	ssyncset.done $0x0  }
0x36: {  	s22 =	rddreg [dreg:$0x6];
	[sflag:s29] =	ssyncadd.s32 $0xFFFFD300  }
0x37: {  	[spmem:s22] =	stream.linear.scatter [tilespmem:s28], [sflag:$0x1], $0x2D00, $0x38;
	[tilespmem:$0x1DD30] =	vst v63  }
0x38: {  	_ =	swait.ge [sflag:s29], $0x2D00  }
0x39: {  	[sflag:s29] =	ssyncset.done $0x0  }
0x3a: {  	s23 =	rddreg [dreg:$0x7];
	[sflag:s29] =	ssyncadd.s32 $0xFFFFD300  }
0x3b: {  	[spmem:s23] =	stream.linear.scatter [tilespmem:s28], [sflag:$0x1], $0x2D00, $0x38;
	[tilespmem:$0x1DD30] =	vst v63  }
0x3c: {  	_ =	swait.ge [sflag:s29], $0x2D00  }
0x3d: {  	[sflag:s29] =	ssyncset.done $0x0  }
0x3e: {  	s24 =	rddreg [dreg:$0x8];
	[sflag:s29] =	ssyncadd.s32 $0xFFFFD300  }
0x3f: {  	[spmem:s24] =	stream.linear.scatter [tilespmem:s28], [sflag:$0x1], $0x2D00, $0x38;
	[tilespmem:$0x1DD30] =	vst v63  }
0x40: {  	_ =	swait.ge [sflag:s29], $0x2D00  }
0x41: {  	[sflag:s29] =	ssyncset.done $0x0  }
0x42: {  	s25 =	rddreg [dreg:$0x9];
	[sflag:s29] =	ssyncadd.s32 $0xFFFFD300  }
0x43: {  	[spmem:s25] =	stream.linear.scatter [tilespmem:s28], [sflag:$0x1], $0x2D00, $0x38;
	[tilespmem:$0x1DD30] =	vst v63  }
0x44: {  	_ =	swait.ge [sflag:s29], $0x2D00  }
0x45: {  	[sflag:s29] =	ssyncset.done $0x0  }
0x46: {  	[sflag:s29] =	ssyncadd.s32 $0xFFFFD300  }
0x47: {  	[spmem:s26] =	stream.linear.scatter [tilespmem:s28], [sflag:$0x1], $0x2D00, $0x38;
	[tilespmem:$0x1DD30] =	vst v63  }
.Ltmp3:
0x48: {  	_ =	swait.ge [sflag:s29], $0x2D00;
	(pc) =	sbr.rel @p0 .LBB2_23-.Ltmp3, $4  }
0x49: {  	[sflag:s29] =	ssyncset.done $0x0  }
0x4a: {  	[sflag:s29] =	ssyncadd.s32 $0xFFFFD300  }
0x4b: {  	[bflag:$0x0] =	sbarrier.arrive $0xFFFF  }
0x4c: {  	s21 =	simm.s32 $0x0;
	s22 =	simm.s32 $0x0;
	s23 =	simm.s32 $0x0  }
.LBB2_4:
0x4d: {  	s23 =	smul.u32 $0x50, s22;
	_ =	sdelay $0x1  }
0x4e: {  	s23 =	sadd.s32 s18, s23  }
0x4f: {  	s23 =	sshrl.u32 s23, $0x3  }
0x50: {  	s24 =	sadd.s32 s6, s23  }
0x51: {  	[tilespmem:s30], [sflag:$0x1] =	stream.linear.gather [hbm4b:s24+s21], $0x50, $0x38;
	[tilespmem:$0x1DD30] =	vst v63  }
0x52: {  	_ =	swait.ge [sflag:s29], $0x50  }
0x53: {  	[sflag:s29] =	ssyncset.done $0x0  }
0x54: {  	s23 =	sadd.s32 s7, s23;
	[sflag:s29] =	ssyncadd.s32 $0xFFFFFFB0  }
0x55: {  	[tilespmem:s31], [sflag:$0x1] =	stream.linear.gather [hbm4b:s23+s21], $0x50, $0x38;
	[tilespmem:$0x1DD30] =	vst v63  }
0x56: {  	_ =	swait.ge [sflag:s29], $0x50  }
0x57: {  	[sflag:s29] =	ssyncset.done $0x0  }
0x58: {  	[sflag:s29] =	ssyncadd.s32 $0xFFFFFFB0  }
0x59: {  	[tilespmem:s8], [sflag:$0x1] =	stream.indirect.gather [hbm4b:s3+s0], $0x80, s30, s0, $0xb8;
	[tilespmem:$0x1DD30] =	vst v63  }
0x5a: {  	_ =	swait.ge [sflag:s29], $0x2800  }
0x5b: {  	[sflag:s29] =	ssyncset.done $0x0  }
0x5c: {  	[sflag:s29] =	ssyncadd.s32 $0xFFFFD800  }
0x5d: {  	[tilespmem:s19], [sflag:$0x1] =	stream.indirect.gather [hbm4b:s5+s0], $0x80, s31, s0, $0xb8;
	[tilespmem:$0x1DD30] =	vst v63  }
0x5e: {  	_ =	swait.ge [sflag:s29], $0x2800  }
0x5f: {  	[sflag:s29] =	ssyncset.done $0x0  }
0x60: {  	v9 =	vlaneseq.u32;
	s23 =	simm.s32 $0x0;
	[sflag:s29] =	ssyncadd.s32 $0xFFFFD800  }
.LBB2_5:
0x61: {  	v10 =	vshll.u32 v9, $0x7  }
0x62: {  	v11 =	vmul.u32 $0x90, v9;
	s24 =	simm.s32 $0x0;
	v13 =	vimm.s32 $0x0;
	v12 =	vimm.s32 $0x80  }
.LBB2_6:
0x63: {  	v14 =	vand.u32 $0xFFFFFFF8, v13  }
0x64: {  	v15 =	vand.u32 $0x7, v13;
	v16 =	vadd.s32 $0x1, v13;
	v14 =	vadd.s32 v10, v14  }
0x65: {  	v14 =	vor.u32 v15, v14;
	v15 =	vand.u32 $0xFFFFFFF8, v16  }
0x66: {  	v17 =	vadd.s32 $0x2, v13;
	v16 =	vand.u32 $0x7, v16;
	v15 =	vadd.s32 v10, v15  }
0x67: {  	v15 =	vor.u32 v16, v15;
	v16 =	vand.u32 $0xFFFFFFF8, v17  }
0x68: {  	v18 =	vadd.s32 $0x3, v13;
	v17 =	vand.u32 $0x7, v17;
	v16 =	vadd.s32 v10, v16  }
0x69: {  	v16 =	vor.u32 v17, v16;
	v17 =	vand.u32 $0xFFFFFFF8, v18  }
0x6a: {  	v18 =	vand.u32 $0x7, v18;
	v19 =	vld.idx.msk [tilespmem:v14+s19+$0x0], $0xffff;
	v17 =	vadd.s32 v10, v17  }
0x6b: {  	v13 =	vadd.s32 $0x4, v13;
	v14 =	vld.idx.msk [tilespmem:v14+s8+$0x0], $0xffff;
	v17 =	vor.u32 v18, v17  }
0x6c: {  	v21 =	vimm.f32 $0.0e+00;
	v20 =	vand.u32 $0xFFFFFFF8, v13;
	v18 =	vld.idx.msk [tilespmem:v15+s19+$0x0], $0xffff  }
0x6d: {  	v23 =	vadd.s32 $0x1, v13;
	v20 =	vadd.s32 v10, v20;
	v22 =	vld.idx.msk [tilespmem:v15+s8+$0x0], $0xffff;
	v15 =	vand.u32 $0x7, v13  }
0x6e: {  	v24 =	vadd.s32 $0x3, v13;
	v26 =	vor.u32 v15, v20;
	v15 =	vand.u32 $0xFFFFFFF8, v23;
	v25 =	vld.idx.msk [tilespmem:v16+s19+$0x0], $0xffff  }
0x6f: {  	v20 =	vadd.s32 $0x2, v13;
	v27 =	vld.idx.msk [tilespmem:v16+s8+$0x0], $0xffff;
	v16 =	vand.u32 $0x7, v23;
	v15 =	vadd.s32 v10, v15  }
0x70: {  	v23 =	vand.u32 $0xFFFFFFF8, v20;
	v16 =	vor.u32 v16, v15;
	v14 =	vmul.f32 v14, v19;
	v15 =	vld.idx.msk [tilespmem:v17+s19+$0x0], $0xffff  }
0x71: {  	v28 =	vand.u32 $0xFFFFFFF8, v24;
	v19 =	vand.u32 $0x7, v20;
	v23 =	vadd.s32 v10, v23;
	v20 =	vld.idx.msk [tilespmem:v17+s8+$0x0], $0xffff  }
0x72: {  	v17 =	vor.u32 v19, v23;
	v21 =	vadd.f32 v14, v21;
	v22 =	vmul.f32 v22, v18  }
0x73: {  	v13 =	vadd.s32 $0x4, v13;
	v23 =	vadd.s32 v10, v28;
	v18 =	vand.u32 $0x7, v24;
	v14 =	vld.idx.msk [tilespmem:v26+s19+$0x0], $0xffff  }
0x74: {  	s25 =	simm.s32 $0x4;
	v19 =	vld.idx.msk [tilespmem:v26+s8+$0x0], $0xffff;
	v18 =	vor.u32 v18, v23;
	v21 =	vadd.f32 v22, v21;
	v22 =	vmul.f32 v27, v25  }
.LBB2_7:
0x75: {  	v23 =	vadd.s32 $0x3, v13;
	v24 =	vld.idx.msk [tilespmem:v16+s19+$0x0], $0xffff  }
0x76: {  	v25 =	vand.u32 $0xFFFFFFF8, v13;
	v15 =	vmul.f32 v20, v15;
	v26 =	vld.idx.msk [tilespmem:v16+s8+$0x0], $0xffff;
	v16 =	vadd.f32 v22, v21  }
0x77: {  	v20 =	vand.u32 $0x7, v13;
	s25 =	sadd.s32 $0x4, s25;
	v21 =	vadd.s32 v10, v25;
	v22 =	vadd.s32 $0x1, v13;
	v25 =	vld.idx.msk [tilespmem:v17+s19+$0x0], $0xffff  }
0x78: {  	p1 =	slt.u32 s25, $0x1C;
	v21 =	vor.u32 v20, v21;
	v20 =	vand.u32 $0xFFFFFFF8, v22;
	v27 =	vld.idx.msk [tilespmem:v17+s8+$0x0], $0xffff;
	v28 =	vadd.f32 v15, v16  }
0x79: {  	v16 =	vand.u32 $0x7, v22;
	v17 =	vadd.s32 v10, v20;
	v22 =	vadd.s32 $0x2, v13;
	v15 =	vld.idx.msk [tilespmem:v18+s19+$0x0], $0xffff  }
.Ltmp4:
0x7a: {  	v16 =	vor.u32 v16, v17;
	v17 =	vand.u32 $0xFFFFFFF8, v22;
	v14 =	vmul.f32 v19, v14;
	v20 =	vld.idx.msk [tilespmem:v18+s8+$0x0], $0xffff;
	(pc) =	sbr.rel @p1 .LBB2_7-.Ltmp4, $4  }
0x7b: {  	v19 =	vand.u32 $0xFFFFFFF8, v23;
	v18 =	vand.u32 $0x7, v22;
	v17 =	vadd.s32 v10, v17  }
0x7c: {  	v17 =	vor.u32 v18, v17;
	v22 =	vadd.f32 v14, v28;
	v24 =	vmul.f32 v26, v24  }
0x7d: {  	v13 =	vadd.s32 $0x4, v13;
	v18 =	vand.u32 $0x7, v23;
	v23 =	vadd.s32 v10, v19;
	v14 =	vld.idx.msk [tilespmem:v21+s19+$0x0], $0xffff  }
0x7e: {  	v18 =	vor.u32 v18, v23;
	v19 =	vld.idx.msk [tilespmem:v21+s8+$0x0], $0xffff;
	v21 =	vadd.f32 v24, v22;
	v22 =	vmul.f32 v27, v25  }
0x7f: {  	_ =	sdelay $0x3  }
0x80: {  	v23 =	vld.idx.msk [tilespmem:v16+s19+$0x0], $0xffff  }
0x81: {  	v59 =	vld.idx.msk [tilespmem:v16+s8+$0x0], $0xffff  }
0x82: {  	v15 =	vmul.f32 v20, v15;
	v60 =	vld.idx.msk [tilespmem:v17+s19+$0x0], $0xffff;
	v21 =	vadd.f32 v22, v21  }
0x83: {  	v61 =	vld.idx.msk [tilespmem:v17+s8+$0x0], $0xffff  }
0x84: {  	v62 =	vld.idx.msk [tilespmem:v18+s19+$0x0], $0xffff;
	v15 =	vadd.f32 v15, v21;
	v14 =	vmul.f32 v19, v14  }
0x85: {  	v63 =	vld.idx.msk [tilespmem:v18+s8+$0x0], $0xffff  }
0x86: {  	v14 =	vadd.f32 v14, v15;
	v15 =	vmul.f32 v59, v23;
	_ =	sdelay $0x1  }
0x87: {  	v14 =	vadd.f32 v15, v14;
	v15 =	vmul.f32 v61, v60;
	_ =	sdelay $0x1  }
0x88: {  	v14 =	vadd.f32 v15, v14;
	v15 =	vmul.f32 v63, v62;
	_ =	sdelay $0x1  }
0x89: {  	v14 =	vadd.f32 v15, v14;
	_ =	sdelay $0x1  }
0x8a: {  	v14 =	vmul.f32 $1.442695020e+00, v14;
	_ =	sdelay $0x1  }
0x8b: {  	(erf) = vpow2.f32 v14;
	_ =	sdelay $0x2  }
0x8c: {  	v14 =	vand.u32 $0xFFFFFFF8, v12  }
0x8d: {  	s24 =	sadd.s32 $0x1, s24;
	v15 =	vand.u32 $0x7, v12;
	v14 =	vadd.s32 v11, v14  }
0x8e: {  	p1 =	sne.s32 s24, $0x4;
	v14 =	vor.u32 v15, v14  }
.Ltmp5:
0x8f: {  	_ = 	snop;
	(pc) =	sbr.rel @p1 .LBB2_6-.Ltmp5, $3  }
0x90: {  	_ =	sdelay $0x1  }
0x91: {  	v15 =	vpop (erf)  }
0x92: {  	v12 =	vadd.s32 $0x1, v12;
	[tilespmem:v14+s28+$0x0] =	vst.idx.msk $0xffff, v15  }
0x93: {  	s23 =	sadd.s32 $0x1, s23  }
0x94: {  	p1 =	sne.s32 s23, $0x5  }
.Ltmp6:
0x95: {  	_ = 	snop;
	(pc) =	sbr.rel @p1 .LBB2_5-.Ltmp6, $2  }
0x96: {  	_ =	sdelay $0x2  }
0x97: {  	v9 =	vadd.s32 $0x10, v9  }
0x98: {  	[tilespmem:s8], [sflag:$0x1] =	stream.indirect.gather [hbm4b:s4+s0], $0x80, s30, s0, $0xb8;
	[tilespmem:$0x1DD30] =	vst v63  }
0x99: {  	_ =	swait.ge [sflag:s29], $0x2800  }
0x9a: {  	[sflag:s29] =	ssyncset.done $0x0  }
0x9b: {  	s23 =	simm.s32 $0x0;
	v9 =	vlaneseq.u32;
	[sflag:s29] =	ssyncadd.s32 $0xFFFFD800  }
.LBB2_11:
0x9c: {  	v10 =	vmul.u32 $0x90, v9  }
0x9d: {  	v11 =	vshll.u32 v9, $0x7;
	v14 =	vimm.s32 $0x0;
	v12 =	vimm.s32 $0x80;
	s24 =	simm.s32 $0x0  }
.LBB2_12:
0x9e: {  	v13 =	vand.u32 $0xFFFFFFF8, v12  }
0x9f: {  	v15 =	vand.u32 $0x7, v12;
	v16 =	vand.u32 $0xFFFFFFF8, v14;
	v13 =	vadd.s32 v10, v13  }
0xa0: {  	v17 =	vadd.s32 v11, v16;
	v13 =	vor.u32 v15, v13;
	v15 =	vand.u32 $0x7, v14  }
0xa1: {  	v17 =	vor.u32 v15, v17;
	_ =	sdelay $0x3  }
0xa2: {  	v13 =	vld.idx.msk [tilespmem:v13+s28+$0x0], $0xffff  }
0xa3: {  	v18 =	vadd.s32 $0x1, v14;
	v17 =	vld.idx.msk [tilespmem:v17+s8+$0x0], $0xffff  }
0xa4: {  	v16 =	vadd.s32 v10, v16;
	v19 =	vand.u32 $0xFFFFFFF8, v18  }
0xa5: {  	v15 =	vor.u32 v15, v16;
	v16 =	vand.u32 $0x7, v18;
	v18 =	vadd.s32 v11, v19  }
0xa6: {  	v18 =	vor.u32 v16, v18;
	_ =	sdelay $0x1  }
0xa7: {  	v17 =	vmul.f32 v17, v13;
	_ =	sdelay $0x1  }
0xa8: {  	[tilespmem:v15+s28+$0x0] =	vst.idx.msk $0xffff, v17  }
0xa9: {  	v17 =	vadd.s32 $0x2, v14;
	v15 =	vld.idx.msk [tilespmem:v18+s8+$0x0], $0xffff  }
0xaa: {  	v18 =	vadd.s32 v10, v19;
	v19 =	vand.u32 $0xFFFFFFF8, v17  }
0xab: {  	v17 =	vand.u32 $0x7, v17;
	v16 =	vor.u32 v16, v18;
	v18 =	vadd.s32 v11, v19  }
0xac: {  	v18 =	vor.u32 v17, v18;
	_ =	sdelay $0x1  }
0xad: {  	v15 =	vmul.f32 v15, v13;
	_ =	sdelay $0x1  }
0xae: {  	[tilespmem:v16+s28+$0x0] =	vst.idx.msk $0xffff, v15  }
0xaf: {  	v16 =	vadd.s32 $0x3, v14;
	v15 =	vld.idx.msk [tilespmem:v18+s8+$0x0], $0xffff  }
0xb0: {  	v18 =	vadd.s32 v10, v19;
	v19 =	vand.u32 $0xFFFFFFF8, v16  }
0xb1: {  	v16 =	vand.u32 $0x7, v16;
	v17 =	vor.u32 v17, v18;
	v18 =	vadd.s32 v11, v19  }
0xb2: {  	v18 =	vor.u32 v16, v18;
	_ =	sdelay $0x1  }
0xb3: {  	v15 =	vmul.f32 v15, v13;
	_ =	sdelay $0x1  }
0xb4: {  	[tilespmem:v17+s28+$0x0] =	vst.idx.msk $0xffff, v15  }
0xb5: {  	v14 =	vadd.s32 $0x4, v14;
	v20 =	vld.idx.msk [tilespmem:v18+s8+$0x0], $0xffff  }
0xb6: {  	v15 =	vadd.s32 v10, v19;
	v17 =	vand.u32 $0xFFFFFFF8, v14  }
0xb7: {  	v15 =	vor.u32 v16, v15;
	v16 =	vand.u32 $0x7, v14;
	v18 =	vadd.s32 v11, v17  }
0xb8: {  	v18 =	vor.u32 v16, v18;
	_ =	sdelay $0x1  }
0xb9: {  	s25 =	simm.s32 $0x4;
	v17 =	vadd.s32 v10, v17;
	v19 =	vmul.f32 v20, v13  }
.LBB2_13:
0xba: {  	_ = 	snop  }
0xbb: {  	s25 =	sadd.s32 $0x4, s25;
	[tilespmem:v15+s28+$0x0] =	vst.idx.msk $0xffff, v19  }
0xbc: {  	p1 =	slt.u32 s25, $0x1C;
	v15 =	vld.idx.msk [tilespmem:v18+s8+$0x0], $0xffff  }
0xbd: {  	v18 =	vadd.s32 $0x1, v14  }
0xbe: {  	v19 =	vand.u32 $0xFFFFFFF8, v18  }
0xbf: {  	v16 =	vor.u32 v16, v17;
	v17 =	vand.u32 $0x7, v18;
	v18 =	vadd.s32 v11, v19  }
0xc0: {  	v19 =	vadd.s32 v10, v19;
	v18 =	vor.u32 v17, v18  }
0xc1: {  	v17 =	vor.u32 v17, v19  }
0xc2: {  	v15 =	vmul.f32 v15, v13;
	_ =	sdelay $0x1  }
0xc3: {  	[tilespmem:v16+s28+$0x0] =	vst.idx.msk $0xffff, v15  }
0xc4: {  	v15 =	vld.idx.msk [tilespmem:v18+s8+$0x0], $0xffff  }
0xc5: {  	v16 =	vadd.s32 $0x2, v14  }
0xc6: {  	v18 =	vand.u32 $0xFFFFFFF8, v16  }
0xc7: {  	v16 =	vand.u32 $0x7, v16;
	v19 =	vadd.s32 v11, v18;
	v18 =	vadd.s32 v10, v18  }
0xc8: {  	v19 =	vor.u32 v16, v19;
	v16 =	vor.u32 v16, v18;
	_ =	sdelay $0x1  }
0xc9: {  	v15 =	vmul.f32 v15, v13;
	_ =	sdelay $0x1  }
0xca: {  	[tilespmem:v17+s28+$0x0] =	vst.idx.msk $0xffff, v15  }
0xcb: {  	v17 =	vld.idx.msk [tilespmem:v19+s8+$0x0], $0xffff  }
0xcc: {  	v15 =	vadd.s32 $0x3, v14  }
0xcd: {  	v18 =	vand.u32 $0xFFFFFFF8, v15  }
0xce: {  	v15 =	vand.u32 $0x7, v15;
	v19 =	vadd.s32 v11, v18;
	v18 =	vadd.s32 v10, v18  }
0xcf: {  	v19 =	vor.u32 v15, v19;
	v15 =	vor.u32 v15, v18;
	_ =	sdelay $0x1  }
0xd0: {  	v17 =	vmul.f32 v17, v13;
	_ =	sdelay $0x1  }
0xd1: {  	[tilespmem:v16+s28+$0x0] =	vst.idx.msk $0xffff, v17  }
0xd2: {  	v19 =	vld.idx.msk [tilespmem:v19+s8+$0x0], $0xffff  }
0xd3: {  	v14 =	vadd.s32 $0x4, v14  }
.Ltmp7:
0xd4: {  	v17 =	vand.u32 $0xFFFFFFF8, v14;
	(pc) =	sbr.rel @p1 .LBB2_13-.Ltmp7, $3  }
0xd5: {  	v16 =	vand.u32 $0x7, v14;
	v18 =	vadd.s32 v11, v17;
	v17 =	vadd.s32 v10, v17  }
0xd6: {  	v18 =	vor.u32 v16, v18;
	_ =	sdelay $0x1  }
0xd7: {  	v19 =	vmul.f32 v19, v13  }
0xd8: {  	_ =	sdelay $0x3  }
0xd9: {  	[tilespmem:v15+s28+$0x0] =	vst.idx.msk $0xffff, v19  }
0xda: {  	v51 =	vadd.s32 $0x1, v14;
	v15 =	vld.idx.msk [tilespmem:v18+s8+$0x0], $0xffff  }
0xdb: {  	v52 =	vand.u32 $0xFFFFFFF8, v51  }
0xdc: {  	v16 =	vor.u32 v16, v17;
	v53 =	vand.u32 $0x7, v51;
	v54 =	vadd.s32 v11, v52  }
0xdd: {  	v18 =	vor.u32 v53, v54;
	_ =	sdelay $0x1  }
0xde: {  	v15 =	vmul.f32 v15, v13;
	_ =	sdelay $0x1  }
0xdf: {  	[tilespmem:v16+s28+$0x0] =	vst.idx.msk $0xffff, v15  }
0xe0: {  	v55 =	vadd.s32 $0x2, v14;
	v15 =	vld.idx.msk [tilespmem:v18+s8+$0x0], $0xffff  }
0xe1: {  	v57 =	vand.u32 $0xFFFFFFF8, v55;
	v56 =	vadd.s32 v10, v52  }
0xe2: {  	v58 =	vadd.s32 v11, v57;
	v17 =	vor.u32 v53, v56;
	v16 =	vand.u32 $0x7, v55  }
0xe3: {  	v18 =	vor.u32 v16, v58;
	_ =	sdelay $0x1  }
0xe4: {  	v15 =	vmul.f32 v15, v13;
	_ =	sdelay $0x1  }
0xe5: {  	[tilespmem:v17+s28+$0x0] =	vst.idx.msk $0xffff, v15  }
0xe6: {  	v59 =	vadd.s32 $0x3, v14;
	v15 =	vld.idx.msk [tilespmem:v18+s8+$0x0], $0xffff  }
0xe7: {  	v61 =	vand.u32 $0xFFFFFFF8, v59;
	v60 =	vadd.s32 v10, v57  }
0xe8: {  	v62 =	vadd.s32 v11, v61;
	v16 =	vor.u32 v16, v60;
	v17 =	vand.u32 $0x7, v59  }
0xe9: {  	v18 =	vor.u32 v17, v62;
	_ =	sdelay $0x1  }
0xea: {  	v15 =	vmul.f32 v15, v13;
	_ =	sdelay $0x1  }
0xeb: {  	[tilespmem:v16+s28+$0x0] =	vst.idx.msk $0xffff, v15  }
0xec: {  	v15 =	vld.idx.msk [tilespmem:v18+s8+$0x0], $0xffff  }
0xed: {  	s24 =	sadd.s32 $0x1, s24;
	v63 =	vadd.s32 v10, v61  }
0xee: {  	p1 =	sne.s32 s24, $0x4;
	v16 =	vor.u32 v17, v63  }
.Ltmp8:
0xef: {  	_ = 	snop;
	(pc) =	sbr.rel @p1 .LBB2_12-.Ltmp8, $3  }
0xf0: {  	_ = 	snop  }
0xf1: {  	v13 =	vmul.f32 v15, v13;
	_ =	sdelay $0x1  }
0xf2: {  	v14 =	vadd.s32 $0x4, v14;
	v12 =	vadd.s32 $0x1, v12;
	[tilespmem:v16+s28+$0x0] =	vst.idx.msk $0xffff, v13  }
0xf3: {  	s23 =	sadd.s32 $0x1, s23  }
0xf4: {  	p1 =	sne.s32 s23, $0x5  }
.Ltmp9:
0xf5: {  	_ = 	snop;
	(pc) =	sbr.rel @p1 .LBB2_11-.Ltmp9, $2  }
0xf6: {  	_ =	sdelay $0x2  }
0xf7: {  	v9 =	vadd.s32 $0x10, v9  }
0xf8: {  	s22 =	sadd.s32 $0x1, s22  }
0xf9: {  	p1 =	seq.s32 s22, $0xFA  }
.Ltmp10:
0xfa: {  	_ = 	snop;
	(pc) =	sbr.rel @!p1 .LBB2_4-.Ltmp10, $4  }
0xfb: {  	[spmem:s1] =	stream.indirect.scatter.add.f32 [tilespmem:s28], [sflag:$0x1], $0x90, s31, s0, $0xb8;
	[tilespmem:$0x1DD30] =	vst v63  }
0xfc: {  	_ =	swait.ge [sflag:s29], $0x2D00  }
0xfd: {  	[sflag:s29] =	ssyncset.done $0x0  }
0xfe: {  	[sflag:s29] =	ssyncadd.s32 $0xFFFFD300  }
0xff: {  	[bflag:$0x0] =	sbarrier.arrive $0xFFFF;
	s21 =	simm.s32 $0x0  }
.LBB2_18:
0x100: {  	s22 =	sshll.u32 s21, $0x4;
	p1 =	seq.s32 s21, $0x27;
	s23 =	simm.s32 $0xFFFFFFF1  }
0x101: {  	s22 =	sadd.s32 s16, s22;
	s23 =	simm.s32 @!p1 $0x0  }
0x102: {  	s22 =	sadd.s32 s23, s22  }
0x103: {  	s23 =	smul.u32 $0x240, s22;
	_ =	sdelay $0x1  }
0x104: {  	s23 =	sshra.s32 s23, $0x2  }
0x105: {  	s23 =	sadd.s32 s23, s1  }
0x106: {  	[tilespmem:s28], [sflag:$0x1] =	stream.linear.gather [spmem:s23], $0x900, $0x38;
	[tilespmem:$0x1DD30] =	vst v63  }
0x107: {  	_ =	swait.ge [sflag:s29], $0x900  }
0x108: {  	[sflag:s29] =	ssyncset.done $0x0  }
0x109: {  	v12 =	vimm.s32 $0x0;
	v9 =	vimm.s32 $0x80;
	s23 =	simm.s32 $0x0;
	[sflag:s29] =	ssyncadd.s32 $0xFFFFF700  }
.LBB2_19:
0x10a: {  	v10 =	vadd.s32 v0, v9;
	_ =	sdelay $0x4  }
0x10b: {  	v10 =	vld.idx.msk [tilespmem:v10+s28+$0x0], $0xffff;
	_ =	sdelay $0x4  }
0x10c: {  	v10 =	vadd.f32 $1.000000020e-16, v10;
	_ =	sdelay $0x1  }
0x10d: {  	(erf) = vrcp.f32 v10;
	v10 =	vadd.s32 v0, v12;
	_ =	sdelay $0x4  }
0x10e: {  	v11 =	vld.idx.msk [tilespmem:v10+s28+$0x0], $0xffff;
	_ =	sdelay $0x1  }
0x10f: {  	v13 =	vadd.s32 v1, v12  }
0x110: {  	v14 =	vadd.s32 v3, v12  }
0x111: {  	v10 =	vpop (erf)  }
0x112: {  	v11 =	vmul.f32 v11, v10;
	_ =	sdelay $0x1  }
0x113: {  	[tilespmem:v13+s19+$0x0] =	vst.idx.msk $0xffff, v11  }
0x114: {  	v11 =	vld.idx.msk [tilespmem:v14+s28+$0x0], $0xffff;
	_ =	sdelay $0x1  }
0x115: {  	v13 =	vadd.s32 v4, v12  }
0x116: {  	v14 =	vadd.s32 v5, v12;
	_ =	sdelay $0x1  }
0x117: {  	v11 =	vmul.f32 v11, v10;
	_ =	sdelay $0x1  }
0x118: {  	[tilespmem:v13+s19+$0x0] =	vst.idx.msk $0xffff, v11  }
0x119: {  	v11 =	vld.idx.msk [tilespmem:v14+s28+$0x0], $0xffff;
	_ =	sdelay $0x1  }
0x11a: {  	v13 =	vadd.s32 v6, v12  }
0x11b: {  	v14 =	vadd.s32 v7, v12;
	_ =	sdelay $0x1  }
0x11c: {  	v11 =	vmul.f32 v11, v10;
	_ =	sdelay $0x1  }
0x11d: {  	[tilespmem:v13+s19+$0x0] =	vst.idx.msk $0xffff, v11  }
0x11e: {  	v14 =	vld.idx.msk [tilespmem:v14+s28+$0x0], $0xffff;
	_ =	sdelay $0x1  }
0x11f: {  	v11 =	vadd.s32 $0x4, v12;
	v12 =	vadd.s32 v8, v12  }
0x120: {  	v13 =	vadd.s32 v0, v11;
	_ =	sdelay $0x1  }
0x121: {  	s24 =	simm.s32 $0x4;
	v14 =	vmul.f32 v14, v10  }
.LBB2_20:
0x122: {  	_ = 	snop  }
0x123: {  	s24 =	sadd.s32 $0x4, s24;
	[tilespmem:v12+s19+$0x0] =	vst.idx.msk $0xffff, v14  }
0x124: {  	p1 =	slt.u32 s24, $0x1C;
	v12 =	vld.idx.msk [tilespmem:v13+s28+$0x0], $0xffff;
	_ =	sdelay $0x2  }
0x125: {  	v13 =	vadd.s32 v1, v11  }
0x126: {  	v14 =	vadd.s32 v3, v11;
	_ =	sdelay $0x1  }
0x127: {  	v12 =	vmul.f32 v12, v10;
	_ =	sdelay $0x1  }
0x128: {  	[tilespmem:v13+s19+$0x0] =	vst.idx.msk $0xffff, v12  }
0x129: {  	v12 =	vld.idx.msk [tilespmem:v14+s28+$0x0], $0xffff;
	_ =	sdelay $0x2  }
0x12a: {  	v13 =	vadd.s32 v4, v11  }
0x12b: {  	v14 =	vadd.s32 v5, v11;
	_ =	sdelay $0x1  }
0x12c: {  	v12 =	vmul.f32 v12, v10;
	_ =	sdelay $0x1  }
0x12d: {  	[tilespmem:v13+s19+$0x0] =	vst.idx.msk $0xffff, v12  }
0x12e: {  	v12 =	vld.idx.msk [tilespmem:v14+s28+$0x0], $0xffff;
	_ =	sdelay $0x2  }
0x12f: {  	v13 =	vadd.s32 v6, v11  }
0x130: {  	v14 =	vadd.s32 v7, v11;
	_ =	sdelay $0x1  }
0x131: {  	v12 =	vmul.f32 v12, v10;
	_ =	sdelay $0x1  }
0x132: {  	[tilespmem:v13+s19+$0x0] =	vst.idx.msk $0xffff, v12  }
0x133: {  	v14 =	vld.idx.msk [tilespmem:v14+s28+$0x0], $0xffff;
	_ =	sdelay $0x1  }
.Ltmp11:
0x134: {  	(pc) =	sbr.rel @p1 .LBB2_20-.Ltmp11, $3  }
0x135: {  	v12 =	vadd.s32 v8, v11;
	v11 =	vadd.s32 $0x4, v11  }
0x136: {  	v13 =	vadd.s32 v0, v11;
	_ =	sdelay $0x1  }
0x137: {  	v14 =	vmul.f32 v14, v10  }
0x138: {  	_ =	sdelay $0x3  }
0x139: {  	[tilespmem:v12+s19+$0x0] =	vst.idx.msk $0xffff, v14  }
0x13a: {  	v12 =	vld.idx.msk [tilespmem:v13+s28+$0x0], $0xffff;
	_ =	sdelay $0x1  }
0x13b: {  	v13 =	vadd.s32 v1, v11  }
0x13c: {  	v14 =	vadd.s32 v3, v11;
	_ =	sdelay $0x1  }
0x13d: {  	v12 =	vmul.f32 v12, v10;
	_ =	sdelay $0x1  }
0x13e: {  	[tilespmem:v13+s19+$0x0] =	vst.idx.msk $0xffff, v12  }
0x13f: {  	v12 =	vld.idx.msk [tilespmem:v14+s28+$0x0], $0xffff;
	_ =	sdelay $0x1  }
0x140: {  	v13 =	vadd.s32 v4, v11  }
0x141: {  	v14 =	vadd.s32 v5, v11;
	_ =	sdelay $0x1  }
0x142: {  	v12 =	vmul.f32 v12, v10;
	_ =	sdelay $0x1  }
0x143: {  	[tilespmem:v13+s19+$0x0] =	vst.idx.msk $0xffff, v12  }
0x144: {  	v12 =	vld.idx.msk [tilespmem:v14+s28+$0x0], $0xffff;
	_ =	sdelay $0x1  }
0x145: {  	v13 =	vadd.s32 v6, v11  }
0x146: {  	v14 =	vadd.s32 v7, v11;
	_ =	sdelay $0x1  }
0x147: {  	v12 =	vmul.f32 v12, v10;
	_ =	sdelay $0x1  }
0x148: {  	[tilespmem:v13+s19+$0x0] =	vst.idx.msk $0xffff, v12  }
0x149: {  	v12 =	vld.idx.msk [tilespmem:v14+s28+$0x0], $0xffff  }
0x14a: {  	s23 =	sadd.s32 $0x1, s23  }
0x14b: {  	p1 =	sne.s32 s23, $0x4;
	v13 =	vadd.s32 v8, v11  }
.Ltmp12:
0x14c: {  	_ = 	snop;
	(pc) =	sbr.rel @p1 .LBB2_19-.Ltmp12, $3  }
0x14d: {  	_ = 	snop  }
0x14e: {  	v10 =	vmul.f32 v12, v10;
	_ =	sdelay $0x1  }
0x14f: {  	v9 =	vadd.s32 $0x1, v9;
	v12 =	vadd.s32 $0x4, v11;
	[tilespmem:v13+s19+$0x0] =	vst.idx.msk $0xffff, v10  }
0x150: {  	s22 =	sshll.u32 s22, $0x4  }
0x151: {  	s21 =	sadd.s32 $0x1, s21;
	s22 =	sand.u32 $0x1FFFFFF0, s22  }
0x152: {  	p1 =	seq.s32 s21, $0x28;
	s22 =	sadd.s32 s14, s22  }
0x153: {  	[hbm4b:s22+s2] =	stream.linear.scatter [tilespmem:s19], [sflag:$0x1], $0x800, $0x38;
	[tilespmem:$0x1DD30] =	vst v63  }
.Ltmp13:
0x154: {  	_ = 	snop;
	(pc) =	sbr.rel @!p1 .LBB2_18-.Ltmp13, $4  }
.Ltmp14:
0x155: {  	_ = 	snop;
	(pc) =	sbr.rel @p1 .LBB2_42-.Ltmp14, $4  }
0x156: {  	_ =	swait.ge [sflag:s29], $0x800  }
0x157: {  	[sflag:s29] =	ssyncset.done $0x0  }
0x158: {  	[sflag:s29] =	ssyncadd.s32 $0xFFFFF800  }
0x159: {  	_ = 	snop  }
.LBB2_23:
0x15a: {  	s22 =	smul.u32 $0x50, s23;
	_ =	sdelay $0x1  }
0x15b: {  	s22 =	sadd.s32 s18, s22  }
0x15c: {  	s22 =	sshrl.u32 s22, $0x3  }
0x15d: {  	s24 =	sadd.s32 s12, s22  }
0x15e: {  	[tilespmem:s30], [sflag:$0x1] =	stream.linear.gather [hbm4b:s24+s21], $0x50, $0x38;
	[tilespmem:$0x1DD30] =	vst v63  }
0x15f: {  	_ =	swait.ge [sflag:s29], $0x50  }
0x160: {  	[sflag:s29] =	ssyncset.done $0x0  }
0x161: {  	s22 =	sadd.s32 s13, s22;
	[sflag:s29] =	ssyncadd.s32 $0xFFFFFFB0  }
0x162: {  	[tilespmem:s31], [sflag:$0x1] =	stream.linear.gather [hbm4b:s22+s21], $0x50, $0x38;
	[tilespmem:$0x1DD30] =	vst v63  }
0x163: {  	_ =	swait.ge [sflag:s29], $0x50  }
0x164: {  	[sflag:s29] =	ssyncset.done $0x0  }
0x165: {  	[sflag:s29] =	ssyncadd.s32 $0xFFFFFFB0  }
0x166: {  	[tilespmem:s8], [sflag:$0x1] =	stream.indirect.gather [hbm4b:s9+s0], $0x80, s30, s0, $0xb8;
	[tilespmem:$0x1DD30] =	vst v63  }
0x167: {  	_ =	swait.ge [sflag:s29], $0x2800  }
0x168: {  	[sflag:s29] =	ssyncset.done $0x0  }
0x169: {  	[sflag:s29] =	ssyncadd.s32 $0xFFFFD800  }
0x16a: {  	[tilespmem:s19], [sflag:$0x1] =	stream.indirect.gather [hbm4b:s11+s0], $0x80, s31, s0, $0xb8;
	[tilespmem:$0x1DD30] =	vst v63  }
0x16b: {  	_ =	swait.ge [sflag:s29], $0x2800  }
0x16c: {  	[sflag:s29] =	ssyncset.done $0x0  }
0x16d: {  	v9 =	vlaneseq.u32;
	s22 =	simm.s32 $0x0;
	[sflag:s29] =	ssyncadd.s32 $0xFFFFD800  }
.LBB2_24:
0x16e: {  	v10 =	vshll.u32 v9, $0x7  }
0x16f: {  	v11 =	vmul.u32 $0x90, v9;
	s24 =	simm.s32 $0x0;
	v13 =	vimm.s32 $0x0;
	v12 =	vimm.s32 $0x80  }
.LBB2_25:
0x170: {  	v14 =	vand.u32 $0xFFFFFFF8, v13  }
0x171: {  	v15 =	vand.u32 $0x7, v13;
	v16 =	vadd.s32 $0x1, v13;
	v14 =	vadd.s32 v10, v14  }
0x172: {  	v14 =	vor.u32 v15, v14;
	v15 =	vand.u32 $0xFFFFFFF8, v16  }
0x173: {  	v17 =	vadd.s32 $0x2, v13;
	v16 =	vand.u32 $0x7, v16;
	v15 =	vadd.s32 v10, v15  }
0x174: {  	v15 =	vor.u32 v16, v15;
	v16 =	vand.u32 $0xFFFFFFF8, v17  }
0x175: {  	v18 =	vadd.s32 $0x3, v13;
	v17 =	vand.u32 $0x7, v17;
	v16 =	vadd.s32 v10, v16  }
0x176: {  	v16 =	vor.u32 v17, v16;
	v17 =	vand.u32 $0xFFFFFFF8, v18  }
0x177: {  	v18 =	vand.u32 $0x7, v18;
	v19 =	vld.idx.msk [tilespmem:v14+s19+$0x0], $0xffff;
	v17 =	vadd.s32 v10, v17  }
0x178: {  	v13 =	vadd.s32 $0x4, v13;
	v14 =	vld.idx.msk [tilespmem:v14+s8+$0x0], $0xffff;
	v17 =	vor.u32 v18, v17  }
0x179: {  	v21 =	vimm.f32 $0.0e+00;
	v20 =	vand.u32 $0xFFFFFFF8, v13;
	v18 =	vld.idx.msk [tilespmem:v15+s19+$0x0], $0xffff  }
0x17a: {  	v23 =	vadd.s32 $0x1, v13;
	v20 =	vadd.s32 v10, v20;
	v22 =	vld.idx.msk [tilespmem:v15+s8+$0x0], $0xffff;
	v15 =	vand.u32 $0x7, v13  }
0x17b: {  	v24 =	vadd.s32 $0x3, v13;
	v26 =	vor.u32 v15, v20;
	v15 =	vand.u32 $0xFFFFFFF8, v23;
	v25 =	vld.idx.msk [tilespmem:v16+s19+$0x0], $0xffff  }
0x17c: {  	v20 =	vadd.s32 $0x2, v13;
	v27 =	vld.idx.msk [tilespmem:v16+s8+$0x0], $0xffff;
	v16 =	vand.u32 $0x7, v23;
	v15 =	vadd.s32 v10, v15  }
0x17d: {  	v23 =	vand.u32 $0xFFFFFFF8, v20;
	v16 =	vor.u32 v16, v15;
	v14 =	vmul.f32 v14, v19;
	v15 =	vld.idx.msk [tilespmem:v17+s19+$0x0], $0xffff  }
0x17e: {  	v28 =	vand.u32 $0xFFFFFFF8, v24;
	v19 =	vand.u32 $0x7, v20;
	v23 =	vadd.s32 v10, v23;
	v20 =	vld.idx.msk [tilespmem:v17+s8+$0x0], $0xffff  }
0x17f: {  	v17 =	vor.u32 v19, v23;
	v21 =	vadd.f32 v14, v21;
	v22 =	vmul.f32 v22, v18  }
0x180: {  	v13 =	vadd.s32 $0x4, v13;
	v23 =	vadd.s32 v10, v28;
	v18 =	vand.u32 $0x7, v24;
	v14 =	vld.idx.msk [tilespmem:v26+s19+$0x0], $0xffff  }
0x181: {  	s25 =	simm.s32 $0x4;
	v19 =	vld.idx.msk [tilespmem:v26+s8+$0x0], $0xffff;
	v18 =	vor.u32 v18, v23;
	v21 =	vadd.f32 v22, v21;
	v22 =	vmul.f32 v27, v25  }
.LBB2_26:
0x182: {  	v23 =	vadd.s32 $0x3, v13;
	v24 =	vld.idx.msk [tilespmem:v16+s19+$0x0], $0xffff  }
0x183: {  	v25 =	vand.u32 $0xFFFFFFF8, v13;
	v15 =	vmul.f32 v20, v15;
	v26 =	vld.idx.msk [tilespmem:v16+s8+$0x0], $0xffff;
	v16 =	vadd.f32 v22, v21  }
0x184: {  	v20 =	vand.u32 $0x7, v13;
	s25 =	sadd.s32 $0x4, s25;
	v21 =	vadd.s32 v10, v25;
	v22 =	vadd.s32 $0x1, v13;
	v25 =	vld.idx.msk [tilespmem:v17+s19+$0x0], $0xffff  }
0x185: {  	p1 =	slt.u32 s25, $0x1C;
	v21 =	vor.u32 v20, v21;
	v20 =	vand.u32 $0xFFFFFFF8, v22;
	v27 =	vld.idx.msk [tilespmem:v17+s8+$0x0], $0xffff;
	v28 =	vadd.f32 v15, v16  }
0x186: {  	v16 =	vand.u32 $0x7, v22;
	v17 =	vadd.s32 v10, v20;
	v22 =	vadd.s32 $0x2, v13;
	v15 =	vld.idx.msk [tilespmem:v18+s19+$0x0], $0xffff  }
.Ltmp15:
0x187: {  	v16 =	vor.u32 v16, v17;
	v17 =	vand.u32 $0xFFFFFFF8, v22;
	v14 =	vmul.f32 v19, v14;
	v20 =	vld.idx.msk [tilespmem:v18+s8+$0x0], $0xffff;
	(pc) =	sbr.rel @p1 .LBB2_26-.Ltmp15, $4  }
0x188: {  	v19 =	vand.u32 $0xFFFFFFF8, v23;
	v18 =	vand.u32 $0x7, v22;
	v17 =	vadd.s32 v10, v17  }
0x189: {  	v17 =	vor.u32 v18, v17;
	v22 =	vadd.f32 v14, v28;
	v24 =	vmul.f32 v26, v24  }
0x18a: {  	v13 =	vadd.s32 $0x4, v13;
	v18 =	vand.u32 $0x7, v23;
	v23 =	vadd.s32 v10, v19;
	v14 =	vld.idx.msk [tilespmem:v21+s19+$0x0], $0xffff  }
0x18b: {  	v18 =	vor.u32 v18, v23;
	v19 =	vld.idx.msk [tilespmem:v21+s8+$0x0], $0xffff;
	v21 =	vadd.f32 v24, v22;
	v22 =	vmul.f32 v27, v25  }
0x18c: {  	_ =	sdelay $0x3  }
0x18d: {  	v23 =	vld.idx.msk [tilespmem:v16+s19+$0x0], $0xffff  }
0x18e: {  	v59 =	vld.idx.msk [tilespmem:v16+s8+$0x0], $0xffff  }
0x18f: {  	v15 =	vmul.f32 v20, v15;
	v60 =	vld.idx.msk [tilespmem:v17+s19+$0x0], $0xffff;
	v21 =	vadd.f32 v22, v21  }
0x190: {  	v61 =	vld.idx.msk [tilespmem:v17+s8+$0x0], $0xffff  }
0x191: {  	v62 =	vld.idx.msk [tilespmem:v18+s19+$0x0], $0xffff;
	v15 =	vadd.f32 v15, v21;
	v14 =	vmul.f32 v19, v14  }
0x192: {  	v63 =	vld.idx.msk [tilespmem:v18+s8+$0x0], $0xffff  }
0x193: {  	v14 =	vadd.f32 v14, v15;
	v15 =	vmul.f32 v59, v23;
	_ =	sdelay $0x1  }
0x194: {  	v14 =	vadd.f32 v15, v14;
	v15 =	vmul.f32 v61, v60;
	_ =	sdelay $0x1  }
0x195: {  	v14 =	vadd.f32 v15, v14;
	v15 =	vmul.f32 v63, v62;
	_ =	sdelay $0x1  }
0x196: {  	v14 =	vadd.f32 v15, v14;
	_ =	sdelay $0x1  }
0x197: {  	v14 =	vmul.f32 $1.442695020e+00, v14;
	_ =	sdelay $0x1  }
0x198: {  	(erf) = vpow2.f32 v14;
	_ =	sdelay $0x2  }
0x199: {  	v14 =	vand.u32 $0xFFFFFFF8, v12  }
0x19a: {  	s24 =	sadd.s32 $0x1, s24;
	v15 =	vand.u32 $0x7, v12;
	v14 =	vadd.s32 v11, v14  }
0x19b: {  	p1 =	sne.s32 s24, $0x4;
	v14 =	vor.u32 v15, v14  }
.Ltmp16:
0x19c: {  	_ = 	snop;
	(pc) =	sbr.rel @p1 .LBB2_25-.Ltmp16, $3  }
0x19d: {  	_ =	sdelay $0x1  }
0x19e: {  	v15 =	vpop (erf)  }
0x19f: {  	v12 =	vadd.s32 $0x1, v12;
	[tilespmem:v14+s28+$0x0] =	vst.idx.msk $0xffff, v15  }
0x1a0: {  	s22 =	sadd.s32 $0x1, s22  }
0x1a1: {  	p1 =	sne.s32 s22, $0x5  }
.Ltmp17:
0x1a2: {  	_ = 	snop;
	(pc) =	sbr.rel @p1 .LBB2_24-.Ltmp17, $2  }
0x1a3: {  	_ =	sdelay $0x2  }
0x1a4: {  	v9 =	vadd.s32 $0x10, v9  }
0x1a5: {  	[tilespmem:s8], [sflag:$0x1] =	stream.indirect.gather [hbm4b:s10+s0], $0x80, s30, s0, $0xb8;
	[tilespmem:$0x1DD30] =	vst v63  }
0x1a6: {  	_ =	swait.ge [sflag:s29], $0x2800  }
0x1a7: {  	[sflag:s29] =	ssyncset.done $0x0  }
0x1a8: {  	s22 =	simm.s32 $0x0;
	v9 =	vlaneseq.u32;
	[sflag:s29] =	ssyncadd.s32 $0xFFFFD800  }
.LBB2_30:
0x1a9: {  	v10 =	vmul.u32 $0x90, v9  }
0x1aa: {  	v11 =	vshll.u32 v9, $0x7;
	v14 =	vimm.s32 $0x0;
	v12 =	vimm.s32 $0x80;
	s24 =	simm.s32 $0x0  }
.LBB2_31:
0x1ab: {  	v13 =	vand.u32 $0xFFFFFFF8, v12  }
0x1ac: {  	v15 =	vand.u32 $0x7, v12;
	v16 =	vand.u32 $0xFFFFFFF8, v14;
	v13 =	vadd.s32 v10, v13  }
0x1ad: {  	v17 =	vadd.s32 v11, v16;
	v13 =	vor.u32 v15, v13;
	v15 =	vand.u32 $0x7, v14  }
0x1ae: {  	v17 =	vor.u32 v15, v17;
	_ =	sdelay $0x3  }
0x1af: {  	v13 =	vld.idx.msk [tilespmem:v13+s28+$0x0], $0xffff  }
0x1b0: {  	v18 =	vadd.s32 $0x1, v14;
	v17 =	vld.idx.msk [tilespmem:v17+s8+$0x0], $0xffff  }
0x1b1: {  	v16 =	vadd.s32 v10, v16;
	v19 =	vand.u32 $0xFFFFFFF8, v18  }
0x1b2: {  	v15 =	vor.u32 v15, v16;
	v16 =	vand.u32 $0x7, v18;
	v18 =	vadd.s32 v11, v19  }
0x1b3: {  	v18 =	vor.u32 v16, v18;
	_ =	sdelay $0x1  }
0x1b4: {  	v17 =	vmul.f32 v17, v13;
	_ =	sdelay $0x1  }
0x1b5: {  	[tilespmem:v15+s28+$0x0] =	vst.idx.msk $0xffff, v17  }
0x1b6: {  	v17 =	vadd.s32 $0x2, v14;
	v15 =	vld.idx.msk [tilespmem:v18+s8+$0x0], $0xffff  }
0x1b7: {  	v18 =	vadd.s32 v10, v19;
	v19 =	vand.u32 $0xFFFFFFF8, v17  }
0x1b8: {  	v17 =	vand.u32 $0x7, v17;
	v16 =	vor.u32 v16, v18;
	v18 =	vadd.s32 v11, v19  }
0x1b9: {  	v18 =	vor.u32 v17, v18;
	_ =	sdelay $0x1  }
0x1ba: {  	v15 =	vmul.f32 v15, v13;
	_ =	sdelay $0x1  }
0x1bb: {  	[tilespmem:v16+s28+$0x0] =	vst.idx.msk $0xffff, v15  }
0x1bc: {  	v16 =	vadd.s32 $0x3, v14;
	v15 =	vld.idx.msk [tilespmem:v18+s8+$0x0], $0xffff  }
0x1bd: {  	v18 =	vadd.s32 v10, v19;
	v19 =	vand.u32 $0xFFFFFFF8, v16  }
0x1be: {  	v16 =	vand.u32 $0x7, v16;
	v17 =	vor.u32 v17, v18;
	v18 =	vadd.s32 v11, v19  }
0x1bf: {  	v18 =	vor.u32 v16, v18;
	_ =	sdelay $0x1  }
0x1c0: {  	v15 =	vmul.f32 v15, v13;
	_ =	sdelay $0x1  }
0x1c1: {  	[tilespmem:v17+s28+$0x0] =	vst.idx.msk $0xffff, v15  }
0x1c2: {  	v14 =	vadd.s32 $0x4, v14;
	v20 =	vld.idx.msk [tilespmem:v18+s8+$0x0], $0xffff  }
0x1c3: {  	v15 =	vadd.s32 v10, v19;
	v17 =	vand.u32 $0xFFFFFFF8, v14  }
0x1c4: {  	v15 =	vor.u32 v16, v15;
	v16 =	vand.u32 $0x7, v14;
	v18 =	vadd.s32 v11, v17  }
0x1c5: {  	v18 =	vor.u32 v16, v18;
	_ =	sdelay $0x1  }
0x1c6: {  	s25 =	simm.s32 $0x4;
	v17 =	vadd.s32 v10, v17;
	v19 =	vmul.f32 v20, v13  }
.LBB2_32:
0x1c7: {  	_ = 	snop  }
0x1c8: {  	s25 =	sadd.s32 $0x4, s25;
	[tilespmem:v15+s28+$0x0] =	vst.idx.msk $0xffff, v19  }
0x1c9: {  	p1 =	slt.u32 s25, $0x1C;
	v15 =	vld.idx.msk [tilespmem:v18+s8+$0x0], $0xffff  }
0x1ca: {  	v18 =	vadd.s32 $0x1, v14  }
0x1cb: {  	v19 =	vand.u32 $0xFFFFFFF8, v18  }
0x1cc: {  	v16 =	vor.u32 v16, v17;
	v17 =	vand.u32 $0x7, v18;
	v18 =	vadd.s32 v11, v19  }
0x1cd: {  	v19 =	vadd.s32 v10, v19;
	v18 =	vor.u32 v17, v18  }
0x1ce: {  	v17 =	vor.u32 v17, v19  }
0x1cf: {  	v15 =	vmul.f32 v15, v13;
	_ =	sdelay $0x1  }
0x1d0: {  	[tilespmem:v16+s28+$0x0] =	vst.idx.msk $0xffff, v15  }
0x1d1: {  	v15 =	vld.idx.msk [tilespmem:v18+s8+$0x0], $0xffff  }
0x1d2: {  	v16 =	vadd.s32 $0x2, v14  }
0x1d3: {  	v18 =	vand.u32 $0xFFFFFFF8, v16  }
0x1d4: {  	v16 =	vand.u32 $0x7, v16;
	v19 =	vadd.s32 v11, v18;
	v18 =	vadd.s32 v10, v18  }
0x1d5: {  	v19 =	vor.u32 v16, v19;
	v16 =	vor.u32 v16, v18;
	_ =	sdelay $0x1  }
0x1d6: {  	v15 =	vmul.f32 v15, v13;
	_ =	sdelay $0x1  }
0x1d7: {  	[tilespmem:v17+s28+$0x0] =	vst.idx.msk $0xffff, v15  }
0x1d8: {  	v17 =	vld.idx.msk [tilespmem:v19+s8+$0x0], $0xffff  }
0x1d9: {  	v15 =	vadd.s32 $0x3, v14  }
0x1da: {  	v18 =	vand.u32 $0xFFFFFFF8, v15  }
0x1db: {  	v15 =	vand.u32 $0x7, v15;
	v19 =	vadd.s32 v11, v18;
	v18 =	vadd.s32 v10, v18  }
0x1dc: {  	v19 =	vor.u32 v15, v19;
	v15 =	vor.u32 v15, v18;
	_ =	sdelay $0x1  }
0x1dd: {  	v17 =	vmul.f32 v17, v13;
	_ =	sdelay $0x1  }
0x1de: {  	[tilespmem:v16+s28+$0x0] =	vst.idx.msk $0xffff, v17  }
0x1df: {  	v19 =	vld.idx.msk [tilespmem:v19+s8+$0x0], $0xffff  }
0x1e0: {  	v14 =	vadd.s32 $0x4, v14  }
.Ltmp18:
0x1e1: {  	v17 =	vand.u32 $0xFFFFFFF8, v14;
	(pc) =	sbr.rel @p1 .LBB2_32-.Ltmp18, $3  }
0x1e2: {  	v16 =	vand.u32 $0x7, v14;
	v18 =	vadd.s32 v11, v17;
	v17 =	vadd.s32 v10, v17  }
0x1e3: {  	v18 =	vor.u32 v16, v18;
	_ =	sdelay $0x1  }
0x1e4: {  	v19 =	vmul.f32 v19, v13  }
0x1e5: {  	_ =	sdelay $0x3  }
0x1e6: {  	[tilespmem:v15+s28+$0x0] =	vst.idx.msk $0xffff, v19  }
0x1e7: {  	v51 =	vadd.s32 $0x1, v14;
	v15 =	vld.idx.msk [tilespmem:v18+s8+$0x0], $0xffff  }
0x1e8: {  	v52 =	vand.u32 $0xFFFFFFF8, v51  }
0x1e9: {  	v16 =	vor.u32 v16, v17;
	v53 =	vand.u32 $0x7, v51;
	v54 =	vadd.s32 v11, v52  }
0x1ea: {  	v18 =	vor.u32 v53, v54;
	_ =	sdelay $0x1  }
0x1eb: {  	v15 =	vmul.f32 v15, v13;
	_ =	sdelay $0x1  }
0x1ec: {  	[tilespmem:v16+s28+$0x0] =	vst.idx.msk $0xffff, v15  }
0x1ed: {  	v55 =	vadd.s32 $0x2, v14;
	v15 =	vld.idx.msk [tilespmem:v18+s8+$0x0], $0xffff  }
0x1ee: {  	v57 =	vand.u32 $0xFFFFFFF8, v55;
	v56 =	vadd.s32 v10, v52  }
0x1ef: {  	v58 =	vadd.s32 v11, v57;
	v17 =	vor.u32 v53, v56;
	v16 =	vand.u32 $0x7, v55  }
0x1f0: {  	v18 =	vor.u32 v16, v58;
	_ =	sdelay $0x1  }
0x1f1: {  	v15 =	vmul.f32 v15, v13;
	_ =	sdelay $0x1  }
0x1f2: {  	[tilespmem:v17+s28+$0x0] =	vst.idx.msk $0xffff, v15  }
0x1f3: {  	v59 =	vadd.s32 $0x3, v14;
	v15 =	vld.idx.msk [tilespmem:v18+s8+$0x0], $0xffff  }
0x1f4: {  	v61 =	vand.u32 $0xFFFFFFF8, v59;
	v60 =	vadd.s32 v10, v57  }
0x1f5: {  	v62 =	vadd.s32 v11, v61;
	v16 =	vor.u32 v16, v60;
	v17 =	vand.u32 $0x7, v59  }
0x1f6: {  	v18 =	vor.u32 v17, v62;
	_ =	sdelay $0x1  }
0x1f7: {  	v15 =	vmul.f32 v15, v13;
	_ =	sdelay $0x1  }
0x1f8: {  	[tilespmem:v16+s28+$0x0] =	vst.idx.msk $0xffff, v15  }
0x1f9: {  	v15 =	vld.idx.msk [tilespmem:v18+s8+$0x0], $0xffff  }
0x1fa: {  	s24 =	sadd.s32 $0x1, s24;
	v63 =	vadd.s32 v10, v61  }
0x1fb: {  	p1 =	sne.s32 s24, $0x4;
	v16 =	vor.u32 v17, v63  }
.Ltmp19:
0x1fc: {  	_ = 	snop;
	(pc) =	sbr.rel @p1 .LBB2_31-.Ltmp19, $3  }
0x1fd: {  	_ = 	snop  }
0x1fe: {  	v13 =	vmul.f32 v15, v13;
	_ =	sdelay $0x1  }
0x1ff: {  	v14 =	vadd.s32 $0x4, v14;
	v12 =	vadd.s32 $0x1, v12;
	[tilespmem:v16+s28+$0x0] =	vst.idx.msk $0xffff, v13  }
0x200: {  	s22 =	sadd.s32 $0x1, s22  }
0x201: {  	p1 =	sne.s32 s22, $0x5  }
.Ltmp20:
0x202: {  	_ = 	snop;
	(pc) =	sbr.rel @p1 .LBB2_30-.Ltmp20, $2  }
0x203: {  	_ =	sdelay $0x2  }
0x204: {  	v9 =	vadd.s32 $0x10, v9  }
0x205: {  	s23 =	sadd.s32 $0x1, s23  }
0x206: {  	p1 =	seq.s32 s23, $0xFA  }
.Ltmp21:
0x207: {  	_ = 	snop;
	(pc) =	sbr.rel @!p1 .LBB2_23-.Ltmp21, $4  }
0x208: {  	[spmem:s1] =	stream.indirect.scatter.add.f32 [tilespmem:s28], [sflag:$0x1], $0x90, s31, s0, $0xb8;
	[tilespmem:$0x1DD30] =	vst v63  }
0x209: {  	_ =	swait.ge [sflag:s29], $0x2D00  }
0x20a: {  	[sflag:s29] =	ssyncset.done $0x0  }
0x20b: {  	[sflag:s29] =	ssyncadd.s32 $0xFFFFD300  }
0x20c: {  	[bflag:$0x0] =	sbarrier.arrive $0xFFFF;
	s21 =	simm.s32 $0x0  }
.LBB2_37:
0x20d: {  	s22 =	sshll.u32 s21, $0x4;
	p1 =	seq.s32 s21, $0x27;
	s23 =	simm.s32 $0xFFFFFFF1  }
0x20e: {  	s22 =	sadd.s32 s16, s22;
	s23 =	simm.s32 @!p1 $0x0  }
0x20f: {  	s22 =	sadd.s32 s23, s22  }
0x210: {  	s23 =	smul.u32 $0x240, s22;
	_ =	sdelay $0x1  }
0x211: {  	s23 =	sshra.s32 s23, $0x2  }
0x212: {  	s23 =	sadd.s32 s23, s1  }
0x213: {  	[tilespmem:s28], [sflag:$0x1] =	stream.linear.gather [spmem:s23], $0x900, $0x38;
	[tilespmem:$0x1DD30] =	vst v63  }
0x214: {  	_ =	swait.ge [sflag:s29], $0x900  }
0x215: {  	[sflag:s29] =	ssyncset.done $0x0  }
0x216: {  	v12 =	vimm.s32 $0x0;
	v9 =	vimm.s32 $0x80;
	s23 =	simm.s32 $0x0;
	[sflag:s29] =	ssyncadd.s32 $0xFFFFF700  }
.LBB2_38:
0x217: {  	v10 =	vadd.s32 v0, v9;
	_ =	sdelay $0x4  }
0x218: {  	v10 =	vld.idx.msk [tilespmem:v10+s28+$0x0], $0xffff;
	_ =	sdelay $0x4  }
0x219: {  	v10 =	vadd.f32 $1.000000020e-16, v10;
	_ =	sdelay $0x1  }
0x21a: {  	(erf) = vrcp.f32 v10;
	v10 =	vadd.s32 v0, v12;
	_ =	sdelay $0x4  }
0x21b: {  	v11 =	vld.idx.msk [tilespmem:v10+s28+$0x0], $0xffff;
	_ =	sdelay $0x1  }
0x21c: {  	v13 =	vadd.s32 v1, v12  }
0x21d: {  	v14 =	vadd.s32 v3, v12  }
0x21e: {  	v10 =	vpop (erf)  }
0x21f: {  	v11 =	vmul.f32 v11, v10;
	_ =	sdelay $0x1  }
0x220: {  	[tilespmem:v13+s19+$0x0] =	vst.idx.msk $0xffff, v11  }
0x221: {  	v11 =	vld.idx.msk [tilespmem:v14+s28+$0x0], $0xffff;
	_ =	sdelay $0x1  }
0x222: {  	v13 =	vadd.s32 v4, v12  }
0x223: {  	v14 =	vadd.s32 v5, v12;
	_ =	sdelay $0x1  }
0x224: {  	v11 =	vmul.f32 v11, v10;
	_ =	sdelay $0x1  }
0x225: {  	[tilespmem:v13+s19+$0x0] =	vst.idx.msk $0xffff, v11  }
0x226: {  	v11 =	vld.idx.msk [tilespmem:v14+s28+$0x0], $0xffff;
	_ =	sdelay $0x1  }
0x227: {  	v13 =	vadd.s32 v6, v12  }
0x228: {  	v14 =	vadd.s32 v7, v12;
	_ =	sdelay $0x1  }
0x229: {  	v11 =	vmul.f32 v11, v10;
	_ =	sdelay $0x1  }
0x22a: {  	[tilespmem:v13+s19+$0x0] =	vst.idx.msk $0xffff, v11  }
0x22b: {  	v14 =	vld.idx.msk [tilespmem:v14+s28+$0x0], $0xffff;
	_ =	sdelay $0x1  }
0x22c: {  	v11 =	vadd.s32 $0x4, v12;
	v12 =	vadd.s32 v8, v12  }
0x22d: {  	v13 =	vadd.s32 v0, v11;
	_ =	sdelay $0x1  }
0x22e: {  	s24 =	simm.s32 $0x4;
	v14 =	vmul.f32 v14, v10  }
.LBB2_39:
0x22f: {  	_ = 	snop  }
0x230: {  	s24 =	sadd.s32 $0x4, s24;
	[tilespmem:v12+s19+$0x0] =	vst.idx.msk $0xffff, v14  }
0x231: {  	p1 =	slt.u32 s24, $0x1C;
	v12 =	vld.idx.msk [tilespmem:v13+s28+$0x0], $0xffff;
	_ =	sdelay $0x2  }
0x232: {  	v13 =	vadd.s32 v1, v11  }
0x233: {  	v14 =	vadd.s32 v3, v11;
	_ =	sdelay $0x1  }
0x234: {  	v12 =	vmul.f32 v12, v10;
	_ =	sdelay $0x1  }
0x235: {  	[tilespmem:v13+s19+$0x0] =	vst.idx.msk $0xffff, v12  }
0x236: {  	v12 =	vld.idx.msk [tilespmem:v14+s28+$0x0], $0xffff;
	_ =	sdelay $0x2  }
0x237: {  	v13 =	vadd.s32 v4, v11  }
0x238: {  	v14 =	vadd.s32 v5, v11;
	_ =	sdelay $0x1  }
0x239: {  	v12 =	vmul.f32 v12, v10;
	_ =	sdelay $0x1  }
0x23a: {  	[tilespmem:v13+s19+$0x0] =	vst.idx.msk $0xffff, v12  }
0x23b: {  	v12 =	vld.idx.msk [tilespmem:v14+s28+$0x0], $0xffff;
	_ =	sdelay $0x2  }
0x23c: {  	v13 =	vadd.s32 v6, v11  }
0x23d: {  	v14 =	vadd.s32 v7, v11;
	_ =	sdelay $0x1  }
0x23e: {  	v12 =	vmul.f32 v12, v10;
	_ =	sdelay $0x1  }
0x23f: {  	[tilespmem:v13+s19+$0x0] =	vst.idx.msk $0xffff, v12  }
0x240: {  	v14 =	vld.idx.msk [tilespmem:v14+s28+$0x0], $0xffff;
	_ =	sdelay $0x1  }
.Ltmp22:
0x241: {  	(pc) =	sbr.rel @p1 .LBB2_39-.Ltmp22, $3  }
0x242: {  	v12 =	vadd.s32 v8, v11;
	v11 =	vadd.s32 $0x4, v11  }
0x243: {  	v13 =	vadd.s32 v0, v11;
	_ =	sdelay $0x1  }
0x244: {  	v14 =	vmul.f32 v14, v10  }
0x245: {  	_ =	sdelay $0x3  }
0x246: {  	[tilespmem:v12+s19+$0x0] =	vst.idx.msk $0xffff, v14  }
0x247: {  	v12 =	vld.idx.msk [tilespmem:v13+s28+$0x0], $0xffff;
	_ =	sdelay $0x1  }
0x248: {  	v13 =	vadd.s32 v1, v11  }
0x249: {  	v14 =	vadd.s32 v3, v11;
	_ =	sdelay $0x1  }
0x24a: {  	v12 =	vmul.f32 v12, v10;
	_ =	sdelay $0x1  }
0x24b: {  	[tilespmem:v13+s19+$0x0] =	vst.idx.msk $0xffff, v12  }
0x24c: {  	v12 =	vld.idx.msk [tilespmem:v14+s28+$0x0], $0xffff;
	_ =	sdelay $0x1  }
0x24d: {  	v13 =	vadd.s32 v4, v11  }
0x24e: {  	v14 =	vadd.s32 v5, v11;
	_ =	sdelay $0x1  }
0x24f: {  	v12 =	vmul.f32 v12, v10;
	_ =	sdelay $0x1  }
0x250: {  	[tilespmem:v13+s19+$0x0] =	vst.idx.msk $0xffff, v12  }
0x251: {  	v12 =	vld.idx.msk [tilespmem:v14+s28+$0x0], $0xffff;
	_ =	sdelay $0x1  }
0x252: {  	v13 =	vadd.s32 v6, v11  }
0x253: {  	v14 =	vadd.s32 v7, v11;
	_ =	sdelay $0x1  }
0x254: {  	v12 =	vmul.f32 v12, v10;
	_ =	sdelay $0x1  }
0x255: {  	[tilespmem:v13+s19+$0x0] =	vst.idx.msk $0xffff, v12  }
0x256: {  	v12 =	vld.idx.msk [tilespmem:v14+s28+$0x0], $0xffff  }
0x257: {  	s23 =	sadd.s32 $0x1, s23  }
0x258: {  	p1 =	sne.s32 s23, $0x4;
	v13 =	vadd.s32 v8, v11  }
.Ltmp23:
0x259: {  	_ = 	snop;
	(pc) =	sbr.rel @p1 .LBB2_38-.Ltmp23, $3  }
0x25a: {  	_ = 	snop  }
0x25b: {  	v10 =	vmul.f32 v12, v10;
	_ =	sdelay $0x1  }
0x25c: {  	v9 =	vadd.s32 $0x1, v9;
	v12 =	vadd.s32 $0x4, v11;
	[tilespmem:v13+s19+$0x0] =	vst.idx.msk $0xffff, v10  }
0x25d: {  	s22 =	sshll.u32 s22, $0x4  }
0x25e: {  	s21 =	sadd.s32 $0x1, s21;
	s22 =	sand.u32 $0x1FFFFFF0, s22  }
0x25f: {  	p1 =	sne.s32 s21, $0x28;
	s22 =	sadd.s32 s15, s22  }
0x260: {  	[hbm4b:s22+s2] =	stream.linear.scatter [tilespmem:s19], [sflag:$0x1], $0x800, $0x38;
	[tilespmem:$0x1DD30] =	vst v63  }
.Ltmp24:
0x261: {  	_ = 	snop;
	(pc) =	sbr.rel @p1 .LBB2_37-.Ltmp24, $4  }
.Ltmp25:
0x262: {  	_ = 	snop;
	(pc) =	sbr.rel @!p1 .LBB2_42-.Ltmp25, $4  }
0x263: {  	_ =	swait.ge [sflag:s29], $0x800  }
0x264: {  	[sflag:s29] =	ssyncset.done $0x0  }
0x265: {  	[sflag:s29] =	ssyncadd.s32 $0xFFFFF800  }
0x266: {  	_ = 	snop  }
.LBB2_43:
0x267: {  	_ =	sfence.sel $0x180000  }
0x268: {  	[bflag:$0x0] =	sbarrier.arrive $0xFFFF  }
0x269: {  	_ =	strace $0x9000004A  }
0x26a: {  	s0 =	stileid.u32;
	[bflag:$0x2] =	sbarrier.arrive $0xFFFF  }
0x26b: {  	p0 =	sne.s32 s0, $0x0;
	s0 =	rddreg [dreg:$0x2]  }
0x26c: {  	s0 =	sadd.s32 @!p0 $0x100000, s0  }
0x26d: {  	[sflag:s0] =	ssyncadd.tile.s32 @!p0 $0x1;
	_ =	shalt  }
.Lfunc_end2:
_tile_overlayer_lowered:
.L_overlay_start_2:
0x26e: {  	(tag) =	ssettag $0x2  }
0x26f: {  	s0 =	rddreg [dreg:$0x0];
	s2 =	stileid.u32  }
0x270: {  	s1 =	rddreg [dreg:$0x1];
	p0 =	sne.s32 s2, $0x0  }
0x271: {  	s3 =	rddreg [dreg:$0x2];
	[bflag:$0x3] =	sbarrier.arrive $0xFFFF;
	s2 =	simm.s32 @!p0 $0x1C01  }
0x272: {  	[timem:s3], [sflag:s2] =	dma.local @!p0 [hbm:s0], s1  }
0x273: {  	s0 =	simm.s32 @!p0 $0x1  }
0x274: {  	_ =	swait.ge @!p0 [sflag:s0], s1  }
0x275: {  	s1 =	ssub.s32 @!p0 $0x0, s1;
	[sflag:s0] =	ssyncset.done @!p0 $0x0  }
0x276: {  	[sflag:s0] =	ssyncadd.s32 @!p0 s1  }
0x277: {  	[bflag:$0x3] =	sbarrier.arrive $0xFFFF  }
0x278: {  	_ =	shalt  }

// kernel: kernel.17.cloned.1.call-start
scs
__scs_entry_jumppad:
0x0: {  	(pc) =	sbr.rel $0x88, $3  }
0x1: {  	(tag) =	ssettag $0x0;
	lr =	simm.s32 $0x1  }
0x2: {  	[smem:$0x3F64] =	sst lr;
	_ =	strace $0xD0000000  }
0x3: {  	_ = 	snop  }
0x4: {  	_ = 	snop  }
0x5: {  	_ = 	snop  }
0x6: {  	_ = 	snop  }
0x7: {  	_ = 	snop  }
__scs_overlays_trampoline_lowered:
0x8: {  	[smem:$0x3F73] =	sst s0  }
0x9: {  	[smem:$0x3F74] =	sst s1  }
0xa: {  	[smem:$0x3F75] =	sst s2  }
0xb: {  	[smem:$0x3F76] =	sst s3  }
0xc: {  	[smem:$0x3F77] =	sst s4  }
0xd: {  	[smem:$0x3F78] =	sst s5  }
0xe: {  	[smem:$0x3F79] =	sst s6  }
0xf: {  	[smem:$0x3F7A] =	sst s7  }
0x10: {  	[smem:$0x3F7B] =	sst s8  }
0x11: {  	[smem:$0x3F7C] =	sst s9;
	s0 =	simm.s32 @!p0 $0x0  }
0x12: {  	s1 =	sld [smem:$0x3F62];
	s0 =	simm.s32 @p0 $0x1  }
0x13: {  	[smem:$0x3F7D] =	sst s0;
	s0 =	simm.s32 @!p1 $0x0  }
0x14: {  	s2 =	sld [smem:$0x3F61];
	s0 =	simm.s32 @p1 $0x1  }
0x15: {  	[smem:$0x3F7E] =	sst s0;
	s0 =	simm.s32 @!p2 $0x0  }
0x16: {  	s3 =	sld [smem:$0x3FDB];
	s0 =	simm.s32 @p2 $0x1  }
0x17: {  	s4 =	simm.s32 $0x1BF5;
	[smem:$0x3F80] =	sst s0  }
0x18: {  	s0 =	sld [smem:$0x3F63];
	_ =	swait.ge [sflag:s4], $0x0  }
0x19: {  	s7 =	sld [smem:$0x3F64]  }
0x1a: {  	s8 =	sadd.s32 $0xFFFFE003, lr  }
0x1b: {  	s9 =	sadd.s32 $0xFFFFFEF7, lr;
	s5 =	simm.s32 $0xFFFFFFFF;
	p2 =	slt.u32 s8, $0xFFFFF086  }
0x1c: {  	p1 =	slt.u32 s9, $0xF7A;
	s5 =	simm.s32 @!p2 $0x0  }
0x1d: {  	s5 =	simm.s32 @p1 $0x1;
	p0 =	seq.s32 s7, s2  }
0x1e: {  	s7 =	smul.u32 @!p0 $0xF7A, s2;
	p2 =	seq.s32 @!p0 s5, $0x0  }
0x1f: {  	s9 =	smul.u32 $0xF7A, s1;
	s8 =	simm.s32 @!p0 $0x1BF5;
	p2 =	por !p2, p0  }
0x20: {  	[sflag:s8] =	ssyncset.s32 @!p0 $0xFFFFF086;
	s6 =	sadd.s32 @!p0 s3, s7;
	s7 =	simm.s32 @!p0 $0x108  }
0x21: {  	s3 =	sadd.s32 s3, s9;
	s6 =	sadd.s32 @!p0 $0x88, s6;
	s7 =	simm.s32 @p2 $0x1082  }
0x22: {  	[simem:s7], [sflag:s8] =	dma.local @!p0 [hbm:s6], $0xF7A  }
0x23: {  	s9 =	sor.u32 $0xD0000000, s2;
	s6 =	simm.s32 $0x108;
	_ =	swait.ge @!p0 [sflag:s8], $0x0  }
0x24: {  	s3 =	sadd.s32 $0x88, s3;
	s6 =	simm.s32 @!p1 $0x1082;
	[sflag:s4] =	ssyncset.s32 $0xFFFFF086  }
0x25: {  	[simem:s6], [sflag:s4] =	dma.local [hbm:s3], $0xF7A  }
0x26: {  	[smem:$0x3F64] =	sst s1;
	(tag) =	ssettag s2;
	_ =	strace s9  }
0x27: {  	s1 =	sld [smem:$0x3F74]  }
0x28: {  	s2 =	sld [smem:$0x3F75]  }
0x29: {  	s4 =	sld [smem:$0x3F77]  }
0x2a: {  	p0 =	seq.s32 s5, $0x0;
	s5 =	sld [smem:$0x3F78]  }
0x2b: {  	s6 =	sld [smem:$0x3F79]  }
0x2c: {  	s7 =	sld [smem:$0x3F7A]  }
0x2d: {  	s3 =	simm.s32 $0x108;
	s8 =	sld [smem:$0x3F7B]  }
0x2e: {  	s3 =	simm.s32 @!p0 $0x1082;
	s9 =	sld [smem:$0x3F7C]  }
0x2f: {  	lr =	sadd.s32 s0, s3;
	s0 =	sld [smem:$0x3F73]  }
0x30: {  	s3 =	sld [smem:$0x3F76]  }
0x31: {  	[smem:$0x3F7F] =	sst s10  }
0x32: {  	s10 =	sld [smem:$0x3F7D];
	_ =	sdelay $0x3  }
0x33: {  	p0 =	seq.s32 s10, $0x1;
	s10 =	sld [smem:$0x3F7F];
	_ =	sdelay $0x3  }
0x34: {  	[smem:$0x3F7F] =	sst s10  }
0x35: {  	s10 =	sld [smem:$0x3F7E];
	_ =	sdelay $0x3  }
0x36: {  	p1 =	seq.s32 s10, $0x1;
	s10 =	sld [smem:$0x3F7F];
	_ =	sdelay $0x3  }
0x37: {  	[smem:$0x3F7F] =	sst s10  }
0x38: {  	s10 =	sld [smem:$0x3F80]  }
0x39: {  	_ = 	snop;
	(pc) =	sbr.ind lr, $3  }
0x3a: {  	_ = 	snop  }
0x3b: {  	_ = 	snop  }
0x3c: {  	p2 =	seq.s32 s10, $0x1;
	s10 =	sld [smem:$0x3F7F]  }
0x3d: {  	_ =	shalt  }
0x3e: {  	_ =	shalt  }
0x3f: {  	_ =	shalt  }
0x40: {  	_ =	shalt  }
0x41: {  	_ =	shalt  }
0x42: {  	_ =	shalt  }
0x43: {  	_ =	shalt  }
0x44: {  	_ =	shalt  }
0x45: {  	_ =	shalt  }
0x46: {  	_ =	shalt  }
0x47: {  	_ =	shalt  }
0x48: {  	_ =	shalt  }
0x49: {  	_ =	shalt  }
0x4a: {  	_ =	shalt  }
0x4b: {  	_ =	shalt  }
0x4c: {  	_ =	shalt  }
0x4d: {  	_ =	shalt  }
0x4e: {  	_ =	shalt  }
0x4f: {  	_ =	shalt  }
0x50: {  	_ =	shalt  }
0x51: {  	_ =	shalt  }
0x52: {  	_ =	shalt  }
0x53: {  	_ =	shalt  }
0x54: {  	_ =	shalt  }
0x55: {  	_ =	shalt  }
0x56: {  	_ =	shalt  }
0x57: {  	_ =	shalt  }
0x58: {  	_ =	shalt  }
0x59: {  	_ =	shalt  }
0x5a: {  	_ =	shalt  }
0x5b: {  	_ =	shalt  }
0x5c: {  	_ =	shalt  }
0x5d: {  	_ =	shalt  }
0x5e: {  	_ =	shalt  }
0x5f: {  	_ =	shalt  }
0x60: {  	_ =	shalt  }
0x61: {  	_ =	shalt  }
0x62: {  	_ =	shalt  }
0x63: {  	_ =	shalt  }
0x64: {  	_ =	shalt  }
0x65: {  	_ =	shalt  }
0x66: {  	_ =	shalt  }
0x67: {  	_ =	shalt  }
0x68: {  	_ =	shalt  }
0x69: {  	_ =	shalt  }
0x6a: {  	_ =	shalt  }
0x6b: {  	_ =	shalt  }
0x6c: {  	_ =	shalt  }
0x6d: {  	_ =	shalt  }
0x6e: {  	_ =	shalt  }
0x6f: {  	_ =	shalt  }
0x70: {  	_ =	shalt  }
0x71: {  	_ =	shalt  }
0x72: {  	_ =	shalt  }
0x73: {  	_ =	shalt  }
0x74: {  	_ =	shalt  }
0x75: {  	_ =	shalt  }
0x76: {  	_ =	shalt  }
0x77: {  	_ =	shalt  }
0x78: {  	_ =	shalt  }
0x79: {  	_ =	shalt  }
0x7a: {  	_ =	shalt  }
0x7b: {  	_ =	shalt  }
0x7c: {  	_ =	shalt  }
0x7d: {  	_ =	shalt  }
0x7e: {  	_ =	shalt  }
0x7f: {  	_ =	shalt  }
0x80: {  	_ =	shalt  }
0x81: {  	_ =	shalt  }
0x82: {  	_ =	shalt  }
0x83: {  	_ =	shalt  }
0x84: {  	_ =	shalt  }
0x85: {  	_ =	shalt  }
0x86: {  	_ =	shalt  }
0x87: {  	_ =	shalt  }
.Lfunc_end0:
.L_simem_size_0:
called_computation.2_lowered:
.L_overlay_start_0:
0x88: {  	s2 =	sld [smem:$0x3FD9]  }
0x89: {  	s3 =	sld [smem:$0x3FFE];
	_ =	sdelay $0x1  }
0x8a: {  	s1 =	srdreg.scid  }
0x8b: {  	s0 =	sand.u32 $0x1, s1  }
0x8c: {  	s17 =	sshll.u32 s0, $0xA;
	s2 =	sadd.s32 s3, s2  }
0x8d: {  	s2 =	sadd.s32 s2, s17  }
0x8e: {  	[smem:$0x3F8B] =	sst s2  }
0x8f: {  	_ = 	snop  }
0x90: {  	s2 =	sld [smem:$0x3FD0];
	(tm) =	ssettm $0x1  }
0x91: {  	s18 =	sld [smem:$0x3FFB];
	_ =	sdelay $0x3  }
0x92: {  	_ =	strace s18  }
0x93: {  	s3 =	sld [smem:$0x3FFC];
	_ =	sdelay $0x3  }
0x94: {  	_ =	strace s3  }
0x95: {  	s3 =	sld [smem:$0x3FFD];
	_ =	sdelay $0x3  }
0x96: {  	_ =	strace s3  }
0x97: {  	_ =	strace $0x8FFFFFFF  }
0x98: {  	s19 =	sld [smem:$0x3FDB];
	_ =	sdelay $0x1  }
0x99: {  	s4 =	simm.s32 $_scs_section_size  }
0x9a: {  	s5 =	simm.s32 $_size__tile_overlayer_lowered;
	s6 =	simm.s32 $_tile_overlayer_lowered  }
0x9b: {  	s22 =	simm.s32 $0x1BFF;
	s21 =	sshll.u32 s6, $0x1;
	s3 =	sadd.s32 s4, s19  }
0x9c: {  	s7 =	simm.s32 $0x0;
	s20 =	sshll.u32 s5, $0x1;
	s5 =	sadd.s32 s21, s3  }
0x9d: {  	[timem:s7], [sflag:s22] =	dma.local [hbm:s5], s20  }
0x9e: {  	_ =	swait.ge [sflag:s22], s20  }
0x9f: {  	s4 =	ssub.s32 $0x0, s20;
	[sflag:s22] =	ssyncset.done $0x0  }
0xa0: {  	[sflag:s22] =	ssyncadd.s32 s4;
	_ =	sdelay $0x1  }
0xa1: {  	s23 =	simm.s32 $0x1B8B  }
0xa2: {  	_ =	swait.ge [sflag:s23], $0x1  }
0xa3: {  	[sflag:s23] =	ssyncset.done $0x0  }
0xa4: {  	s25 =	simm.s32 $0x1B8E;
	s24 =	sld [smem:$0x3FFE];
	[sflag:s23] =	ssyncadd.s32 $0xFFFFFFFF  }
0xa5: {  	s26 =	simm.s32 $execute0_lowered;
	[smem:$0x3FD2] =	sst s25  }
0xa6: {  	s5 =	sshll.u32 s26, $0x1;
	_ =	strace $0x8000004C;
	[dreg:$0x1] =	wrdreg $0xFFFFFFFF  }
0xa7: {  	s28 =	simm.s32 $_size_execute0_lowered;
	s3 =	sadd.s32 s3, s5;
	[dreg:$0x0] =	wrdreg $0x0  }
0xa8: {  	s5 =	sshll.u32 s28, $0x1;
	[dreg:$0x2] =	wrdreg s3  }
0xa9: {  	[dreg:$0x3] =	wrdreg s5  }
0xaa: {  	[dreg:$0x4] =	wrdreg $0xC0  }
0xab: {  	_ =	task [dreg:s7], $0x5FFFF  }
0xac: {  	[dreg:$0x1] =	wrdreg $0xFFFFFFFF  }
0xad: {  	[dreg:$0x0] =	wrdreg $0x60  }
0xae: {  	[dreg:$0x2] =	wrdreg s24  }
0xaf: {  	[dreg:$0x3] =	wrdreg s2  }
0xb0: {  	[dreg:$0x4] =	wrdreg $0x9  }
0xb1: {  	_ =	task.clear_ibuf [dreg:s7], $0x5FFFF;
	_ =	strace $0x9000004C  }
0xb2: {  	s29 =	simm.s32 $0x9;
	_ =	strace $0x8000004E  }
0xb3: {  	_ =	swait.ge [sflag:s29], $0x1  }
0xb4: {  	[sflag:s29] =	ssyncadd.s32 $0xFFFFFFFF  }
0xb5: {  	_ =	strace $0x9000004E  }
0xb6: {  	_ =	sfence  }
0xb7: {  	s30 =	sld [smem:$0x0];
	_ =	sdelay $0x2  }
0xb8: {  	s31 =	sshll.u32 s1, $0xD;
	s1 =	sshrl.u32 s1, $0x2  }
0xb9: {  	s3 =	sand.u32 $0x4000, s31;
	s1 =	sadd.s32 s1, s30  }
0xba: {  	s0 =	sor.u32 s3, s0;
	s1 =	sshll.u32 s1, $0x11  }
0xbb: {  	s0 =	sor.u32 s1, s0  }
0xbc: {  	s0 =	sadd.s32 $0x8F2B, s0  }
0xbd: {  	[sflag:s0] =	ssyncadd.remote.s32 $0x1  }
0xbe: {  	_ =	sfence.sel $0xFFFF  }
0xbf: {  	[dreg:$0x0] =	wrdreg $0xFFFFFFFF;
	(pc) =	sbr.abs _section_cstart, $3  }
0xc0: {  	[dreg:$0x1] =	wrdreg $0xFFFFFFFF  }
0xc1: {  	_ =	task.clear_ibuf [dreg:s7], $0x2FFFF;
	_ =	strace $0x9FFFFFFF  }
0xc2: {  	(tm) =	ssettm $0x7FFFFFFF  }
0xc3: {  	_ =	shalt  }
tec
execute0_lowered:
.L_overlay_start_1:
0x0: {  	(tag) =	ssettag $0x1  }
0x1: {  	s4 =	rddreg [dreg:$0x0]  }
0x2: {  	s7 =	rddreg [dreg:$0x1]  }
0x3: {  	s0 =	rddreg [dreg:$0x2];
	s3 =	srdreg.scid  }
0x4: {  	s2 =	simm.s32 $0x0;
	s1 =	stileid.u32;
	s10 =	simm.s32 $0x80  }
0x5: {  	s11 =	simm.s32 $0x100;
	s12 =	simm.s32 $0x4100;
	s13 =	simm.s32 $0x8100  }
0x6: {  	s14 =	simm.s32 $0x0;
	s3 =	sand.u32 $0x1, s3;
	[smem:$0x7FF] =	sst s2  }
0x7: {  	v0 =	vlaneseq.u32;
	s6 =	sshll.u32 s1, $0x4;
	s5 =	sshll.u32 s3, $0x8;
	_ =	strace $0x8000004D  }
0x8: {  	v0 =	vmul.u32 $0x80, v0;
	s31 =	ssub.s32 $0x2, s3;
	s3 =	sadd.s32 $0x30C00, s4;
	s8 =	sor.u32 s6, s5  }
0x9: {  	s9 =	sshrl.u32 s31, $0x1;
	s6 =	sadd.s32 s8, s4;
	s4 =	sadd.s32 $0x9A00, s4  }
0xa: {  	v1 =	vor.u32 $0x800, v0;
	v2 =	vor.u32 $0x1000, v0;
	v3 =	vor.u32 $0x1800, v0;
	s9 =	ssub.s32 s31, s9;
	s7 =	sadd.s32 s7, s8;
	s5 =	sadd.s32 $0x143200, s6  }
0xb: {  	v4 =	vor.u32 $0x2000, v0;
	v5 =	vor.u32 $0x2800, v0;
	v6 =	vor.u32 $0x3000, v0;
	s6 =	sadd.s32 $0x143000, s6;
	s8 =	smax.u32 s9, $0x1;
	s9 =	simm.s32 $0x1  }
.LBB2_1:
0xc: {  	[tilespmem:s2], [sflag:$0x1] =	stream.linear.gather [hbm4b:s5+s2], $0x80, $0x38;
	[tilespmem:$0x8180] =	vst v63  }
0xd: {  	_ =	swait.ge [sflag:s9], $0x80  }
0xe: {  	[sflag:s9] =	ssyncset.done $0x0  }
0xf: {  	[sflag:s9] =	ssyncadd.s32 $0xFFFFFF80  }
0x10: {  	[tilespmem:s10], [sflag:$0x1] =	stream.linear.gather [hbm4b:s6+s2], $0x80, $0x38;
	[tilespmem:$0x8180] =	vst v63  }
0x11: {  	_ =	swait.ge [sflag:s9], $0x80  }
0x12: {  	[sflag:s9] =	ssyncset.done $0x0  }
0x13: {  	[sflag:s9] =	ssyncadd.s32 $0xFFFFFF80  }
0x14: {  	[tilespmem:s11], [sflag:$0x1] =	stream.indirect.gather [hbm4b:s3+s10], $0x80, s2, s10, $0xb8;
	[tilespmem:$0x8180] =	vst v63  }
0x15: {  	v7 =	vimm.s32 $0x0;
	_ =	swait.ge [sflag:s9], $0x4000  }
0x16: {  	v8 =	vand.u32 $0xFFFFFFFC, v7;
	[sflag:s9] =	ssyncset.done $0x0  }
0x17: {  	v8 =	vadd.s32 v0, v8;
	[sflag:s9] =	ssyncadd.s32 $0xFFFFC000  }
0x18: {  	[tilespmem:s12], [sflag:$0x1] =	stream.indirect.gather [hbm4b:s4+s10], $0x80, s10, s10, $0xb8;
	[tilespmem:$0x8180] =	vst v63  }
0x19: {  	v9 =	vor.u32 $0x1, v8;
	_ =	swait.ge [sflag:s9], $0x4000  }
0x1a: {  	[sflag:s9] =	ssyncset.done $0x0  }
0x1b: {  	v10 =	vor.u32 $0x2, v8;
	[sflag:s9] =	ssyncadd.s32 $0xFFFFC000  }
0x1c: {  	v13 =	vadd.s32 $0x4, v7;
	v11 =	vld.idx.msk [tilespmem:v8+s11+$0x0], $0xffff  }
0x1d: {  	v7 =	vand.u32 $0xFFFFFFFC, v13;
	v14 =	vor.u32 $0x3, v8;
	v12 =	vld.idx.msk [tilespmem:v8+s12+$0x0], $0xffff  }
0x1e: {  	v17 =	vadd.s32 v0, v7;
	v18 =	vld.idx.msk [tilespmem:v9+s11+$0x0], $0xffff  }
0x1f: {  	v19 =	vld.idx.msk [tilespmem:v9+s12+$0x0], $0xffff  }
0x20: {  	v8 =	vld.idx.msk [tilespmem:v10+s11+$0x0], $0xffff  }
0x21: {  	v15 =	vor.u32 $0x1, v17;
	v10 =	vld.idx.msk [tilespmem:v10+s12+$0x0], $0xffff  }
0x22: {  	v7 =	vld.idx.msk [tilespmem:v14+s11+$0x0], $0xffff  }
0x23: {  	v9 =	vld.idx.msk [tilespmem:v17+s11+$0x0], $0xffff;
	v21 =	vmul.f32 v12, v11;
	v12 =	vor.u32 $0x2, v17  }
0x24: {  	v20 =	vimm.f32 $0.0e+00;
	v16 =	vadd.s32 $0x4, v13;
	v11 =	vld.idx.msk [tilespmem:v14+s12+$0x0], $0xffff  }
0x25: {  	s15 =	simm.s32 $0x4;
	v13 =	vor.u32 $0x3, v17;
	v14 =	vld.idx.msk [tilespmem:v17+s12+$0x0], $0xffff;
	v18 =	vmul.f32 v19, v18;
	v17 =	vadd.f32 v21, v20  }
.LBB2_2:
0x26: {  	v19 =	vand.u32 $0xFFFFFFFC, v16;
	v20 =	vld.idx.msk [tilespmem:v15+s11+$0x0], $0xffff  }
0x27: {  	s15 =	sadd.s32 $0x4, s15;
	v19 =	vadd.s32 v0, v19;
	v21 =	vld.idx.msk [tilespmem:v15+s12+$0x0], $0xffff;
	v17 =	vadd.f32 v18, v17;
	v18 =	vmul.f32 v10, v8  }
0x28: {  	p0 =	slt.u32 s15, $0x3C;
	v8 =	vld.idx.msk [tilespmem:v12+s11+$0x0], $0xffff  }
.Ltmp0:
0x29: {  	v15 =	vor.u32 $0x1, v19;
	v10 =	vld.idx.msk [tilespmem:v12+s12+$0x0], $0xffff;
	v17 =	vadd.f32 v18, v17;
	v18 =	vmul.f32 v11, v7;
	(pc) =	sbr.rel @p0 .LBB2_2-.Ltmp0, $4  }
0x2a: {  	v7 =	vld.idx.msk [tilespmem:v13+s11+$0x0], $0xffff  }
0x2b: {  	v12 =	vor.u32 $0x2, v19;
	v22 =	vmul.f32 v14, v9;
	v11 =	vld.idx.msk [tilespmem:v13+s12+$0x0], $0xffff;
	v17 =	vadd.f32 v18, v17  }
0x2c: {  	v16 =	vadd.s32 $0x4, v16;
	v9 =	vld.idx.msk [tilespmem:v19+s11+$0x0], $0xffff  }
0x2d: {  	v13 =	vor.u32 $0x3, v19;
	v18 =	vmul.f32 v21, v20;
	v14 =	vld.idx.msk [tilespmem:v19+s12+$0x0], $0xffff;
	v17 =	vadd.f32 v22, v17  }
0x2e: {  	_ =	sdelay $0x3  }
0x2f: {  	v16 =	vld.idx.msk [tilespmem:v15+s11+$0x0], $0xffff;
	v8 =	vmul.f32 v10, v8;
	v17 =	vadd.f32 v18, v17  }
0x30: {  	v10 =	vld.idx.msk [tilespmem:v15+s12+$0x0], $0xffff  }
0x31: {  	v15 =	vld.idx.msk [tilespmem:v12+s11+$0x0], $0xffff;
	v7 =	vmul.f32 v11, v7;
	v8 =	vadd.f32 v8, v17  }
0x32: {  	v11 =	vld.idx.msk [tilespmem:v12+s12+$0x0], $0xffff  }
0x33: {  	v12 =	vld.idx.msk [tilespmem:v13+s11+$0x0], $0xffff;
	v9 =	vmul.f32 v14, v9;
	v7 =	vadd.f32 v7, v8  }
0x34: {  	v8 =	vld.idx.msk [tilespmem:v13+s12+$0x0], $0xffff  }
0x35: {  	v7 =	vadd.f32 v9, v7;
	v9 =	vmul.f32 v10, v16;
	_ =	sdelay $0x1  }
0x36: {  	v7 =	vadd.f32 v9, v7;
	v9 =	vmul.f32 v11, v15;
	_ =	sdelay $0x1  }
0x37: {  	v8 =	vmul.f32 v8, v12;
	v7 =	vadd.f32 v9, v7;
	v9 =	vimm.s32 $0x0  }
0x38: {  	v10 =	vand.u32 $0xFFFFFFFC, v9  }
0x39: {  	v7 =	vadd.f32 v8, v7;
	v8 =	vadd.s32 v1, v10;
	_ =	sdelay $0x1  }
0x3a: {  	v10 =	vor.u32 $0x1, v8;
	v7 =	vmax.f32 v7, $-1.000000000e+01  }
0x3b: {  	v7 =	vmin.f32 v7, $1.000000000e+01  }
0x3c: {  	[tilespmem:$0x8100] =	vst v7;
	v7 =	vor.u32 $0x2, v8  }
0x3d: {  	v11 =	vld.idx.msk [tilespmem:v8+s11+$0x0], $0xffff  }
0x3e: {  	v13 =	vadd.s32 $0x4, v9;
	v12 =	vor.u32 $0x3, v8;
	v9 =	vld.idx.msk [tilespmem:v8+s12+$0x0], $0xffff  }
0x3f: {  	v8 =	vand.u32 $0xFFFFFFFC, v13;
	v18 =	vld.idx.msk [tilespmem:v10+s11+$0x0], $0xffff  }
0x40: {  	v17 =	vadd.s32 v1, v8;
	v19 =	vld.idx.msk [tilespmem:v10+s12+$0x0], $0xffff  }
0x41: {  	v8 =	vld.idx.msk [tilespmem:v7+s11+$0x0], $0xffff  }
0x42: {  	v15 =	vor.u32 $0x1, v17;
	v10 =	vld.idx.msk [tilespmem:v7+s12+$0x0], $0xffff  }
0x43: {  	v7 =	vld.idx.msk [tilespmem:v12+s11+$0x0], $0xffff  }
0x44: {  	v21 =	vmul.f32 v9, v11;
	v11 =	vld.idx.msk [tilespmem:v12+s12+$0x0], $0xffff;
	v12 =	vor.u32 $0x2, v17  }
0x45: {  	v20 =	vimm.f32 $0.0e+00;
	v16 =	vadd.s32 $0x4, v13;
	v9 =	vld.idx.msk [tilespmem:v17+s11+$0x0], $0xffff  }
0x46: {  	s15 =	simm.s32 $0x4;
	v13 =	vor.u32 $0x3, v17;
	v14 =	vld.idx.msk [tilespmem:v17+s12+$0x0], $0xffff;
	v18 =	vmul.f32 v19, v18;
	v17 =	vadd.f32 v21, v20  }
.LBB2_4:
0x47: {  	v19 =	vand.u32 $0xFFFFFFFC, v16;
	v20 =	vld.idx.msk [tilespmem:v15+s11+$0x0], $0xffff  }
0x48: {  	s15 =	sadd.s32 $0x4, s15;
	v19 =	vadd.s32 v1, v19;
	v21 =	vld.idx.msk [tilespmem:v15+s12+$0x0], $0xffff;
	v17 =	vadd.f32 v18, v17;
	v18 =	vmul.f32 v10, v8  }
0x49: {  	p0 =	slt.u32 s15, $0x3C;
	v8 =	vld.idx.msk [tilespmem:v12+s11+$0x0], $0xffff  }
.Ltmp1:
0x4a: {  	v15 =	vor.u32 $0x1, v19;
	v10 =	vld.idx.msk [tilespmem:v12+s12+$0x0], $0xffff;
	v17 =	vadd.f32 v18, v17;
	v18 =	vmul.f32 v11, v7;
	(pc) =	sbr.rel @p0 .LBB2_4-.Ltmp1, $4  }
0x4b: {  	v7 =	vld.idx.msk [tilespmem:v13+s11+$0x0], $0xffff  }
0x4c: {  	v12 =	vor.u32 $0x2, v19;
	v22 =	vmul.f32 v14, v9;
	v11 =	vld.idx.msk [tilespmem:v13+s12+$0x0], $0xffff;
	v17 =	vadd.f32 v18, v17  }
0x4d: {  	v16 =	vadd.s32 $0x4, v16;
	v9 =	vld.idx.msk [tilespmem:v19+s11+$0x0], $0xffff  }
0x4e: {  	v13 =	vor.u32 $0x3, v19;
	v18 =	vmul.f32 v21, v20;
	v14 =	vld.idx.msk [tilespmem:v19+s12+$0x0], $0xffff;
	v17 =	vadd.f32 v22, v17  }
0x4f: {  	_ =	sdelay $0x3  }
0x50: {  	v16 =	vld.idx.msk [tilespmem:v15+s11+$0x0], $0xffff;
	v8 =	vmul.f32 v10, v8;
	v17 =	vadd.f32 v18, v17  }
0x51: {  	v10 =	vld.idx.msk [tilespmem:v15+s12+$0x0], $0xffff  }
0x52: {  	v15 =	vld.idx.msk [tilespmem:v12+s11+$0x0], $0xffff;
	v7 =	vmul.f32 v11, v7;
	v8 =	vadd.f32 v8, v17  }
0x53: {  	v11 =	vld.idx.msk [tilespmem:v12+s12+$0x0], $0xffff  }
0x54: {  	v12 =	vld.idx.msk [tilespmem:v13+s11+$0x0], $0xffff;
	v9 =	vmul.f32 v14, v9;
	v7 =	vadd.f32 v7, v8  }
0x55: {  	v8 =	vld.idx.msk [tilespmem:v13+s12+$0x0], $0xffff  }
0x56: {  	v7 =	vadd.f32 v9, v7;
	v9 =	vmul.f32 v10, v16;
	_ =	sdelay $0x1  }
0x57: {  	v7 =	vadd.f32 v9, v7;
	v9 =	vmul.f32 v11, v15;
	_ =	sdelay $0x1  }
0x58: {  	v8 =	vmul.f32 v8, v12;
	v7 =	vadd.f32 v9, v7;
	v9 =	vimm.s32 $0x0  }
0x59: {  	v10 =	vand.u32 $0xFFFFFFFC, v9  }
0x5a: {  	v7 =	vadd.f32 v8, v7;
	v8 =	vadd.s32 v2, v10;
	_ =	sdelay $0x1  }
0x5b: {  	v10 =	vor.u32 $0x1, v8;
	v7 =	vmax.f32 v7, $-1.000000000e+01  }
0x5c: {  	v7 =	vmin.f32 v7, $1.000000000e+01  }
0x5d: {  	[tilespmem:$0x8110] =	vst v7;
	v7 =	vor.u32 $0x2, v8  }
0x5e: {  	v11 =	vld.idx.msk [tilespmem:v8+s11+$0x0], $0xffff  }
0x5f: {  	v13 =	vadd.s32 $0x4, v9;
	v12 =	vor.u32 $0x3, v8;
	v9 =	vld.idx.msk [tilespmem:v8+s12+$0x0], $0xffff  }
0x60: {  	v8 =	vand.u32 $0xFFFFFFFC, v13;
	v18 =	vld.idx.msk [tilespmem:v10+s11+$0x0], $0xffff  }
0x61: {  	v17 =	vadd.s32 v2, v8;
	v19 =	vld.idx.msk [tilespmem:v10+s12+$0x0], $0xffff  }
0x62: {  	v8 =	vld.idx.msk [tilespmem:v7+s11+$0x0], $0xffff  }
0x63: {  	v15 =	vor.u32 $0x1, v17;
	v10 =	vld.idx.msk [tilespmem:v7+s12+$0x0], $0xffff  }
0x64: {  	v7 =	vld.idx.msk [tilespmem:v12+s11+$0x0], $0xffff  }
0x65: {  	v21 =	vmul.f32 v9, v11;
	v11 =	vld.idx.msk [tilespmem:v12+s12+$0x0], $0xffff;
	v12 =	vor.u32 $0x2, v17  }
0x66: {  	v20 =	vimm.f32 $0.0e+00;
	v16 =	vadd.s32 $0x4, v13;
	v9 =	vld.idx.msk [tilespmem:v17+s11+$0x0], $0xffff  }
0x67: {  	s15 =	simm.s32 $0x4;
	v13 =	vor.u32 $0x3, v17;
	v14 =	vld.idx.msk [tilespmem:v17+s12+$0x0], $0xffff;
	v18 =	vmul.f32 v19, v18;
	v17 =	vadd.f32 v21, v20  }
.LBB2_6:
0x68: {  	v19 =	vand.u32 $0xFFFFFFFC, v16;
	v20 =	vld.idx.msk [tilespmem:v15+s11+$0x0], $0xffff  }
0x69: {  	s15 =	sadd.s32 $0x4, s15;
	v19 =	vadd.s32 v2, v19;
	v21 =	vld.idx.msk [tilespmem:v15+s12+$0x0], $0xffff;
	v17 =	vadd.f32 v18, v17;
	v18 =	vmul.f32 v10, v8  }
0x6a: {  	p0 =	slt.u32 s15, $0x3C;
	v8 =	vld.idx.msk [tilespmem:v12+s11+$0x0], $0xffff  }
.Ltmp2:
0x6b: {  	v15 =	vor.u32 $0x1, v19;
	v10 =	vld.idx.msk [tilespmem:v12+s12+$0x0], $0xffff;
	v17 =	vadd.f32 v18, v17;
	v18 =	vmul.f32 v11, v7;
	(pc) =	sbr.rel @p0 .LBB2_6-.Ltmp2, $4  }
0x6c: {  	v7 =	vld.idx.msk [tilespmem:v13+s11+$0x0], $0xffff  }
0x6d: {  	v12 =	vor.u32 $0x2, v19;
	v22 =	vmul.f32 v14, v9;
	v11 =	vld.idx.msk [tilespmem:v13+s12+$0x0], $0xffff;
	v17 =	vadd.f32 v18, v17  }
0x6e: {  	v16 =	vadd.s32 $0x4, v16;
	v9 =	vld.idx.msk [tilespmem:v19+s11+$0x0], $0xffff  }
0x6f: {  	v13 =	vor.u32 $0x3, v19;
	v18 =	vmul.f32 v21, v20;
	v14 =	vld.idx.msk [tilespmem:v19+s12+$0x0], $0xffff;
	v17 =	vadd.f32 v22, v17  }
0x70: {  	_ =	sdelay $0x3  }
0x71: {  	v16 =	vld.idx.msk [tilespmem:v15+s11+$0x0], $0xffff;
	v8 =	vmul.f32 v10, v8;
	v17 =	vadd.f32 v18, v17  }
0x72: {  	v10 =	vld.idx.msk [tilespmem:v15+s12+$0x0], $0xffff  }
0x73: {  	v15 =	vld.idx.msk [tilespmem:v12+s11+$0x0], $0xffff;
	v7 =	vmul.f32 v11, v7;
	v8 =	vadd.f32 v8, v17  }
0x74: {  	v11 =	vld.idx.msk [tilespmem:v12+s12+$0x0], $0xffff  }
0x75: {  	v12 =	vld.idx.msk [tilespmem:v13+s11+$0x0], $0xffff;
	v9 =	vmul.f32 v14, v9;
	v7 =	vadd.f32 v7, v8  }
0x76: {  	v8 =	vld.idx.msk [tilespmem:v13+s12+$0x0], $0xffff  }
0x77: {  	v7 =	vadd.f32 v9, v7;
	v9 =	vmul.f32 v10, v16;
	_ =	sdelay $0x1  }
0x78: {  	v7 =	vadd.f32 v9, v7;
	v9 =	vmul.f32 v11, v15;
	_ =	sdelay $0x1  }
0x79: {  	v8 =	vmul.f32 v8, v12;
	v7 =	vadd.f32 v9, v7;
	v9 =	vimm.s32 $0x0  }
0x7a: {  	v10 =	vand.u32 $0xFFFFFFFC, v9  }
0x7b: {  	v7 =	vadd.f32 v8, v7;
	v8 =	vadd.s32 v3, v10;
	_ =	sdelay $0x1  }
0x7c: {  	v10 =	vor.u32 $0x1, v8;
	v7 =	vmax.f32 v7, $-1.000000000e+01  }
0x7d: {  	v7 =	vmin.f32 v7, $1.000000000e+01  }
0x7e: {  	[tilespmem:$0x8120] =	vst v7;
	v7 =	vor.u32 $0x2, v8  }
0x7f: {  	v11 =	vld.idx.msk [tilespmem:v8+s11+$0x0], $0xffff  }
0x80: {  	v13 =	vadd.s32 $0x4, v9;
	v12 =	vor.u32 $0x3, v8;
	v9 =	vld.idx.msk [tilespmem:v8+s12+$0x0], $0xffff  }
0x81: {  	v8 =	vand.u32 $0xFFFFFFFC, v13;
	v18 =	vld.idx.msk [tilespmem:v10+s11+$0x0], $0xffff  }
0x82: {  	v17 =	vadd.s32 v3, v8;
	v19 =	vld.idx.msk [tilespmem:v10+s12+$0x0], $0xffff  }
0x83: {  	v8 =	vld.idx.msk [tilespmem:v7+s11+$0x0], $0xffff  }
0x84: {  	v15 =	vor.u32 $0x1, v17;
	v10 =	vld.idx.msk [tilespmem:v7+s12+$0x0], $0xffff  }
0x85: {  	v7 =	vld.idx.msk [tilespmem:v12+s11+$0x0], $0xffff  }
0x86: {  	v21 =	vmul.f32 v9, v11;
	v11 =	vld.idx.msk [tilespmem:v12+s12+$0x0], $0xffff;
	v12 =	vor.u32 $0x2, v17  }
0x87: {  	v20 =	vimm.f32 $0.0e+00;
	v16 =	vadd.s32 $0x4, v13;
	v9 =	vld.idx.msk [tilespmem:v17+s11+$0x0], $0xffff  }
0x88: {  	s15 =	simm.s32 $0x4;
	v13 =	vor.u32 $0x3, v17;
	v14 =	vld.idx.msk [tilespmem:v17+s12+$0x0], $0xffff;
	v18 =	vmul.f32 v19, v18;
	v17 =	vadd.f32 v21, v20  }
.LBB2_8:
0x89: {  	v19 =	vand.u32 $0xFFFFFFFC, v16;
	v20 =	vld.idx.msk [tilespmem:v15+s11+$0x0], $0xffff  }
0x8a: {  	s15 =	sadd.s32 $0x4, s15;
	v19 =	vadd.s32 v3, v19;
	v21 =	vld.idx.msk [tilespmem:v15+s12+$0x0], $0xffff;
	v17 =	vadd.f32 v18, v17;
	v18 =	vmul.f32 v10, v8  }
0x8b: {  	p0 =	slt.u32 s15, $0x3C;
	v8 =	vld.idx.msk [tilespmem:v12+s11+$0x0], $0xffff  }
.Ltmp3:
0x8c: {  	v15 =	vor.u32 $0x1, v19;
	v10 =	vld.idx.msk [tilespmem:v12+s12+$0x0], $0xffff;
	v17 =	vadd.f32 v18, v17;
	v18 =	vmul.f32 v11, v7;
	(pc) =	sbr.rel @p0 .LBB2_8-.Ltmp3, $4  }
0x8d: {  	v7 =	vld.idx.msk [tilespmem:v13+s11+$0x0], $0xffff  }
0x8e: {  	v12 =	vor.u32 $0x2, v19;
	v22 =	vmul.f32 v14, v9;
	v11 =	vld.idx.msk [tilespmem:v13+s12+$0x0], $0xffff;
	v17 =	vadd.f32 v18, v17  }
0x8f: {  	v16 =	vadd.s32 $0x4, v16;
	v9 =	vld.idx.msk [tilespmem:v19+s11+$0x0], $0xffff  }
0x90: {  	v13 =	vor.u32 $0x3, v19;
	v18 =	vmul.f32 v21, v20;
	v14 =	vld.idx.msk [tilespmem:v19+s12+$0x0], $0xffff;
	v17 =	vadd.f32 v22, v17  }
0x91: {  	_ =	sdelay $0x3  }
0x92: {  	v16 =	vld.idx.msk [tilespmem:v15+s11+$0x0], $0xffff;
	v8 =	vmul.f32 v10, v8;
	v17 =	vadd.f32 v18, v17  }
0x93: {  	v10 =	vld.idx.msk [tilespmem:v15+s12+$0x0], $0xffff  }
0x94: {  	v15 =	vld.idx.msk [tilespmem:v12+s11+$0x0], $0xffff;
	v7 =	vmul.f32 v11, v7;
	v8 =	vadd.f32 v8, v17  }
0x95: {  	v11 =	vld.idx.msk [tilespmem:v12+s12+$0x0], $0xffff  }
0x96: {  	v12 =	vld.idx.msk [tilespmem:v13+s11+$0x0], $0xffff;
	v9 =	vmul.f32 v14, v9;
	v7 =	vadd.f32 v7, v8  }
0x97: {  	v8 =	vld.idx.msk [tilespmem:v13+s12+$0x0], $0xffff  }
0x98: {  	v7 =	vadd.f32 v9, v7;
	v9 =	vmul.f32 v10, v16;
	_ =	sdelay $0x1  }
0x99: {  	v7 =	vadd.f32 v9, v7;
	v9 =	vmul.f32 v11, v15;
	_ =	sdelay $0x1  }
0x9a: {  	v8 =	vmul.f32 v8, v12;
	v7 =	vadd.f32 v9, v7;
	v9 =	vimm.s32 $0x0  }
0x9b: {  	v10 =	vand.u32 $0xFFFFFFFC, v9  }
0x9c: {  	v7 =	vadd.f32 v8, v7;
	v8 =	vadd.s32 v4, v10;
	_ =	sdelay $0x1  }
0x9d: {  	v10 =	vor.u32 $0x1, v8;
	v7 =	vmax.f32 v7, $-1.000000000e+01  }
0x9e: {  	v7 =	vmin.f32 v7, $1.000000000e+01  }
0x9f: {  	[tilespmem:$0x8130] =	vst v7;
	v7 =	vor.u32 $0x2, v8  }
0xa0: {  	v11 =	vld.idx.msk [tilespmem:v8+s11+$0x0], $0xffff  }
0xa1: {  	v13 =	vadd.s32 $0x4, v9;
	v12 =	vor.u32 $0x3, v8;
	v9 =	vld.idx.msk [tilespmem:v8+s12+$0x0], $0xffff  }
0xa2: {  	v8 =	vand.u32 $0xFFFFFFFC, v13;
	v18 =	vld.idx.msk [tilespmem:v10+s11+$0x0], $0xffff  }
0xa3: {  	v17 =	vadd.s32 v4, v8;
	v19 =	vld.idx.msk [tilespmem:v10+s12+$0x0], $0xffff  }
0xa4: {  	v8 =	vld.idx.msk [tilespmem:v7+s11+$0x0], $0xffff  }
0xa5: {  	v15 =	vor.u32 $0x1, v17;
	v10 =	vld.idx.msk [tilespmem:v7+s12+$0x0], $0xffff  }
0xa6: {  	v7 =	vld.idx.msk [tilespmem:v12+s11+$0x0], $0xffff  }
0xa7: {  	v21 =	vmul.f32 v9, v11;
	v11 =	vld.idx.msk [tilespmem:v12+s12+$0x0], $0xffff;
	v12 =	vor.u32 $0x2, v17  }
0xa8: {  	v20 =	vimm.f32 $0.0e+00;
	v16 =	vadd.s32 $0x4, v13;
	v9 =	vld.idx.msk [tilespmem:v17+s11+$0x0], $0xffff  }
0xa9: {  	s15 =	simm.s32 $0x4;
	v13 =	vor.u32 $0x3, v17;
	v14 =	vld.idx.msk [tilespmem:v17+s12+$0x0], $0xffff;
	v18 =	vmul.f32 v19, v18;
	v17 =	vadd.f32 v21, v20  }
.LBB2_10:
0xaa: {  	v19 =	vand.u32 $0xFFFFFFFC, v16;
	v20 =	vld.idx.msk [tilespmem:v15+s11+$0x0], $0xffff  }
0xab: {  	s15 =	sadd.s32 $0x4, s15;
	v19 =	vadd.s32 v4, v19;
	v21 =	vld.idx.msk [tilespmem:v15+s12+$0x0], $0xffff;
	v17 =	vadd.f32 v18, v17;
	v18 =	vmul.f32 v10, v8  }
0xac: {  	p0 =	slt.u32 s15, $0x3C;
	v8 =	vld.idx.msk [tilespmem:v12+s11+$0x0], $0xffff  }
.Ltmp4:
0xad: {  	v15 =	vor.u32 $0x1, v19;
	v10 =	vld.idx.msk [tilespmem:v12+s12+$0x0], $0xffff;
	v17 =	vadd.f32 v18, v17;
	v18 =	vmul.f32 v11, v7;
	(pc) =	sbr.rel @p0 .LBB2_10-.Ltmp4, $4  }
0xae: {  	v7 =	vld.idx.msk [tilespmem:v13+s11+$0x0], $0xffff  }
0xaf: {  	v12 =	vor.u32 $0x2, v19;
	v22 =	vmul.f32 v14, v9;
	v11 =	vld.idx.msk [tilespmem:v13+s12+$0x0], $0xffff;
	v17 =	vadd.f32 v18, v17  }
0xb0: {  	v16 =	vadd.s32 $0x4, v16;
	v9 =	vld.idx.msk [tilespmem:v19+s11+$0x0], $0xffff  }
0xb1: {  	v13 =	vor.u32 $0x3, v19;
	v18 =	vmul.f32 v21, v20;
	v14 =	vld.idx.msk [tilespmem:v19+s12+$0x0], $0xffff;
	v17 =	vadd.f32 v22, v17  }
0xb2: {  	_ =	sdelay $0x3  }
0xb3: {  	v16 =	vld.idx.msk [tilespmem:v15+s11+$0x0], $0xffff;
	v8 =	vmul.f32 v10, v8;
	v17 =	vadd.f32 v18, v17  }
0xb4: {  	v10 =	vld.idx.msk [tilespmem:v15+s12+$0x0], $0xffff  }
0xb5: {  	v15 =	vld.idx.msk [tilespmem:v12+s11+$0x0], $0xffff;
	v7 =	vmul.f32 v11, v7;
	v8 =	vadd.f32 v8, v17  }
0xb6: {  	v11 =	vld.idx.msk [tilespmem:v12+s12+$0x0], $0xffff  }
0xb7: {  	v12 =	vld.idx.msk [tilespmem:v13+s11+$0x0], $0xffff;
	v9 =	vmul.f32 v14, v9;
	v7 =	vadd.f32 v7, v8  }
0xb8: {  	v8 =	vld.idx.msk [tilespmem:v13+s12+$0x0], $0xffff  }
0xb9: {  	v7 =	vadd.f32 v9, v7;
	v9 =	vmul.f32 v10, v16;
	_ =	sdelay $0x1  }
0xba: {  	v7 =	vadd.f32 v9, v7;
	v9 =	vmul.f32 v11, v15;
	_ =	sdelay $0x1  }
0xbb: {  	v8 =	vmul.f32 v8, v12;
	v7 =	vadd.f32 v9, v7;
	v9 =	vimm.s32 $0x0  }
0xbc: {  	v10 =	vand.u32 $0xFFFFFFFC, v9  }
0xbd: {  	v7 =	vadd.f32 v8, v7;
	v8 =	vadd.s32 v5, v10;
	_ =	sdelay $0x1  }
0xbe: {  	v10 =	vor.u32 $0x1, v8;
	v7 =	vmax.f32 v7, $-1.000000000e+01  }
0xbf: {  	v7 =	vmin.f32 v7, $1.000000000e+01  }
0xc0: {  	[tilespmem:$0x8140] =	vst v7;
	v7 =	vor.u32 $0x2, v8  }
0xc1: {  	v11 =	vld.idx.msk [tilespmem:v8+s11+$0x0], $0xffff  }
0xc2: {  	v13 =	vadd.s32 $0x4, v9;
	v12 =	vor.u32 $0x3, v8;
	v9 =	vld.idx.msk [tilespmem:v8+s12+$0x0], $0xffff  }
0xc3: {  	v8 =	vand.u32 $0xFFFFFFFC, v13;
	v18 =	vld.idx.msk [tilespmem:v10+s11+$0x0], $0xffff  }
0xc4: {  	v17 =	vadd.s32 v5, v8;
	v19 =	vld.idx.msk [tilespmem:v10+s12+$0x0], $0xffff  }
0xc5: {  	v8 =	vld.idx.msk [tilespmem:v7+s11+$0x0], $0xffff  }
0xc6: {  	v15 =	vor.u32 $0x1, v17;
	v10 =	vld.idx.msk [tilespmem:v7+s12+$0x0], $0xffff  }
0xc7: {  	v7 =	vld.idx.msk [tilespmem:v12+s11+$0x0], $0xffff  }
0xc8: {  	v21 =	vmul.f32 v9, v11;
	v11 =	vld.idx.msk [tilespmem:v12+s12+$0x0], $0xffff;
	v12 =	vor.u32 $0x2, v17  }
0xc9: {  	v20 =	vimm.f32 $0.0e+00;
	v16 =	vadd.s32 $0x4, v13;
	v9 =	vld.idx.msk [tilespmem:v17+s11+$0x0], $0xffff  }
0xca: {  	s15 =	simm.s32 $0x4;
	v13 =	vor.u32 $0x3, v17;
	v14 =	vld.idx.msk [tilespmem:v17+s12+$0x0], $0xffff;
	v18 =	vmul.f32 v19, v18;
	v17 =	vadd.f32 v21, v20  }
.LBB2_12:
0xcb: {  	v19 =	vand.u32 $0xFFFFFFFC, v16;
	v20 =	vld.idx.msk [tilespmem:v15+s11+$0x0], $0xffff  }
0xcc: {  	s15 =	sadd.s32 $0x4, s15;
	v19 =	vadd.s32 v5, v19;
	v21 =	vld.idx.msk [tilespmem:v15+s12+$0x0], $0xffff;
	v17 =	vadd.f32 v18, v17;
	v18 =	vmul.f32 v10, v8  }
0xcd: {  	p0 =	slt.u32 s15, $0x3C;
	v8 =	vld.idx.msk [tilespmem:v12+s11+$0x0], $0xffff  }
.Ltmp5:
0xce: {  	v15 =	vor.u32 $0x1, v19;
	v10 =	vld.idx.msk [tilespmem:v12+s12+$0x0], $0xffff;
	v17 =	vadd.f32 v18, v17;
	v18 =	vmul.f32 v11, v7;
	(pc) =	sbr.rel @p0 .LBB2_12-.Ltmp5, $4  }
0xcf: {  	v7 =	vld.idx.msk [tilespmem:v13+s11+$0x0], $0xffff  }
0xd0: {  	v12 =	vor.u32 $0x2, v19;
	v22 =	vmul.f32 v14, v9;
	v11 =	vld.idx.msk [tilespmem:v13+s12+$0x0], $0xffff;
	v17 =	vadd.f32 v18, v17  }
0xd1: {  	v16 =	vadd.s32 $0x4, v16;
	v9 =	vld.idx.msk [tilespmem:v19+s11+$0x0], $0xffff  }
0xd2: {  	v13 =	vor.u32 $0x3, v19;
	v18 =	vmul.f32 v21, v20;
	v14 =	vld.idx.msk [tilespmem:v19+s12+$0x0], $0xffff;
	v17 =	vadd.f32 v22, v17  }
0xd3: {  	_ =	sdelay $0x3  }
0xd4: {  	v16 =	vld.idx.msk [tilespmem:v15+s11+$0x0], $0xffff;
	v8 =	vmul.f32 v10, v8;
	v17 =	vadd.f32 v18, v17  }
0xd5: {  	v10 =	vld.idx.msk [tilespmem:v15+s12+$0x0], $0xffff  }
0xd6: {  	v15 =	vld.idx.msk [tilespmem:v12+s11+$0x0], $0xffff;
	v7 =	vmul.f32 v11, v7;
	v8 =	vadd.f32 v8, v17  }
0xd7: {  	v11 =	vld.idx.msk [tilespmem:v12+s12+$0x0], $0xffff  }
0xd8: {  	v12 =	vld.idx.msk [tilespmem:v13+s11+$0x0], $0xffff;
	v9 =	vmul.f32 v14, v9;
	v7 =	vadd.f32 v7, v8  }
0xd9: {  	v8 =	vld.idx.msk [tilespmem:v13+s12+$0x0], $0xffff  }
0xda: {  	v7 =	vadd.f32 v9, v7;
	v9 =	vmul.f32 v10, v16;
	_ =	sdelay $0x1  }
0xdb: {  	v7 =	vadd.f32 v9, v7;
	v9 =	vmul.f32 v11, v15;
	_ =	sdelay $0x1  }
0xdc: {  	v8 =	vmul.f32 v8, v12;
	v7 =	vadd.f32 v9, v7;
	v9 =	vimm.s32 $0x0  }
0xdd: {  	v10 =	vand.u32 $0xFFFFFFFC, v9  }
0xde: {  	v7 =	vadd.f32 v8, v7;
	v8 =	vadd.s32 v6, v10;
	_ =	sdelay $0x1  }
0xdf: {  	v10 =	vor.u32 $0x1, v8;
	v7 =	vmax.f32 v7, $-1.000000000e+01  }
0xe0: {  	v7 =	vmin.f32 v7, $1.000000000e+01  }
0xe1: {  	[tilespmem:$0x8150] =	vst v7;
	v7 =	vor.u32 $0x2, v8  }
0xe2: {  	v11 =	vld.idx.msk [tilespmem:v8+s11+$0x0], $0xffff  }
0xe3: {  	v13 =	vadd.s32 $0x4, v9;
	v12 =	vor.u32 $0x3, v8;
	v9 =	vld.idx.msk [tilespmem:v8+s12+$0x0], $0xffff  }
0xe4: {  	v8 =	vand.u32 $0xFFFFFFFC, v13;
	v18 =	vld.idx.msk [tilespmem:v10+s11+$0x0], $0xffff  }
0xe5: {  	v17 =	vadd.s32 v6, v8;
	v19 =	vld.idx.msk [tilespmem:v10+s12+$0x0], $0xffff  }
0xe6: {  	v8 =	vld.idx.msk [tilespmem:v7+s11+$0x0], $0xffff  }
0xe7: {  	v15 =	vor.u32 $0x1, v17;
	v10 =	vld.idx.msk [tilespmem:v7+s12+$0x0], $0xffff  }
0xe8: {  	v7 =	vld.idx.msk [tilespmem:v12+s11+$0x0], $0xffff  }
0xe9: {  	v21 =	vmul.f32 v9, v11;
	v11 =	vld.idx.msk [tilespmem:v12+s12+$0x0], $0xffff;
	v12 =	vor.u32 $0x2, v17  }
0xea: {  	v20 =	vimm.f32 $0.0e+00;
	v16 =	vadd.s32 $0x4, v13;
	v9 =	vld.idx.msk [tilespmem:v17+s11+$0x0], $0xffff  }
0xeb: {  	s15 =	simm.s32 $0x4;
	v13 =	vor.u32 $0x3, v17;
	v14 =	vld.idx.msk [tilespmem:v17+s12+$0x0], $0xffff;
	v18 =	vmul.f32 v19, v18;
	v17 =	vadd.f32 v21, v20  }
.LBB2_14:
0xec: {  	v19 =	vand.u32 $0xFFFFFFFC, v16;
	v20 =	vld.idx.msk [tilespmem:v15+s11+$0x0], $0xffff  }
0xed: {  	s15 =	sadd.s32 $0x4, s15;
	v19 =	vadd.s32 v6, v19;
	v21 =	vld.idx.msk [tilespmem:v15+s12+$0x0], $0xffff;
	v17 =	vadd.f32 v18, v17;
	v18 =	vmul.f32 v10, v8  }
0xee: {  	p0 =	slt.u32 s15, $0x3C;
	v8 =	vld.idx.msk [tilespmem:v12+s11+$0x0], $0xffff  }
.Ltmp6:
0xef: {  	v15 =	vor.u32 $0x1, v19;
	v10 =	vld.idx.msk [tilespmem:v12+s12+$0x0], $0xffff;
	v17 =	vadd.f32 v18, v17;
	v18 =	vmul.f32 v11, v7;
	(pc) =	sbr.rel @p0 .LBB2_14-.Ltmp6, $4  }
0xf0: {  	v7 =	vld.idx.msk [tilespmem:v13+s11+$0x0], $0xffff  }
0xf1: {  	v12 =	vor.u32 $0x2, v19;
	v22 =	vmul.f32 v14, v9;
	v11 =	vld.idx.msk [tilespmem:v13+s12+$0x0], $0xffff;
	v17 =	vadd.f32 v18, v17  }
0xf2: {  	v16 =	vadd.s32 $0x4, v16;
	v9 =	vld.idx.msk [tilespmem:v19+s11+$0x0], $0xffff  }
0xf3: {  	v13 =	vor.u32 $0x3, v19;
	v18 =	vmul.f32 v21, v20;
	v14 =	vld.idx.msk [tilespmem:v19+s12+$0x0], $0xffff;
	v17 =	vadd.f32 v22, v17  }
0xf4: {  	_ =	sdelay $0x3  }
0xf5: {  	v16 =	vld.idx.msk [tilespmem:v15+s11+$0x0], $0xffff;
	v8 =	vmul.f32 v10, v8;
	v17 =	vadd.f32 v18, v17  }
0xf6: {  	v10 =	vld.idx.msk [tilespmem:v15+s12+$0x0], $0xffff  }
0xf7: {  	v15 =	vld.idx.msk [tilespmem:v12+s11+$0x0], $0xffff;
	v7 =	vmul.f32 v11, v7;
	v8 =	vadd.f32 v8, v17  }
0xf8: {  	v11 =	vld.idx.msk [tilespmem:v12+s12+$0x0], $0xffff  }
0xf9: {  	v12 =	vld.idx.msk [tilespmem:v13+s11+$0x0], $0xffff;
	v9 =	vmul.f32 v14, v9;
	v7 =	vadd.f32 v7, v8  }
0xfa: {  	v8 =	vld.idx.msk [tilespmem:v13+s12+$0x0], $0xffff  }
0xfb: {  	v7 =	vadd.f32 v9, v7;
	v9 =	vmul.f32 v10, v16;
	_ =	sdelay $0x1  }
0xfc: {  	v7 =	vadd.f32 v9, v7;
	v9 =	vmul.f32 v11, v15;
	_ =	sdelay $0x1  }
0xfd: {  	v10 =	vimm.s32 $0x0;
	v8 =	vmul.f32 v8, v12;
	v9 =	vadd.f32 v9, v7  }
0xfe: {  	v11 =	vand.u32 $0xFFFFFFFC, v10;
	v7 =	vor.u32 $0x3800, v0  }
0xff: {  	v8 =	vadd.f32 v8, v9;
	v9 =	vadd.s32 v7, v11;
	_ =	sdelay $0x1  }
0x100: {  	v11 =	vor.u32 $0x1, v9;
	v8 =	vmax.f32 v8, $-1.000000000e+01  }
0x101: {  	v8 =	vmin.f32 v8, $1.000000000e+01  }
0x102: {  	[tilespmem:$0x8160] =	vst v8;
	v8 =	vor.u32 $0x2, v9  }
0x103: {  	v12 =	vld.idx.msk [tilespmem:v9+s11+$0x0], $0xffff  }
0x104: {  	v14 =	vadd.s32 $0x4, v10;
	v13 =	vor.u32 $0x3, v9;
	v10 =	vld.idx.msk [tilespmem:v9+s12+$0x0], $0xffff  }
0x105: {  	v9 =	vand.u32 $0xFFFFFFFC, v14;
	v19 =	vld.idx.msk [tilespmem:v11+s11+$0x0], $0xffff  }
0x106: {  	v18 =	vadd.s32 v7, v9;
	v20 =	vld.idx.msk [tilespmem:v11+s12+$0x0], $0xffff  }
0x107: {  	v9 =	vld.idx.msk [tilespmem:v8+s11+$0x0], $0xffff  }
0x108: {  	v16 =	vor.u32 $0x1, v18;
	v11 =	vld.idx.msk [tilespmem:v8+s12+$0x0], $0xffff  }
0x109: {  	v8 =	vld.idx.msk [tilespmem:v13+s11+$0x0], $0xffff  }
0x10a: {  	v22 =	vmul.f32 v10, v12;
	v12 =	vld.idx.msk [tilespmem:v13+s12+$0x0], $0xffff;
	v13 =	vor.u32 $0x2, v18  }
0x10b: {  	v21 =	vimm.f32 $0.0e+00;
	v17 =	vadd.s32 $0x4, v14;
	v10 =	vld.idx.msk [tilespmem:v18+s11+$0x0], $0xffff  }
0x10c: {  	s15 =	simm.s32 $0x4;
	v14 =	vor.u32 $0x3, v18;
	v15 =	vld.idx.msk [tilespmem:v18+s12+$0x0], $0xffff;
	v19 =	vmul.f32 v20, v19;
	v18 =	vadd.f32 v22, v21  }
.LBB2_16:
0x10d: {  	v20 =	vand.u32 $0xFFFFFFFC, v17;
	v21 =	vld.idx.msk [tilespmem:v16+s11+$0x0], $0xffff  }
0x10e: {  	s15 =	sadd.s32 $0x4, s15;
	v20 =	vadd.s32 v7, v20;
	v22 =	vld.idx.msk [tilespmem:v16+s12+$0x0], $0xffff;
	v18 =	vadd.f32 v19, v18;
	v19 =	vmul.f32 v11, v9  }
0x10f: {  	p0 =	slt.u32 s15, $0x3C;
	v9 =	vld.idx.msk [tilespmem:v13+s11+$0x0], $0xffff  }
.Ltmp7:
0x110: {  	v16 =	vor.u32 $0x1, v20;
	v11 =	vld.idx.msk [tilespmem:v13+s12+$0x0], $0xffff;
	v18 =	vadd.f32 v19, v18;
	v19 =	vmul.f32 v12, v8;
	(pc) =	sbr.rel @p0 .LBB2_16-.Ltmp7, $4  }
0x111: {  	v8 =	vld.idx.msk [tilespmem:v14+s11+$0x0], $0xffff  }
0x112: {  	v13 =	vor.u32 $0x2, v20;
	v23 =	vmul.f32 v15, v10;
	v12 =	vld.idx.msk [tilespmem:v14+s12+$0x0], $0xffff;
	v18 =	vadd.f32 v19, v18  }
0x113: {  	v17 =	vadd.s32 $0x4, v17;
	v10 =	vld.idx.msk [tilespmem:v20+s11+$0x0], $0xffff  }
0x114: {  	v14 =	vor.u32 $0x3, v20;
	v19 =	vmul.f32 v22, v21;
	v15 =	vld.idx.msk [tilespmem:v20+s12+$0x0], $0xffff;
	v18 =	vadd.f32 v23, v18  }
0x115: {  	_ =	sdelay $0x3  }
0x116: {  	v7 =	vld.idx.msk [tilespmem:v16+s11+$0x0], $0xffff;
	v9 =	vmul.f32 v11, v9;
	v17 =	vadd.f32 v19, v18  }
0x117: {  	v59 =	vld.idx.msk [tilespmem:v16+s12+$0x0], $0xffff  }
0x118: {  	v60 =	vld.idx.msk [tilespmem:v13+s11+$0x0], $0xffff;
	v8 =	vmul.f32 v12, v8;
	v9 =	vadd.f32 v9, v17  }
0x119: {  	v61 =	vld.idx.msk [tilespmem:v13+s12+$0x0], $0xffff  }
0x11a: {  	v62 =	vld.idx.msk [tilespmem:v14+s11+$0x0], $0xffff;
	v10 =	vmul.f32 v15, v10;
	v8 =	vadd.f32 v8, v9  }
0x11b: {  	v63 =	vld.idx.msk [tilespmem:v14+s12+$0x0], $0xffff  }
0x11c: {  	v7 =	vmul.f32 v59, v7;
	v8 =	vadd.f32 v10, v8;
	_ =	sdelay $0x1  }
0x11d: {  	v7 =	vadd.f32 v7, v8;
	v8 =	vmul.f32 v61, v60;
	_ =	sdelay $0x1  }
0x11e: {  	v7 =	vadd.f32 v8, v7;
	v8 =	vmul.f32 v63, v62;
	_ =	sdelay $0x1  }
0x11f: {  	v7 =	vadd.f32 v8, v7;
	_ =	sdelay $0x1  }
0x120: {  	s14 =	sadd.s32 $0x1, s14;
	v7 =	vmax.f32 v7, $-1.000000000e+01  }
0x121: {  	p0 =	sne.s32 s14, s8;
	v7 =	vmin.f32 v7, $1.000000000e+01  }
.Ltmp8:
0x122: {  	[tilespmem:$0x8170] =	vst v7;
	(pc) =	sbr.rel @p0 .LBB2_1-.Ltmp8, $4  }
0x123: {  	[hbm4b:s7+s2] =	stream.linear.scatter [tilespmem:s13], [sflag:$0x1], $0x80, $0x38;
	[tilespmem:$0x8180] =	vst v63  }
0x124: {  	_ =	swait.ge [sflag:s9], $0x80  }
0x125: {  	[sflag:s9] =	ssyncset.done $0x0  }
0x126: {  	[sflag:s9] =	ssyncadd.s32 $0xFFFFFF80  }
0x127: {  	_ =	sfence.sel $0x180000  }
0x128: {  	[bflag:$0x0] =	sbarrier.arrive $0xFFFF  }
0x129: {  	p0 =	sne.s32 s1, $0x0;
	_ =	strace $0x9000004D  }
0x12a: {  	s0 =	sadd.s32 @!p0 $0x100000, s0;
	[bflag:$0x2] =	sbarrier.arrive $0xFFFF  }
0x12b: {  	[sflag:s0] =	ssyncadd.tile.s32 @!p0 $0x1;
	_ =	shalt  }
.Lfunc_end2:
_tile_overlayer_lowered:
.L_overlay_start_2:
0x12c: {  	(tag) =	ssettag $0x2  }
0x12d: {  	s0 =	rddreg [dreg:$0x0];
	s2 =	stileid.u32  }
0x12e: {  	s1 =	rddreg [dreg:$0x1];
	p0 =	sne.s32 s2, $0x0  }
0x12f: {  	s3 =	rddreg [dreg:$0x2];
	[bflag:$0x3] =	sbarrier.arrive $0xFFFF;
	s2 =	simm.s32 @!p0 $0x1C01  }
0x130: {  	[timem:s3], [sflag:s2] =	dma.local @!p0 [hbm:s0], s1  }
0x131: {  	s0 =	simm.s32 @!p0 $0x1  }
0x132: {  	_ =	swait.ge @!p0 [sflag:s0], s1  }
0x133: {  	s1 =	ssub.s32 @!p0 $0x0, s1;
	[sflag:s0] =	ssyncset.done @!p0 $0x0  }
0x134: {  	[sflag:s0] =	ssyncadd.s32 @!p0 s1  }
0x135: {  	[bflag:$0x3] =	sbarrier.arrive $0xFFFF  }
0x136: {  	_ =	shalt  }

</sc_bundles>
